<compile_context>
chip_gen: v7x
topology: tpu7x:2x2x1
jax: 0.10.2.dev20260603
libtpu: 0.0.44.dev20260713+nightly
codegen_flags: <defaults>
</compile_context>

<pallas_src>
import functools

import jax
import jax.numpy as jnp
from jax import lax
from jax.experimental import pallas as pl
from jax.experimental.pallas import tpu as pltpu
from jax.experimental.pallas import tpu_sc as plsc

N_DAYS = 365
N_STEPS = 48
N_IDS = 1024
BATCH = 1024

NC = 2
NS = 16
NW = NC * NS
BPW = BATCH // NW


def _decode_body(cos_ref, sin_ref, idx_ref):
    two_pi = 2.0 * jnp.pi
    ang = jnp.arctan2(sin_ref[...], cos_ref[...])
    doy = jnp.round(jnp.mod(ang, two_pi) / two_pi * 365.0)
    pos = (lax.broadcasted_iota(jnp.int32, (8, BATCH // 8), 0) * (BATCH // 8)
           + lax.broadcasted_iota(jnp.int32, (8, BATCH // 8), 1))
    idx_ref[...] = (doy.astype(jnp.int32) - 1) * BATCH + pos


def _decode_idx(x2):
    m = x2.reshape(BATCH, 2)
    cos8 = m[:, 0].reshape(8, BATCH // 8)
    sin8 = m[:, 1].reshape(8, BATCH // 8)
    idx8 = pl.pallas_call(
        _decode_body,
        out_shape=jax.ShapeDtypeStruct((8, BATCH // 8), jnp.int32),
    )(cos8, sin8)
    return idx8.reshape(BATCH)


def _gather_body(lut_hbm, packed_hbm, out_hbm,
                 packed_v, buf0, buf1, gsem0, gsem1, wsem0, wsem1):
    wid = lax.axis_index("s") * NC + lax.axis_index("c")
    base = wid * BPW
    pltpu.sync_copy(packed_hbm.at[pl.ds(base, BPW)], packed_v)

    packed_c = [packed_v[pl.ds(g * 16, 16)] for g in range(BPW // 16)]

    def at(c, j):
        return c[j // 16][j % 16]

    bufs = (buf0, buf1)
    gsems = (gsem0, gsem1)
    wsems = (wsem0, wsem1)

    def wait_write(j):
        pltpu.make_async_copy(
            bufs[0], out_hbm.at[pl.ds(0, 1)], wsems[j % 2]).wait()

    d_prev = lax.shift_right_logical(at(packed_c, 0), 10) - 1
    run_cnt = jnp.int32(0)
    for j in range(BPW):
        if j >= 2:
            wait_write(j - 2)
        p = at(packed_c, j)
        d = lax.shift_right_logical(p, 10)
        r = lax.bitwise_and(p, BATCH - 1)
        new_run = d != d_prev
        d_prev = d
        run_cnt = run_cnt + new_run.astype(jnp.int32)
        sel = lax.rem(run_cnt - 1, 2)
        for s in (0, 1):
            @pl.when(new_run & (sel == s))
            def _(s=s):
                pltpu.async_copy(lut_hbm.at[pl.ds(d, 1)], bufs[s], gsems[s])

            @pl.when(new_run & (sel == s))
            def _(s=s):
                pltpu.make_async_copy(
                    lut_hbm.at[pl.ds(d, 1)], bufs[s], gsems[s]).wait()

            @pl.when(sel == s)
            def _(s=s):
                pltpu.async_copy(
                    bufs[s], out_hbm.at[pl.ds(r, 1)], wsems[j % 2])
    wait_write(BPW - 2)
    wait_write(BPW - 1)


_sc_gather = functools.partial(
    pl.kernel,
    out_type=jax.ShapeDtypeStruct((BATCH, N_STEPS, N_IDS), jnp.float32),
    mesh=plsc.VectorSubcoreMesh(core_axis_name="c", subcore_axis_name="s",
                                num_cores=NC, num_subcores=NS),
    scratch_types=[
        pltpu.VMEM((BPW,), jnp.int32),
        *[pltpu.VMEM((1, N_STEPS, N_IDS), jnp.float32) for _ in range(2)],
        *[pltpu.SemaphoreType.DMA for _ in range(4)],
    ],
    compiler_params=pltpu.CompilerParams(use_tc_tiling_on_sc=True),
)(_gather_body)


def kernel(x1, x2, lut):
    del x1
    packed = _decode_idx(x2)
    return _sc_gather(lut, lax.sort(packed))

# --- scband reference (transcript-rebuilt; emitter-appended) ---
"""Pipeline reference for scband-baseline-model-69784628625756 (READ-ONLY COPY).

The authoritative reference and input builder live on the scoring server;
editing this copy changes nothing except your own understanding.
"""

import jax, jax.numpy as jnp
import numpy as np

N_DAYS = 365
N_STEPS = 48
N_IDS = 1024
BATCH = 1024


def setup_inputs(seed: int = 0) -> dict:
    key = jax.random.key(seed)
    k1, k2, k3 = jax.random.split(key, 3)
    # x1: history input, unused by this baseline model's forward
    x1 = jax.random.normal(k1, (BATCH, N_STEPS, 1), dtype=jnp.float32)
    # meta input: cyclical day-of-year encoding. meta_columns sorted ->
    # index 0 = dayofyear_cos, index 1 = dayofyear_sin
    doy = jax.random.randint(k2, (BATCH,), 1, 365)
    ang = 2.0 * jnp.pi * doy.astype(jnp.float32) / 365.0
    x2 = jnp.stack([jnp.cos(ang), jnp.sin(ang)], axis=-1)[:, None, :]  # [B, 1, 2]
    # learned/derived parameter: lookup table built from a year of training data
    lut = jax.random.normal(k3, (N_DAYS, N_STEPS, N_IDS), dtype=jnp.float32)
    return {"x1": x1, "x2": x2, "lut": lut}


def reference(x1, x2, lut):
    # call(x): _, x2 = x
    m = jnp.squeeze(x2)  # [B, 2]
    doy_sin = m[..., 1]  # sorted meta_columns: cos -> 0, sin -> 1
    doy_cos = m[..., 0]
    # CyclicalFeatureEncoder.decode for dayofyear (cycl_max = 365)
    ang = jnp.arctan2(doy_sin, doy_cos)
    doy = jnp.round(jnp.mod(ang, 2.0 * jnp.pi) / (2.0 * jnp.pi) * 365.0)
    # get_samples: doy = cast(doy, int32) - 1; gather from lut along axis 0
    idx = doy.astype(jnp.int32) - 1
    samples = jnp.take(lut, idx, axis=0)  # [B, 48, N_IDS]
    return samples

if __name__ == "__main__":
    import jax
    _d = setup_inputs()
    print(jax.jit(kernel)(*tuple(_d.values())))

</pallas_src>

<mosaic_0001>
#map = affine_map<(d0, d1) -> (0, 0, 0)>
#map1 = affine_map<(d0, d1) -> (0)>
module attributes {stable_mosaic.version = 14 : i64} {
  func.func @_gather_body(%arg0: i32, %arg1: i32, %arg2: memref<365x48x1024xf32, #tpu.memory_space<hbm>>, %arg3: memref<1024xi32, #tpu.memory_space<hbm>>, %arg4: memref<1024x48x1024xf32, #tpu.memory_space<hbm>>, %arg5: memref<32xi32, #tpu.memory_space<vmem>>, %arg6: memref<1x48x1024xf32, #tpu.memory_space<vmem>>, %arg7: memref<1x48x1024xf32, #tpu.memory_space<vmem>>, %arg8: memref<!tpu.dma_semaphore, #tpu.memory_space<semaphore_mem>>, %arg9: memref<!tpu.dma_semaphore, #tpu.memory_space<semaphore_mem>>, %arg10: memref<!tpu.dma_semaphore, #tpu.memory_space<semaphore_mem>>, %arg11: memref<!tpu.dma_semaphore, #tpu.memory_space<semaphore_mem>>) attributes {dimension_semantics = [#tpu.dimension_semantics<core_parallel>, #tpu.dimension_semantics<subcore_parallel>], iteration_bounds = array<i64: 2, 16>, scalar_prefetch = 0 : i64, scratch_operands = 7 : i64, tpu.core_type = #tpu.core_type<sc_vector_subcore>, window_params = [{transform_indices = #map}, {transform_indices = #map1}, {transform_indices = #map}]} {
    %mul3A = arith.constant 2 : i32
    %mul3A_0 = arith.muli %arg1, %mul3A : i32
    %add3A = arith.addi %mul3A_0, %arg0 : i32
    %mul3A_1 = arith.constant 32 : i32
    %mul3A_2 = arith.muli %add3A, %mul3A_1 : i32
    "tpu.region"() ({
      %run_scoped3A = tpu.sem_alloc : memref<!tpu.dma_semaphore, #tpu.memory_space<semaphore_mem>>
      %dma_start3A = tpu.memref_slice %arg3[%mul3A_2] : memref<1024xi32, #tpu.memory_space<hbm>> -> memref<32xi32, #tpu.memory_space<hbm>>
      %dma_start3A_1764 = tpu.memref_slice %arg3[%mul3A_2] : memref<1024xi32, #tpu.memory_space<hbm>> -> memref<32xi32, #tpu.memory_space<hbm>>
      tpu.enqueue_dma source(%dma_start3A_1764 : memref<32xi32, #tpu.memory_space<hbm>>) target(%arg5 : memref<32xi32, #tpu.memory_space<vmem>>) target_semaphore(%run_scoped3A : memref<!tpu.dma_semaphore, #tpu.memory_space<semaphore_mem>>)
      %dma_wait3A_1765 = tpu.memref_slice %arg3[%mul3A_2] : memref<1024xi32, #tpu.memory_space<hbm>> -> memref<32xi32, #tpu.memory_space<hbm>>
      %dma_wait3A_1766 = tpu.memref_slice %arg3[%mul3A_2] : memref<1024xi32, #tpu.memory_space<hbm>> -> memref<32xi32, #tpu.memory_space<hbm>>
      tpu.wait_dma2 semaphore(%run_scoped3A : memref<!tpu.dma_semaphore, #tpu.memory_space<semaphore_mem>>) src(%dma_wait3A_1766 : memref<32xi32, #tpu.memory_space<hbm>>) dst(%arg5 : memref<32xi32, #tpu.memory_space<vmem>>)
      tpu.yield
    }) : () -> ()
    %get3A = arith.constant 0 : index
    %get3A_3 = tpu.vector_load %arg5[%get3A] {strides = array<i32>} : memref<32xi32, #tpu.memory_space<vmem>>, vector<16xi32>,
    %get3A_4 = vector.shape_cast %get3A_3 : vector<16xi32> to vector<16xi32>
    %get3A_5 = arith.constant 16 : index
    %get3A_6 = tpu.vector_load %arg5[%get3A_5] {strides = array<i32>} : memref<32xi32, #tpu.memory_space<vmem>>, vector<16xi32>,
    %get3A_7 = vector.shape_cast %get3A_6 : vector<16xi32> to vector<16xi32>
    %slice3A = vector.extract_strided_slice %get3A_4 {offsets = [0], sizes = [1], strides = [1]} : vector<16xi32> to vector<1xi32>
    %squeeze3A = vector.extract %slice3A[0] : i32 from vector<1xi32>
    %shift_right_logical3A = arith.constant 10 : i32
    %shift_right_logical3A_8 = arith.shrui %squeeze3A, %shift_right_logical3A : i32
    %sub3A = arith.constant 1 : i32
    %sub3A_9 = arith.subi %shift_right_logical3A_8, %sub3A : i32
    %slice3A_10 = vector.extract_strided_slice %get3A_4 {offsets = [0], sizes = [1], strides = [1]} : vector<16xi32> to vector<1xi32>
    %squeeze3A_11 = vector.extract %slice3A_10[0] : i32 from vector<1xi32>
    %shift_right_logical3A_12 = arith.constant 10 : i32
    %shift_right_logical3A_13 = arith.shrui %squeeze3A_11, %shift_right_logical3A_12 : i32
    %and3A = arith.constant 1023 : i32
    %and3A_14 = arith.andi %squeeze3A_11, %and3A : i32
    %ne3A = arith.cmpi ne, %shift_right_logical3A_13, %sub3A_9 : i32
    %convert_element_type3A = arith.extui %ne3A : i1 to i32
    %add3A_15 = arith.constant 0 : i32
    %add3A_16 = arith.addi %add3A_15, %convert_element_type3A : i32
    %sub3A_17 = arith.constant 1 : i32
    %sub3A_18 = arith.subi %add3A_16, %sub3A_17 : i32
    %rem3A = arith.constant 2 : i32
    %rem3A_19 = arith.remsi %sub3A_18, %rem3A : i32
    %eq3A = arith.constant 0 : i32
    %eq3A_20 = arith.cmpi eq, %rem3A_19, %eq3A : i32
    %and3A_21 = arith.andi %ne3A, %eq3A_20 : i1
    %convert_element_type3A_22 = arith.extui %and3A_21 : i1 to i32
    %cond3A = arith.constant 0 : i32
    %cond3A_23 = arith.cmpi ne, %convert_element_type3A_22, %cond3A : i32
    scf.if %cond3A_23 {
      %dma_start3A = arith.constant 0 : i32
      %dma_start3A_1764 = arith.constant 0 : i32
      %dma_start3A_1765 = tpu.memref_slice %arg2[%shift_right_logical3A_13, %dma_start3A, %dma_start3A_1764] : memref<365x48x1024xf32, #tpu.memory_space<hbm>> -> memref<1x48x1024xf32, #tpu.memory_space<hbm>>
      %dma_start3A_1766 = arith.constant 0 : i32
      %dma_start3A_1767 = arith.constant 0 : i32
      %dma_start3A_1768 = tpu.memref_slice %arg2[%shift_right_logical3A_13, %dma_start3A_1766, %dma_start3A_1767] : memref<365x48x1024xf32, #tpu.memory_space<hbm>> -> memref<1x48x1024xf32, #tpu.memory_space<hbm>>
      tpu.enqueue_dma source(%dma_start3A_1768 : memref<1x48x1024xf32, #tpu.memory_space<hbm>>) target(%arg6 : memref<1x48x1024xf32, #tpu.memory_space<vmem>>) target_semaphore(%arg8 : memref<!tpu.dma_semaphore, #tpu.memory_space<semaphore_mem>>)
    } else {
    }
    %eq3A_24 = arith.constant 0 : i32
    %eq3A_25 = arith.cmpi eq, %rem3A_19, %eq3A_24 : i32
    %and3A_26 = arith.andi %ne3A, %eq3A_25 : i1
    %convert_element_type3A_27 = arith.extui %and3A_26 : i1 to i32
    %cond3A_28 = arith.constant 0 : i32
    %cond3A_29 = arith.cmpi ne, %convert_element_type3A_27, %cond3A_28 : i32
    scf.if %cond3A_29 {
      %dma_wait3A_1764 = arith.constant 0 : i32
      %dma_wait3A_1765 = arith.constant 0 : i32
      %dma_wait3A_1766 = tpu.memref_slice %arg2[%shift_right_logical3A_13, %dma_wait3A_1764, %dma_wait3A_1765] : memref<365x48x1024xf32, #tpu.memory_space<hbm>> -> memref<1x48x1024xf32, #tpu.memory_space<hbm>>
      %dma_wait3A_1767 = arith.constant 0 : i32
      %dma_wait3A_1768 = arith.constant 0 : i32
      %dma_wait3A_1769 = tpu.memref_slice %arg2[%shift_right_logical3A_13, %dma_wait3A_1767, %dma_wait3A_1768] : memref<365x48x1024xf32, #tpu.memory_space<hbm>> -> memref<1x48x1024xf32, #tpu.memory_space<hbm>>
      tpu.wait_dma2 semaphore(%arg8 : memref<!tpu.dma_semaphore, #tpu.memory_space<semaphore_mem>>) src(%dma_wait3A_1769 : memref<1x48x1024xf32, #tpu.memory_space<hbm>>) dst(%arg6 : memref<1x48x1024xf32, #tpu.memory_space<vmem>>)
    } else {
    }
    %eq3A_30 = arith.constant 0 : i32
    %eq3A_31 = arith.cmpi eq, %rem3A_19, %eq3A_30 : i32
    %convert_element_type3A_32 = arith.extui %eq3A_31 : i1 to i32
    %cond3A_33 = arith.constant 0 : i32
    %cond3A_34 = arith.cmpi ne, %convert_element_type3A_32, %cond3A_33 : i32
    scf.if %cond3A_34 {
      %dma_start3A = arith.constant 0 : i32
      %dma_start3A_1764 = arith.constant 0 : i32
      %dma_start3A_1765 = tpu.memref_slice %arg4[%and3A_14, %dma_start3A, %dma_start3A_1764] : memref<1024x48x1024xf32, #tpu.memory_space<hbm>> -> memref<1x48x1024xf32, #tpu.memory_space<hbm>>
      %dma_start3A_1766 = arith.constant 0 : i32
      %dma_start3A_1767 = arith.constant 0 : i32
      %dma_start3A_1768 = tpu.memref_slice %arg4[%and3A_14, %dma_start3A_1766, %dma_start3A_1767] : memref<1024x48x1024xf32, #tpu.memory_space<hbm>> -> memref<1x48x1024xf32, #tpu.memory_space<hbm>>
      tpu.enqueue_dma source(%arg6 : memref<1x48x1024xf32, #tpu.memory_space<vmem>>) target(%dma_start3A_1768 : memref<1x48x1024xf32, #tpu.memory_space<hbm>>) target_semaphore(%arg10 : memref<!tpu.dma_semaphore, #tpu.memory_space<semaphore_mem>>)
    } else {
    }
    %eq3A_35 = arith.constant 1 : i32
    %eq3A_36 = arith.cmpi eq, %rem3A_19, %eq3A_35 : i32
    %and3A_37 = arith.andi %ne3A, %eq3A_36 : i1
    %convert_element_type3A_38 = arith.extui %and3A_37 : i1 to i32
    %cond3A_39 = arith.constant 0 : i32
    %cond3A_40 = arith.cmpi ne, %convert_element_type3A_38, %cond3A_39 : i32
    scf.if %cond3A_40 {
      %dma_start3A = arith.constant 0 : i32
      %dma_start3A_1764 = arith.constant 0 : i32
      %dma_start3A_1765 = tpu.memref_slice %arg2[%shift_right_logical3A_13, %dma_start3A, %dma_start3A_1764] : memref<365x48x1024xf32, #tpu.memory_space<hbm>> -> memref<1x48x1024xf32, #tpu.memory_space<hbm>>
      %dma_start3A_1766 = arith.constant 0 : i32
      %dma_start3A_1767 = arith.constant 0 : i32
      %dma_start3A_1768 = tpu.memref_slice %arg2[%shift_right_logical3A_13, %dma_start3A_1766, %dma_start3A_1767] : memref<365x48x1024xf32, #tpu.memory_space<hbm>> -> memref<1x48x1024xf32, #tpu.memory_space<hbm>>
      tpu.enqueue_dma source(%dma_start3A_1768 : memref<1x48x1024xf32, #tpu.memory_space<hbm>>) target(%arg7 : memref<1x48x1024xf32, #tpu.memory_space<vmem>>) target_semaphore(%arg9 : memref<!tpu.dma_semaphore, #tpu.memory_space<semaphore_mem>>)
    } else {
    }
    %eq3A_41 = arith.constant 1 : i32
    %eq3A_42 = arith.cmpi eq, %rem3A_19, %eq3A_41 : i32
    %and3A_43 = arith.andi %ne3A, %eq3A_42 : i1
    %convert_element_type3A_44 = arith.extui %and3A_43 : i1 to i32
    %cond3A_45 = arith.constant 0 : i32
    %cond3A_46 = arith.cmpi ne, %convert_element_type3A_44, %cond3A_45 : i32
    scf.if %cond3A_46 {
      %dma_wait3A_1764 = arith.constant 0 : i32
      %dma_wait3A_1765 = arith.constant 0 : i32
      %dma_wait3A_1766 = tpu.memref_slice %arg2[%shift_right_logical3A_13, %dma_wait3A_1764, %dma_wait3A_1765] : memref<365x48x1024xf32, #tpu.memory_space<hbm>> -> memref<1x48x1024xf32, #tpu.memory_space<hbm>>
      %dma_wait3A_1767 = arith.constant 0 : i32
      %dma_wait3A_1768 = arith.constant 0 : i32
      %dma_wait3A_1769 = tpu.memref_slice %arg2[%shift_right_logical3A_13, %dma_wait3A_1767, %dma_wait3A_1768] : memref<365x48x1024xf32, #tpu.memory_space<hbm>> -> memref<1x48x1024xf32, #tpu.memory_space<hbm>>
      tpu.wait_dma2 semaphore(%arg9 : memref<!tpu.dma_semaphore, #tpu.memory_space<semaphore_mem>>) src(%dma_wait3A_1769 : memref<1x48x1024xf32, #tpu.memory_space<hbm>>) dst(%arg7 : memref<1x48x1024xf32, #tpu.memory_space<vmem>>)
    } else {
    }
    %eq3A_47 = arith.constant 1 : i32
    %eq3A_48 = arith.cmpi eq, %rem3A_19, %eq3A_47 : i32
    %convert_element_type3A_49 = arith.extui %eq3A_48 : i1 to i32
    %cond3A_50 = arith.constant 0 : i32
    %cond3A_51 = arith.cmpi ne, %convert_element_type3A_49, %cond3A_50 : i32
    scf.if %cond3A_51 {
      %dma_start3A = arith.constant 0 : i32
      %dma_start3A_1764 = arith.constant 0 : i32
      %dma_start3A_1765 = tpu.memref_slice %arg4[%and3A_14, %dma_start3A, %dma_start3A_1764] : memref<1024x48x1024xf32, #tpu.memory_space<hbm>> -> memref<1x48x1024xf32, #tpu.memory_space<hbm>>
      %dma_start3A_1766 = arith.constant 0 : i32
      %dma_start3A_1767 = arith.constant 0 : i32
      %dma_start3A_1768 = tpu.memref_slice %arg4[%and3A_14, %dma_start3A_1766, %dma_start3A_1767] : memref<1024x48x1024xf32, #tpu.memory_space<hbm>> -> memref<1x48x1024xf32, #tpu.memory_space<hbm>>
      tpu.enqueue_dma source(%arg7 : memref<1x48x1024xf32, #tpu.memory_space<vmem>>) target(%dma_start3A_1768 : memref<1x48x1024xf32, #tpu.memory_space<hbm>>) target_semaphore(%arg10 : memref<!tpu.dma_semaphore, #tpu.memory_space<semaphore_mem>>)
    } else {
    }
    %slice3A_52 = vector.extract_strided_slice %get3A_4 {offsets = [1], sizes = [1], strides = [1]} : vector<16xi32> to vector<1xi32>
    %squeeze3A_53 = vector.extract %slice3A_52[0] : i32 from vector<1xi32>
    %shift_right_logical3A_54 = arith.constant 10 : i32
    %shift_right_logical3A_55 = arith.shrui %squeeze3A_53, %shift_right_logical3A_54 : i32
    %and3A_56 = arith.constant 1023 : i32
    %and3A_57 = arith.andi %squeeze3A_53, %and3A_56 : i32
    %ne3A_58 = arith.cmpi ne, %shift_right_logical3A_55, %shift_right_logical3A_13 : i32
    %convert_element_type3A_59 = arith.extui %ne3A_58 : i1 to i32
    %add3A_60 = arith.addi %add3A_16, %convert_element_type3A_59 : i32
    %sub3A_61 = arith.constant 1 : i32
    %sub3A_62 = arith.subi %add3A_60, %sub3A_61 : i32
    %rem3A_63 = arith.constant 2 : i32
    %rem3A_64 = arith.remsi %sub3A_62, %rem3A_63 : i32
    %eq3A_65 = arith.constant 0 : i32
    %eq3A_66 = arith.cmpi eq, %rem3A_64, %eq3A_65 : i32
    %and3A_67 = arith.andi %ne3A_58, %eq3A_66 : i1
    %convert_element_type3A_68 = arith.extui %and3A_67 : i1 to i32
    %cond3A_69 = arith.constant 0 : i32
    %cond3A_70 = arith.cmpi ne, %convert_element_type3A_68, %cond3A_69 : i32
    scf.if %cond3A_70 {
      %dma_start3A = arith.constant 0 : i32
      %dma_start3A_1764 = arith.constant 0 : i32
      %dma_start3A_1765 = tpu.memref_slice %arg2[%shift_right_logical3A_55, %dma_start3A, %dma_start3A_1764] : memref<365x48x1024xf32, #tpu.memory_space<hbm>> -> memref<1x48x1024xf32, #tpu.memory_space<hbm>>
      %dma_start3A_1766 = arith.constant 0 : i32
      %dma_start3A_1767 = arith.constant 0 : i32
      %dma_start3A_1768 = tpu.memref_slice %arg2[%shift_right_logical3A_55, %dma_start3A_1766, %dma_start3A_1767] : memref<365x48x1024xf32, #tpu.memory_space<hbm>> -> memref<1x48x1024xf32, #tpu.memory_space<hbm>>
      tpu.enqueue_dma source(%dma_start3A_1768 : memref<1x48x1024xf32, #tpu.memory_space<hbm>>) target(%arg6 : memref<1x48x1024xf32, #tpu.memory_space<vmem>>) target_semaphore(%arg8 : memref<!tpu.dma_semaphore, #tpu.memory_space<semaphore_mem>>)
    } else {
    }
    %eq3A_71 = arith.constant 0 : i32
    %eq3A_72 = arith.cmpi eq, %rem3A_64, %eq3A_71 : i32
    %and3A_73 = arith.andi %ne3A_58, %eq3A_72 : i1
    %convert_element_type3A_74 = arith.extui %and3A_73 : i1 to i32
    %cond3A_75 = arith.constant 0 : i32
    %cond3A_76 = arith.cmpi ne, %convert_element_type3A_74, %cond3A_75 : i32
    scf.if %cond3A_76 {
      %dma_wait3A_1764 = arith.constant 0 : i32
      %dma_wait3A_1765 = arith.constant 0 : i32
      %dma_wait3A_1766 = tpu.memref_slice %arg2[%shift_right_logical3A_55, %dma_wait3A_1764, %dma_wait3A_1765] : memref<365x48x1024xf32, #tpu.memory_space<hbm>> -> memref<1x48x1024xf32, #tpu.memory_space<hbm>>
      %dma_wait3A_1767 = arith.constant 0 : i32
      %dma_wait3A_1768 = arith.constant 0 : i32
      %dma_wait3A_1769 = tpu.memref_slice %arg2[%shift_right_logical3A_55, %dma_wait3A_1767, %dma_wait3A_1768] : memref<365x48x1024xf32, #tpu.memory_space<hbm>> -> memref<1x48x1024xf32, #tpu.memory_space<hbm>>
      tpu.wait_dma2 semaphore(%arg8 : memref<!tpu.dma_semaphore, #tpu.memory_space<semaphore_mem>>) src(%dma_wait3A_1769 : memref<1x48x1024xf32, #tpu.memory_space<hbm>>) dst(%arg6 : memref<1x48x1024xf32, #tpu.memory_space<vmem>>)
    } else {
    }
    %eq3A_77 = arith.constant 0 : i32
    %eq3A_78 = arith.cmpi eq, %rem3A_64, %eq3A_77 : i32
    %convert_element_type3A_79 = arith.extui %eq3A_78 : i1 to i32
    %cond3A_80 = arith.constant 0 : i32
    %cond3A_81 = arith.cmpi ne, %convert_element_type3A_79, %cond3A_80 : i32
    scf.if %cond3A_81 {
      %dma_start3A = arith.constant 0 : i32
      %dma_start3A_1764 = arith.constant 0 : i32
      %dma_start3A_1765 = tpu.memref_slice %arg4[%and3A_57, %dma_start3A, %dma_start3A_1764] : memref<1024x48x1024xf32, #tpu.memory_space<hbm>> -> memref<1x48x1024xf32, #tpu.memory_space<hbm>>
      %dma_start3A_1766 = arith.constant 0 : i32
      %dma_start3A_1767 = arith.constant 0 : i32
      %dma_start3A_1768 = tpu.memref_slice %arg4[%and3A_57, %dma_start3A_1766, %dma_start3A_1767] : memref<1024x48x1024xf32, #tpu.memory_space<hbm>> -> memref<1x48x1024xf32, #tpu.memory_space<hbm>>
      tpu.enqueue_dma source(%arg6 : memref<1x48x1024xf32, #tpu.memory_space<vmem>>) target(%dma_start3A_1768 : memref<1x48x1024xf32, #tpu.memory_space<hbm>>) target_semaphore(%arg11 : memref<!tpu.dma_semaphore, #tpu.memory_space<semaphore_mem>>)
    } else {
    }
    %eq3A_82 = arith.constant 1 : i32
    %eq3A_83 = arith.cmpi eq, %rem3A_64, %eq3A_82 : i32
    %and3A_84 = arith.andi %ne3A_58, %eq3A_83 : i1
    %convert_element_type3A_85 = arith.extui %and3A_84 : i1 to i32
    %cond3A_86 = arith.constant 0 : i32
    %cond3A_87 = arith.cmpi ne, %convert_element_type3A_85, %cond3A_86 : i32
    scf.if %cond3A_87 {
      %dma_start3A = arith.constant 0 : i32
      %dma_start3A_1764 = arith.constant 0 : i32
      %dma_start3A_1765 = tpu.memref_slice %arg2[%shift_right_logical3A_55, %dma_start3A, %dma_start3A_1764] : memref<365x48x1024xf32, #tpu.memory_space<hbm>> -> memref<1x48x1024xf32, #tpu.memory_space<hbm>>
      %dma_start3A_1766 = arith.constant 0 : i32
      %dma_start3A_1767 = arith.constant 0 : i32
      %dma_start3A_1768 = tpu.memref_slice %arg2[%shift_right_logical3A_55, %dma_start3A_1766, %dma_start3A_1767] : memref<365x48x1024xf32, #tpu.memory_space<hbm>> -> memref<1x48x1024xf32, #tpu.memory_space<hbm>>
      tpu.enqueue_dma source(%dma_start3A_1768 : memref<1x48x1024xf32, #tpu.memory_space<hbm>>) target(%arg7 : memref<1x48x1024xf32, #tpu.memory_space<vmem>>) target_semaphore(%arg9 : memref<!tpu.dma_semaphore, #tpu.memory_space<semaphore_mem>>)
    } else {
    }
    %eq3A_88 = arith.constant 1 : i32
    %eq3A_89 = arith.cmpi eq, %rem3A_64, %eq3A_88 : i32
    %and3A_90 = arith.andi %ne3A_58, %eq3A_89 : i1
    %convert_element_type3A_91 = arith.extui %and3A_90 : i1 to i32
    %cond3A_92 = arith.constant 0 : i32
    %cond3A_93 = arith.cmpi ne, %convert_element_type3A_91, %cond3A_92 : i32
    scf.if %cond3A_93 {
      %dma_wait3A_1764 = arith.constant 0 : i32
      %dma_wait3A_1765 = arith.constant 0 : i32
      %dma_wait3A_1766 = tpu.memref_slice %arg2[%shift_right_logical3A_55, %dma_wait3A_1764, %dma_wait3A_1765] : memref<365x48x1024xf32, #tpu.memory_space<hbm>> -> memref<1x48x1024xf32, #tpu.memory_space<hbm>>
      %dma_wait3A_1767 = arith.constant 0 : i32
      %dma_wait3A_1768 = arith.constant 0 : i32
      %dma_wait3A_1769 = tpu.memref_slice %arg2[%shift_right_logical3A_55, %dma_wait3A_1767, %dma_wait3A_1768] : memref<365x48x1024xf32, #tpu.memory_space<hbm>> -> memref<1x48x1024xf32, #tpu.memory_space<hbm>>
      tpu.wait_dma2 semaphore(%arg9 : memref<!tpu.dma_semaphore, #tpu.memory_space<semaphore_mem>>) src(%dma_wait3A_1769 : memref<1x48x1024xf32, #tpu.memory_space<hbm>>) dst(%arg7 : memref<1x48x1024xf32, #tpu.memory_space<vmem>>)
    } else {
    }
    %eq3A_94 = arith.constant 1 : i32
    %eq3A_95 = arith.cmpi eq, %rem3A_64, %eq3A_94 : i32
    %convert_element_type3A_96 = arith.extui %eq3A_95 : i1 to i32
    %cond3A_97 = arith.constant 0 : i32
    %cond3A_98 = arith.cmpi ne, %convert_element_type3A_96, %cond3A_97 : i32
    scf.if %cond3A_98 {
      %dma_start3A = arith.constant 0 : i32
      %dma_start3A_1764 = arith.constant 0 : i32
      %dma_start3A_1765 = tpu.memref_slice %arg4[%and3A_57, %dma_start3A, %dma_start3A_1764] : memref<1024x48x1024xf32, #tpu.memory_space<hbm>> -> memref<1x48x1024xf32, #tpu.memory_space<hbm>>
      %dma_start3A_1766 = arith.constant 0 : i32
      %dma_start3A_1767 = arith.constant 0 : i32
      %dma_start3A_1768 = tpu.memref_slice %arg4[%and3A_57, %dma_start3A_1766, %dma_start3A_1767] : memref<1024x48x1024xf32, #tpu.memory_space<hbm>> -> memref<1x48x1024xf32, #tpu.memory_space<hbm>>
      tpu.enqueue_dma source(%arg7 : memref<1x48x1024xf32, #tpu.memory_space<vmem>>) target(%dma_start3A_1768 : memref<1x48x1024xf32, #tpu.memory_space<hbm>>) target_semaphore(%arg11 : memref<!tpu.dma_semaphore, #tpu.memory_space<semaphore_mem>>)
    } else {
    }
    %dma_wait3A = arith.constant 0 : i32
    %dma_wait3A_99 = arith.constant 0 : i32
    %dma_wait3A_100 = arith.constant 0 : i32
    %dma_wait3A_101 = tpu.memref_slice %arg4[%dma_wait3A, %dma_wait3A_99, %dma_wait3A_100] : memref<1024x48x1024xf32, #tpu.memory_space<hbm>> -> memref<1x48x1024xf32, #tpu.memory_space<hbm>>
    %dma_wait3A_102 = arith.constant 0 : i32
    %dma_wait3A_103 = arith.constant 0 : i32
    %dma_wait3A_104 = arith.constant 0 : i32
    %dma_wait3A_105 = tpu.memref_slice %arg4[%dma_wait3A_102, %dma_wait3A_103, %dma_wait3A_104] : memref<1024x48x1024xf32, #tpu.memory_space<hbm>> -> memref<1x48x1024xf32, #tpu.memory_space<hbm>>
    tpu.wait_dma2 semaphore(%arg10 : memref<!tpu.dma_semaphore, #tpu.memory_space<semaphore_mem>>) src(%arg6 : memref<1x48x1024xf32, #tpu.memory_space<vmem>>) dst(%dma_wait3A_105 : memref<1x48x1024xf32, #tpu.memory_space<hbm>>)
    %slice3A_106 = vector.extract_strided_slice %get3A_4 {offsets = [2], sizes = [1], strides = [1]} : vector<16xi32> to vector<1xi32>
    %squeeze3A_107 = vector.extract %slice3A_106[0] : i32 from vector<1xi32>
    %shift_right_logical3A_108 = arith.constant 10 : i32
    %shift_right_logical3A_109 = arith.shrui %squeeze3A_107, %shift_right_logical3A_108 : i32
    %and3A_110 = arith.constant 1023 : i32
    %and3A_111 = arith.andi %squeeze3A_107, %and3A_110 : i32
    %ne3A_112 = arith.cmpi ne, %shift_right_logical3A_109, %shift_right_logical3A_55 : i32
    %convert_element_type3A_113 = arith.extui %ne3A_112 : i1 to i32
    %add3A_114 = arith.addi %add3A_60, %convert_element_type3A_113 : i32
    %sub3A_115 = arith.constant 1 : i32
    %sub3A_116 = arith.subi %add3A_114, %sub3A_115 : i32
    %rem3A_117 = arith.constant 2 : i32
    %rem3A_118 = arith.remsi %sub3A_116, %rem3A_117 : i32
    %eq3A_119 = arith.constant 0 : i32
    %eq3A_120 = arith.cmpi eq, %rem3A_118, %eq3A_119 : i32
    %and3A_121 = arith.andi %ne3A_112, %eq3A_120 : i1
    %convert_element_type3A_122 = arith.extui %and3A_121 : i1 to i32
    %cond3A_123 = arith.constant 0 : i32
    %cond3A_124 = arith.cmpi ne, %convert_element_type3A_122, %cond3A_123 : i32
    scf.if %cond3A_124 {
      %dma_start3A = arith.constant 0 : i32
      %dma_start3A_1764 = arith.constant 0 : i32
      %dma_start3A_1765 = tpu.memref_slice %arg2[%shift_right_logical3A_109, %dma_start3A, %dma_start3A_1764] : memref<365x48x1024xf32, #tpu.memory_space<hbm>> -> memref<1x48x1024xf32, #tpu.memory_space<hbm>>
      %dma_start3A_1766 = arith.constant 0 : i32
      %dma_start3A_1767 = arith.constant 0 : i32
      %dma_start3A_1768 = tpu.memref_slice %arg2[%shift_right_logical3A_109, %dma_start3A_1766, %dma_start3A_1767] : memref<365x48x1024xf32, #tpu.memory_space<hbm>> -> memref<1x48x1024xf32, #tpu.memory_space<hbm>>
      tpu.enqueue_dma source(%dma_start3A_1768 : memref<1x48x1024xf32, #tpu.memory_space<hbm>>) target(%arg6 : memref<1x48x1024xf32, #tpu.memory_space<vmem>>) target_semaphore(%arg8 : memref<!tpu.dma_semaphore, #tpu.memory_space<semaphore_mem>>)
    } else {
    }
    %eq3A_125 = arith.constant 0 : i32
    %eq3A_126 = arith.cmpi eq, %rem3A_118, %eq3A_125 : i32
    %and3A_127 = arith.andi %ne3A_112, %eq3A_126 : i1
    %convert_element_type3A_128 = arith.extui %and3A_127 : i1 to i32
    %cond3A_129 = arith.constant 0 : i32
    %cond3A_130 = arith.cmpi ne, %convert_element_type3A_128, %cond3A_129 : i32
    scf.if %cond3A_130 {
      %dma_wait3A_1764 = arith.constant 0 : i32
      %dma_wait3A_1765 = arith.constant 0 : i32
      %dma_wait3A_1766 = tpu.memref_slice %arg2[%shift_right_logical3A_109, %dma_wait3A_1764, %dma_wait3A_1765] : memref<365x48x1024xf32, #tpu.memory_space<hbm>> -> memref<1x48x1024xf32, #tpu.memory_space<hbm>>
      %dma_wait3A_1767 = arith.constant 0 : i32
      %dma_wait3A_1768 = arith.constant 0 : i32
      %dma_wait3A_1769 = tpu.memref_slice %arg2[%shift_right_logical3A_109, %dma_wait3A_1767, %dma_wait3A_1768] : memref<365x48x1024xf32, #tpu.memory_space<hbm>> -> memref<1x48x1024xf32, #tpu.memory_space<hbm>>
      tpu.wait_dma2 semaphore(%arg8 : memref<!tpu.dma_semaphore, #tpu.memory_space<semaphore_mem>>) src(%dma_wait3A_1769 : memref<1x48x1024xf32, #tpu.memory_space<hbm>>) dst(%arg6 : memref<1x48x1024xf32, #tpu.memory_space<vmem>>)
    } else {
    }
    %eq3A_131 = arith.constant 0 : i32
    %eq3A_132 = arith.cmpi eq, %rem3A_118, %eq3A_131 : i32
    %convert_element_type3A_133 = arith.extui %eq3A_132 : i1 to i32
    %cond3A_134 = arith.constant 0 : i32
    %cond3A_135 = arith.cmpi ne, %convert_element_type3A_133, %cond3A_134 : i32
    scf.if %cond3A_135 {
      %dma_start3A = arith.constant 0 : i32
      %dma_start3A_1764 = arith.constant 0 : i32
      %dma_start3A_1765 = tpu.memref_slice %arg4[%and3A_111, %dma_start3A, %dma_start3A_1764] : memref<1024x48x1024xf32, #tpu.memory_space<hbm>> -> memref<1x48x1024xf32, #tpu.memory_space<hbm>>
      %dma_start3A_1766 = arith.constant 0 : i32
      %dma_start3A_1767 = arith.constant 0 : i32
      %dma_start3A_1768 = tpu.memref_slice %arg4[%and3A_111, %dma_start3A_1766, %dma_start3A_1767] : memref<1024x48x1024xf32, #tpu.memory_space<hbm>> -> memref<1x48x1024xf32, #tpu.memory_space<hbm>>
      tpu.enqueue_dma source(%arg6 : memref<1x48x1024xf32, #tpu.memory_space<vmem>>) target(%dma_start3A_1768 : memref<1x48x1024xf32, #tpu.memory_space<hbm>>) target_semaphore(%arg10 : memref<!tpu.dma_semaphore, #tpu.memory_space<semaphore_mem>>)
    } else {
    }
    %eq3A_136 = arith.constant 1 : i32
    %eq3A_137 = arith.cmpi eq, %rem3A_118, %eq3A_136 : i32
    %and3A_138 = arith.andi %ne3A_112, %eq3A_137 : i1
    %convert_element_type3A_139 = arith.extui %and3A_138 : i1 to i32
    %cond3A_140 = arith.constant 0 : i32
    %cond3A_141 = arith.cmpi ne, %convert_element_type3A_139, %cond3A_140 : i32
    scf.if %cond3A_141 {
      %dma_start3A = arith.constant 0 : i32
      %dma_start3A_1764 = arith.constant 0 : i32
      %dma_start3A_1765 = tpu.memref_slice %arg2[%shift_right_logical3A_109, %dma_start3A, %dma_start3A_1764] : memref<365x48x1024xf32, #tpu.memory_space<hbm>> -> memref<1x48x1024xf32, #tpu.memory_space<hbm>>
      %dma_start3A_1766 = arith.constant 0 : i32
      %dma_start3A_1767 = arith.constant 0 : i32
      %dma_start3A_1768 = tpu.memref_slice %arg2[%shift_right_logical3A_109, %dma_start3A_1766, %dma_start3A_1767] : memref<365x48x1024xf32, #tpu.memory_space<hbm>> -> memref<1x48x1024xf32, #tpu.memory_space<hbm>>
      tpu.enqueue_dma source(%dma_start3A_1768 : memref<1x48x1024xf32, #tpu.memory_space<hbm>>) target(%arg7 : memref<1x48x1024xf32, #tpu.memory_space<vmem>>) target_semaphore(%arg9 : memref<!tpu.dma_semaphore, #tpu.memory_space<semaphore_mem>>)
    } else {
    }
    %eq3A_142 = arith.constant 1 : i32
    %eq3A_143 = arith.cmpi eq, %rem3A_118, %eq3A_142 : i32
    %and3A_144 = arith.andi %ne3A_112, %eq3A_143 : i1
    %convert_element_type3A_145 = arith.extui %and3A_144 : i1 to i32
    %cond3A_146 = arith.constant 0 : i32
    %cond3A_147 = arith.cmpi ne, %convert_element_type3A_145, %cond3A_146 : i32
    scf.if %cond3A_147 {
      %dma_wait3A_1764 = arith.constant 0 : i32
      %dma_wait3A_1765 = arith.constant 0 : i32
      %dma_wait3A_1766 = tpu.memref_slice %arg2[%shift_right_logical3A_109, %dma_wait3A_1764, %dma_wait3A_1765] : memref<365x48x1024xf32, #tpu.memory_space<hbm>> -> memref<1x48x1024xf32, #tpu.memory_space<hbm>>
      %dma_wait3A_1767 = arith.constant 0 : i32
      %dma_wait3A_1768 = arith.constant 0 : i32
      %dma_wait3A_1769 = tpu.memref_slice %arg2[%shift_right_logical3A_109, %dma_wait3A_1767, %dma_wait3A_1768] : memref<365x48x1024xf32, #tpu.memory_space<hbm>> -> memref<1x48x1024xf32, #tpu.memory_space<hbm>>
      tpu.wait_dma2 semaphore(%arg9 : memref<!tpu.dma_semaphore, #tpu.memory_space<semaphore_mem>>) src(%dma_wait3A_1769 : memref<1x48x1024xf32, #tpu.memory_space<hbm>>) dst(%arg7 : memref<1x48x1024xf32, #tpu.memory_space<vmem>>)
    } else {
    }
    %eq3A_148 = arith.constant 1 : i32
    %eq3A_149 = arith.cmpi eq, %rem3A_118, %eq3A_148 : i32
    %convert_element_type3A_150 = arith.extui %eq3A_149 : i1 to i32
    %cond3A_151 = arith.constant 0 : i32
    %cond3A_152 = arith.cmpi ne, %convert_element_type3A_150, %cond3A_151 : i32
    scf.if %cond3A_152 {
      %dma_start3A = arith.constant 0 : i32
      %dma_start3A_1764 = arith.constant 0 : i32
      %dma_start3A_1765 = tpu.memref_slice %arg4[%and3A_111, %dma_start3A, %dma_start3A_1764] : memref<1024x48x1024xf32, #tpu.memory_space<hbm>> -> memref<1x48x1024xf32, #tpu.memory_space<hbm>>
      %dma_start3A_1766 = arith.constant 0 : i32
      %dma_start3A_1767 = arith.constant 0 : i32
      %dma_start3A_1768 = tpu.memref_slice %arg4[%and3A_111, %dma_start3A_1766, %dma_start3A_1767] : memref<1024x48x1024xf32, #tpu.memory_space<hbm>> -> memref<1x48x1024xf32, #tpu.memory_space<hbm>>
      tpu.enqueue_dma source(%arg7 : memref<1x48x1024xf32, #tpu.memory_space<vmem>>) target(%dma_start3A_1768 : memref<1x48x1024xf32, #tpu.memory_space<hbm>>) target_semaphore(%arg10 : memref<!tpu.dma_semaphore, #tpu.memory_space<semaphore_mem>>)
    } else {
    }
    %dma_wait3A_153 = arith.constant 0 : i32
    %dma_wait3A_154 = arith.constant 0 : i32
    %dma_wait3A_155 = arith.constant 0 : i32
    %dma_wait3A_156 = tpu.memref_slice %arg4[%dma_wait3A_153, %dma_wait3A_154, %dma_wait3A_155] : memref<1024x48x1024xf32, #tpu.memory_space<hbm>> -> memref<1x48x1024xf32, #tpu.memory_space<hbm>>
    %dma_wait3A_157 = arith.constant 0 : i32
    %dma_wait3A_158 = arith.constant 0 : i32
    %dma_wait3A_159 = arith.constant 0 : i32
    %dma_wait3A_160 = tpu.memref_slice %arg4[%dma_wait3A_157, %dma_wait3A_158, %dma_wait3A_159] : memref<1024x48x1024xf32, #tpu.memory_space<hbm>> -> memref<1x48x1024xf32, #tpu.memory_space<hbm>>
    tpu.wait_dma2 semaphore(%arg11 : memref<!tpu.dma_semaphore, #tpu.memory_space<semaphore_mem>>) src(%arg6 : memref<1x48x1024xf32, #tpu.memory_space<vmem>>) dst(%dma_wait3A_160 : memref<1x48x1024xf32, #tpu.memory_space<hbm>>)
    %slice3A_161 = vector.extract_strided_slice %get3A_4 {offsets = [3], sizes = [1], strides = [1]} : vector<16xi32> to vector<1xi32>
    %squeeze3A_162 = vector.extract %slice3A_161[0] : i32 from vector<1xi32>
    %shift_right_logical3A_163 = arith.constant 10 : i32
    %shift_right_logical3A_164 = arith.shrui %squeeze3A_162, %shift_right_logical3A_163 : i32
    %and3A_165 = arith.constant 1023 : i32
    %and3A_166 = arith.andi %squeeze3A_162, %and3A_165 : i32
    %ne3A_167 = arith.cmpi ne, %shift_right_logical3A_164, %shift_right_logical3A_109 : i32
    %convert_element_type3A_168 = arith.extui %ne3A_167 : i1 to i32
    %add3A_169 = arith.addi %add3A_114, %convert_element_type3A_168 : i32
    %sub3A_170 = arith.constant 1 : i32
    %sub3A_171 = arith.subi %add3A_169, %sub3A_170 : i32
    %rem3A_172 = arith.constant 2 : i32
    %rem3A_173 = arith.remsi %sub3A_171, %rem3A_172 : i32
    %eq3A_174 = arith.constant 0 : i32
    %eq3A_175 = arith.cmpi eq, %rem3A_173, %eq3A_174 : i32
    %and3A_176 = arith.andi %ne3A_167, %eq3A_175 : i1
    %convert_element_type3A_177 = arith.extui %and3A_176 : i1 to i32
    %cond3A_178 = arith.constant 0 : i32
    %cond3A_179 = arith.cmpi ne, %convert_element_type3A_177, %cond3A_178 : i32
    scf.if %cond3A_179 {
      %dma_start3A = arith.constant 0 : i32
      %dma_start3A_1764 = arith.constant 0 : i32
      %dma_start3A_1765 = tpu.memref_slice %arg2[%shift_right_logical3A_164, %dma_start3A, %dma_start3A_1764] : memref<365x48x1024xf32, #tpu.memory_space<hbm>> -> memref<1x48x1024xf32, #tpu.memory_space<hbm>>
      %dma_start3A_1766 = arith.constant 0 : i32
      %dma_start3A_1767 = arith.constant 0 : i32
      %dma_start3A_1768 = tpu.memref_slice %arg2[%shift_right_logical3A_164, %dma_start3A_1766, %dma_start3A_1767] : memref<365x48x1024xf32, #tpu.memory_space<hbm>> -> memref<1x48x1024xf32, #tpu.memory_space<hbm>>
      tpu.enqueue_dma source(%dma_start3A_1768 : memref<1x48x1024xf32, #tpu.memory_space<hbm>>) target(%arg6 : memref<1x48x1024xf32, #tpu.memory_space<vmem>>) target_semaphore(%arg8 : memref<!tpu.dma_semaphore, #tpu.memory_space<semaphore_mem>>)
    } else {
    }
    %eq3A_180 = arith.constant 0 : i32
    %eq3A_181 = arith.cmpi eq, %rem3A_173, %eq3A_180 : i32
    %and3A_182 = arith.andi %ne3A_167, %eq3A_181 : i1
    %convert_element_type3A_183 = arith.extui %and3A_182 : i1 to i32
    %cond3A_184 = arith.constant 0 : i32
    %cond3A_185 = arith.cmpi ne, %convert_element_type3A_183, %cond3A_184 : i32
    scf.if %cond3A_185 {
      %dma_wait3A_1764 = arith.constant 0 : i32
      %dma_wait3A_1765 = arith.constant 0 : i32
      %dma_wait3A_1766 = tpu.memref_slice %arg2[%shift_right_logical3A_164, %dma_wait3A_1764, %dma_wait3A_1765] : memref<365x48x1024xf32, #tpu.memory_space<hbm>> -> memref<1x48x1024xf32, #tpu.memory_space<hbm>>
      %dma_wait3A_1767 = arith.constant 0 : i32
      %dma_wait3A_1768 = arith.constant 0 : i32
      %dma_wait3A_1769 = tpu.memref_slice %arg2[%shift_right_logical3A_164, %dma_wait3A_1767, %dma_wait3A_1768] : memref<365x48x1024xf32, #tpu.memory_space<hbm>> -> memref<1x48x1024xf32, #tpu.memory_space<hbm>>
      tpu.wait_dma2 semaphore(%arg8 : memref<!tpu.dma_semaphore, #tpu.memory_space<semaphore_mem>>) src(%dma_wait3A_1769 : memref<1x48x1024xf32, #tpu.memory_space<hbm>>) dst(%arg6 : memref<1x48x1024xf32, #tpu.memory_space<vmem>>)
    } else {
    }
    %eq3A_186 = arith.constant 0 : i32
    %eq3A_187 = arith.cmpi eq, %rem3A_173, %eq3A_186 : i32
    %convert_element_type3A_188 = arith.extui %eq3A_187 : i1 to i32
    %cond3A_189 = arith.constant 0 : i32
    %cond3A_190 = arith.cmpi ne, %convert_element_type3A_188, %cond3A_189 : i32
    scf.if %cond3A_190 {
      %dma_start3A = arith.constant 0 : i32
      %dma_start3A_1764 = arith.constant 0 : i32
      %dma_start3A_1765 = tpu.memref_slice %arg4[%and3A_166, %dma_start3A, %dma_start3A_1764] : memref<1024x48x1024xf32, #tpu.memory_space<hbm>> -> memref<1x48x1024xf32, #tpu.memory_space<hbm>>
      %dma_start3A_1766 = arith.constant 0 : i32
      %dma_start3A_1767 = arith.constant 0 : i32
      %dma_start3A_1768 = tpu.memref_slice %arg4[%and3A_166, %dma_start3A_1766, %dma_start3A_1767] : memref<1024x48x1024xf32, #tpu.memory_space<hbm>> -> memref<1x48x1024xf32, #tpu.memory_space<hbm>>
      tpu.enqueue_dma source(%arg6 : memref<1x48x1024xf32, #tpu.memory_space<vmem>>) target(%dma_start3A_1768 : memref<1x48x1024xf32, #tpu.memory_space<hbm>>) target_semaphore(%arg11 : memref<!tpu.dma_semaphore, #tpu.memory_space<semaphore_mem>>)
    } else {
    }
    %eq3A_191 = arith.constant 1 : i32
    %eq3A_192 = arith.cmpi eq, %rem3A_173, %eq3A_191 : i32
    %and3A_193 = arith.andi %ne3A_167, %eq3A_192 : i1
    %convert_element_type3A_194 = arith.extui %and3A_193 : i1 to i32
    %cond3A_195 = arith.constant 0 : i32
    %cond3A_196 = arith.cmpi ne, %convert_element_type3A_194, %cond3A_195 : i32
    scf.if %cond3A_196 {
      %dma_start3A = arith.constant 0 : i32
      %dma_start3A_1764 = arith.constant 0 : i32
      %dma_start3A_1765 = tpu.memref_slice %arg2[%shift_right_logical3A_164, %dma_start3A, %dma_start3A_1764] : memref<365x48x1024xf32, #tpu.memory_space<hbm>> -> memref<1x48x1024xf32, #tpu.memory_space<hbm>>
      %dma_start3A_1766 = arith.constant 0 : i32
      %dma_start3A_1767 = arith.constant 0 : i32
      %dma_start3A_1768 = tpu.memref_slice %arg2[%shift_right_logical3A_164, %dma_start3A_1766, %dma_start3A_1767] : memref<365x48x1024xf32, #tpu.memory_space<hbm>> -> memref<1x48x1024xf32, #tpu.memory_space<hbm>>
      tpu.enqueue_dma source(%dma_start3A_1768 : memref<1x48x1024xf32, #tpu.memory_space<hbm>>) target(%arg7 : memref<1x48x1024xf32, #tpu.memory_space<vmem>>) target_semaphore(%arg9 : memref<!tpu.dma_semaphore, #tpu.memory_space<semaphore_mem>>)
    } else {
    }
    %eq3A_197 = arith.constant 1 : i32
    %eq3A_198 = arith.cmpi eq, %rem3A_173, %eq3A_197 : i32
    %and3A_199 = arith.andi %ne3A_167, %eq3A_198 : i1
    %convert_element_type3A_200 = arith.extui %and3A_199 : i1 to i32
    %cond3A_201 = arith.constant 0 : i32
    %cond3A_202 = arith.cmpi ne, %convert_element_type3A_200, %cond3A_201 : i32
    scf.if %cond3A_202 {
      %dma_wait3A_1764 = arith.constant 0 : i32
      %dma_wait3A_1765 = arith.constant 0 : i32
      %dma_wait3A_1766 = tpu.memref_slice %arg2[%shift_right_logical3A_164, %dma_wait3A_1764, %dma_wait3A_1765] : memref<365x48x1024xf32, #tpu.memory_space<hbm>> -> memref<1x48x1024xf32, #tpu.memory_space<hbm>>
      %dma_wait3A_1767 = arith.constant 0 : i32
      %dma_wait3A_1768 = arith.constant 0 : i32
      %dma_wait3A_1769 = tpu.memref_slice %arg2[%shift_right_logical3A_164, %dma_wait3A_1767, %dma_wait3A_1768] : memref<365x48x1024xf32, #tpu.memory_space<hbm>> -> memref<1x48x1024xf32, #tpu.memory_space<hbm>>
      tpu.wait_dma2 semaphore(%arg9 : memref<!tpu.dma_semaphore, #tpu.memory_space<semaphore_mem>>) src(%dma_wait3A_1769 : memref<1x48x1024xf32, #tpu.memory_space<hbm>>) dst(%arg7 : memref<1x48x1024xf32, #tpu.memory_space<vmem>>)
    } else {
    }
    %eq3A_203 = arith.constant 1 : i32
    %eq3A_204 = arith.cmpi eq, %rem3A_173, %eq3A_203 : i32
    %convert_element_type3A_205 = arith.extui %eq3A_204 : i1 to i32
    %cond3A_206 = arith.constant 0 : i32
    %cond3A_207 = arith.cmpi ne, %convert_element_type3A_205, %cond3A_206 : i32
    scf.if %cond3A_207 {
      %dma_start3A = arith.constant 0 : i32
      %dma_start3A_1764 = arith.constant 0 : i32
      %dma_start3A_1765 = tpu.memref_slice %arg4[%and3A_166, %dma_start3A, %dma_start3A_1764] : memref<1024x48x1024xf32, #tpu.memory_space<hbm>> -> memref<1x48x1024xf32, #tpu.memory_space<hbm>>
      %dma_start3A_1766 = arith.constant 0 : i32
      %dma_start3A_1767 = arith.constant 0 : i32
      %dma_start3A_1768 = tpu.memref_slice %arg4[%and3A_166, %dma_start3A_1766, %dma_start3A_1767] : memref<1024x48x1024xf32, #tpu.memory_space<hbm>> -> memref<1x48x1024xf32, #tpu.memory_space<hbm>>
      tpu.enqueue_dma source(%arg7 : memref<1x48x1024xf32, #tpu.memory_space<vmem>>) target(%dma_start3A_1768 : memref<1x48x1024xf32, #tpu.memory_space<hbm>>) target_semaphore(%arg11 : memref<!tpu.dma_semaphore, #tpu.memory_space<semaphore_mem>>)
    } else {
    }
    %dma_wait3A_208 = arith.constant 0 : i32
    %dma_wait3A_209 = arith.constant 0 : i32
    %dma_wait3A_210 = arith.constant 0 : i32
    %dma_wait3A_211 = tpu.memref_slice %arg4[%dma_wait3A_208, %dma_wait3A_209, %dma_wait3A_210] : memref<1024x48x1024xf32, #tpu.memory_space<hbm>> -> memref<1x48x1024xf32, #tpu.memory_space<hbm>>
    %dma_wait3A_212 = arith.constant 0 : i32
    %dma_wait3A_213 = arith.constant 0 : i32
    %dma_wait3A_214 = arith.constant 0 : i32
    %dma_wait3A_215 = tpu.memref_slice %arg4[%dma_wait3A_212, %dma_wait3A_213, %dma_wait3A_214] : memref<1024x48x1024xf32, #tpu.memory_space<hbm>> -> memref<1x48x1024xf32, #tpu.memory_space<hbm>>
    tpu.wait_dma2 semaphore(%arg10 : memref<!tpu.dma_semaphore, #tpu.memory_space<semaphore_mem>>) src(%arg6 : memref<1x48x1024xf32, #tpu.memory_space<vmem>>) dst(%dma_wait3A_215 : memref<1x48x1024xf32, #tpu.memory_space<hbm>>)
    %slice3A_216 = vector.extract_strided_slice %get3A_4 {offsets = [4], sizes = [1], strides = [1]} : vector<16xi32> to vector<1xi32>
    %squeeze3A_217 = vector.extract %slice3A_216[0] : i32 from vector<1xi32>
    %shift_right_logical3A_218 = arith.constant 10 : i32
    %shift_right_logical3A_219 = arith.shrui %squeeze3A_217, %shift_right_logical3A_218 : i32
    %and3A_220 = arith.constant 1023 : i32
    %and3A_221 = arith.andi %squeeze3A_217, %and3A_220 : i32
    %ne3A_222 = arith.cmpi ne, %shift_right_logical3A_219, %shift_right_logical3A_164 : i32
    %convert_element_type3A_223 = arith.extui %ne3A_222 : i1 to i32
    %add3A_224 = arith.addi %add3A_169, %convert_element_type3A_223 : i32
    %sub3A_225 = arith.constant 1 : i32
    %sub3A_226 = arith.subi %add3A_224, %sub3A_225 : i32
    %rem3A_227 = arith.constant 2 : i32
    %rem3A_228 = arith.remsi %sub3A_226, %rem3A_227 : i32
    %eq3A_229 = arith.constant 0 : i32
    %eq3A_230 = arith.cmpi eq, %rem3A_228, %eq3A_229 : i32
    %and3A_231 = arith.andi %ne3A_222, %eq3A_230 : i1
    %convert_element_type3A_232 = arith.extui %and3A_231 : i1 to i32
    %cond3A_233 = arith.constant 0 : i32
    %cond3A_234 = arith.cmpi ne, %convert_element_type3A_232, %cond3A_233 : i32
    scf.if %cond3A_234 {
      %dma_start3A = arith.constant 0 : i32
      %dma_start3A_1764 = arith.constant 0 : i32
      %dma_start3A_1765 = tpu.memref_slice %arg2[%shift_right_logical3A_219, %dma_start3A, %dma_start3A_1764] : memref<365x48x1024xf32, #tpu.memory_space<hbm>> -> memref<1x48x1024xf32, #tpu.memory_space<hbm>>
      %dma_start3A_1766 = arith.constant 0 : i32
      %dma_start3A_1767 = arith.constant 0 : i32
      %dma_start3A_1768 = tpu.memref_slice %arg2[%shift_right_logical3A_219, %dma_start3A_1766, %dma_start3A_1767] : memref<365x48x1024xf32, #tpu.memory_space<hbm>> -> memref<1x48x1024xf32, #tpu.memory_space<hbm>>
      tpu.enqueue_dma source(%dma_start3A_1768 : memref<1x48x1024xf32, #tpu.memory_space<hbm>>) target(%arg6 : memref<1x48x1024xf32, #tpu.memory_space<vmem>>) target_semaphore(%arg8 : memref<!tpu.dma_semaphore, #tpu.memory_space<semaphore_mem>>)
    } else {
    }
    %eq3A_235 = arith.constant 0 : i32
    %eq3A_236 = arith.cmpi eq, %rem3A_228, %eq3A_235 : i32
    %and3A_237 = arith.andi %ne3A_222, %eq3A_236 : i1
    %convert_element_type3A_238 = arith.extui %and3A_237 : i1 to i32
    %cond3A_239 = arith.constant 0 : i32
    %cond3A_240 = arith.cmpi ne, %convert_element_type3A_238, %cond3A_239 : i32
    scf.if %cond3A_240 {
      %dma_wait3A_1764 = arith.constant 0 : i32
      %dma_wait3A_1765 = arith.constant 0 : i32
      %dma_wait3A_1766 = tpu.memref_slice %arg2[%shift_right_logical3A_219, %dma_wait3A_1764, %dma_wait3A_1765] : memref<365x48x1024xf32, #tpu.memory_space<hbm>> -> memref<1x48x1024xf32, #tpu.memory_space<hbm>>
      %dma_wait3A_1767 = arith.constant 0 : i32
      %dma_wait3A_1768 = arith.constant 0 : i32
      %dma_wait3A_1769 = tpu.memref_slice %arg2[%shift_right_logical3A_219, %dma_wait3A_1767, %dma_wait3A_1768] : memref<365x48x1024xf32, #tpu.memory_space<hbm>> -> memref<1x48x1024xf32, #tpu.memory_space<hbm>>
      tpu.wait_dma2 semaphore(%arg8 : memref<!tpu.dma_semaphore, #tpu.memory_space<semaphore_mem>>) src(%dma_wait3A_1769 : memref<1x48x1024xf32, #tpu.memory_space<hbm>>) dst(%arg6 : memref<1x48x1024xf32, #tpu.memory_space<vmem>>)
    } else {
    }
    %eq3A_241 = arith.constant 0 : i32
    %eq3A_242 = arith.cmpi eq, %rem3A_228, %eq3A_241 : i32
    %convert_element_type3A_243 = arith.extui %eq3A_242 : i1 to i32
    %cond3A_244 = arith.constant 0 : i32
    %cond3A_245 = arith.cmpi ne, %convert_element_type3A_243, %cond3A_244 : i32
    scf.if %cond3A_245 {
      %dma_start3A = arith.constant 0 : i32
      %dma_start3A_1764 = arith.constant 0 : i32
      %dma_start3A_1765 = tpu.memref_slice %arg4[%and3A_221, %dma_start3A, %dma_start3A_1764] : memref<1024x48x1024xf32, #tpu.memory_space<hbm>> -> memref<1x48x1024xf32, #tpu.memory_space<hbm>>
      %dma_start3A_1766 = arith.constant 0 : i32
      %dma_start3A_1767 = arith.constant 0 : i32
      %dma_start3A_1768 = tpu.memref_slice %arg4[%and3A_221, %dma_start3A_1766, %dma_start3A_1767] : memref<1024x48x1024xf32, #tpu.memory_space<hbm>> -> memref<1x48x1024xf32, #tpu.memory_space<hbm>>
      tpu.enqueue_dma source(%arg6 : memref<1x48x1024xf32, #tpu.memory_space<vmem>>) target(%dma_start3A_1768 : memref<1x48x1024xf32, #tpu.memory_space<hbm>>) target_semaphore(%arg10 : memref<!tpu.dma_semaphore, #tpu.memory_space<semaphore_mem>>)
    } else {
    }
    %eq3A_246 = arith.constant 1 : i32
    %eq3A_247 = arith.cmpi eq, %rem3A_228, %eq3A_246 : i32
    %and3A_248 = arith.andi %ne3A_222, %eq3A_247 : i1
    %convert_element_type3A_249 = arith.extui %and3A_248 : i1 to i32
    %cond3A_250 = arith.constant 0 : i32
    %cond3A_251 = arith.cmpi ne, %convert_element_type3A_249, %cond3A_250 : i32
    scf.if %cond3A_251 {
      %dma_start3A = arith.constant 0 : i32
      %dma_start3A_1764 = arith.constant 0 : i32
      %dma_start3A_1765 = tpu.memref_slice %arg2[%shift_right_logical3A_219, %dma_start3A, %dma_start3A_1764] : memref<365x48x1024xf32, #tpu.memory_space<hbm>> -> memref<1x48x1024xf32, #tpu.memory_space<hbm>>
      %dma_start3A_1766 = arith.constant 0 : i32
      %dma_start3A_1767 = arith.constant 0 : i32
      %dma_start3A_1768 = tpu.memref_slice %arg2[%shift_right_logical3A_219, %dma_start3A_1766, %dma_start3A_1767] : memref<365x48x1024xf32, #tpu.memory_space<hbm>> -> memref<1x48x1024xf32, #tpu.memory_space<hbm>>
      tpu.enqueue_dma source(%dma_start3A_1768 : memref<1x48x1024xf32, #tpu.memory_space<hbm>>) target(%arg7 : memref<1x48x1024xf32, #tpu.memory_space<vmem>>) target_semaphore(%arg9 : memref<!tpu.dma_semaphore, #tpu.memory_space<semaphore_mem>>)
    } else {
    }
    %eq3A_252 = arith.constant 1 : i32
    %eq3A_253 = arith.cmpi eq, %rem3A_228, %eq3A_252 : i32
    %and3A_254 = arith.andi %ne3A_222, %eq3A_253 : i1
    %convert_element_type3A_255 = arith.extui %and3A_254 : i1 to i32
    %cond3A_256 = arith.constant 0 : i32
    %cond3A_257 = arith.cmpi ne, %convert_element_type3A_255, %cond3A_256 : i32
    scf.if %cond3A_257 {
      %dma_wait3A_1764 = arith.constant 0 : i32
      %dma_wait3A_1765 = arith.constant 0 : i32
      %dma_wait3A_1766 = tpu.memref_slice %arg2[%shift_right_logical3A_219, %dma_wait3A_1764, %dma_wait3A_1765] : memref<365x48x1024xf32, #tpu.memory_space<hbm>> -> memref<1x48x1024xf32, #tpu.memory_space<hbm>>
      %dma_wait3A_1767 = arith.constant 0 : i32
      %dma_wait3A_1768 = arith.constant 0 : i32
      %dma_wait3A_1769 = tpu.memref_slice %arg2[%shift_right_logical3A_219, %dma_wait3A_1767, %dma_wait3A_1768] : memref<365x48x1024xf32, #tpu.memory_space<hbm>> -> memref<1x48x1024xf32, #tpu.memory_space<hbm>>
      tpu.wait_dma2 semaphore(%arg9 : memref<!tpu.dma_semaphore, #tpu.memory_space<semaphore_mem>>) src(%dma_wait3A_1769 : memref<1x48x1024xf32, #tpu.memory_space<hbm>>) dst(%arg7 : memref<1x48x1024xf32, #tpu.memory_space<vmem>>)
    } else {
    }
    %eq3A_258 = arith.constant 1 : i32
    %eq3A_259 = arith.cmpi eq, %rem3A_228, %eq3A_258 : i32
    %convert_element_type3A_260 = arith.extui %eq3A_259 : i1 to i32
    %cond3A_261 = arith.constant 0 : i32
    %cond3A_262 = arith.cmpi ne, %convert_element_type3A_260, %cond3A_261 : i32
    scf.if %cond3A_262 {
      %dma_start3A = arith.constant 0 : i32
      %dma_start3A_1764 = arith.constant 0 : i32
      %dma_start3A_1765 = tpu.memref_slice %arg4[%and3A_221, %dma_start3A, %dma_start3A_1764] : memref<1024x48x1024xf32, #tpu.memory_space<hbm>> -> memref<1x48x1024xf32, #tpu.memory_space<hbm>>
      %dma_start3A_1766 = arith.constant 0 : i32
      %dma_start3A_1767 = arith.constant 0 : i32
      %dma_start3A_1768 = tpu.memref_slice %arg4[%and3A_221, %dma_start3A_1766, %dma_start3A_1767] : memref<1024x48x1024xf32, #tpu.memory_space<hbm>> -> memref<1x48x1024xf32, #tpu.memory_space<hbm>>
      tpu.enqueue_dma source(%arg7 : memref<1x48x1024xf32, #tpu.memory_space<vmem>>) target(%dma_start3A_1768 : memref<1x48x1024xf32, #tpu.memory_space<hbm>>) target_semaphore(%arg10 : memref<!tpu.dma_semaphore, #tpu.memory_space<semaphore_mem>>)
    } else {
    }
    %dma_wait3A_263 = arith.constant 0 : i32
    %dma_wait3A_264 = arith.constant 0 : i32
    %dma_wait3A_265 = arith.constant 0 : i32
    %dma_wait3A_266 = tpu.memref_slice %arg4[%dma_wait3A_263, %dma_wait3A_264, %dma_wait3A_265] : memref<1024x48x1024xf32, #tpu.memory_space<hbm>> -> memref<1x48x1024xf32, #tpu.memory_space<hbm>>
    %dma_wait3A_267 = arith.constant 0 : i32
    %dma_wait3A_268 = arith.constant 0 : i32
    %dma_wait3A_269 = arith.constant 0 : i32
    %dma_wait3A_270 = tpu.memref_slice %arg4[%dma_wait3A_267, %dma_wait3A_268, %dma_wait3A_269] : memref<1024x48x1024xf32, #tpu.memory_space<hbm>> -> memref<1x48x1024xf32, #tpu.memory_space<hbm>>
    tpu.wait_dma2 semaphore(%arg11 : memref<!tpu.dma_semaphore, #tpu.memory_space<semaphore_mem>>) src(%arg6 : memref<1x48x1024xf32, #tpu.memory_space<vmem>>) dst(%dma_wait3A_270 : memref<1x48x1024xf32, #tpu.memory_space<hbm>>)
    %slice3A_271 = vector.extract_strided_slice %get3A_4 {offsets = [5], sizes = [1], strides = [1]} : vector<16xi32> to vector<1xi32>
    %squeeze3A_272 = vector.extract %slice3A_271[0] : i32 from vector<1xi32>
    %shift_right_logical3A_273 = arith.constant 10 : i32
    %shift_right_logical3A_274 = arith.shrui %squeeze3A_272, %shift_right_logical3A_273 : i32
    %and3A_275 = arith.constant 1023 : i32
    %and3A_276 = arith.andi %squeeze3A_272, %and3A_275 : i32
    %ne3A_277 = arith.cmpi ne, %shift_right_logical3A_274, %shift_right_logical3A_219 : i32
    %convert_element_type3A_278 = arith.extui %ne3A_277 : i1 to i32
    %add3A_279 = arith.addi %add3A_224, %convert_element_type3A_278 : i32
    %sub3A_280 = arith.constant 1 : i32
    %sub3A_281 = arith.subi %add3A_279, %sub3A_280 : i32
    %rem3A_282 = arith.constant 2 : i32
    %rem3A_283 = arith.remsi %sub3A_281, %rem3A_282 : i32
    %eq3A_284 = arith.constant 0 : i32
    %eq3A_285 = arith.cmpi eq, %rem3A_283, %eq3A_284 : i32
    %and3A_286 = arith.andi %ne3A_277, %eq3A_285 : i1
    %convert_element_type3A_287 = arith.extui %and3A_286 : i1 to i32
    %cond3A_288 = arith.constant 0 : i32
    %cond3A_289 = arith.cmpi ne, %convert_element_type3A_287, %cond3A_288 : i32
    scf.if %cond3A_289 {
      %dma_start3A = arith.constant 0 : i32
      %dma_start3A_1764 = arith.constant 0 : i32
      %dma_start3A_1765 = tpu.memref_slice %arg2[%shift_right_logical3A_274, %dma_start3A, %dma_start3A_1764] : memref<365x48x1024xf32, #tpu.memory_space<hbm>> -> memref<1x48x1024xf32, #tpu.memory_space<hbm>>
      %dma_start3A_1766 = arith.constant 0 : i32
      %dma_start3A_1767 = arith.constant 0 : i32
      %dma_start3A_1768 = tpu.memref_slice %arg2[%shift_right_logical3A_274, %dma_start3A_1766, %dma_start3A_1767] : memref<365x48x1024xf32, #tpu.memory_space<hbm>> -> memref<1x48x1024xf32, #tpu.memory_space<hbm>>
      tpu.enqueue_dma source(%dma_start3A_1768 : memref<1x48x1024xf32, #tpu.memory_space<hbm>>) target(%arg6 : memref<1x48x1024xf32, #tpu.memory_space<vmem>>) target_semaphore(%arg8 : memref<!tpu.dma_semaphore, #tpu.memory_space<semaphore_mem>>)
    } else {
    }
    %eq3A_290 = arith.constant 0 : i32
    %eq3A_291 = arith.cmpi eq, %rem3A_283, %eq3A_290 : i32
    %and3A_292 = arith.andi %ne3A_277, %eq3A_291 : i1
    %convert_element_type3A_293 = arith.extui %and3A_292 : i1 to i32
    %cond3A_294 = arith.constant 0 : i32
    %cond3A_295 = arith.cmpi ne, %convert_element_type3A_293, %cond3A_294 : i32
    scf.if %cond3A_295 {
      %dma_wait3A_1764 = arith.constant 0 : i32
      %dma_wait3A_1765 = arith.constant 0 : i32
      %dma_wait3A_1766 = tpu.memref_slice %arg2[%shift_right_logical3A_274, %dma_wait3A_1764, %dma_wait3A_1765] : memref<365x48x1024xf32, #tpu.memory_space<hbm>> -> memref<1x48x1024xf32, #tpu.memory_space<hbm>>
      %dma_wait3A_1767 = arith.constant 0 : i32
      %dma_wait3A_1768 = arith.constant 0 : i32
      %dma_wait3A_1769 = tpu.memref_slice %arg2[%shift_right_logical3A_274, %dma_wait3A_1767, %dma_wait3A_1768] : memref<365x48x1024xf32, #tpu.memory_space<hbm>> -> memref<1x48x1024xf32, #tpu.memory_space<hbm>>
      tpu.wait_dma2 semaphore(%arg8 : memref<!tpu.dma_semaphore, #tpu.memory_space<semaphore_mem>>) src(%dma_wait3A_1769 : memref<1x48x1024xf32, #tpu.memory_space<hbm>>) dst(%arg6 : memref<1x48x1024xf32, #tpu.memory_space<vmem>>)
    } else {
    }
    %eq3A_296 = arith.constant 0 : i32
    %eq3A_297 = arith.cmpi eq, %rem3A_283, %eq3A_296 : i32
    %convert_element_type3A_298 = arith.extui %eq3A_297 : i1 to i32
    %cond3A_299 = arith.constant 0 : i32
    %cond3A_300 = arith.cmpi ne, %convert_element_type3A_298, %cond3A_299 : i32
    scf.if %cond3A_300 {
      %dma_start3A = arith.constant 0 : i32
      %dma_start3A_1764 = arith.constant 0 : i32
      %dma_start3A_1765 = tpu.memref_slice %arg4[%and3A_276, %dma_start3A, %dma_start3A_1764] : memref<1024x48x1024xf32, #tpu.memory_space<hbm>> -> memref<1x48x1024xf32, #tpu.memory_space<hbm>>
      %dma_start3A_1766 = arith.constant 0 : i32
      %dma_start3A_1767 = arith.constant 0 : i32
      %dma_start3A_1768 = tpu.memref_slice %arg4[%and3A_276, %dma_start3A_1766, %dma_start3A_1767] : memref<1024x48x1024xf32, #tpu.memory_space<hbm>> -> memref<1x48x1024xf32, #tpu.memory_space<hbm>>
      tpu.enqueue_dma source(%arg6 : memref<1x48x1024xf32, #tpu.memory_space<vmem>>) target(%dma_start3A_1768 : memref<1x48x1024xf32, #tpu.memory_space<hbm>>) target_semaphore(%arg11 : memref<!tpu.dma_semaphore, #tpu.memory_space<semaphore_mem>>)
    } else {
    }
    %eq3A_301 = arith.constant 1 : i32
    %eq3A_302 = arith.cmpi eq, %rem3A_283, %eq3A_301 : i32
    %and3A_303 = arith.andi %ne3A_277, %eq3A_302 : i1
    %convert_element_type3A_304 = arith.extui %and3A_303 : i1 to i32
    %cond3A_305 = arith.constant 0 : i32
    %cond3A_306 = arith.cmpi ne, %convert_element_type3A_304, %cond3A_305 : i32
    scf.if %cond3A_306 {
      %dma_start3A = arith.constant 0 : i32
      %dma_start3A_1764 = arith.constant 0 : i32
      %dma_start3A_1765 = tpu.memref_slice %arg2[%shift_right_logical3A_274, %dma_start3A, %dma_start3A_1764] : memref<365x48x1024xf32, #tpu.memory_space<hbm>> -> memref<1x48x1024xf32, #tpu.memory_space<hbm>>
      %dma_start3A_1766 = arith.constant 0 : i32
      %dma_start3A_1767 = arith.constant 0 : i32
      %dma_start3A_1768 = tpu.memref_slice %arg2[%shift_right_logical3A_274, %dma_start3A_1766, %dma_start3A_1767] : memref<365x48x1024xf32, #tpu.memory_space<hbm>> -> memref<1x48x1024xf32, #tpu.memory_space<hbm>>
      tpu.enqueue_dma source(%dma_start3A_1768 : memref<1x48x1024xf32, #tpu.memory_space<hbm>>) target(%arg7 : memref<1x48x1024xf32, #tpu.memory_space<vmem>>) target_semaphore(%arg9 : memref<!tpu.dma_semaphore, #tpu.memory_space<semaphore_mem>>)
    } else {
    }
    %eq3A_307 = arith.constant 1 : i32
    %eq3A_308 = arith.cmpi eq, %rem3A_283, %eq3A_307 : i32
    %and3A_309 = arith.andi %ne3A_277, %eq3A_308 : i1
    %convert_element_type3A_310 = arith.extui %and3A_309 : i1 to i32
    %cond3A_311 = arith.constant 0 : i32
    %cond3A_312 = arith.cmpi ne, %convert_element_type3A_310, %cond3A_311 : i32
    scf.if %cond3A_312 {
      %dma_wait3A_1764 = arith.constant 0 : i32
      %dma_wait3A_1765 = arith.constant 0 : i32
      %dma_wait3A_1766 = tpu.memref_slice %arg2[%shift_right_logical3A_274, %dma_wait3A_1764, %dma_wait3A_1765] : memref<365x48x1024xf32, #tpu.memory_space<hbm>> -> memref<1x48x1024xf32, #tpu.memory_space<hbm>>
      %dma_wait3A_1767 = arith.constant 0 : i32
      %dma_wait3A_1768 = arith.constant 0 : i32
      %dma_wait3A_1769 = tpu.memref_slice %arg2[%shift_right_logical3A_274, %dma_wait3A_1767, %dma_wait3A_1768] : memref<365x48x1024xf32, #tpu.memory_space<hbm>> -> memref<1x48x1024xf32, #tpu.memory_space<hbm>>
      tpu.wait_dma2 semaphore(%arg9 : memref<!tpu.dma_semaphore, #tpu.memory_space<semaphore_mem>>) src(%dma_wait3A_1769 : memref<1x48x1024xf32, #tpu.memory_space<hbm>>) dst(%arg7 : memref<1x48x1024xf32, #tpu.memory_space<vmem>>)
    } else {
    }
    %eq3A_313 = arith.constant 1 : i32
    %eq3A_314 = arith.cmpi eq, %rem3A_283, %eq3A_313 : i32
    %convert_element_type3A_315 = arith.extui %eq3A_314 : i1 to i32
    %cond3A_316 = arith.constant 0 : i32
    %cond3A_317 = arith.cmpi ne, %convert_element_type3A_315, %cond3A_316 : i32
    scf.if %cond3A_317 {
      %dma_start3A = arith.constant 0 : i32
      %dma_start3A_1764 = arith.constant 0 : i32
      %dma_start3A_1765 = tpu.memref_slice %arg4[%and3A_276, %dma_start3A, %dma_start3A_1764] : memref<1024x48x1024xf32, #tpu.memory_space<hbm>> -> memref<1x48x1024xf32, #tpu.memory_space<hbm>>
      %dma_start3A_1766 = arith.constant 0 : i32
      %dma_start3A_1767 = arith.constant 0 : i32
      %dma_start3A_1768 = tpu.memref_slice %arg4[%and3A_276, %dma_start3A_1766, %dma_start3A_1767] : memref<1024x48x1024xf32, #tpu.memory_space<hbm>> -> memref<1x48x1024xf32, #tpu.memory_space<hbm>>
      tpu.enqueue_dma source(%arg7 : memref<1x48x1024xf32, #tpu.memory_space<vmem>>) target(%dma_start3A_1768 : memref<1x48x1024xf32, #tpu.memory_space<hbm>>) target_semaphore(%arg11 : memref<!tpu.dma_semaphore, #tpu.memory_space<semaphore_mem>>)
    } else {
    }
    %dma_wait3A_318 = arith.constant 0 : i32
    %dma_wait3A_319 = arith.constant 0 : i32
    %dma_wait3A_320 = arith.constant 0 : i32
    %dma_wait3A_321 = tpu.memref_slice %arg4[%dma_wait3A_318, %dma_wait3A_319, %dma_wait3A_320] : memref<1024x48x1024xf32, #tpu.memory_space<hbm>> -> memref<1x48x1024xf32, #tpu.memory_space<hbm>>
    %dma_wait3A_322 = arith.constant 0 : i32
    %dma_wait3A_323 = arith.constant 0 : i32
    %dma_wait3A_324 = arith.constant 0 : i32
    %dma_wait3A_325 = tpu.memref_slice %arg4[%dma_wait3A_322, %dma_wait3A_323, %dma_wait3A_324] : memref<1024x48x1024xf32, #tpu.memory_space<hbm>> -> memref<1x48x1024xf32, #tpu.memory_space<hbm>>
    tpu.wait_dma2 semaphore(%arg10 : memref<!tpu.dma_semaphore, #tpu.memory_space<semaphore_mem>>) src(%arg6 : memref<1x48x1024xf32, #tpu.memory_space<vmem>>) dst(%dma_wait3A_325 : memref<1x48x1024xf32, #tpu.memory_space<hbm>>)
    %slice3A_326 = vector.extract_strided_slice %get3A_4 {offsets = [6], sizes = [1], strides = [1]} : vector<16xi32> to vector<1xi32>
    %squeeze3A_327 = vector.extract %slice3A_326[0] : i32 from vector<1xi32>
    %shift_right_logical3A_328 = arith.constant 10 : i32
    %shift_right_logical3A_329 = arith.shrui %squeeze3A_327, %shift_right_logical3A_328 : i32
    %and3A_330 = arith.constant 1023 : i32
    %and3A_331 = arith.andi %squeeze3A_327, %and3A_330 : i32
    %ne3A_332 = arith.cmpi ne, %shift_right_logical3A_329, %shift_right_logical3A_274 : i32
    %convert_element_type3A_333 = arith.extui %ne3A_332 : i1 to i32
    %add3A_334 = arith.addi %add3A_279, %convert_element_type3A_333 : i32
    %sub3A_335 = arith.constant 1 : i32
    %sub3A_336 = arith.subi %add3A_334, %sub3A_335 : i32
    %rem3A_337 = arith.constant 2 : i32
    %rem3A_338 = arith.remsi %sub3A_336, %rem3A_337 : i32
    %eq3A_339 = arith.constant 0 : i32
    %eq3A_340 = arith.cmpi eq, %rem3A_338, %eq3A_339 : i32
    %and3A_341 = arith.andi %ne3A_332, %eq3A_340 : i1
    %convert_element_type3A_342 = arith.extui %and3A_341 : i1 to i32
    %cond3A_343 = arith.constant 0 : i32
    %cond3A_344 = arith.cmpi ne, %convert_element_type3A_342, %cond3A_343 : i32
    scf.if %cond3A_344 {
      %dma_start3A = arith.constant 0 : i32
      %dma_start3A_1764 = arith.constant 0 : i32
      %dma_start3A_1765 = tpu.memref_slice %arg2[%shift_right_logical3A_329, %dma_start3A, %dma_start3A_1764] : memref<365x48x1024xf32, #tpu.memory_space<hbm>> -> memref<1x48x1024xf32, #tpu.memory_space<hbm>>
      %dma_start3A_1766 = arith.constant 0 : i32
      %dma_start3A_1767 = arith.constant 0 : i32
      %dma_start3A_1768 = tpu.memref_slice %arg2[%shift_right_logical3A_329, %dma_start3A_1766, %dma_start3A_1767] : memref<365x48x1024xf32, #tpu.memory_space<hbm>> -> memref<1x48x1024xf32, #tpu.memory_space<hbm>>
      tpu.enqueue_dma source(%dma_start3A_1768 : memref<1x48x1024xf32, #tpu.memory_space<hbm>>) target(%arg6 : memref<1x48x1024xf32, #tpu.memory_space<vmem>>) target_semaphore(%arg8 : memref<!tpu.dma_semaphore, #tpu.memory_space<semaphore_mem>>)
    } else {
    }
    %eq3A_345 = arith.constant 0 : i32
    %eq3A_346 = arith.cmpi eq, %rem3A_338, %eq3A_345 : i32
    %and3A_347 = arith.andi %ne3A_332, %eq3A_346 : i1
    %convert_element_type3A_348 = arith.extui %and3A_347 : i1 to i32
    %cond3A_349 = arith.constant 0 : i32
    %cond3A_350 = arith.cmpi ne, %convert_element_type3A_348, %cond3A_349 : i32
    scf.if %cond3A_350 {
      %dma_wait3A_1764 = arith.constant 0 : i32
      %dma_wait3A_1765 = arith.constant 0 : i32
      %dma_wait3A_1766 = tpu.memref_slice %arg2[%shift_right_logical3A_329, %dma_wait3A_1764, %dma_wait3A_1765] : memref<365x48x1024xf32, #tpu.memory_space<hbm>> -> memref<1x48x1024xf32, #tpu.memory_space<hbm>>
      %dma_wait3A_1767 = arith.constant 0 : i32
      %dma_wait3A_1768 = arith.constant 0 : i32
      %dma_wait3A_1769 = tpu.memref_slice %arg2[%shift_right_logical3A_329, %dma_wait3A_1767, %dma_wait3A_1768] : memref<365x48x1024xf32, #tpu.memory_space<hbm>> -> memref<1x48x1024xf32, #tpu.memory_space<hbm>>
      tpu.wait_dma2 semaphore(%arg8 : memref<!tpu.dma_semaphore, #tpu.memory_space<semaphore_mem>>) src(%dma_wait3A_1769 : memref<1x48x1024xf32, #tpu.memory_space<hbm>>) dst(%arg6 : memref<1x48x1024xf32, #tpu.memory_space<vmem>>)
    } else {
    }
    %eq3A_351 = arith.constant 0 : i32
    %eq3A_352 = arith.cmpi eq, %rem3A_338, %eq3A_351 : i32
    %convert_element_type3A_353 = arith.extui %eq3A_352 : i1 to i32
    %cond3A_354 = arith.constant 0 : i32
    %cond3A_355 = arith.cmpi ne, %convert_element_type3A_353, %cond3A_354 : i32
    scf.if %cond3A_355 {
      %dma_start3A = arith.constant 0 : i32
      %dma_start3A_1764 = arith.constant 0 : i32
      %dma_start3A_1765 = tpu.memref_slice %arg4[%and3A_331, %dma_start3A, %dma_start3A_1764] : memref<1024x48x1024xf32, #tpu.memory_space<hbm>> -> memref<1x48x1024xf32, #tpu.memory_space<hbm>>
      %dma_start3A_1766 = arith.constant 0 : i32
      %dma_start3A_1767 = arith.constant 0 : i32
      %dma_start3A_1768 = tpu.memref_slice %arg4[%and3A_331, %dma_start3A_1766, %dma_start3A_1767] : memref<1024x48x1024xf32, #tpu.memory_space<hbm>> -> memref<1x48x1024xf32, #tpu.memory_space<hbm>>
      tpu.enqueue_dma source(%arg6 : memref<1x48x1024xf32, #tpu.memory_space<vmem>>) target(%dma_start3A_1768 : memref<1x48x1024xf32, #tpu.memory_space<hbm>>) target_semaphore(%arg10 : memref<!tpu.dma_semaphore, #tpu.memory_space<semaphore_mem>>)
    } else {
    }
    %eq3A_356 = arith.constant 1 : i32
    %eq3A_357 = arith.cmpi eq, %rem3A_338, %eq3A_356 : i32
    %and3A_358 = arith.andi %ne3A_332, %eq3A_357 : i1
    %convert_element_type3A_359 = arith.extui %and3A_358 : i1 to i32
    %cond3A_360 = arith.constant 0 : i32
    %cond3A_361 = arith.cmpi ne, %convert_element_type3A_359, %cond3A_360 : i32
    scf.if %cond3A_361 {
      %dma_start3A = arith.constant 0 : i32
      %dma_start3A_1764 = arith.constant 0 : i32
      %dma_start3A_1765 = tpu.memref_slice %arg2[%shift_right_logical3A_329, %dma_start3A, %dma_start3A_1764] : memref<365x48x1024xf32, #tpu.memory_space<hbm>> -> memref<1x48x1024xf32, #tpu.memory_space<hbm>>
      %dma_start3A_1766 = arith.constant 0 : i32
      %dma_start3A_1767 = arith.constant 0 : i32
      %dma_start3A_1768 = tpu.memref_slice %arg2[%shift_right_logical3A_329, %dma_start3A_1766, %dma_start3A_1767] : memref<365x48x1024xf32, #tpu.memory_space<hbm>> -> memref<1x48x1024xf32, #tpu.memory_space<hbm>>
      tpu.enqueue_dma source(%dma_start3A_1768 : memref<1x48x1024xf32, #tpu.memory_space<hbm>>) target(%arg7 : memref<1x48x1024xf32, #tpu.memory_space<vmem>>) target_semaphore(%arg9 : memref<!tpu.dma_semaphore, #tpu.memory_space<semaphore_mem>>)
    } else {
    }
    %eq3A_362 = arith.constant 1 : i32
    %eq3A_363 = arith.cmpi eq, %rem3A_338, %eq3A_362 : i32
    %and3A_364 = arith.andi %ne3A_332, %eq3A_363 : i1
    %convert_element_type3A_365 = arith.extui %and3A_364 : i1 to i32
    %cond3A_366 = arith.constant 0 : i32
    %cond3A_367 = arith.cmpi ne, %convert_element_type3A_365, %cond3A_366 : i32
    scf.if %cond3A_367 {
      %dma_wait3A_1764 = arith.constant 0 : i32
      %dma_wait3A_1765 = arith.constant 0 : i32
      %dma_wait3A_1766 = tpu.memref_slice %arg2[%shift_right_logical3A_329, %dma_wait3A_1764, %dma_wait3A_1765] : memref<365x48x1024xf32, #tpu.memory_space<hbm>> -> memref<1x48x1024xf32, #tpu.memory_space<hbm>>
      %dma_wait3A_1767 = arith.constant 0 : i32
      %dma_wait3A_1768 = arith.constant 0 : i32
      %dma_wait3A_1769 = tpu.memref_slice %arg2[%shift_right_logical3A_329, %dma_wait3A_1767, %dma_wait3A_1768] : memref<365x48x1024xf32, #tpu.memory_space<hbm>> -> memref<1x48x1024xf32, #tpu.memory_space<hbm>>
      tpu.wait_dma2 semaphore(%arg9 : memref<!tpu.dma_semaphore, #tpu.memory_space<semaphore_mem>>) src(%dma_wait3A_1769 : memref<1x48x1024xf32, #tpu.memory_space<hbm>>) dst(%arg7 : memref<1x48x1024xf32, #tpu.memory_space<vmem>>)
    } else {
    }
    %eq3A_368 = arith.constant 1 : i32
    %eq3A_369 = arith.cmpi eq, %rem3A_338, %eq3A_368 : i32
    %convert_element_type3A_370 = arith.extui %eq3A_369 : i1 to i32
    %cond3A_371 = arith.constant 0 : i32
    %cond3A_372 = arith.cmpi ne, %convert_element_type3A_370, %cond3A_371 : i32
    scf.if %cond3A_372 {
      %dma_start3A = arith.constant 0 : i32
      %dma_start3A_1764 = arith.constant 0 : i32
      %dma_start3A_1765 = tpu.memref_slice %arg4[%and3A_331, %dma_start3A, %dma_start3A_1764] : memref<1024x48x1024xf32, #tpu.memory_space<hbm>> -> memref<1x48x1024xf32, #tpu.memory_space<hbm>>
      %dma_start3A_1766 = arith.constant 0 : i32
      %dma_start3A_1767 = arith.constant 0 : i32
      %dma_start3A_1768 = tpu.memref_slice %arg4[%and3A_331, %dma_start3A_1766, %dma_start3A_1767] : memref<1024x48x1024xf32, #tpu.memory_space<hbm>> -> memref<1x48x1024xf32, #tpu.memory_space<hbm>>
      tpu.enqueue_dma source(%arg7 : memref<1x48x1024xf32, #tpu.memory_space<vmem>>) target(%dma_start3A_1768 : memref<1x48x1024xf32, #tpu.memory_space<hbm>>) target_semaphore(%arg10 : memref<!tpu.dma_semaphore, #tpu.memory_space<semaphore_mem>>)
    } else {
    }
    %dma_wait3A_373 = arith.constant 0 : i32
    %dma_wait3A_374 = arith.constant 0 : i32
    %dma_wait3A_375 = arith.constant 0 : i32
    %dma_wait3A_376 = tpu.memref_slice %arg4[%dma_wait3A_373, %dma_wait3A_374, %dma_wait3A_375] : memref<1024x48x1024xf32, #tpu.memory_space<hbm>> -> memref<1x48x1024xf32, #tpu.memory_space<hbm>>
    %dma_wait3A_377 = arith.constant 0 : i32
    %dma_wait3A_378 = arith.constant 0 : i32
    %dma_wait3A_379 = arith.constant 0 : i32
    %dma_wait3A_380 = tpu.memref_slice %arg4[%dma_wait3A_377, %dma_wait3A_378, %dma_wait3A_379] : memref<1024x48x1024xf32, #tpu.memory_space<hbm>> -> memref<1x48x1024xf32, #tpu.memory_space<hbm>>
    tpu.wait_dma2 semaphore(%arg11 : memref<!tpu.dma_semaphore, #tpu.memory_space<semaphore_mem>>) src(%arg6 : memref<1x48x1024xf32, #tpu.memory_space<vmem>>) dst(%dma_wait3A_380 : memref<1x48x1024xf32, #tpu.memory_space<hbm>>)
    %slice3A_381 = vector.extract_strided_slice %get3A_4 {offsets = [7], sizes = [1], strides = [1]} : vector<16xi32> to vector<1xi32>
    %squeeze3A_382 = vector.extract %slice3A_381[0] : i32 from vector<1xi32>
    %shift_right_logical3A_383 = arith.constant 10 : i32
    %shift_right_logical3A_384 = arith.shrui %squeeze3A_382, %shift_right_logical3A_383 : i32
    %and3A_385 = arith.constant 1023 : i32
    %and3A_386 = arith.andi %squeeze3A_382, %and3A_385 : i32
    %ne3A_387 = arith.cmpi ne, %shift_right_logical3A_384, %shift_right_logical3A_329 : i32
    %convert_element_type3A_388 = arith.extui %ne3A_387 : i1 to i32
    %add3A_389 = arith.addi %add3A_334, %convert_element_type3A_388 : i32
    %sub3A_390 = arith.constant 1 : i32
    %sub3A_391 = arith.subi %add3A_389, %sub3A_390 : i32
    %rem3A_392 = arith.constant 2 : i32
    %rem3A_393 = arith.remsi %sub3A_391, %rem3A_392 : i32
    %eq3A_394 = arith.constant 0 : i32
    %eq3A_395 = arith.cmpi eq, %rem3A_393, %eq3A_394 : i32
    %and3A_396 = arith.andi %ne3A_387, %eq3A_395 : i1
    %convert_element_type3A_397 = arith.extui %and3A_396 : i1 to i32
    %cond3A_398 = arith.constant 0 : i32
    %cond3A_399 = arith.cmpi ne, %convert_element_type3A_397, %cond3A_398 : i32
    scf.if %cond3A_399 {
      %dma_start3A = arith.constant 0 : i32
      %dma_start3A_1764 = arith.constant 0 : i32
      %dma_start3A_1765 = tpu.memref_slice %arg2[%shift_right_logical3A_384, %dma_start3A, %dma_start3A_1764] : memref<365x48x1024xf32, #tpu.memory_space<hbm>> -> memref<1x48x1024xf32, #tpu.memory_space<hbm>>
      %dma_start3A_1766 = arith.constant 0 : i32
      %dma_start3A_1767 = arith.constant 0 : i32
      %dma_start3A_1768 = tpu.memref_slice %arg2[%shift_right_logical3A_384, %dma_start3A_1766, %dma_start3A_1767] : memref<365x48x1024xf32, #tpu.memory_space<hbm>> -> memref<1x48x1024xf32, #tpu.memory_space<hbm>>
      tpu.enqueue_dma source(%dma_start3A_1768 : memref<1x48x1024xf32, #tpu.memory_space<hbm>>) target(%arg6 : memref<1x48x1024xf32, #tpu.memory_space<vmem>>) target_semaphore(%arg8 : memref<!tpu.dma_semaphore, #tpu.memory_space<semaphore_mem>>)
    } else {
    }
    %eq3A_400 = arith.constant 0 : i32
    %eq3A_401 = arith.cmpi eq, %rem3A_393, %eq3A_400 : i32
    %and3A_402 = arith.andi %ne3A_387, %eq3A_401 : i1
    %convert_element_type3A_403 = arith.extui %and3A_402 : i1 to i32
    %cond3A_404 = arith.constant 0 : i32
    %cond3A_405 = arith.cmpi ne, %convert_element_type3A_403, %cond3A_404 : i32
    scf.if %cond3A_405 {
      %dma_wait3A_1764 = arith.constant 0 : i32
      %dma_wait3A_1765 = arith.constant 0 : i32
      %dma_wait3A_1766 = tpu.memref_slice %arg2[%shift_right_logical3A_384, %dma_wait3A_1764, %dma_wait3A_1765] : memref<365x48x1024xf32, #tpu.memory_space<hbm>> -> memref<1x48x1024xf32, #tpu.memory_space<hbm>>
      %dma_wait3A_1767 = arith.constant 0 : i32
      %dma_wait3A_1768 = arith.constant 0 : i32
      %dma_wait3A_1769 = tpu.memref_slice %arg2[%shift_right_logical3A_384, %dma_wait3A_1767, %dma_wait3A_1768] : memref<365x48x1024xf32, #tpu.memory_space<hbm>> -> memref<1x48x1024xf32, #tpu.memory_space<hbm>>
      tpu.wait_dma2 semaphore(%arg8 : memref<!tpu.dma_semaphore, #tpu.memory_space<semaphore_mem>>) src(%dma_wait3A_1769 : memref<1x48x1024xf32, #tpu.memory_space<hbm>>) dst(%arg6 : memref<1x48x1024xf32, #tpu.memory_space<vmem>>)
    } else {
    }
    %eq3A_406 = arith.constant 0 : i32
    %eq3A_407 = arith.cmpi eq, %rem3A_393, %eq3A_406 : i32
    %convert_element_type3A_408 = arith.extui %eq3A_407 : i1 to i32
    %cond3A_409 = arith.constant 0 : i32
    %cond3A_410 = arith.cmpi ne, %convert_element_type3A_408, %cond3A_409 : i32
    scf.if %cond3A_410 {
      %dma_start3A = arith.constant 0 : i32
      %dma_start3A_1764 = arith.constant 0 : i32
      %dma_start3A_1765 = tpu.memref_slice %arg4[%and3A_386, %dma_start3A, %dma_start3A_1764] : memref<1024x48x1024xf32, #tpu.memory_space<hbm>> -> memref<1x48x1024xf32, #tpu.memory_space<hbm>>
      %dma_start3A_1766 = arith.constant 0 : i32
      %dma_start3A_1767 = arith.constant 0 : i32
      %dma_start3A_1768 = tpu.memref_slice %arg4[%and3A_386, %dma_start3A_1766, %dma_start3A_1767] : memref<1024x48x1024xf32, #tpu.memory_space<hbm>> -> memref<1x48x1024xf32, #tpu.memory_space<hbm>>
      tpu.enqueue_dma source(%arg6 : memref<1x48x1024xf32, #tpu.memory_space<vmem>>) target(%dma_start3A_1768 : memref<1x48x1024xf32, #tpu.memory_space<hbm>>) target_semaphore(%arg11 : memref<!tpu.dma_semaphore, #tpu.memory_space<semaphore_mem>>)
    } else {
    }
    %eq3A_411 = arith.constant 1 : i32
    %eq3A_412 = arith.cmpi eq, %rem3A_393, %eq3A_411 : i32
    %and3A_413 = arith.andi %ne3A_387, %eq3A_412 : i1
    %convert_element_type3A_414 = arith.extui %and3A_413 : i1 to i32
    %cond3A_415 = arith.constant 0 : i32
    %cond3A_416 = arith.cmpi ne, %convert_element_type3A_414, %cond3A_415 : i32
    scf.if %cond3A_416 {
      %dma_start3A = arith.constant 0 : i32
      %dma_start3A_1764 = arith.constant 0 : i32
      %dma_start3A_1765 = tpu.memref_slice %arg2[%shift_right_logical3A_384, %dma_start3A, %dma_start3A_1764] : memref<365x48x1024xf32, #tpu.memory_space<hbm>> -> memref<1x48x1024xf32, #tpu.memory_space<hbm>>
      %dma_start3A_1766 = arith.constant 0 : i32
      %dma_start3A_1767 = arith.constant 0 : i32
      %dma_start3A_1768 = tpu.memref_slice %arg2[%shift_right_logical3A_384, %dma_start3A_1766, %dma_start3A_1767] : memref<365x48x1024xf32, #tpu.memory_space<hbm>> -> memref<1x48x1024xf32, #tpu.memory_space<hbm>>
      tpu.enqueue_dma source(%dma_start3A_1768 : memref<1x48x1024xf32, #tpu.memory_space<hbm>>) target(%arg7 : memref<1x48x1024xf32, #tpu.memory_space<vmem>>) target_semaphore(%arg9 : memref<!tpu.dma_semaphore, #tpu.memory_space<semaphore_mem>>)
    } else {
    }
    %eq3A_417 = arith.constant 1 : i32
    %eq3A_418 = arith.cmpi eq, %rem3A_393, %eq3A_417 : i32
    %and3A_419 = arith.andi %ne3A_387, %eq3A_418 : i1
    %convert_element_type3A_420 = arith.extui %and3A_419 : i1 to i32
    %cond3A_421 = arith.constant 0 : i32
    %cond3A_422 = arith.cmpi ne, %convert_element_type3A_420, %cond3A_421 : i32
    scf.if %cond3A_422 {
      %dma_wait3A_1764 = arith.constant 0 : i32
      %dma_wait3A_1765 = arith.constant 0 : i32
      %dma_wait3A_1766 = tpu.memref_slice %arg2[%shift_right_logical3A_384, %dma_wait3A_1764, %dma_wait3A_1765] : memref<365x48x1024xf32, #tpu.memory_space<hbm>> -> memref<1x48x1024xf32, #tpu.memory_space<hbm>>
      %dma_wait3A_1767 = arith.constant 0 : i32
      %dma_wait3A_1768 = arith.constant 0 : i32
      %dma_wait3A_1769 = tpu.memref_slice %arg2[%shift_right_logical3A_384, %dma_wait3A_1767, %dma_wait3A_1768] : memref<365x48x1024xf32, #tpu.memory_space<hbm>> -> memref<1x48x1024xf32, #tpu.memory_space<hbm>>
      tpu.wait_dma2 semaphore(%arg9 : memref<!tpu.dma_semaphore, #tpu.memory_space<semaphore_mem>>) src(%dma_wait3A_1769 : memref<1x48x1024xf32, #tpu.memory_space<hbm>>) dst(%arg7 : memref<1x48x1024xf32, #tpu.memory_space<vmem>>)
    } else {
    }
    %eq3A_423 = arith.constant 1 : i32
    %eq3A_424 = arith.cmpi eq, %rem3A_393, %eq3A_423 : i32
    %convert_element_type3A_425 = arith.extui %eq3A_424 : i1 to i32
    %cond3A_426 = arith.constant 0 : i32
    %cond3A_427 = arith.cmpi ne, %convert_element_type3A_425, %cond3A_426 : i32
    scf.if %cond3A_427 {
      %dma_start3A = arith.constant 0 : i32
      %dma_start3A_1764 = arith.constant 0 : i32
      %dma_start3A_1765 = tpu.memref_slice %arg4[%and3A_386, %dma_start3A, %dma_start3A_1764] : memref<1024x48x1024xf32, #tpu.memory_space<hbm>> -> memref<1x48x1024xf32, #tpu.memory_space<hbm>>
      %dma_start3A_1766 = arith.constant 0 : i32
      %dma_start3A_1767 = arith.constant 0 : i32
      %dma_start3A_1768 = tpu.memref_slice %arg4[%and3A_386, %dma_start3A_1766, %dma_start3A_1767] : memref<1024x48x1024xf32, #tpu.memory_space<hbm>> -> memref<1x48x1024xf32, #tpu.memory_space<hbm>>
      tpu.enqueue_dma source(%arg7 : memref<1x48x1024xf32, #tpu.memory_space<vmem>>) target(%dma_start3A_1768 : memref<1x48x1024xf32, #tpu.memory_space<hbm>>) target_semaphore(%arg11 : memref<!tpu.dma_semaphore, #tpu.memory_space<semaphore_mem>>)
    } else {
    }
    %dma_wait3A_428 = arith.constant 0 : i32
    %dma_wait3A_429 = arith.constant 0 : i32
    %dma_wait3A_430 = arith.constant 0 : i32
    %dma_wait3A_431 = tpu.memref_slice %arg4[%dma_wait3A_428, %dma_wait3A_429, %dma_wait3A_430] : memref<1024x48x1024xf32, #tpu.memory_space<hbm>> -> memref<1x48x1024xf32, #tpu.memory_space<hbm>>
    %dma_wait3A_432 = arith.constant 0 : i32
    %dma_wait3A_433 = arith.constant 0 : i32
    %dma_wait3A_434 = arith.constant 0 : i32
    %dma_wait3A_435 = tpu.memref_slice %arg4[%dma_wait3A_432, %dma_wait3A_433, %dma_wait3A_434] : memref<1024x48x1024xf32, #tpu.memory_space<hbm>> -> memref<1x48x1024xf32, #tpu.memory_space<hbm>>
    tpu.wait_dma2 semaphore(%arg10 : memref<!tpu.dma_semaphore, #tpu.memory_space<semaphore_mem>>) src(%arg6 : memref<1x48x1024xf32, #tpu.memory_space<vmem>>) dst(%dma_wait3A_435 : memref<1x48x1024xf32, #tpu.memory_space<hbm>>)
    %slice3A_436 = vector.extract_strided_slice %get3A_4 {offsets = [8], sizes = [1], strides = [1]} : vector<16xi32> to vector<1xi32>
    %squeeze3A_437 = vector.extract %slice3A_436[0] : i32 from vector<1xi32>
    %shift_right_logical3A_438 = arith.constant 10 : i32
    %shift_right_logical3A_439 = arith.shrui %squeeze3A_437, %shift_right_logical3A_438 : i32
    %and3A_440 = arith.constant 1023 : i32
    %and3A_441 = arith.andi %squeeze3A_437, %and3A_440 : i32
    %ne3A_442 = arith.cmpi ne, %shift_right_logical3A_439, %shift_right_logical3A_384 : i32
    %convert_element_type3A_443 = arith.extui %ne3A_442 : i1 to i32
    %add3A_444 = arith.addi %add3A_389, %convert_element_type3A_443 : i32
    %sub3A_445 = arith.constant 1 : i32
    %sub3A_446 = arith.subi %add3A_444, %sub3A_445 : i32
    %rem3A_447 = arith.constant 2 : i32
    %rem3A_448 = arith.remsi %sub3A_446, %rem3A_447 : i32
    %eq3A_449 = arith.constant 0 : i32
    %eq3A_450 = arith.cmpi eq, %rem3A_448, %eq3A_449 : i32
    %and3A_451 = arith.andi %ne3A_442, %eq3A_450 : i1
    %convert_element_type3A_452 = arith.extui %and3A_451 : i1 to i32
    %cond3A_453 = arith.constant 0 : i32
    %cond3A_454 = arith.cmpi ne, %convert_element_type3A_452, %cond3A_453 : i32
    scf.if %cond3A_454 {
      %dma_start3A = arith.constant 0 : i32
      %dma_start3A_1764 = arith.constant 0 : i32
      %dma_start3A_1765 = tpu.memref_slice %arg2[%shift_right_logical3A_439, %dma_start3A, %dma_start3A_1764] : memref<365x48x1024xf32, #tpu.memory_space<hbm>> -> memref<1x48x1024xf32, #tpu.memory_space<hbm>>
      %dma_start3A_1766 = arith.constant 0 : i32
      %dma_start3A_1767 = arith.constant 0 : i32
      %dma_start3A_1768 = tpu.memref_slice %arg2[%shift_right_logical3A_439, %dma_start3A_1766, %dma_start3A_1767] : memref<365x48x1024xf32, #tpu.memory_space<hbm>> -> memref<1x48x1024xf32, #tpu.memory_space<hbm>>
      tpu.enqueue_dma source(%dma_start3A_1768 : memref<1x48x1024xf32, #tpu.memory_space<hbm>>) target(%arg6 : memref<1x48x1024xf32, #tpu.memory_space<vmem>>) target_semaphore(%arg8 : memref<!tpu.dma_semaphore, #tpu.memory_space<semaphore_mem>>)
    } else {
    }
    %eq3A_455 = arith.constant 0 : i32
    %eq3A_456 = arith.cmpi eq, %rem3A_448, %eq3A_455 : i32
    %and3A_457 = arith.andi %ne3A_442, %eq3A_456 : i1
    %convert_element_type3A_458 = arith.extui %and3A_457 : i1 to i32
    %cond3A_459 = arith.constant 0 : i32
    %cond3A_460 = arith.cmpi ne, %convert_element_type3A_458, %cond3A_459 : i32
    scf.if %cond3A_460 {
      %dma_wait3A_1764 = arith.constant 0 : i32
      %dma_wait3A_1765 = arith.constant 0 : i32
      %dma_wait3A_1766 = tpu.memref_slice %arg2[%shift_right_logical3A_439, %dma_wait3A_1764, %dma_wait3A_1765] : memref<365x48x1024xf32, #tpu.memory_space<hbm>> -> memref<1x48x1024xf32, #tpu.memory_space<hbm>>
      %dma_wait3A_1767 = arith.constant 0 : i32
      %dma_wait3A_1768 = arith.constant 0 : i32
      %dma_wait3A_1769 = tpu.memref_slice %arg2[%shift_right_logical3A_439, %dma_wait3A_1767, %dma_wait3A_1768] : memref<365x48x1024xf32, #tpu.memory_space<hbm>> -> memref<1x48x1024xf32, #tpu.memory_space<hbm>>
      tpu.wait_dma2 semaphore(%arg8 : memref<!tpu.dma_semaphore, #tpu.memory_space<semaphore_mem>>) src(%dma_wait3A_1769 : memref<1x48x1024xf32, #tpu.memory_space<hbm>>) dst(%arg6 : memref<1x48x1024xf32, #tpu.memory_space<vmem>>)
    } else {
    }
    %eq3A_461 = arith.constant 0 : i32
    %eq3A_462 = arith.cmpi eq, %rem3A_448, %eq3A_461 : i32
    %convert_element_type3A_463 = arith.extui %eq3A_462 : i1 to i32
    %cond3A_464 = arith.constant 0 : i32
    %cond3A_465 = arith.cmpi ne, %convert_element_type3A_463, %cond3A_464 : i32
    scf.if %cond3A_465 {
      %dma_start3A = arith.constant 0 : i32
      %dma_start3A_1764 = arith.constant 0 : i32
      %dma_start3A_1765 = tpu.memref_slice %arg4[%and3A_441, %dma_start3A, %dma_start3A_1764] : memref<1024x48x1024xf32, #tpu.memory_space<hbm>> -> memref<1x48x1024xf32, #tpu.memory_space<hbm>>
      %dma_start3A_1766 = arith.constant 0 : i32
      %dma_start3A_1767 = arith.constant 0 : i32
      %dma_start3A_1768 = tpu.memref_slice %arg4[%and3A_441, %dma_start3A_1766, %dma_start3A_1767] : memref<1024x48x1024xf32, #tpu.memory_space<hbm>> -> memref<1x48x1024xf32, #tpu.memory_space<hbm>>
      tpu.enqueue_dma source(%arg6 : memref<1x48x1024xf32, #tpu.memory_space<vmem>>) target(%dma_start3A_1768 : memref<1x48x1024xf32, #tpu.memory_space<hbm>>) target_semaphore(%arg10 : memref<!tpu.dma_semaphore, #tpu.memory_space<semaphore_mem>>)
    } else {
    }
    %eq3A_466 = arith.constant 1 : i32
    %eq3A_467 = arith.cmpi eq, %rem3A_448, %eq3A_466 : i32
    %and3A_468 = arith.andi %ne3A_442, %eq3A_467 : i1
    %convert_element_type3A_469 = arith.extui %and3A_468 : i1 to i32
    %cond3A_470 = arith.constant 0 : i32
    %cond3A_471 = arith.cmpi ne, %convert_element_type3A_469, %cond3A_470 : i32
    scf.if %cond3A_471 {
      %dma_start3A = arith.constant 0 : i32
      %dma_start3A_1764 = arith.constant 0 : i32
      %dma_start3A_1765 = tpu.memref_slice %arg2[%shift_right_logical3A_439, %dma_start3A, %dma_start3A_1764] : memref<365x48x1024xf32, #tpu.memory_space<hbm>> -> memref<1x48x1024xf32, #tpu.memory_space<hbm>>
      %dma_start3A_1766 = arith.constant 0 : i32
      %dma_start3A_1767 = arith.constant 0 : i32
      %dma_start3A_1768 = tpu.memref_slice %arg2[%shift_right_logical3A_439, %dma_start3A_1766, %dma_start3A_1767] : memref<365x48x1024xf32, #tpu.memory_space<hbm>> -> memref<1x48x1024xf32, #tpu.memory_space<hbm>>
      tpu.enqueue_dma source(%dma_start3A_1768 : memref<1x48x1024xf32, #tpu.memory_space<hbm>>) target(%arg7 : memref<1x48x1024xf32, #tpu.memory_space<vmem>>) target_semaphore(%arg9 : memref<!tpu.dma_semaphore, #tpu.memory_space<semaphore_mem>>)
    } else {
    }
    %eq3A_472 = arith.constant 1 : i32
    %eq3A_473 = arith.cmpi eq, %rem3A_448, %eq3A_472 : i32
    %and3A_474 = arith.andi %ne3A_442, %eq3A_473 : i1
    %convert_element_type3A_475 = arith.extui %and3A_474 : i1 to i32
    %cond3A_476 = arith.constant 0 : i32
    %cond3A_477 = arith.cmpi ne, %convert_element_type3A_475, %cond3A_476 : i32
    scf.if %cond3A_477 {
      %dma_wait3A_1764 = arith.constant 0 : i32
      %dma_wait3A_1765 = arith.constant 0 : i32
      %dma_wait3A_1766 = tpu.memref_slice %arg2[%shift_right_logical3A_439, %dma_wait3A_1764, %dma_wait3A_1765] : memref<365x48x1024xf32, #tpu.memory_space<hbm>> -> memref<1x48x1024xf32, #tpu.memory_space<hbm>>
      %dma_wait3A_1767 = arith.constant 0 : i32
      %dma_wait3A_1768 = arith.constant 0 : i32
      %dma_wait3A_1769 = tpu.memref_slice %arg2[%shift_right_logical3A_439, %dma_wait3A_1767, %dma_wait3A_1768] : memref<365x48x1024xf32, #tpu.memory_space<hbm>> -> memref<1x48x1024xf32, #tpu.memory_space<hbm>>
      tpu.wait_dma2 semaphore(%arg9 : memref<!tpu.dma_semaphore, #tpu.memory_space<semaphore_mem>>) src(%dma_wait3A_1769 : memref<1x48x1024xf32, #tpu.memory_space<hbm>>) dst(%arg7 : memref<1x48x1024xf32, #tpu.memory_space<vmem>>)
    } else {
    }
    %eq3A_478 = arith.constant 1 : i32
    %eq3A_479 = arith.cmpi eq, %rem3A_448, %eq3A_478 : i32
    %convert_element_type3A_480 = arith.extui %eq3A_479 : i1 to i32
    %cond3A_481 = arith.constant 0 : i32
    %cond3A_482 = arith.cmpi ne, %convert_element_type3A_480, %cond3A_481 : i32
    scf.if %cond3A_482 {
      %dma_start3A = arith.constant 0 : i32
      %dma_start3A_1764 = arith.constant 0 : i32
      %dma_start3A_1765 = tpu.memref_slice %arg4[%and3A_441, %dma_start3A, %dma_start3A_1764] : memref<1024x48x1024xf32, #tpu.memory_space<hbm>> -> memref<1x48x1024xf32, #tpu.memory_space<hbm>>
      %dma_start3A_1766 = arith.constant 0 : i32
      %dma_start3A_1767 = arith.constant 0 : i32
      %dma_start3A_1768 = tpu.memref_slice %arg4[%and3A_441, %dma_start3A_1766, %dma_start3A_1767] : memref<1024x48x1024xf32, #tpu.memory_space<hbm>> -> memref<1x48x1024xf32, #tpu.memory_space<hbm>>
      tpu.enqueue_dma source(%arg7 : memref<1x48x1024xf32, #tpu.memory_space<vmem>>) target(%dma_start3A_1768 : memref<1x48x1024xf32, #tpu.memory_space<hbm>>) target_semaphore(%arg10 : memref<!tpu.dma_semaphore, #tpu.memory_space<semaphore_mem>>)
    } else {
    }
    %dma_wait3A_483 = arith.constant 0 : i32
    %dma_wait3A_484 = arith.constant 0 : i32
    %dma_wait3A_485 = arith.constant 0 : i32
    %dma_wait3A_486 = tpu.memref_slice %arg4[%dma_wait3A_483, %dma_wait3A_484, %dma_wait3A_485] : memref<1024x48x1024xf32, #tpu.memory_space<hbm>> -> memref<1x48x1024xf32, #tpu.memory_space<hbm>>
    %dma_wait3A_487 = arith.constant 0 : i32
    %dma_wait3A_488 = arith.constant 0 : i32
    %dma_wait3A_489 = arith.constant 0 : i32
    %dma_wait3A_490 = tpu.memref_slice %arg4[%dma_wait3A_487, %dma_wait3A_488, %dma_wait3A_489] : memref<1024x48x1024xf32, #tpu.memory_space<hbm>> -> memref<1x48x1024xf32, #tpu.memory_space<hbm>>
    tpu.wait_dma2 semaphore(%arg11 : memref<!tpu.dma_semaphore, #tpu.memory_space<semaphore_mem>>) src(%arg6 : memref<1x48x1024xf32, #tpu.memory_space<vmem>>) dst(%dma_wait3A_490 : memref<1x48x1024xf32, #tpu.memory_space<hbm>>)
    %slice3A_491 = vector.extract_strided_slice %get3A_4 {offsets = [9], sizes = [1], strides = [1]} : vector<16xi32> to vector<1xi32>
    %squeeze3A_492 = vector.extract %slice3A_491[0] : i32 from vector<1xi32>
    %shift_right_logical3A_493 = arith.constant 10 : i32
    %shift_right_logical3A_494 = arith.shrui %squeeze3A_492, %shift_right_logical3A_493 : i32
    %and3A_495 = arith.constant 1023 : i32
    %and3A_496 = arith.andi %squeeze3A_492, %and3A_495 : i32
    %ne3A_497 = arith.cmpi ne, %shift_right_logical3A_494, %shift_right_logical3A_439 : i32
    %convert_element_type3A_498 = arith.extui %ne3A_497 : i1 to i32
    %add3A_499 = arith.addi %add3A_444, %convert_element_type3A_498 : i32
    %sub3A_500 = arith.constant 1 : i32
    %sub3A_501 = arith.subi %add3A_499, %sub3A_500 : i32
    %rem3A_502 = arith.constant 2 : i32
    %rem3A_503 = arith.remsi %sub3A_501, %rem3A_502 : i32
    %eq3A_504 = arith.constant 0 : i32
    %eq3A_505 = arith.cmpi eq, %rem3A_503, %eq3A_504 : i32
    %and3A_506 = arith.andi %ne3A_497, %eq3A_505 : i1
    %convert_element_type3A_507 = arith.extui %and3A_506 : i1 to i32
    %cond3A_508 = arith.constant 0 : i32
    %cond3A_509 = arith.cmpi ne, %convert_element_type3A_507, %cond3A_508 : i32
    scf.if %cond3A_509 {
      %dma_start3A = arith.constant 0 : i32
      %dma_start3A_1764 = arith.constant 0 : i32
      %dma_start3A_1765 = tpu.memref_slice %arg2[%shift_right_logical3A_494, %dma_start3A, %dma_start3A_1764] : memref<365x48x1024xf32, #tpu.memory_space<hbm>> -> memref<1x48x1024xf32, #tpu.memory_space<hbm>>
      %dma_start3A_1766 = arith.constant 0 : i32
      %dma_start3A_1767 = arith.constant 0 : i32
      %dma_start3A_1768 = tpu.memref_slice %arg2[%shift_right_logical3A_494, %dma_start3A_1766, %dma_start3A_1767] : memref<365x48x1024xf32, #tpu.memory_space<hbm>> -> memref<1x48x1024xf32, #tpu.memory_space<hbm>>
      tpu.enqueue_dma source(%dma_start3A_1768 : memref<1x48x1024xf32, #tpu.memory_space<hbm>>) target(%arg6 : memref<1x48x1024xf32, #tpu.memory_space<vmem>>) target_semaphore(%arg8 : memref<!tpu.dma_semaphore, #tpu.memory_space<semaphore_mem>>)
    } else {
    }
    %eq3A_510 = arith.constant 0 : i32
    %eq3A_511 = arith.cmpi eq, %rem3A_503, %eq3A_510 : i32
    %and3A_512 = arith.andi %ne3A_497, %eq3A_511 : i1
    %convert_element_type3A_513 = arith.extui %and3A_512 : i1 to i32
    %cond3A_514 = arith.constant 0 : i32
    %cond3A_515 = arith.cmpi ne, %convert_element_type3A_513, %cond3A_514 : i32
    scf.if %cond3A_515 {
      %dma_wait3A_1764 = arith.constant 0 : i32
      %dma_wait3A_1765 = arith.constant 0 : i32
      %dma_wait3A_1766 = tpu.memref_slice %arg2[%shift_right_logical3A_494, %dma_wait3A_1764, %dma_wait3A_1765] : memref<365x48x1024xf32, #tpu.memory_space<hbm>> -> memref<1x48x1024xf32, #tpu.memory_space<hbm>>
      %dma_wait3A_1767 = arith.constant 0 : i32
      %dma_wait3A_1768 = arith.constant 0 : i32
      %dma_wait3A_1769 = tpu.memref_slice %arg2[%shift_right_logical3A_494, %dma_wait3A_1767, %dma_wait3A_1768] : memref<365x48x1024xf32, #tpu.memory_space<hbm>> -> memref<1x48x1024xf32, #tpu.memory_space<hbm>>
      tpu.wait_dma2 semaphore(%arg8 : memref<!tpu.dma_semaphore, #tpu.memory_space<semaphore_mem>>) src(%dma_wait3A_1769 : memref<1x48x1024xf32, #tpu.memory_space<hbm>>) dst(%arg6 : memref<1x48x1024xf32, #tpu.memory_space<vmem>>)
    } else {
    }
    %eq3A_516 = arith.constant 0 : i32
    %eq3A_517 = arith.cmpi eq, %rem3A_503, %eq3A_516 : i32
    %convert_element_type3A_518 = arith.extui %eq3A_517 : i1 to i32
    %cond3A_519 = arith.constant 0 : i32
    %cond3A_520 = arith.cmpi ne, %convert_element_type3A_518, %cond3A_519 : i32
    scf.if %cond3A_520 {
      %dma_start3A = arith.constant 0 : i32
      %dma_start3A_1764 = arith.constant 0 : i32
      %dma_start3A_1765 = tpu.memref_slice %arg4[%and3A_496, %dma_start3A, %dma_start3A_1764] : memref<1024x48x1024xf32, #tpu.memory_space<hbm>> -> memref<1x48x1024xf32, #tpu.memory_space<hbm>>
      %dma_start3A_1766 = arith.constant 0 : i32
      %dma_start3A_1767 = arith.constant 0 : i32
      %dma_start3A_1768 = tpu.memref_slice %arg4[%and3A_496, %dma_start3A_1766, %dma_start3A_1767] : memref<1024x48x1024xf32, #tpu.memory_space<hbm>> -> memref<1x48x1024xf32, #tpu.memory_space<hbm>>
      tpu.enqueue_dma source(%arg6 : memref<1x48x1024xf32, #tpu.memory_space<vmem>>) target(%dma_start3A_1768 : memref<1x48x1024xf32, #tpu.memory_space<hbm>>) target_semaphore(%arg11 : memref<!tpu.dma_semaphore, #tpu.memory_space<semaphore_mem>>)
    } else {
    }
    %eq3A_521 = arith.constant 1 : i32
    %eq3A_522 = arith.cmpi eq, %rem3A_503, %eq3A_521 : i32
    %and3A_523 = arith.andi %ne3A_497, %eq3A_522 : i1
    %convert_element_type3A_524 = arith.extui %and3A_523 : i1 to i32
    %cond3A_525 = arith.constant 0 : i32
    %cond3A_526 = arith.cmpi ne, %convert_element_type3A_524, %cond3A_525 : i32
    scf.if %cond3A_526 {
      %dma_start3A = arith.constant 0 : i32
      %dma_start3A_1764 = arith.constant 0 : i32
      %dma_start3A_1765 = tpu.memref_slice %arg2[%shift_right_logical3A_494, %dma_start3A, %dma_start3A_1764] : memref<365x48x1024xf32, #tpu.memory_space<hbm>> -> memref<1x48x1024xf32, #tpu.memory_space<hbm>>
      %dma_start3A_1766 = arith.constant 0 : i32
      %dma_start3A_1767 = arith.constant 0 : i32
      %dma_start3A_1768 = tpu.memref_slice %arg2[%shift_right_logical3A_494, %dma_start3A_1766, %dma_start3A_1767] : memref<365x48x1024xf32, #tpu.memory_space<hbm>> -> memref<1x48x1024xf32, #tpu.memory_space<hbm>>
      tpu.enqueue_dma source(%dma_start3A_1768 : memref<1x48x1024xf32, #tpu.memory_space<hbm>>) target(%arg7 : memref<1x48x1024xf32, #tpu.memory_space<vmem>>) target_semaphore(%arg9 : memref<!tpu.dma_semaphore, #tpu.memory_space<semaphore_mem>>)
    } else {
    }
    %eq3A_527 = arith.constant 1 : i32
    %eq3A_528 = arith.cmpi eq, %rem3A_503, %eq3A_527 : i32
    %and3A_529 = arith.andi %ne3A_497, %eq3A_528 : i1
    %convert_element_type3A_530 = arith.extui %and3A_529 : i1 to i32
    %cond3A_531 = arith.constant 0 : i32
    %cond3A_532 = arith.cmpi ne, %convert_element_type3A_530, %cond3A_531 : i32
    scf.if %cond3A_532 {
      %dma_wait3A_1764 = arith.constant 0 : i32
      %dma_wait3A_1765 = arith.constant 0 : i32
      %dma_wait3A_1766 = tpu.memref_slice %arg2[%shift_right_logical3A_494, %dma_wait3A_1764, %dma_wait3A_1765] : memref<365x48x1024xf32, #tpu.memory_space<hbm>> -> memref<1x48x1024xf32, #tpu.memory_space<hbm>>
      %dma_wait3A_1767 = arith.constant 0 : i32
      %dma_wait3A_1768 = arith.constant 0 : i32
      %dma_wait3A_1769 = tpu.memref_slice %arg2[%shift_right_logical3A_494, %dma_wait3A_1767, %dma_wait3A_1768] : memref<365x48x1024xf32, #tpu.memory_space<hbm>> -> memref<1x48x1024xf32, #tpu.memory_space<hbm>>
      tpu.wait_dma2 semaphore(%arg9 : memref<!tpu.dma_semaphore, #tpu.memory_space<semaphore_mem>>) src(%dma_wait3A_1769 : memref<1x48x1024xf32, #tpu.memory_space<hbm>>) dst(%arg7 : memref<1x48x1024xf32, #tpu.memory_space<vmem>>)
    } else {
    }
    %eq3A_533 = arith.constant 1 : i32
    %eq3A_534 = arith.cmpi eq, %rem3A_503, %eq3A_533 : i32
    %convert_element_type3A_535 = arith.extui %eq3A_534 : i1 to i32
    %cond3A_536 = arith.constant 0 : i32
    %cond3A_537 = arith.cmpi ne, %convert_element_type3A_535, %cond3A_536 : i32
    scf.if %cond3A_537 {
      %dma_start3A = arith.constant 0 : i32
      %dma_start3A_1764 = arith.constant 0 : i32
      %dma_start3A_1765 = tpu.memref_slice %arg4[%and3A_496, %dma_start3A, %dma_start3A_1764] : memref<1024x48x1024xf32, #tpu.memory_space<hbm>> -> memref<1x48x1024xf32, #tpu.memory_space<hbm>>
      %dma_start3A_1766 = arith.constant 0 : i32
      %dma_start3A_1767 = arith.constant 0 : i32
      %dma_start3A_1768 = tpu.memref_slice %arg4[%and3A_496, %dma_start3A_1766, %dma_start3A_1767] : memref<1024x48x1024xf32, #tpu.memory_space<hbm>> -> memref<1x48x1024xf32, #tpu.memory_space<hbm>>
      tpu.enqueue_dma source(%arg7 : memref<1x48x1024xf32, #tpu.memory_space<vmem>>) target(%dma_start3A_1768 : memref<1x48x1024xf32, #tpu.memory_space<hbm>>) target_semaphore(%arg11 : memref<!tpu.dma_semaphore, #tpu.memory_space<semaphore_mem>>)
    } else {
    }
    %dma_wait3A_538 = arith.constant 0 : i32
    %dma_wait3A_539 = arith.constant 0 : i32
    %dma_wait3A_540 = arith.constant 0 : i32
    %dma_wait3A_541 = tpu.memref_slice %arg4[%dma_wait3A_538, %dma_wait3A_539, %dma_wait3A_540] : memref<1024x48x1024xf32, #tpu.memory_space<hbm>> -> memref<1x48x1024xf32, #tpu.memory_space<hbm>>
    %dma_wait3A_542 = arith.constant 0 : i32
    %dma_wait3A_543 = arith.constant 0 : i32
    %dma_wait3A_544 = arith.constant 0 : i32
    %dma_wait3A_545 = tpu.memref_slice %arg4[%dma_wait3A_542, %dma_wait3A_543, %dma_wait3A_544] : memref<1024x48x1024xf32, #tpu.memory_space<hbm>> -> memref<1x48x1024xf32, #tpu.memory_space<hbm>>
    tpu.wait_dma2 semaphore(%arg10 : memref<!tpu.dma_semaphore, #tpu.memory_space<semaphore_mem>>) src(%arg6 : memref<1x48x1024xf32, #tpu.memory_space<vmem>>) dst(%dma_wait3A_545 : memref<1x48x1024xf32, #tpu.memory_space<hbm>>)
    %slice3A_546 = vector.extract_strided_slice %get3A_4 {offsets = [10], sizes = [1], strides = [1]} : vector<16xi32> to vector<1xi32>
    %squeeze3A_547 = vector.extract %slice3A_546[0] : i32 from vector<1xi32>
    %shift_right_logical3A_548 = arith.constant 10 : i32
    %shift_right_logical3A_549 = arith.shrui %squeeze3A_547, %shift_right_logical3A_548 : i32
    %and3A_550 = arith.constant 1023 : i32
    %and3A_551 = arith.andi %squeeze3A_547, %and3A_550 : i32
    %ne3A_552 = arith.cmpi ne, %shift_right_logical3A_549, %shift_right_logical3A_494 : i32
    %convert_element_type3A_553 = arith.extui %ne3A_552 : i1 to i32
    %add3A_554 = arith.addi %add3A_499, %convert_element_type3A_553 : i32
    %sub3A_555 = arith.constant 1 : i32
    %sub3A_556 = arith.subi %add3A_554, %sub3A_555 : i32
    %rem3A_557 = arith.constant 2 : i32
    %rem3A_558 = arith.remsi %sub3A_556, %rem3A_557 : i32
    %eq3A_559 = arith.constant 0 : i32
    %eq3A_560 = arith.cmpi eq, %rem3A_558, %eq3A_559 : i32
    %and3A_561 = arith.andi %ne3A_552, %eq3A_560 : i1
    %convert_element_type3A_562 = arith.extui %and3A_561 : i1 to i32
    %cond3A_563 = arith.constant 0 : i32
    %cond3A_564 = arith.cmpi ne, %convert_element_type3A_562, %cond3A_563 : i32
    scf.if %cond3A_564 {
      %dma_start3A = arith.constant 0 : i32
      %dma_start3A_1764 = arith.constant 0 : i32
      %dma_start3A_1765 = tpu.memref_slice %arg2[%shift_right_logical3A_549, %dma_start3A, %dma_start3A_1764] : memref<365x48x1024xf32, #tpu.memory_space<hbm>> -> memref<1x48x1024xf32, #tpu.memory_space<hbm>>
      %dma_start3A_1766 = arith.constant 0 : i32
      %dma_start3A_1767 = arith.constant 0 : i32
      %dma_start3A_1768 = tpu.memref_slice %arg2[%shift_right_logical3A_549, %dma_start3A_1766, %dma_start3A_1767] : memref<365x48x1024xf32, #tpu.memory_space<hbm>> -> memref<1x48x1024xf32, #tpu.memory_space<hbm>>
      tpu.enqueue_dma source(%dma_start3A_1768 : memref<1x48x1024xf32, #tpu.memory_space<hbm>>) target(%arg6 : memref<1x48x1024xf32, #tpu.memory_space<vmem>>) target_semaphore(%arg8 : memref<!tpu.dma_semaphore, #tpu.memory_space<semaphore_mem>>)
    } else {
    }
    %eq3A_565 = arith.constant 0 : i32
    %eq3A_566 = arith.cmpi eq, %rem3A_558, %eq3A_565 : i32
    %and3A_567 = arith.andi %ne3A_552, %eq3A_566 : i1
    %convert_element_type3A_568 = arith.extui %and3A_567 : i1 to i32
    %cond3A_569 = arith.constant 0 : i32
    %cond3A_570 = arith.cmpi ne, %convert_element_type3A_568, %cond3A_569 : i32
    scf.if %cond3A_570 {
      %dma_wait3A_1764 = arith.constant 0 : i32
      %dma_wait3A_1765 = arith.constant 0 : i32
      %dma_wait3A_1766 = tpu.memref_slice %arg2[%shift_right_logical3A_549, %dma_wait3A_1764, %dma_wait3A_1765] : memref<365x48x1024xf32, #tpu.memory_space<hbm>> -> memref<1x48x1024xf32, #tpu.memory_space<hbm>>
      %dma_wait3A_1767 = arith.constant 0 : i32
      %dma_wait3A_1768 = arith.constant 0 : i32
      %dma_wait3A_1769 = tpu.memref_slice %arg2[%shift_right_logical3A_549, %dma_wait3A_1767, %dma_wait3A_1768] : memref<365x48x1024xf32, #tpu.memory_space<hbm>> -> memref<1x48x1024xf32, #tpu.memory_space<hbm>>
      tpu.wait_dma2 semaphore(%arg8 : memref<!tpu.dma_semaphore, #tpu.memory_space<semaphore_mem>>) src(%dma_wait3A_1769 : memref<1x48x1024xf32, #tpu.memory_space<hbm>>) dst(%arg6 : memref<1x48x1024xf32, #tpu.memory_space<vmem>>)
    } else {
    }
    %eq3A_571 = arith.constant 0 : i32
    %eq3A_572 = arith.cmpi eq, %rem3A_558, %eq3A_571 : i32
    %convert_element_type3A_573 = arith.extui %eq3A_572 : i1 to i32
    %cond3A_574 = arith.constant 0 : i32
    %cond3A_575 = arith.cmpi ne, %convert_element_type3A_573, %cond3A_574 : i32
    scf.if %cond3A_575 {
      %dma_start3A = arith.constant 0 : i32
      %dma_start3A_1764 = arith.constant 0 : i32
      %dma_start3A_1765 = tpu.memref_slice %arg4[%and3A_551, %dma_start3A, %dma_start3A_1764] : memref<1024x48x1024xf32, #tpu.memory_space<hbm>> -> memref<1x48x1024xf32, #tpu.memory_space<hbm>>
      %dma_start3A_1766 = arith.constant 0 : i32
      %dma_start3A_1767 = arith.constant 0 : i32
      %dma_start3A_1768 = tpu.memref_slice %arg4[%and3A_551, %dma_start3A_1766, %dma_start3A_1767] : memref<1024x48x1024xf32, #tpu.memory_space<hbm>> -> memref<1x48x1024xf32, #tpu.memory_space<hbm>>
      tpu.enqueue_dma source(%arg6 : memref<1x48x1024xf32, #tpu.memory_space<vmem>>) target(%dma_start3A_1768 : memref<1x48x1024xf32, #tpu.memory_space<hbm>>) target_semaphore(%arg10 : memref<!tpu.dma_semaphore, #tpu.memory_space<semaphore_mem>>)
    } else {
    }
    %eq3A_576 = arith.constant 1 : i32
    %eq3A_577 = arith.cmpi eq, %rem3A_558, %eq3A_576 : i32
    %and3A_578 = arith.andi %ne3A_552, %eq3A_577 : i1
    %convert_element_type3A_579 = arith.extui %and3A_578 : i1 to i32
    %cond3A_580 = arith.constant 0 : i32
    %cond3A_581 = arith.cmpi ne, %convert_element_type3A_579, %cond3A_580 : i32
    scf.if %cond3A_581 {
      %dma_start3A = arith.constant 0 : i32
      %dma_start3A_1764 = arith.constant 0 : i32
      %dma_start3A_1765 = tpu.memref_slice %arg2[%shift_right_logical3A_549, %dma_start3A, %dma_start3A_1764] : memref<365x48x1024xf32, #tpu.memory_space<hbm>> -> memref<1x48x1024xf32, #tpu.memory_space<hbm>>
      %dma_start3A_1766 = arith.constant 0 : i32
      %dma_start3A_1767 = arith.constant 0 : i32
      %dma_start3A_1768 = tpu.memref_slice %arg2[%shift_right_logical3A_549, %dma_start3A_1766, %dma_start3A_1767] : memref<365x48x1024xf32, #tpu.memory_space<hbm>> -> memref<1x48x1024xf32, #tpu.memory_space<hbm>>
      tpu.enqueue_dma source(%dma_start3A_1768 : memref<1x48x1024xf32, #tpu.memory_space<hbm>>) target(%arg7 : memref<1x48x1024xf32, #tpu.memory_space<vmem>>) target_semaphore(%arg9 : memref<!tpu.dma_semaphore, #tpu.memory_space<semaphore_mem>>)
    } else {
    }
    %eq3A_582 = arith.constant 1 : i32
    %eq3A_583 = arith.cmpi eq, %rem3A_558, %eq3A_582 : i32
    %and3A_584 = arith.andi %ne3A_552, %eq3A_583 : i1
    %convert_element_type3A_585 = arith.extui %and3A_584 : i1 to i32
    %cond3A_586 = arith.constant 0 : i32
    %cond3A_587 = arith.cmpi ne, %convert_element_type3A_585, %cond3A_586 : i32
    scf.if %cond3A_587 {
      %dma_wait3A_1764 = arith.constant 0 : i32
      %dma_wait3A_1765 = arith.constant 0 : i32
      %dma_wait3A_1766 = tpu.memref_slice %arg2[%shift_right_logical3A_549, %dma_wait3A_1764, %dma_wait3A_1765] : memref<365x48x1024xf32, #tpu.memory_space<hbm>> -> memref<1x48x1024xf32, #tpu.memory_space<hbm>>
      %dma_wait3A_1767 = arith.constant 0 : i32
      %dma_wait3A_1768 = arith.constant 0 : i32
      %dma_wait3A_1769 = tpu.memref_slice %arg2[%shift_right_logical3A_549, %dma_wait3A_1767, %dma_wait3A_1768] : memref<365x48x1024xf32, #tpu.memory_space<hbm>> -> memref<1x48x1024xf32, #tpu.memory_space<hbm>>
      tpu.wait_dma2 semaphore(%arg9 : memref<!tpu.dma_semaphore, #tpu.memory_space<semaphore_mem>>) src(%dma_wait3A_1769 : memref<1x48x1024xf32, #tpu.memory_space<hbm>>) dst(%arg7 : memref<1x48x1024xf32, #tpu.memory_space<vmem>>)
    } else {
    }
    %eq3A_588 = arith.constant 1 : i32
    %eq3A_589 = arith.cmpi eq, %rem3A_558, %eq3A_588 : i32
    %convert_element_type3A_590 = arith.extui %eq3A_589 : i1 to i32
    %cond3A_591 = arith.constant 0 : i32
    %cond3A_592 = arith.cmpi ne, %convert_element_type3A_590, %cond3A_591 : i32
    scf.if %cond3A_592 {
      %dma_start3A = arith.constant 0 : i32
      %dma_start3A_1764 = arith.constant 0 : i32
      %dma_start3A_1765 = tpu.memref_slice %arg4[%and3A_551, %dma_start3A, %dma_start3A_1764] : memref<1024x48x1024xf32, #tpu.memory_space<hbm>> -> memref<1x48x1024xf32, #tpu.memory_space<hbm>>
      %dma_start3A_1766 = arith.constant 0 : i32
      %dma_start3A_1767 = arith.constant 0 : i32
      %dma_start3A_1768 = tpu.memref_slice %arg4[%and3A_551, %dma_start3A_1766, %dma_start3A_1767] : memref<1024x48x1024xf32, #tpu.memory_space<hbm>> -> memref<1x48x1024xf32, #tpu.memory_space<hbm>>
      tpu.enqueue_dma source(%arg7 : memref<1x48x1024xf32, #tpu.memory_space<vmem>>) target(%dma_start3A_1768 : memref<1x48x1024xf32, #tpu.memory_space<hbm>>) target_semaphore(%arg10 : memref<!tpu.dma_semaphore, #tpu.memory_space<semaphore_mem>>)
    } else {
    }
    %dma_wait3A_593 = arith.constant 0 : i32
    %dma_wait3A_594 = arith.constant 0 : i32
    %dma_wait3A_595 = arith.constant 0 : i32
    %dma_wait3A_596 = tpu.memref_slice %arg4[%dma_wait3A_593, %dma_wait3A_594, %dma_wait3A_595] : memref<1024x48x1024xf32, #tpu.memory_space<hbm>> -> memref<1x48x1024xf32, #tpu.memory_space<hbm>>
    %dma_wait3A_597 = arith.constant 0 : i32
    %dma_wait3A_598 = arith.constant 0 : i32
    %dma_wait3A_599 = arith.constant 0 : i32
    %dma_wait3A_600 = tpu.memref_slice %arg4[%dma_wait3A_597, %dma_wait3A_598, %dma_wait3A_599] : memref<1024x48x1024xf32, #tpu.memory_space<hbm>> -> memref<1x48x1024xf32, #tpu.memory_space<hbm>>
    tpu.wait_dma2 semaphore(%arg11 : memref<!tpu.dma_semaphore, #tpu.memory_space<semaphore_mem>>) src(%arg6 : memref<1x48x1024xf32, #tpu.memory_space<vmem>>) dst(%dma_wait3A_600 : memref<1x48x1024xf32, #tpu.memory_space<hbm>>)
    %slice3A_601 = vector.extract_strided_slice %get3A_4 {offsets = [11], sizes = [1], strides = [1]} : vector<16xi32> to vector<1xi32>
    %squeeze3A_602 = vector.extract %slice3A_601[0] : i32 from vector<1xi32>
    %shift_right_logical3A_603 = arith.constant 10 : i32
    %shift_right_logical3A_604 = arith.shrui %squeeze3A_602, %shift_right_logical3A_603 : i32
    %and3A_605 = arith.constant 1023 : i32
    %and3A_606 = arith.andi %squeeze3A_602, %and3A_605 : i32
    %ne3A_607 = arith.cmpi ne, %shift_right_logical3A_604, %shift_right_logical3A_549 : i32
    %convert_element_type3A_608 = arith.extui %ne3A_607 : i1 to i32
    %add3A_609 = arith.addi %add3A_554, %convert_element_type3A_608 : i32
    %sub3A_610 = arith.constant 1 : i32
    %sub3A_611 = arith.subi %add3A_609, %sub3A_610 : i32
    %rem3A_612 = arith.constant 2 : i32
    %rem3A_613 = arith.remsi %sub3A_611, %rem3A_612 : i32
    %eq3A_614 = arith.constant 0 : i32
    %eq3A_615 = arith.cmpi eq, %rem3A_613, %eq3A_614 : i32
    %and3A_616 = arith.andi %ne3A_607, %eq3A_615 : i1
    %convert_element_type3A_617 = arith.extui %and3A_616 : i1 to i32
    %cond3A_618 = arith.constant 0 : i32
    %cond3A_619 = arith.cmpi ne, %convert_element_type3A_617, %cond3A_618 : i32
    scf.if %cond3A_619 {
      %dma_start3A = arith.constant 0 : i32
      %dma_start3A_1764 = arith.constant 0 : i32
      %dma_start3A_1765 = tpu.memref_slice %arg2[%shift_right_logical3A_604, %dma_start3A, %dma_start3A_1764] : memref<365x48x1024xf32, #tpu.memory_space<hbm>> -> memref<1x48x1024xf32, #tpu.memory_space<hbm>>
      %dma_start3A_1766 = arith.constant 0 : i32
      %dma_start3A_1767 = arith.constant 0 : i32
      %dma_start3A_1768 = tpu.memref_slice %arg2[%shift_right_logical3A_604, %dma_start3A_1766, %dma_start3A_1767] : memref<365x48x1024xf32, #tpu.memory_space<hbm>> -> memref<1x48x1024xf32, #tpu.memory_space<hbm>>
      tpu.enqueue_dma source(%dma_start3A_1768 : memref<1x48x1024xf32, #tpu.memory_space<hbm>>) target(%arg6 : memref<1x48x1024xf32, #tpu.memory_space<vmem>>) target_semaphore(%arg8 : memref<!tpu.dma_semaphore, #tpu.memory_space<semaphore_mem>>)
    } else {
    }
    %eq3A_620 = arith.constant 0 : i32
    %eq3A_621 = arith.cmpi eq, %rem3A_613, %eq3A_620 : i32
    %and3A_622 = arith.andi %ne3A_607, %eq3A_621 : i1
    %convert_element_type3A_623 = arith.extui %and3A_622 : i1 to i32
    %cond3A_624 = arith.constant 0 : i32
    %cond3A_625 = arith.cmpi ne, %convert_element_type3A_623, %cond3A_624 : i32
    scf.if %cond3A_625 {
      %dma_wait3A_1764 = arith.constant 0 : i32
      %dma_wait3A_1765 = arith.constant 0 : i32
      %dma_wait3A_1766 = tpu.memref_slice %arg2[%shift_right_logical3A_604, %dma_wait3A_1764, %dma_wait3A_1765] : memref<365x48x1024xf32, #tpu.memory_space<hbm>> -> memref<1x48x1024xf32, #tpu.memory_space<hbm>>
      %dma_wait3A_1767 = arith.constant 0 : i32
      %dma_wait3A_1768 = arith.constant 0 : i32
      %dma_wait3A_1769 = tpu.memref_slice %arg2[%shift_right_logical3A_604, %dma_wait3A_1767, %dma_wait3A_1768] : memref<365x48x1024xf32, #tpu.memory_space<hbm>> -> memref<1x48x1024xf32, #tpu.memory_space<hbm>>
      tpu.wait_dma2 semaphore(%arg8 : memref<!tpu.dma_semaphore, #tpu.memory_space<semaphore_mem>>) src(%dma_wait3A_1769 : memref<1x48x1024xf32, #tpu.memory_space<hbm>>) dst(%arg6 : memref<1x48x1024xf32, #tpu.memory_space<vmem>>)
    } else {
    }
    %eq3A_626 = arith.constant 0 : i32
    %eq3A_627 = arith.cmpi eq, %rem3A_613, %eq3A_626 : i32
    %convert_element_type3A_628 = arith.extui %eq3A_627 : i1 to i32
    %cond3A_629 = arith.constant 0 : i32
    %cond3A_630 = arith.cmpi ne, %convert_element_type3A_628, %cond3A_629 : i32
    scf.if %cond3A_630 {
      %dma_start3A = arith.constant 0 : i32
      %dma_start3A_1764 = arith.constant 0 : i32
      %dma_start3A_1765 = tpu.memref_slice %arg4[%and3A_606, %dma_start3A, %dma_start3A_1764] : memref<1024x48x1024xf32, #tpu.memory_space<hbm>> -> memref<1x48x1024xf32, #tpu.memory_space<hbm>>
      %dma_start3A_1766 = arith.constant 0 : i32
      %dma_start3A_1767 = arith.constant 0 : i32
      %dma_start3A_1768 = tpu.memref_slice %arg4[%and3A_606, %dma_start3A_1766, %dma_start3A_1767] : memref<1024x48x1024xf32, #tpu.memory_space<hbm>> -> memref<1x48x1024xf32, #tpu.memory_space<hbm>>
      tpu.enqueue_dma source(%arg6 : memref<1x48x1024xf32, #tpu.memory_space<vmem>>) target(%dma_start3A_1768 : memref<1x48x1024xf32, #tpu.memory_space<hbm>>) target_semaphore(%arg11 : memref<!tpu.dma_semaphore, #tpu.memory_space<semaphore_mem>>)
    } else {
    }
    %eq3A_631 = arith.constant 1 : i32
    %eq3A_632 = arith.cmpi eq, %rem3A_613, %eq3A_631 : i32
    %and3A_633 = arith.andi %ne3A_607, %eq3A_632 : i1
    %convert_element_type3A_634 = arith.extui %and3A_633 : i1 to i32
    %cond3A_635 = arith.constant 0 : i32
    %cond3A_636 = arith.cmpi ne, %convert_element_type3A_634, %cond3A_635 : i32
    scf.if %cond3A_636 {
      %dma_start3A = arith.constant 0 : i32
      %dma_start3A_1764 = arith.constant 0 : i32
      %dma_start3A_1765 = tpu.memref_slice %arg2[%shift_right_logical3A_604, %dma_start3A, %dma_start3A_1764] : memref<365x48x1024xf32, #tpu.memory_space<hbm>> -> memref<1x48x1024xf32, #tpu.memory_space<hbm>>
      %dma_start3A_1766 = arith.constant 0 : i32
      %dma_start3A_1767 = arith.constant 0 : i32
      %dma_start3A_1768 = tpu.memref_slice %arg2[%shift_right_logical3A_604, %dma_start3A_1766, %dma_start3A_1767] : memref<365x48x1024xf32, #tpu.memory_space<hbm>> -> memref<1x48x1024xf32, #tpu.memory_space<hbm>>
      tpu.enqueue_dma source(%dma_start3A_1768 : memref<1x48x1024xf32, #tpu.memory_space<hbm>>) target(%arg7 : memref<1x48x1024xf32, #tpu.memory_space<vmem>>) target_semaphore(%arg9 : memref<!tpu.dma_semaphore, #tpu.memory_space<semaphore_mem>>)
    } else {
    }
    %eq3A_637 = arith.constant 1 : i32
    %eq3A_638 = arith.cmpi eq, %rem3A_613, %eq3A_637 : i32
    %and3A_639 = arith.andi %ne3A_607, %eq3A_638 : i1
    %convert_element_type3A_640 = arith.extui %and3A_639 : i1 to i32
    %cond3A_641 = arith.constant 0 : i32
    %cond3A_642 = arith.cmpi ne, %convert_element_type3A_640, %cond3A_641 : i32
    scf.if %cond3A_642 {
      %dma_wait3A_1764 = arith.constant 0 : i32
      %dma_wait3A_1765 = arith.constant 0 : i32
      %dma_wait3A_1766 = tpu.memref_slice %arg2[%shift_right_logical3A_604, %dma_wait3A_1764, %dma_wait3A_1765] : memref<365x48x1024xf32, #tpu.memory_space<hbm>> -> memref<1x48x1024xf32, #tpu.memory_space<hbm>>
      %dma_wait3A_1767 = arith.constant 0 : i32
      %dma_wait3A_1768 = arith.constant 0 : i32
      %dma_wait3A_1769 = tpu.memref_slice %arg2[%shift_right_logical3A_604, %dma_wait3A_1767, %dma_wait3A_1768] : memref<365x48x1024xf32, #tpu.memory_space<hbm>> -> memref<1x48x1024xf32, #tpu.memory_space<hbm>>
      tpu.wait_dma2 semaphore(%arg9 : memref<!tpu.dma_semaphore, #tpu.memory_space<semaphore_mem>>) src(%dma_wait3A_1769 : memref<1x48x1024xf32, #tpu.memory_space<hbm>>) dst(%arg7 : memref<1x48x1024xf32, #tpu.memory_space<vmem>>)
    } else {
    }
    %eq3A_643 = arith.constant 1 : i32
    %eq3A_644 = arith.cmpi eq, %rem3A_613, %eq3A_643 : i32
    %convert_element_type3A_645 = arith.extui %eq3A_644 : i1 to i32
    %cond3A_646 = arith.constant 0 : i32
    %cond3A_647 = arith.cmpi ne, %convert_element_type3A_645, %cond3A_646 : i32
    scf.if %cond3A_647 {
      %dma_start3A = arith.constant 0 : i32
      %dma_start3A_1764 = arith.constant 0 : i32
      %dma_start3A_1765 = tpu.memref_slice %arg4[%and3A_606, %dma_start3A, %dma_start3A_1764] : memref<1024x48x1024xf32, #tpu.memory_space<hbm>> -> memref<1x48x1024xf32, #tpu.memory_space<hbm>>
      %dma_start3A_1766 = arith.constant 0 : i32
      %dma_start3A_1767 = arith.constant 0 : i32
      %dma_start3A_1768 = tpu.memref_slice %arg4[%and3A_606, %dma_start3A_1766, %dma_start3A_1767] : memref<1024x48x1024xf32, #tpu.memory_space<hbm>> -> memref<1x48x1024xf32, #tpu.memory_space<hbm>>
      tpu.enqueue_dma source(%arg7 : memref<1x48x1024xf32, #tpu.memory_space<vmem>>) target(%dma_start3A_1768 : memref<1x48x1024xf32, #tpu.memory_space<hbm>>) target_semaphore(%arg11 : memref<!tpu.dma_semaphore, #tpu.memory_space<semaphore_mem>>)
    } else {
    }
    %dma_wait3A_648 = arith.constant 0 : i32
    %dma_wait3A_649 = arith.constant 0 : i32
    %dma_wait3A_650 = arith.constant 0 : i32
    %dma_wait3A_651 = tpu.memref_slice %arg4[%dma_wait3A_648, %dma_wait3A_649, %dma_wait3A_650] : memref<1024x48x1024xf32, #tpu.memory_space<hbm>> -> memref<1x48x1024xf32, #tpu.memory_space<hbm>>
    %dma_wait3A_652 = arith.constant 0 : i32
    %dma_wait3A_653 = arith.constant 0 : i32
    %dma_wait3A_654 = arith.constant 0 : i32
    %dma_wait3A_655 = tpu.memref_slice %arg4[%dma_wait3A_652, %dma_wait3A_653, %dma_wait3A_654] : memref<1024x48x1024xf32, #tpu.memory_space<hbm>> -> memref<1x48x1024xf32, #tpu.memory_space<hbm>>
    tpu.wait_dma2 semaphore(%arg10 : memref<!tpu.dma_semaphore, #tpu.memory_space<semaphore_mem>>) src(%arg6 : memref<1x48x1024xf32, #tpu.memory_space<vmem>>) dst(%dma_wait3A_655 : memref<1x48x1024xf32, #tpu.memory_space<hbm>>)
    %slice3A_656 = vector.extract_strided_slice %get3A_4 {offsets = [12], sizes = [1], strides = [1]} : vector<16xi32> to vector<1xi32>
    %squeeze3A_657 = vector.extract %slice3A_656[0] : i32 from vector<1xi32>
    %shift_right_logical3A_658 = arith.constant 10 : i32
    %shift_right_logical3A_659 = arith.shrui %squeeze3A_657, %shift_right_logical3A_658 : i32
    %and3A_660 = arith.constant 1023 : i32
    %and3A_661 = arith.andi %squeeze3A_657, %and3A_660 : i32
    %ne3A_662 = arith.cmpi ne, %shift_right_logical3A_659, %shift_right_logical3A_604 : i32
    %convert_element_type3A_663 = arith.extui %ne3A_662 : i1 to i32
    %add3A_664 = arith.addi %add3A_609, %convert_element_type3A_663 : i32
    %sub3A_665 = arith.constant 1 : i32
    %sub3A_666 = arith.subi %add3A_664, %sub3A_665 : i32
    %rem3A_667 = arith.constant 2 : i32
    %rem3A_668 = arith.remsi %sub3A_666, %rem3A_667 : i32
    %eq3A_669 = arith.constant 0 : i32
    %eq3A_670 = arith.cmpi eq, %rem3A_668, %eq3A_669 : i32
    %and3A_671 = arith.andi %ne3A_662, %eq3A_670 : i1
    %convert_element_type3A_672 = arith.extui %and3A_671 : i1 to i32
    %cond3A_673 = arith.constant 0 : i32
    %cond3A_674 = arith.cmpi ne, %convert_element_type3A_672, %cond3A_673 : i32
    scf.if %cond3A_674 {
      %dma_start3A = arith.constant 0 : i32
      %dma_start3A_1764 = arith.constant 0 : i32
      %dma_start3A_1765 = tpu.memref_slice %arg2[%shift_right_logical3A_659, %dma_start3A, %dma_start3A_1764] : memref<365x48x1024xf32, #tpu.memory_space<hbm>> -> memref<1x48x1024xf32, #tpu.memory_space<hbm>>
      %dma_start3A_1766 = arith.constant 0 : i32
      %dma_start3A_1767 = arith.constant 0 : i32
      %dma_start3A_1768 = tpu.memref_slice %arg2[%shift_right_logical3A_659, %dma_start3A_1766, %dma_start3A_1767] : memref<365x48x1024xf32, #tpu.memory_space<hbm>> -> memref<1x48x1024xf32, #tpu.memory_space<hbm>>
      tpu.enqueue_dma source(%dma_start3A_1768 : memref<1x48x1024xf32, #tpu.memory_space<hbm>>) target(%arg6 : memref<1x48x1024xf32, #tpu.memory_space<vmem>>) target_semaphore(%arg8 : memref<!tpu.dma_semaphore, #tpu.memory_space<semaphore_mem>>)
    } else {
    }
    %eq3A_675 = arith.constant 0 : i32
    %eq3A_676 = arith.cmpi eq, %rem3A_668, %eq3A_675 : i32
    %and3A_677 = arith.andi %ne3A_662, %eq3A_676 : i1
    %convert_element_type3A_678 = arith.extui %and3A_677 : i1 to i32
    %cond3A_679 = arith.constant 0 : i32
    %cond3A_680 = arith.cmpi ne, %convert_element_type3A_678, %cond3A_679 : i32
    scf.if %cond3A_680 {
      %dma_wait3A_1764 = arith.constant 0 : i32
      %dma_wait3A_1765 = arith.constant 0 : i32
      %dma_wait3A_1766 = tpu.memref_slice %arg2[%shift_right_logical3A_659, %dma_wait3A_1764, %dma_wait3A_1765] : memref<365x48x1024xf32, #tpu.memory_space<hbm>> -> memref<1x48x1024xf32, #tpu.memory_space<hbm>>
      %dma_wait3A_1767 = arith.constant 0 : i32
      %dma_wait3A_1768 = arith.constant 0 : i32
      %dma_wait3A_1769 = tpu.memref_slice %arg2[%shift_right_logical3A_659, %dma_wait3A_1767, %dma_wait3A_1768] : memref<365x48x1024xf32, #tpu.memory_space<hbm>> -> memref<1x48x1024xf32, #tpu.memory_space<hbm>>
      tpu.wait_dma2 semaphore(%arg8 : memref<!tpu.dma_semaphore, #tpu.memory_space<semaphore_mem>>) src(%dma_wait3A_1769 : memref<1x48x1024xf32, #tpu.memory_space<hbm>>) dst(%arg6 : memref<1x48x1024xf32, #tpu.memory_space<vmem>>)
    } else {
    }
    %eq3A_681 = arith.constant 0 : i32
    %eq3A_682 = arith.cmpi eq, %rem3A_668, %eq3A_681 : i32
    %convert_element_type3A_683 = arith.extui %eq3A_682 : i1 to i32
    %cond3A_684 = arith.constant 0 : i32
    %cond3A_685 = arith.cmpi ne, %convert_element_type3A_683, %cond3A_684 : i32
    scf.if %cond3A_685 {
      %dma_start3A = arith.constant 0 : i32
      %dma_start3A_1764 = arith.constant 0 : i32
      %dma_start3A_1765 = tpu.memref_slice %arg4[%and3A_661, %dma_start3A, %dma_start3A_1764] : memref<1024x48x1024xf32, #tpu.memory_space<hbm>> -> memref<1x48x1024xf32, #tpu.memory_space<hbm>>
      %dma_start3A_1766 = arith.constant 0 : i32
      %dma_start3A_1767 = arith.constant 0 : i32
      %dma_start3A_1768 = tpu.memref_slice %arg4[%and3A_661, %dma_start3A_1766, %dma_start3A_1767] : memref<1024x48x1024xf32, #tpu.memory_space<hbm>> -> memref<1x48x1024xf32, #tpu.memory_space<hbm>>
      tpu.enqueue_dma source(%arg6 : memref<1x48x1024xf32, #tpu.memory_space<vmem>>) target(%dma_start3A_1768 : memref<1x48x1024xf32, #tpu.memory_space<hbm>>) target_semaphore(%arg10 : memref<!tpu.dma_semaphore, #tpu.memory_space<semaphore_mem>>)
    } else {
    }
    %eq3A_686 = arith.constant 1 : i32
    %eq3A_687 = arith.cmpi eq, %rem3A_668, %eq3A_686 : i32
    %and3A_688 = arith.andi %ne3A_662, %eq3A_687 : i1
    %convert_element_type3A_689 = arith.extui %and3A_688 : i1 to i32
    %cond3A_690 = arith.constant 0 : i32
    %cond3A_691 = arith.cmpi ne, %convert_element_type3A_689, %cond3A_690 : i32
    scf.if %cond3A_691 {
      %dma_start3A = arith.constant 0 : i32
      %dma_start3A_1764 = arith.constant 0 : i32
      %dma_start3A_1765 = tpu.memref_slice %arg2[%shift_right_logical3A_659, %dma_start3A, %dma_start3A_1764] : memref<365x48x1024xf32, #tpu.memory_space<hbm>> -> memref<1x48x1024xf32, #tpu.memory_space<hbm>>
      %dma_start3A_1766 = arith.constant 0 : i32
      %dma_start3A_1767 = arith.constant 0 : i32
      %dma_start3A_1768 = tpu.memref_slice %arg2[%shift_right_logical3A_659, %dma_start3A_1766, %dma_start3A_1767] : memref<365x48x1024xf32, #tpu.memory_space<hbm>> -> memref<1x48x1024xf32, #tpu.memory_space<hbm>>
      tpu.enqueue_dma source(%dma_start3A_1768 : memref<1x48x1024xf32, #tpu.memory_space<hbm>>) target(%arg7 : memref<1x48x1024xf32, #tpu.memory_space<vmem>>) target_semaphore(%arg9 : memref<!tpu.dma_semaphore, #tpu.memory_space<semaphore_mem>>)
    } else {
    }
    %eq3A_692 = arith.constant 1 : i32
    %eq3A_693 = arith.cmpi eq, %rem3A_668, %eq3A_692 : i32
    %and3A_694 = arith.andi %ne3A_662, %eq3A_693 : i1
    %convert_element_type3A_695 = arith.extui %and3A_694 : i1 to i32
    %cond3A_696 = arith.constant 0 : i32
    %cond3A_697 = arith.cmpi ne, %convert_element_type3A_695, %cond3A_696 : i32
    scf.if %cond3A_697 {
      %dma_wait3A_1764 = arith.constant 0 : i32
      %dma_wait3A_1765 = arith.constant 0 : i32
      %dma_wait3A_1766 = tpu.memref_slice %arg2[%shift_right_logical3A_659, %dma_wait3A_1764, %dma_wait3A_1765] : memref<365x48x1024xf32, #tpu.memory_space<hbm>> -> memref<1x48x1024xf32, #tpu.memory_space<hbm>>
      %dma_wait3A_1767 = arith.constant 0 : i32
      %dma_wait3A_1768 = arith.constant 0 : i32
      %dma_wait3A_1769 = tpu.memref_slice %arg2[%shift_right_logical3A_659, %dma_wait3A_1767, %dma_wait3A_1768] : memref<365x48x1024xf32, #tpu.memory_space<hbm>> -> memref<1x48x1024xf32, #tpu.memory_space<hbm>>
      tpu.wait_dma2 semaphore(%arg9 : memref<!tpu.dma_semaphore, #tpu.memory_space<semaphore_mem>>) src(%dma_wait3A_1769 : memref<1x48x1024xf32, #tpu.memory_space<hbm>>) dst(%arg7 : memref<1x48x1024xf32, #tpu.memory_space<vmem>>)
    } else {
    }
    %eq3A_698 = arith.constant 1 : i32
    %eq3A_699 = arith.cmpi eq, %rem3A_668, %eq3A_698 : i32
    %convert_element_type3A_700 = arith.extui %eq3A_699 : i1 to i32
    %cond3A_701 = arith.constant 0 : i32
    %cond3A_702 = arith.cmpi ne, %convert_element_type3A_700, %cond3A_701 : i32
    scf.if %cond3A_702 {
      %dma_start3A = arith.constant 0 : i32
      %dma_start3A_1764 = arith.constant 0 : i32
      %dma_start3A_1765 = tpu.memref_slice %arg4[%and3A_661, %dma_start3A, %dma_start3A_1764] : memref<1024x48x1024xf32, #tpu.memory_space<hbm>> -> memref<1x48x1024xf32, #tpu.memory_space<hbm>>
      %dma_start3A_1766 = arith.constant 0 : i32
      %dma_start3A_1767 = arith.constant 0 : i32
      %dma_start3A_1768 = tpu.memref_slice %arg4[%and3A_661, %dma_start3A_1766, %dma_start3A_1767] : memref<1024x48x1024xf32, #tpu.memory_space<hbm>> -> memref<1x48x1024xf32, #tpu.memory_space<hbm>>
      tpu.enqueue_dma source(%arg7 : memref<1x48x1024xf32, #tpu.memory_space<vmem>>) target(%dma_start3A_1768 : memref<1x48x1024xf32, #tpu.memory_space<hbm>>) target_semaphore(%arg10 : memref<!tpu.dma_semaphore, #tpu.memory_space<semaphore_mem>>)
    } else {
    }
    %dma_wait3A_703 = arith.constant 0 : i32
    %dma_wait3A_704 = arith.constant 0 : i32
    %dma_wait3A_705 = arith.constant 0 : i32
    %dma_wait3A_706 = tpu.memref_slice %arg4[%dma_wait3A_703, %dma_wait3A_704, %dma_wait3A_705] : memref<1024x48x1024xf32, #tpu.memory_space<hbm>> -> memref<1x48x1024xf32, #tpu.memory_space<hbm>>
    %dma_wait3A_707 = arith.constant 0 : i32
    %dma_wait3A_708 = arith.constant 0 : i32
    %dma_wait3A_709 = arith.constant 0 : i32
    %dma_wait3A_710 = tpu.memref_slice %arg4[%dma_wait3A_707, %dma_wait3A_708, %dma_wait3A_709] : memref<1024x48x1024xf32, #tpu.memory_space<hbm>> -> memref<1x48x1024xf32, #tpu.memory_space<hbm>>
    tpu.wait_dma2 semaphore(%arg11 : memref<!tpu.dma_semaphore, #tpu.memory_space<semaphore_mem>>) src(%arg6 : memref<1x48x1024xf32, #tpu.memory_space<vmem>>) dst(%dma_wait3A_710 : memref<1x48x1024xf32, #tpu.memory_space<hbm>>)
    %slice3A_711 = vector.extract_strided_slice %get3A_4 {offsets = [13], sizes = [1], strides = [1]} : vector<16xi32> to vector<1xi32>
    %squeeze3A_712 = vector.extract %slice3A_711[0] : i32 from vector<1xi32>
    %shift_right_logical3A_713 = arith.constant 10 : i32
    %shift_right_logical3A_714 = arith.shrui %squeeze3A_712, %shift_right_logical3A_713 : i32
    %and3A_715 = arith.constant 1023 : i32
    %and3A_716 = arith.andi %squeeze3A_712, %and3A_715 : i32
    %ne3A_717 = arith.cmpi ne, %shift_right_logical3A_714, %shift_right_logical3A_659 : i32
    %convert_element_type3A_718 = arith.extui %ne3A_717 : i1 to i32
    %add3A_719 = arith.addi %add3A_664, %convert_element_type3A_718 : i32
    %sub3A_720 = arith.constant 1 : i32
    %sub3A_721 = arith.subi %add3A_719, %sub3A_720 : i32
    %rem3A_722 = arith.constant 2 : i32
    %rem3A_723 = arith.remsi %sub3A_721, %rem3A_722 : i32
    %eq3A_724 = arith.constant 0 : i32
    %eq3A_725 = arith.cmpi eq, %rem3A_723, %eq3A_724 : i32
    %and3A_726 = arith.andi %ne3A_717, %eq3A_725 : i1
    %convert_element_type3A_727 = arith.extui %and3A_726 : i1 to i32
    %cond3A_728 = arith.constant 0 : i32
    %cond3A_729 = arith.cmpi ne, %convert_element_type3A_727, %cond3A_728 : i32
    scf.if %cond3A_729 {
      %dma_start3A = arith.constant 0 : i32
      %dma_start3A_1764 = arith.constant 0 : i32
      %dma_start3A_1765 = tpu.memref_slice %arg2[%shift_right_logical3A_714, %dma_start3A, %dma_start3A_1764] : memref<365x48x1024xf32, #tpu.memory_space<hbm>> -> memref<1x48x1024xf32, #tpu.memory_space<hbm>>
      %dma_start3A_1766 = arith.constant 0 : i32
      %dma_start3A_1767 = arith.constant 0 : i32
      %dma_start3A_1768 = tpu.memref_slice %arg2[%shift_right_logical3A_714, %dma_start3A_1766, %dma_start3A_1767] : memref<365x48x1024xf32, #tpu.memory_space<hbm>> -> memref<1x48x1024xf32, #tpu.memory_space<hbm>>
      tpu.enqueue_dma source(%dma_start3A_1768 : memref<1x48x1024xf32, #tpu.memory_space<hbm>>) target(%arg6 : memref<1x48x1024xf32, #tpu.memory_space<vmem>>) target_semaphore(%arg8 : memref<!tpu.dma_semaphore, #tpu.memory_space<semaphore_mem>>)
    } else {
    }
    %eq3A_730 = arith.constant 0 : i32
    %eq3A_731 = arith.cmpi eq, %rem3A_723, %eq3A_730 : i32
    %and3A_732 = arith.andi %ne3A_717, %eq3A_731 : i1
    %convert_element_type3A_733 = arith.extui %and3A_732 : i1 to i32
    %cond3A_734 = arith.constant 0 : i32
    %cond3A_735 = arith.cmpi ne, %convert_element_type3A_733, %cond3A_734 : i32
    scf.if %cond3A_735 {
      %dma_wait3A_1764 = arith.constant 0 : i32
      %dma_wait3A_1765 = arith.constant 0 : i32
      %dma_wait3A_1766 = tpu.memref_slice %arg2[%shift_right_logical3A_714, %dma_wait3A_1764, %dma_wait3A_1765] : memref<365x48x1024xf32, #tpu.memory_space<hbm>> -> memref<1x48x1024xf32, #tpu.memory_space<hbm>>
      %dma_wait3A_1767 = arith.constant 0 : i32
      %dma_wait3A_1768 = arith.constant 0 : i32
      %dma_wait3A_1769 = tpu.memref_slice %arg2[%shift_right_logical3A_714, %dma_wait3A_1767, %dma_wait3A_1768] : memref<365x48x1024xf32, #tpu.memory_space<hbm>> -> memref<1x48x1024xf32, #tpu.memory_space<hbm>>
      tpu.wait_dma2 semaphore(%arg8 : memref<!tpu.dma_semaphore, #tpu.memory_space<semaphore_mem>>) src(%dma_wait3A_1769 : memref<1x48x1024xf32, #tpu.memory_space<hbm>>) dst(%arg6 : memref<1x48x1024xf32, #tpu.memory_space<vmem>>)
    } else {
    }
    %eq3A_736 = arith.constant 0 : i32
    %eq3A_737 = arith.cmpi eq, %rem3A_723, %eq3A_736 : i32
    %convert_element_type3A_738 = arith.extui %eq3A_737 : i1 to i32
    %cond3A_739 = arith.constant 0 : i32
    %cond3A_740 = arith.cmpi ne, %convert_element_type3A_738, %cond3A_739 : i32
    scf.if %cond3A_740 {
      %dma_start3A = arith.constant 0 : i32
      %dma_start3A_1764 = arith.constant 0 : i32
      %dma_start3A_1765 = tpu.memref_slice %arg4[%and3A_716, %dma_start3A, %dma_start3A_1764] : memref<1024x48x1024xf32, #tpu.memory_space<hbm>> -> memref<1x48x1024xf32, #tpu.memory_space<hbm>>
      %dma_start3A_1766 = arith.constant 0 : i32
      %dma_start3A_1767 = arith.constant 0 : i32
      %dma_start3A_1768 = tpu.memref_slice %arg4[%and3A_716, %dma_start3A_1766, %dma_start3A_1767] : memref<1024x48x1024xf32, #tpu.memory_space<hbm>> -> memref<1x48x1024xf32, #tpu.memory_space<hbm>>
      tpu.enqueue_dma source(%arg6 : memref<1x48x1024xf32, #tpu.memory_space<vmem>>) target(%dma_start3A_1768 : memref<1x48x1024xf32, #tpu.memory_space<hbm>>) target_semaphore(%arg11 : memref<!tpu.dma_semaphore, #tpu.memory_space<semaphore_mem>>)
    } else {
    }
    %eq3A_741 = arith.constant 1 : i32
    %eq3A_742 = arith.cmpi eq, %rem3A_723, %eq3A_741 : i32
    %and3A_743 = arith.andi %ne3A_717, %eq3A_742 : i1
    %convert_element_type3A_744 = arith.extui %and3A_743 : i1 to i32
    %cond3A_745 = arith.constant 0 : i32
    %cond3A_746 = arith.cmpi ne, %convert_element_type3A_744, %cond3A_745 : i32
    scf.if %cond3A_746 {
      %dma_start3A = arith.constant 0 : i32
      %dma_start3A_1764 = arith.constant 0 : i32
      %dma_start3A_1765 = tpu.memref_slice %arg2[%shift_right_logical3A_714, %dma_start3A, %dma_start3A_1764] : memref<365x48x1024xf32, #tpu.memory_space<hbm>> -> memref<1x48x1024xf32, #tpu.memory_space<hbm>>
      %dma_start3A_1766 = arith.constant 0 : i32
      %dma_start3A_1767 = arith.constant 0 : i32
      %dma_start3A_1768 = tpu.memref_slice %arg2[%shift_right_logical3A_714, %dma_start3A_1766, %dma_start3A_1767] : memref<365x48x1024xf32, #tpu.memory_space<hbm>> -> memref<1x48x1024xf32, #tpu.memory_space<hbm>>
      tpu.enqueue_dma source(%dma_start3A_1768 : memref<1x48x1024xf32, #tpu.memory_space<hbm>>) target(%arg7 : memref<1x48x1024xf32, #tpu.memory_space<vmem>>) target_semaphore(%arg9 : memref<!tpu.dma_semaphore, #tpu.memory_space<semaphore_mem>>)
    } else {
    }
    %eq3A_747 = arith.constant 1 : i32
    %eq3A_748 = arith.cmpi eq, %rem3A_723, %eq3A_747 : i32
    %and3A_749 = arith.andi %ne3A_717, %eq3A_748 : i1
    %convert_element_type3A_750 = arith.extui %and3A_749 : i1 to i32
    %cond3A_751 = arith.constant 0 : i32
    %cond3A_752 = arith.cmpi ne, %convert_element_type3A_750, %cond3A_751 : i32
    scf.if %cond3A_752 {
      %dma_wait3A_1764 = arith.constant 0 : i32
      %dma_wait3A_1765 = arith.constant 0 : i32
      %dma_wait3A_1766 = tpu.memref_slice %arg2[%shift_right_logical3A_714, %dma_wait3A_1764, %dma_wait3A_1765] : memref<365x48x1024xf32, #tpu.memory_space<hbm>> -> memref<1x48x1024xf32, #tpu.memory_space<hbm>>
      %dma_wait3A_1767 = arith.constant 0 : i32
      %dma_wait3A_1768 = arith.constant 0 : i32
      %dma_wait3A_1769 = tpu.memref_slice %arg2[%shift_right_logical3A_714, %dma_wait3A_1767, %dma_wait3A_1768] : memref<365x48x1024xf32, #tpu.memory_space<hbm>> -> memref<1x48x1024xf32, #tpu.memory_space<hbm>>
      tpu.wait_dma2 semaphore(%arg9 : memref<!tpu.dma_semaphore, #tpu.memory_space<semaphore_mem>>) src(%dma_wait3A_1769 : memref<1x48x1024xf32, #tpu.memory_space<hbm>>) dst(%arg7 : memref<1x48x1024xf32, #tpu.memory_space<vmem>>)
    } else {
    }
    %eq3A_753 = arith.constant 1 : i32
    %eq3A_754 = arith.cmpi eq, %rem3A_723, %eq3A_753 : i32
    %convert_element_type3A_755 = arith.extui %eq3A_754 : i1 to i32
    %cond3A_756 = arith.constant 0 : i32
    %cond3A_757 = arith.cmpi ne, %convert_element_type3A_755, %cond3A_756 : i32
    scf.if %cond3A_757 {
      %dma_start3A = arith.constant 0 : i32
      %dma_start3A_1764 = arith.constant 0 : i32
      %dma_start3A_1765 = tpu.memref_slice %arg4[%and3A_716, %dma_start3A, %dma_start3A_1764] : memref<1024x48x1024xf32, #tpu.memory_space<hbm>> -> memref<1x48x1024xf32, #tpu.memory_space<hbm>>
      %dma_start3A_1766 = arith.constant 0 : i32
      %dma_start3A_1767 = arith.constant 0 : i32
      %dma_start3A_1768 = tpu.memref_slice %arg4[%and3A_716, %dma_start3A_1766, %dma_start3A_1767] : memref<1024x48x1024xf32, #tpu.memory_space<hbm>> -> memref<1x48x1024xf32, #tpu.memory_space<hbm>>
      tpu.enqueue_dma source(%arg7 : memref<1x48x1024xf32, #tpu.memory_space<vmem>>) target(%dma_start3A_1768 : memref<1x48x1024xf32, #tpu.memory_space<hbm>>) target_semaphore(%arg11 : memref<!tpu.dma_semaphore, #tpu.memory_space<semaphore_mem>>)
    } else {
    }
    %dma_wait3A_758 = arith.constant 0 : i32
    %dma_wait3A_759 = arith.constant 0 : i32
    %dma_wait3A_760 = arith.constant 0 : i32
    %dma_wait3A_761 = tpu.memref_slice %arg4[%dma_wait3A_758, %dma_wait3A_759, %dma_wait3A_760] : memref<1024x48x1024xf32, #tpu.memory_space<hbm>> -> memref<1x48x1024xf32, #tpu.memory_space<hbm>>
    %dma_wait3A_762 = arith.constant 0 : i32
    %dma_wait3A_763 = arith.constant 0 : i32
    %dma_wait3A_764 = arith.constant 0 : i32
    %dma_wait3A_765 = tpu.memref_slice %arg4[%dma_wait3A_762, %dma_wait3A_763, %dma_wait3A_764] : memref<1024x48x1024xf32, #tpu.memory_space<hbm>> -> memref<1x48x1024xf32, #tpu.memory_space<hbm>>
    tpu.wait_dma2 semaphore(%arg10 : memref<!tpu.dma_semaphore, #tpu.memory_space<semaphore_mem>>) src(%arg6 : memref<1x48x1024xf32, #tpu.memory_space<vmem>>) dst(%dma_wait3A_765 : memref<1x48x1024xf32, #tpu.memory_space<hbm>>)
    %slice3A_766 = vector.extract_strided_slice %get3A_4 {offsets = [14], sizes = [1], strides = [1]} : vector<16xi32> to vector<1xi32>
    %squeeze3A_767 = vector.extract %slice3A_766[0] : i32 from vector<1xi32>
    %shift_right_logical3A_768 = arith.constant 10 : i32
    %shift_right_logical3A_769 = arith.shrui %squeeze3A_767, %shift_right_logical3A_768 : i32
    %and3A_770 = arith.constant 1023 : i32
    %and3A_771 = arith.andi %squeeze3A_767, %and3A_770 : i32
    %ne3A_772 = arith.cmpi ne, %shift_right_logical3A_769, %shift_right_logical3A_714 : i32
    %convert_element_type3A_773 = arith.extui %ne3A_772 : i1 to i32
    %add3A_774 = arith.addi %add3A_719, %convert_element_type3A_773 : i32
    %sub3A_775 = arith.constant 1 : i32
    %sub3A_776 = arith.subi %add3A_774, %sub3A_775 : i32
    %rem3A_777 = arith.constant 2 : i32
    %rem3A_778 = arith.remsi %sub3A_776, %rem3A_777 : i32
    %eq3A_779 = arith.constant 0 : i32
    %eq3A_780 = arith.cmpi eq, %rem3A_778, %eq3A_779 : i32
    %and3A_781 = arith.andi %ne3A_772, %eq3A_780 : i1
    %convert_element_type3A_782 = arith.extui %and3A_781 : i1 to i32
    %cond3A_783 = arith.constant 0 : i32
    %cond3A_784 = arith.cmpi ne, %convert_element_type3A_782, %cond3A_783 : i32
    scf.if %cond3A_784 {
      %dma_start3A = arith.constant 0 : i32
      %dma_start3A_1764 = arith.constant 0 : i32
      %dma_start3A_1765 = tpu.memref_slice %arg2[%shift_right_logical3A_769, %dma_start3A, %dma_start3A_1764] : memref<365x48x1024xf32, #tpu.memory_space<hbm>> -> memref<1x48x1024xf32, #tpu.memory_space<hbm>>
      %dma_start3A_1766 = arith.constant 0 : i32
      %dma_start3A_1767 = arith.constant 0 : i32
      %dma_start3A_1768 = tpu.memref_slice %arg2[%shift_right_logical3A_769, %dma_start3A_1766, %dma_start3A_1767] : memref<365x48x1024xf32, #tpu.memory_space<hbm>> -> memref<1x48x1024xf32, #tpu.memory_space<hbm>>
      tpu.enqueue_dma source(%dma_start3A_1768 : memref<1x48x1024xf32, #tpu.memory_space<hbm>>) target(%arg6 : memref<1x48x1024xf32, #tpu.memory_space<vmem>>) target_semaphore(%arg8 : memref<!tpu.dma_semaphore, #tpu.memory_space<semaphore_mem>>)
    } else {
    }
    %eq3A_785 = arith.constant 0 : i32
    %eq3A_786 = arith.cmpi eq, %rem3A_778, %eq3A_785 : i32
    %and3A_787 = arith.andi %ne3A_772, %eq3A_786 : i1
    %convert_element_type3A_788 = arith.extui %and3A_787 : i1 to i32
    %cond3A_789 = arith.constant 0 : i32
    %cond3A_790 = arith.cmpi ne, %convert_element_type3A_788, %cond3A_789 : i32
    scf.if %cond3A_790 {
      %dma_wait3A_1764 = arith.constant 0 : i32
      %dma_wait3A_1765 = arith.constant 0 : i32
      %dma_wait3A_1766 = tpu.memref_slice %arg2[%shift_right_logical3A_769, %dma_wait3A_1764, %dma_wait3A_1765] : memref<365x48x1024xf32, #tpu.memory_space<hbm>> -> memref<1x48x1024xf32, #tpu.memory_space<hbm>>
      %dma_wait3A_1767 = arith.constant 0 : i32
      %dma_wait3A_1768 = arith.constant 0 : i32
      %dma_wait3A_1769 = tpu.memref_slice %arg2[%shift_right_logical3A_769, %dma_wait3A_1767, %dma_wait3A_1768] : memref<365x48x1024xf32, #tpu.memory_space<hbm>> -> memref<1x48x1024xf32, #tpu.memory_space<hbm>>
      tpu.wait_dma2 semaphore(%arg8 : memref<!tpu.dma_semaphore, #tpu.memory_space<semaphore_mem>>) src(%dma_wait3A_1769 : memref<1x48x1024xf32, #tpu.memory_space<hbm>>) dst(%arg6 : memref<1x48x1024xf32, #tpu.memory_space<vmem>>)
    } else {
    }
    %eq3A_791 = arith.constant 0 : i32
    %eq3A_792 = arith.cmpi eq, %rem3A_778, %eq3A_791 : i32
    %convert_element_type3A_793 = arith.extui %eq3A_792 : i1 to i32
    %cond3A_794 = arith.constant 0 : i32
    %cond3A_795 = arith.cmpi ne, %convert_element_type3A_793, %cond3A_794 : i32
    scf.if %cond3A_795 {
      %dma_start3A = arith.constant 0 : i32
      %dma_start3A_1764 = arith.constant 0 : i32
      %dma_start3A_1765 = tpu.memref_slice %arg4[%and3A_771, %dma_start3A, %dma_start3A_1764] : memref<1024x48x1024xf32, #tpu.memory_space<hbm>> -> memref<1x48x1024xf32, #tpu.memory_space<hbm>>
      %dma_start3A_1766 = arith.constant 0 : i32
      %dma_start3A_1767 = arith.constant 0 : i32
      %dma_start3A_1768 = tpu.memref_slice %arg4[%and3A_771, %dma_start3A_1766, %dma_start3A_1767] : memref<1024x48x1024xf32, #tpu.memory_space<hbm>> -> memref<1x48x1024xf32, #tpu.memory_space<hbm>>
      tpu.enqueue_dma source(%arg6 : memref<1x48x1024xf32, #tpu.memory_space<vmem>>) target(%dma_start3A_1768 : memref<1x48x1024xf32, #tpu.memory_space<hbm>>) target_semaphore(%arg10 : memref<!tpu.dma_semaphore, #tpu.memory_space<semaphore_mem>>)
    } else {
    }
    %eq3A_796 = arith.constant 1 : i32
    %eq3A_797 = arith.cmpi eq, %rem3A_778, %eq3A_796 : i32
    %and3A_798 = arith.andi %ne3A_772, %eq3A_797 : i1
    %convert_element_type3A_799 = arith.extui %and3A_798 : i1 to i32
    %cond3A_800 = arith.constant 0 : i32
    %cond3A_801 = arith.cmpi ne, %convert_element_type3A_799, %cond3A_800 : i32
    scf.if %cond3A_801 {
      %dma_start3A = arith.constant 0 : i32
      %dma_start3A_1764 = arith.constant 0 : i32
      %dma_start3A_1765 = tpu.memref_slice %arg2[%shift_right_logical3A_769, %dma_start3A, %dma_start3A_1764] : memref<365x48x1024xf32, #tpu.memory_space<hbm>> -> memref<1x48x1024xf32, #tpu.memory_space<hbm>>
      %dma_start3A_1766 = arith.constant 0 : i32
      %dma_start3A_1767 = arith.constant 0 : i32
      %dma_start3A_1768 = tpu.memref_slice %arg2[%shift_right_logical3A_769, %dma_start3A_1766, %dma_start3A_1767] : memref<365x48x1024xf32, #tpu.memory_space<hbm>> -> memref<1x48x1024xf32, #tpu.memory_space<hbm>>
      tpu.enqueue_dma source(%dma_start3A_1768 : memref<1x48x1024xf32, #tpu.memory_space<hbm>>) target(%arg7 : memref<1x48x1024xf32, #tpu.memory_space<vmem>>) target_semaphore(%arg9 : memref<!tpu.dma_semaphore, #tpu.memory_space<semaphore_mem>>)
    } else {
    }
    %eq3A_802 = arith.constant 1 : i32
    %eq3A_803 = arith.cmpi eq, %rem3A_778, %eq3A_802 : i32
    %and3A_804 = arith.andi %ne3A_772, %eq3A_803 : i1
    %convert_element_type3A_805 = arith.extui %and3A_804 : i1 to i32
    %cond3A_806 = arith.constant 0 : i32
    %cond3A_807 = arith.cmpi ne, %convert_element_type3A_805, %cond3A_806 : i32
    scf.if %cond3A_807 {
      %dma_wait3A_1764 = arith.constant 0 : i32
      %dma_wait3A_1765 = arith.constant 0 : i32
      %dma_wait3A_1766 = tpu.memref_slice %arg2[%shift_right_logical3A_769, %dma_wait3A_1764, %dma_wait3A_1765] : memref<365x48x1024xf32, #tpu.memory_space<hbm>> -> memref<1x48x1024xf32, #tpu.memory_space<hbm>>
      %dma_wait3A_1767 = arith.constant 0 : i32
      %dma_wait3A_1768 = arith.constant 0 : i32
      %dma_wait3A_1769 = tpu.memref_slice %arg2[%shift_right_logical3A_769, %dma_wait3A_1767, %dma_wait3A_1768] : memref<365x48x1024xf32, #tpu.memory_space<hbm>> -> memref<1x48x1024xf32, #tpu.memory_space<hbm>>
      tpu.wait_dma2 semaphore(%arg9 : memref<!tpu.dma_semaphore, #tpu.memory_space<semaphore_mem>>) src(%dma_wait3A_1769 : memref<1x48x1024xf32, #tpu.memory_space<hbm>>) dst(%arg7 : memref<1x48x1024xf32, #tpu.memory_space<vmem>>)
    } else {
    }
    %eq3A_808 = arith.constant 1 : i32
    %eq3A_809 = arith.cmpi eq, %rem3A_778, %eq3A_808 : i32
    %convert_element_type3A_810 = arith.extui %eq3A_809 : i1 to i32
    %cond3A_811 = arith.constant 0 : i32
    %cond3A_812 = arith.cmpi ne, %convert_element_type3A_810, %cond3A_811 : i32
    scf.if %cond3A_812 {
      %dma_start3A = arith.constant 0 : i32
      %dma_start3A_1764 = arith.constant 0 : i32
      %dma_start3A_1765 = tpu.memref_slice %arg4[%and3A_771, %dma_start3A, %dma_start3A_1764] : memref<1024x48x1024xf32, #tpu.memory_space<hbm>> -> memref<1x48x1024xf32, #tpu.memory_space<hbm>>
      %dma_start3A_1766 = arith.constant 0 : i32
      %dma_start3A_1767 = arith.constant 0 : i32
      %dma_start3A_1768 = tpu.memref_slice %arg4[%and3A_771, %dma_start3A_1766, %dma_start3A_1767] : memref<1024x48x1024xf32, #tpu.memory_space<hbm>> -> memref<1x48x1024xf32, #tpu.memory_space<hbm>>
      tpu.enqueue_dma source(%arg7 : memref<1x48x1024xf32, #tpu.memory_space<vmem>>) target(%dma_start3A_1768 : memref<1x48x1024xf32, #tpu.memory_space<hbm>>) target_semaphore(%arg10 : memref<!tpu.dma_semaphore, #tpu.memory_space<semaphore_mem>>)
    } else {
    }
    %dma_wait3A_813 = arith.constant 0 : i32
    %dma_wait3A_814 = arith.constant 0 : i32
    %dma_wait3A_815 = arith.constant 0 : i32
    %dma_wait3A_816 = tpu.memref_slice %arg4[%dma_wait3A_813, %dma_wait3A_814, %dma_wait3A_815] : memref<1024x48x1024xf32, #tpu.memory_space<hbm>> -> memref<1x48x1024xf32, #tpu.memory_space<hbm>>
    %dma_wait3A_817 = arith.constant 0 : i32
    %dma_wait3A_818 = arith.constant 0 : i32
    %dma_wait3A_819 = arith.constant 0 : i32
    %dma_wait3A_820 = tpu.memref_slice %arg4[%dma_wait3A_817, %dma_wait3A_818, %dma_wait3A_819] : memref<1024x48x1024xf32, #tpu.memory_space<hbm>> -> memref<1x48x1024xf32, #tpu.memory_space<hbm>>
    tpu.wait_dma2 semaphore(%arg11 : memref<!tpu.dma_semaphore, #tpu.memory_space<semaphore_mem>>) src(%arg6 : memref<1x48x1024xf32, #tpu.memory_space<vmem>>) dst(%dma_wait3A_820 : memref<1x48x1024xf32, #tpu.memory_space<hbm>>)
    %slice3A_821 = vector.extract_strided_slice %get3A_4 {offsets = [15], sizes = [1], strides = [1]} : vector<16xi32> to vector<1xi32>
    %squeeze3A_822 = vector.extract %slice3A_821[0] : i32 from vector<1xi32>
    %shift_right_logical3A_823 = arith.constant 10 : i32
    %shift_right_logical3A_824 = arith.shrui %squeeze3A_822, %shift_right_logical3A_823 : i32
    %and3A_825 = arith.constant 1023 : i32
    %and3A_826 = arith.andi %squeeze3A_822, %and3A_825 : i32
    %ne3A_827 = arith.cmpi ne, %shift_right_logical3A_824, %shift_right_logical3A_769 : i32
    %convert_element_type3A_828 = arith.extui %ne3A_827 : i1 to i32
    %add3A_829 = arith.addi %add3A_774, %convert_element_type3A_828 : i32
    %sub3A_830 = arith.constant 1 : i32
    %sub3A_831 = arith.subi %add3A_829, %sub3A_830 : i32
    %rem3A_832 = arith.constant 2 : i32
    %rem3A_833 = arith.remsi %sub3A_831, %rem3A_832 : i32
    %eq3A_834 = arith.constant 0 : i32
    %eq3A_835 = arith.cmpi eq, %rem3A_833, %eq3A_834 : i32
    %and3A_836 = arith.andi %ne3A_827, %eq3A_835 : i1
    %convert_element_type3A_837 = arith.extui %and3A_836 : i1 to i32
    %cond3A_838 = arith.constant 0 : i32
    %cond3A_839 = arith.cmpi ne, %convert_element_type3A_837, %cond3A_838 : i32
    scf.if %cond3A_839 {
      %dma_start3A = arith.constant 0 : i32
      %dma_start3A_1764 = arith.constant 0 : i32
      %dma_start3A_1765 = tpu.memref_slice %arg2[%shift_right_logical3A_824, %dma_start3A, %dma_start3A_1764] : memref<365x48x1024xf32, #tpu.memory_space<hbm>> -> memref<1x48x1024xf32, #tpu.memory_space<hbm>>
      %dma_start3A_1766 = arith.constant 0 : i32
      %dma_start3A_1767 = arith.constant 0 : i32
      %dma_start3A_1768 = tpu.memref_slice %arg2[%shift_right_logical3A_824, %dma_start3A_1766, %dma_start3A_1767] : memref<365x48x1024xf32, #tpu.memory_space<hbm>> -> memref<1x48x1024xf32, #tpu.memory_space<hbm>>
      tpu.enqueue_dma source(%dma_start3A_1768 : memref<1x48x1024xf32, #tpu.memory_space<hbm>>) target(%arg6 : memref<1x48x1024xf32, #tpu.memory_space<vmem>>) target_semaphore(%arg8 : memref<!tpu.dma_semaphore, #tpu.memory_space<semaphore_mem>>)
    } else {
    }
    %eq3A_840 = arith.constant 0 : i32
    %eq3A_841 = arith.cmpi eq, %rem3A_833, %eq3A_840 : i32
    %and3A_842 = arith.andi %ne3A_827, %eq3A_841 : i1
    %convert_element_type3A_843 = arith.extui %and3A_842 : i1 to i32
    %cond3A_844 = arith.constant 0 : i32
    %cond3A_845 = arith.cmpi ne, %convert_element_type3A_843, %cond3A_844 : i32
    scf.if %cond3A_845 {
      %dma_wait3A_1764 = arith.constant 0 : i32
      %dma_wait3A_1765 = arith.constant 0 : i32
      %dma_wait3A_1766 = tpu.memref_slice %arg2[%shift_right_logical3A_824, %dma_wait3A_1764, %dma_wait3A_1765] : memref<365x48x1024xf32, #tpu.memory_space<hbm>> -> memref<1x48x1024xf32, #tpu.memory_space<hbm>>
      %dma_wait3A_1767 = arith.constant 0 : i32
      %dma_wait3A_1768 = arith.constant 0 : i32
      %dma_wait3A_1769 = tpu.memref_slice %arg2[%shift_right_logical3A_824, %dma_wait3A_1767, %dma_wait3A_1768] : memref<365x48x1024xf32, #tpu.memory_space<hbm>> -> memref<1x48x1024xf32, #tpu.memory_space<hbm>>
      tpu.wait_dma2 semaphore(%arg8 : memref<!tpu.dma_semaphore, #tpu.memory_space<semaphore_mem>>) src(%dma_wait3A_1769 : memref<1x48x1024xf32, #tpu.memory_space<hbm>>) dst(%arg6 : memref<1x48x1024xf32, #tpu.memory_space<vmem>>)
    } else {
    }
    %eq3A_846 = arith.constant 0 : i32
    %eq3A_847 = arith.cmpi eq, %rem3A_833, %eq3A_846 : i32
    %convert_element_type3A_848 = arith.extui %eq3A_847 : i1 to i32
    %cond3A_849 = arith.constant 0 : i32
    %cond3A_850 = arith.cmpi ne, %convert_element_type3A_848, %cond3A_849 : i32
    scf.if %cond3A_850 {
      %dma_start3A = arith.constant 0 : i32
      %dma_start3A_1764 = arith.constant 0 : i32
      %dma_start3A_1765 = tpu.memref_slice %arg4[%and3A_826, %dma_start3A, %dma_start3A_1764] : memref<1024x48x1024xf32, #tpu.memory_space<hbm>> -> memref<1x48x1024xf32, #tpu.memory_space<hbm>>
      %dma_start3A_1766 = arith.constant 0 : i32
      %dma_start3A_1767 = arith.constant 0 : i32
      %dma_start3A_1768 = tpu.memref_slice %arg4[%and3A_826, %dma_start3A_1766, %dma_start3A_1767] : memref<1024x48x1024xf32, #tpu.memory_space<hbm>> -> memref<1x48x1024xf32, #tpu.memory_space<hbm>>
      tpu.enqueue_dma source(%arg6 : memref<1x48x1024xf32, #tpu.memory_space<vmem>>) target(%dma_start3A_1768 : memref<1x48x1024xf32, #tpu.memory_space<hbm>>) target_semaphore(%arg11 : memref<!tpu.dma_semaphore, #tpu.memory_space<semaphore_mem>>)
    } else {
    }
    %eq3A_851 = arith.constant 1 : i32
    %eq3A_852 = arith.cmpi eq, %rem3A_833, %eq3A_851 : i32
    %and3A_853 = arith.andi %ne3A_827, %eq3A_852 : i1
    %convert_element_type3A_854 = arith.extui %and3A_853 : i1 to i32
    %cond3A_855 = arith.constant 0 : i32
    %cond3A_856 = arith.cmpi ne, %convert_element_type3A_854, %cond3A_855 : i32
    scf.if %cond3A_856 {
      %dma_start3A = arith.constant 0 : i32
      %dma_start3A_1764 = arith.constant 0 : i32
      %dma_start3A_1765 = tpu.memref_slice %arg2[%shift_right_logical3A_824, %dma_start3A, %dma_start3A_1764] : memref<365x48x1024xf32, #tpu.memory_space<hbm>> -> memref<1x48x1024xf32, #tpu.memory_space<hbm>>
      %dma_start3A_1766 = arith.constant 0 : i32
      %dma_start3A_1767 = arith.constant 0 : i32
      %dma_start3A_1768 = tpu.memref_slice %arg2[%shift_right_logical3A_824, %dma_start3A_1766, %dma_start3A_1767] : memref<365x48x1024xf32, #tpu.memory_space<hbm>> -> memref<1x48x1024xf32, #tpu.memory_space<hbm>>
      tpu.enqueue_dma source(%dma_start3A_1768 : memref<1x48x1024xf32, #tpu.memory_space<hbm>>) target(%arg7 : memref<1x48x1024xf32, #tpu.memory_space<vmem>>) target_semaphore(%arg9 : memref<!tpu.dma_semaphore, #tpu.memory_space<semaphore_mem>>)
    } else {
    }
    %eq3A_857 = arith.constant 1 : i32
    %eq3A_858 = arith.cmpi eq, %rem3A_833, %eq3A_857 : i32
    %and3A_859 = arith.andi %ne3A_827, %eq3A_858 : i1
    %convert_element_type3A_860 = arith.extui %and3A_859 : i1 to i32
    %cond3A_861 = arith.constant 0 : i32
    %cond3A_862 = arith.cmpi ne, %convert_element_type3A_860, %cond3A_861 : i32
    scf.if %cond3A_862 {
      %dma_wait3A_1764 = arith.constant 0 : i32
      %dma_wait3A_1765 = arith.constant 0 : i32
      %dma_wait3A_1766 = tpu.memref_slice %arg2[%shift_right_logical3A_824, %dma_wait3A_1764, %dma_wait3A_1765] : memref<365x48x1024xf32, #tpu.memory_space<hbm>> -> memref<1x48x1024xf32, #tpu.memory_space<hbm>>
      %dma_wait3A_1767 = arith.constant 0 : i32
      %dma_wait3A_1768 = arith.constant 0 : i32
      %dma_wait3A_1769 = tpu.memref_slice %arg2[%shift_right_logical3A_824, %dma_wait3A_1767, %dma_wait3A_1768] : memref<365x48x1024xf32, #tpu.memory_space<hbm>> -> memref<1x48x1024xf32, #tpu.memory_space<hbm>>
      tpu.wait_dma2 semaphore(%arg9 : memref<!tpu.dma_semaphore, #tpu.memory_space<semaphore_mem>>) src(%dma_wait3A_1769 : memref<1x48x1024xf32, #tpu.memory_space<hbm>>) dst(%arg7 : memref<1x48x1024xf32, #tpu.memory_space<vmem>>)
    } else {
    }
    %eq3A_863 = arith.constant 1 : i32
    %eq3A_864 = arith.cmpi eq, %rem3A_833, %eq3A_863 : i32
    %convert_element_type3A_865 = arith.extui %eq3A_864 : i1 to i32
    %cond3A_866 = arith.constant 0 : i32
    %cond3A_867 = arith.cmpi ne, %convert_element_type3A_865, %cond3A_866 : i32
    scf.if %cond3A_867 {
      %dma_start3A = arith.constant 0 : i32
      %dma_start3A_1764 = arith.constant 0 : i32
      %dma_start3A_1765 = tpu.memref_slice %arg4[%and3A_826, %dma_start3A, %dma_start3A_1764] : memref<1024x48x1024xf32, #tpu.memory_space<hbm>> -> memref<1x48x1024xf32, #tpu.memory_space<hbm>>
      %dma_start3A_1766 = arith.constant 0 : i32
      %dma_start3A_1767 = arith.constant 0 : i32
      %dma_start3A_1768 = tpu.memref_slice %arg4[%and3A_826, %dma_start3A_1766, %dma_start3A_1767] : memref<1024x48x1024xf32, #tpu.memory_space<hbm>> -> memref<1x48x1024xf32, #tpu.memory_space<hbm>>
      tpu.enqueue_dma source(%arg7 : memref<1x48x1024xf32, #tpu.memory_space<vmem>>) target(%dma_start3A_1768 : memref<1x48x1024xf32, #tpu.memory_space<hbm>>) target_semaphore(%arg11 : memref<!tpu.dma_semaphore, #tpu.memory_space<semaphore_mem>>)
    } else {
    }
    %dma_wait3A_868 = arith.constant 0 : i32
    %dma_wait3A_869 = arith.constant 0 : i32
    %dma_wait3A_870 = arith.constant 0 : i32
    %dma_wait3A_871 = tpu.memref_slice %arg4[%dma_wait3A_868, %dma_wait3A_869, %dma_wait3A_870] : memref<1024x48x1024xf32, #tpu.memory_space<hbm>> -> memref<1x48x1024xf32, #tpu.memory_space<hbm>>
    %dma_wait3A_872 = arith.constant 0 : i32
    %dma_wait3A_873 = arith.constant 0 : i32
    %dma_wait3A_874 = arith.constant 0 : i32
    %dma_wait3A_875 = tpu.memref_slice %arg4[%dma_wait3A_872, %dma_wait3A_873, %dma_wait3A_874] : memref<1024x48x1024xf32, #tpu.memory_space<hbm>> -> memref<1x48x1024xf32, #tpu.memory_space<hbm>>
    tpu.wait_dma2 semaphore(%arg10 : memref<!tpu.dma_semaphore, #tpu.memory_space<semaphore_mem>>) src(%arg6 : memref<1x48x1024xf32, #tpu.memory_space<vmem>>) dst(%dma_wait3A_875 : memref<1x48x1024xf32, #tpu.memory_space<hbm>>)
    %slice3A_876 = vector.extract_strided_slice %get3A_7 {offsets = [0], sizes = [1], strides = [1]} : vector<16xi32> to vector<1xi32>
    %squeeze3A_877 = vector.extract %slice3A_876[0] : i32 from vector<1xi32>
    %shift_right_logical3A_878 = arith.constant 10 : i32
    %shift_right_logical3A_879 = arith.shrui %squeeze3A_877, %shift_right_logical3A_878 : i32
    %and3A_880 = arith.constant 1023 : i32
    %and3A_881 = arith.andi %squeeze3A_877, %and3A_880 : i32
    %ne3A_882 = arith.cmpi ne, %shift_right_logical3A_879, %shift_right_logical3A_824 : i32
    %convert_element_type3A_883 = arith.extui %ne3A_882 : i1 to i32
    %add3A_884 = arith.addi %add3A_829, %convert_element_type3A_883 : i32
    %sub3A_885 = arith.constant 1 : i32
    %sub3A_886 = arith.subi %add3A_884, %sub3A_885 : i32
    %rem3A_887 = arith.constant 2 : i32
    %rem3A_888 = arith.remsi %sub3A_886, %rem3A_887 : i32
    %eq3A_889 = arith.constant 0 : i32
    %eq3A_890 = arith.cmpi eq, %rem3A_888, %eq3A_889 : i32
    %and3A_891 = arith.andi %ne3A_882, %eq3A_890 : i1
    %convert_element_type3A_892 = arith.extui %and3A_891 : i1 to i32
    %cond3A_893 = arith.constant 0 : i32
    %cond3A_894 = arith.cmpi ne, %convert_element_type3A_892, %cond3A_893 : i32
    scf.if %cond3A_894 {
      %dma_start3A = arith.constant 0 : i32
      %dma_start3A_1764 = arith.constant 0 : i32
      %dma_start3A_1765 = tpu.memref_slice %arg2[%shift_right_logical3A_879, %dma_start3A, %dma_start3A_1764] : memref<365x48x1024xf32, #tpu.memory_space<hbm>> -> memref<1x48x1024xf32, #tpu.memory_space<hbm>>
      %dma_start3A_1766 = arith.constant 0 : i32
      %dma_start3A_1767 = arith.constant 0 : i32
      %dma_start3A_1768 = tpu.memref_slice %arg2[%shift_right_logical3A_879, %dma_start3A_1766, %dma_start3A_1767] : memref<365x48x1024xf32, #tpu.memory_space<hbm>> -> memref<1x48x1024xf32, #tpu.memory_space<hbm>>
      tpu.enqueue_dma source(%dma_start3A_1768 : memref<1x48x1024xf32, #tpu.memory_space<hbm>>) target(%arg6 : memref<1x48x1024xf32, #tpu.memory_space<vmem>>) target_semaphore(%arg8 : memref<!tpu.dma_semaphore, #tpu.memory_space<semaphore_mem>>)
    } else {
    }
    %eq3A_895 = arith.constant 0 : i32
    %eq3A_896 = arith.cmpi eq, %rem3A_888, %eq3A_895 : i32
    %and3A_897 = arith.andi %ne3A_882, %eq3A_896 : i1
    %convert_element_type3A_898 = arith.extui %and3A_897 : i1 to i32
    %cond3A_899 = arith.constant 0 : i32
    %cond3A_900 = arith.cmpi ne, %convert_element_type3A_898, %cond3A_899 : i32
    scf.if %cond3A_900 {
      %dma_wait3A_1764 = arith.constant 0 : i32
      %dma_wait3A_1765 = arith.constant 0 : i32
      %dma_wait3A_1766 = tpu.memref_slice %arg2[%shift_right_logical3A_879, %dma_wait3A_1764, %dma_wait3A_1765] : memref<365x48x1024xf32, #tpu.memory_space<hbm>> -> memref<1x48x1024xf32, #tpu.memory_space<hbm>>
      %dma_wait3A_1767 = arith.constant 0 : i32
      %dma_wait3A_1768 = arith.constant 0 : i32
      %dma_wait3A_1769 = tpu.memref_slice %arg2[%shift_right_logical3A_879, %dma_wait3A_1767, %dma_wait3A_1768] : memref<365x48x1024xf32, #tpu.memory_space<hbm>> -> memref<1x48x1024xf32, #tpu.memory_space<hbm>>
      tpu.wait_dma2 semaphore(%arg8 : memref<!tpu.dma_semaphore, #tpu.memory_space<semaphore_mem>>) src(%dma_wait3A_1769 : memref<1x48x1024xf32, #tpu.memory_space<hbm>>) dst(%arg6 : memref<1x48x1024xf32, #tpu.memory_space<vmem>>)
    } else {
    }
    %eq3A_901 = arith.constant 0 : i32
    %eq3A_902 = arith.cmpi eq, %rem3A_888, %eq3A_901 : i32
    %convert_element_type3A_903 = arith.extui %eq3A_902 : i1 to i32
    %cond3A_904 = arith.constant 0 : i32
    %cond3A_905 = arith.cmpi ne, %convert_element_type3A_903, %cond3A_904 : i32
    scf.if %cond3A_905 {
      %dma_start3A = arith.constant 0 : i32
      %dma_start3A_1764 = arith.constant 0 : i32
      %dma_start3A_1765 = tpu.memref_slice %arg4[%and3A_881, %dma_start3A, %dma_start3A_1764] : memref<1024x48x1024xf32, #tpu.memory_space<hbm>> -> memref<1x48x1024xf32, #tpu.memory_space<hbm>>
      %dma_start3A_1766 = arith.constant 0 : i32
      %dma_start3A_1767 = arith.constant 0 : i32
      %dma_start3A_1768 = tpu.memref_slice %arg4[%and3A_881, %dma_start3A_1766, %dma_start3A_1767] : memref<1024x48x1024xf32, #tpu.memory_space<hbm>> -> memref<1x48x1024xf32, #tpu.memory_space<hbm>>
      tpu.enqueue_dma source(%arg6 : memref<1x48x1024xf32, #tpu.memory_space<vmem>>) target(%dma_start3A_1768 : memref<1x48x1024xf32, #tpu.memory_space<hbm>>) target_semaphore(%arg10 : memref<!tpu.dma_semaphore, #tpu.memory_space<semaphore_mem>>)
    } else {
    }
    %eq3A_906 = arith.constant 1 : i32
    %eq3A_907 = arith.cmpi eq, %rem3A_888, %eq3A_906 : i32
    %and3A_908 = arith.andi %ne3A_882, %eq3A_907 : i1
    %convert_element_type3A_909 = arith.extui %and3A_908 : i1 to i32
    %cond3A_910 = arith.constant 0 : i32
    %cond3A_911 = arith.cmpi ne, %convert_element_type3A_909, %cond3A_910 : i32
    scf.if %cond3A_911 {
      %dma_start3A = arith.constant 0 : i32
      %dma_start3A_1764 = arith.constant 0 : i32
      %dma_start3A_1765 = tpu.memref_slice %arg2[%shift_right_logical3A_879, %dma_start3A, %dma_start3A_1764] : memref<365x48x1024xf32, #tpu.memory_space<hbm>> -> memref<1x48x1024xf32, #tpu.memory_space<hbm>>
      %dma_start3A_1766 = arith.constant 0 : i32
      %dma_start3A_1767 = arith.constant 0 : i32
      %dma_start3A_1768 = tpu.memref_slice %arg2[%shift_right_logical3A_879, %dma_start3A_1766, %dma_start3A_1767] : memref<365x48x1024xf32, #tpu.memory_space<hbm>> -> memref<1x48x1024xf32, #tpu.memory_space<hbm>>
      tpu.enqueue_dma source(%dma_start3A_1768 : memref<1x48x1024xf32, #tpu.memory_space<hbm>>) target(%arg7 : memref<1x48x1024xf32, #tpu.memory_space<vmem>>) target_semaphore(%arg9 : memref<!tpu.dma_semaphore, #tpu.memory_space<semaphore_mem>>)
    } else {
    }
    %eq3A_912 = arith.constant 1 : i32
    %eq3A_913 = arith.cmpi eq, %rem3A_888, %eq3A_912 : i32
    %and3A_914 = arith.andi %ne3A_882, %eq3A_913 : i1
    %convert_element_type3A_915 = arith.extui %and3A_914 : i1 to i32
    %cond3A_916 = arith.constant 0 : i32
    %cond3A_917 = arith.cmpi ne, %convert_element_type3A_915, %cond3A_916 : i32
    scf.if %cond3A_917 {
      %dma_wait3A_1764 = arith.constant 0 : i32
      %dma_wait3A_1765 = arith.constant 0 : i32
      %dma_wait3A_1766 = tpu.memref_slice %arg2[%shift_right_logical3A_879, %dma_wait3A_1764, %dma_wait3A_1765] : memref<365x48x1024xf32, #tpu.memory_space<hbm>> -> memref<1x48x1024xf32, #tpu.memory_space<hbm>>
      %dma_wait3A_1767 = arith.constant 0 : i32
      %dma_wait3A_1768 = arith.constant 0 : i32
      %dma_wait3A_1769 = tpu.memref_slice %arg2[%shift_right_logical3A_879, %dma_wait3A_1767, %dma_wait3A_1768] : memref<365x48x1024xf32, #tpu.memory_space<hbm>> -> memref<1x48x1024xf32, #tpu.memory_space<hbm>>
      tpu.wait_dma2 semaphore(%arg9 : memref<!tpu.dma_semaphore, #tpu.memory_space<semaphore_mem>>) src(%dma_wait3A_1769 : memref<1x48x1024xf32, #tpu.memory_space<hbm>>) dst(%arg7 : memref<1x48x1024xf32, #tpu.memory_space<vmem>>)
    } else {
    }
    %eq3A_918 = arith.constant 1 : i32
    %eq3A_919 = arith.cmpi eq, %rem3A_888, %eq3A_918 : i32
    %convert_element_type3A_920 = arith.extui %eq3A_919 : i1 to i32
    %cond3A_921 = arith.constant 0 : i32
    %cond3A_922 = arith.cmpi ne, %convert_element_type3A_920, %cond3A_921 : i32
    scf.if %cond3A_922 {
      %dma_start3A = arith.constant 0 : i32
      %dma_start3A_1764 = arith.constant 0 : i32
      %dma_start3A_1765 = tpu.memref_slice %arg4[%and3A_881, %dma_start3A, %dma_start3A_1764] : memref<1024x48x1024xf32, #tpu.memory_space<hbm>> -> memref<1x48x1024xf32, #tpu.memory_space<hbm>>
      %dma_start3A_1766 = arith.constant 0 : i32
      %dma_start3A_1767 = arith.constant 0 : i32
      %dma_start3A_1768 = tpu.memref_slice %arg4[%and3A_881, %dma_start3A_1766, %dma_start3A_1767] : memref<1024x48x1024xf32, #tpu.memory_space<hbm>> -> memref<1x48x1024xf32, #tpu.memory_space<hbm>>
      tpu.enqueue_dma source(%arg7 : memref<1x48x1024xf32, #tpu.memory_space<vmem>>) target(%dma_start3A_1768 : memref<1x48x1024xf32, #tpu.memory_space<hbm>>) target_semaphore(%arg10 : memref<!tpu.dma_semaphore, #tpu.memory_space<semaphore_mem>>)
    } else {
    }
    %dma_wait3A_923 = arith.constant 0 : i32
    %dma_wait3A_924 = arith.constant 0 : i32
    %dma_wait3A_925 = arith.constant 0 : i32
    %dma_wait3A_926 = tpu.memref_slice %arg4[%dma_wait3A_923, %dma_wait3A_924, %dma_wait3A_925] : memref<1024x48x1024xf32, #tpu.memory_space<hbm>> -> memref<1x48x1024xf32, #tpu.memory_space<hbm>>
    %dma_wait3A_927 = arith.constant 0 : i32
    %dma_wait3A_928 = arith.constant 0 : i32
    %dma_wait3A_929 = arith.constant 0 : i32
    %dma_wait3A_930 = tpu.memref_slice %arg4[%dma_wait3A_927, %dma_wait3A_928, %dma_wait3A_929] : memref<1024x48x1024xf32, #tpu.memory_space<hbm>> -> memref<1x48x1024xf32, #tpu.memory_space<hbm>>
    tpu.wait_dma2 semaphore(%arg11 : memref<!tpu.dma_semaphore, #tpu.memory_space<semaphore_mem>>) src(%arg6 : memref<1x48x1024xf32, #tpu.memory_space<vmem>>) dst(%dma_wait3A_930 : memref<1x48x1024xf32, #tpu.memory_space<hbm>>)
    %slice3A_931 = vector.extract_strided_slice %get3A_7 {offsets = [1], sizes = [1], strides = [1]} : vector<16xi32> to vector<1xi32>
    %squeeze3A_932 = vector.extract %slice3A_931[0] : i32 from vector<1xi32>
    %shift_right_logical3A_933 = arith.constant 10 : i32
    %shift_right_logical3A_934 = arith.shrui %squeeze3A_932, %shift_right_logical3A_933 : i32
    %and3A_935 = arith.constant 1023 : i32
    %and3A_936 = arith.andi %squeeze3A_932, %and3A_935 : i32
    %ne3A_937 = arith.cmpi ne, %shift_right_logical3A_934, %shift_right_logical3A_879 : i32
    %convert_element_type3A_938 = arith.extui %ne3A_937 : i1 to i32
    %add3A_939 = arith.addi %add3A_884, %convert_element_type3A_938 : i32
    %sub3A_940 = arith.constant 1 : i32
    %sub3A_941 = arith.subi %add3A_939, %sub3A_940 : i32
    %rem3A_942 = arith.constant 2 : i32
    %rem3A_943 = arith.remsi %sub3A_941, %rem3A_942 : i32
    %eq3A_944 = arith.constant 0 : i32
    %eq3A_945 = arith.cmpi eq, %rem3A_943, %eq3A_944 : i32
    %and3A_946 = arith.andi %ne3A_937, %eq3A_945 : i1
    %convert_element_type3A_947 = arith.extui %and3A_946 : i1 to i32
    %cond3A_948 = arith.constant 0 : i32
    %cond3A_949 = arith.cmpi ne, %convert_element_type3A_947, %cond3A_948 : i32
    scf.if %cond3A_949 {
      %dma_start3A = arith.constant 0 : i32
      %dma_start3A_1764 = arith.constant 0 : i32
      %dma_start3A_1765 = tpu.memref_slice %arg2[%shift_right_logical3A_934, %dma_start3A, %dma_start3A_1764] : memref<365x48x1024xf32, #tpu.memory_space<hbm>> -> memref<1x48x1024xf32, #tpu.memory_space<hbm>>
      %dma_start3A_1766 = arith.constant 0 : i32
      %dma_start3A_1767 = arith.constant 0 : i32
      %dma_start3A_1768 = tpu.memref_slice %arg2[%shift_right_logical3A_934, %dma_start3A_1766, %dma_start3A_1767] : memref<365x48x1024xf32, #tpu.memory_space<hbm>> -> memref<1x48x1024xf32, #tpu.memory_space<hbm>>
      tpu.enqueue_dma source(%dma_start3A_1768 : memref<1x48x1024xf32, #tpu.memory_space<hbm>>) target(%arg6 : memref<1x48x1024xf32, #tpu.memory_space<vmem>>) target_semaphore(%arg8 : memref<!tpu.dma_semaphore, #tpu.memory_space<semaphore_mem>>)
    } else {
    }
    %eq3A_950 = arith.constant 0 : i32
    %eq3A_951 = arith.cmpi eq, %rem3A_943, %eq3A_950 : i32
    %and3A_952 = arith.andi %ne3A_937, %eq3A_951 : i1
    %convert_element_type3A_953 = arith.extui %and3A_952 : i1 to i32
    %cond3A_954 = arith.constant 0 : i32
    %cond3A_955 = arith.cmpi ne, %convert_element_type3A_953, %cond3A_954 : i32
    scf.if %cond3A_955 {
      %dma_wait3A_1764 = arith.constant 0 : i32
      %dma_wait3A_1765 = arith.constant 0 : i32
      %dma_wait3A_1766 = tpu.memref_slice %arg2[%shift_right_logical3A_934, %dma_wait3A_1764, %dma_wait3A_1765] : memref<365x48x1024xf32, #tpu.memory_space<hbm>> -> memref<1x48x1024xf32, #tpu.memory_space<hbm>>
      %dma_wait3A_1767 = arith.constant 0 : i32
      %dma_wait3A_1768 = arith.constant 0 : i32
      %dma_wait3A_1769 = tpu.memref_slice %arg2[%shift_right_logical3A_934, %dma_wait3A_1767, %dma_wait3A_1768] : memref<365x48x1024xf32, #tpu.memory_space<hbm>> -> memref<1x48x1024xf32, #tpu.memory_space<hbm>>
      tpu.wait_dma2 semaphore(%arg8 : memref<!tpu.dma_semaphore, #tpu.memory_space<semaphore_mem>>) src(%dma_wait3A_1769 : memref<1x48x1024xf32, #tpu.memory_space<hbm>>) dst(%arg6 : memref<1x48x1024xf32, #tpu.memory_space<vmem>>)
    } else {
    }
    %eq3A_956 = arith.constant 0 : i32
    %eq3A_957 = arith.cmpi eq, %rem3A_943, %eq3A_956 : i32
    %convert_element_type3A_958 = arith.extui %eq3A_957 : i1 to i32
    %cond3A_959 = arith.constant 0 : i32
    %cond3A_960 = arith.cmpi ne, %convert_element_type3A_958, %cond3A_959 : i32
    scf.if %cond3A_960 {
      %dma_start3A = arith.constant 0 : i32
      %dma_start3A_1764 = arith.constant 0 : i32
      %dma_start3A_1765 = tpu.memref_slice %arg4[%and3A_936, %dma_start3A, %dma_start3A_1764] : memref<1024x48x1024xf32, #tpu.memory_space<hbm>> -> memref<1x48x1024xf32, #tpu.memory_space<hbm>>
      %dma_start3A_1766 = arith.constant 0 : i32
      %dma_start3A_1767 = arith.constant 0 : i32
      %dma_start3A_1768 = tpu.memref_slice %arg4[%and3A_936, %dma_start3A_1766, %dma_start3A_1767] : memref<1024x48x1024xf32, #tpu.memory_space<hbm>> -> memref<1x48x1024xf32, #tpu.memory_space<hbm>>
      tpu.enqueue_dma source(%arg6 : memref<1x48x1024xf32, #tpu.memory_space<vmem>>) target(%dma_start3A_1768 : memref<1x48x1024xf32, #tpu.memory_space<hbm>>) target_semaphore(%arg11 : memref<!tpu.dma_semaphore, #tpu.memory_space<semaphore_mem>>)
    } else {
    }
    %eq3A_961 = arith.constant 1 : i32
    %eq3A_962 = arith.cmpi eq, %rem3A_943, %eq3A_961 : i32
    %and3A_963 = arith.andi %ne3A_937, %eq3A_962 : i1
    %convert_element_type3A_964 = arith.extui %and3A_963 : i1 to i32
    %cond3A_965 = arith.constant 0 : i32
    %cond3A_966 = arith.cmpi ne, %convert_element_type3A_964, %cond3A_965 : i32
    scf.if %cond3A_966 {
      %dma_start3A = arith.constant 0 : i32
      %dma_start3A_1764 = arith.constant 0 : i32
      %dma_start3A_1765 = tpu.memref_slice %arg2[%shift_right_logical3A_934, %dma_start3A, %dma_start3A_1764] : memref<365x48x1024xf32, #tpu.memory_space<hbm>> -> memref<1x48x1024xf32, #tpu.memory_space<hbm>>
      %dma_start3A_1766 = arith.constant 0 : i32
      %dma_start3A_1767 = arith.constant 0 : i32
      %dma_start3A_1768 = tpu.memref_slice %arg2[%shift_right_logical3A_934, %dma_start3A_1766, %dma_start3A_1767] : memref<365x48x1024xf32, #tpu.memory_space<hbm>> -> memref<1x48x1024xf32, #tpu.memory_space<hbm>>
      tpu.enqueue_dma source(%dma_start3A_1768 : memref<1x48x1024xf32, #tpu.memory_space<hbm>>) target(%arg7 : memref<1x48x1024xf32, #tpu.memory_space<vmem>>) target_semaphore(%arg9 : memref<!tpu.dma_semaphore, #tpu.memory_space<semaphore_mem>>)
    } else {
    }
    %eq3A_967 = arith.constant 1 : i32
    %eq3A_968 = arith.cmpi eq, %rem3A_943, %eq3A_967 : i32
    %and3A_969 = arith.andi %ne3A_937, %eq3A_968 : i1
    %convert_element_type3A_970 = arith.extui %and3A_969 : i1 to i32
    %cond3A_971 = arith.constant 0 : i32
    %cond3A_972 = arith.cmpi ne, %convert_element_type3A_970, %cond3A_971 : i32
    scf.if %cond3A_972 {
      %dma_wait3A_1764 = arith.constant 0 : i32
      %dma_wait3A_1765 = arith.constant 0 : i32
      %dma_wait3A_1766 = tpu.memref_slice %arg2[%shift_right_logical3A_934, %dma_wait3A_1764, %dma_wait3A_1765] : memref<365x48x1024xf32, #tpu.memory_space<hbm>> -> memref<1x48x1024xf32, #tpu.memory_space<hbm>>
      %dma_wait3A_1767 = arith.constant 0 : i32
      %dma_wait3A_1768 = arith.constant 0 : i32
      %dma_wait3A_1769 = tpu.memref_slice %arg2[%shift_right_logical3A_934, %dma_wait3A_1767, %dma_wait3A_1768] : memref<365x48x1024xf32, #tpu.memory_space<hbm>> -> memref<1x48x1024xf32, #tpu.memory_space<hbm>>
      tpu.wait_dma2 semaphore(%arg9 : memref<!tpu.dma_semaphore, #tpu.memory_space<semaphore_mem>>) src(%dma_wait3A_1769 : memref<1x48x1024xf32, #tpu.memory_space<hbm>>) dst(%arg7 : memref<1x48x1024xf32, #tpu.memory_space<vmem>>)
    } else {
    }
    %eq3A_973 = arith.constant 1 : i32
    %eq3A_974 = arith.cmpi eq, %rem3A_943, %eq3A_973 : i32
    %convert_element_type3A_975 = arith.extui %eq3A_974 : i1 to i32
    %cond3A_976 = arith.constant 0 : i32
    %cond3A_977 = arith.cmpi ne, %convert_element_type3A_975, %cond3A_976 : i32
    scf.if %cond3A_977 {
      %dma_start3A = arith.constant 0 : i32
      %dma_start3A_1764 = arith.constant 0 : i32
      %dma_start3A_1765 = tpu.memref_slice %arg4[%and3A_936, %dma_start3A, %dma_start3A_1764] : memref<1024x48x1024xf32, #tpu.memory_space<hbm>> -> memref<1x48x1024xf32, #tpu.memory_space<hbm>>
      %dma_start3A_1766 = arith.constant 0 : i32
      %dma_start3A_1767 = arith.constant 0 : i32
      %dma_start3A_1768 = tpu.memref_slice %arg4[%and3A_936, %dma_start3A_1766, %dma_start3A_1767] : memref<1024x48x1024xf32, #tpu.memory_space<hbm>> -> memref<1x48x1024xf32, #tpu.memory_space<hbm>>
      tpu.enqueue_dma source(%arg7 : memref<1x48x1024xf32, #tpu.memory_space<vmem>>) target(%dma_start3A_1768 : memref<1x48x1024xf32, #tpu.memory_space<hbm>>) target_semaphore(%arg11 : memref<!tpu.dma_semaphore, #tpu.memory_space<semaphore_mem>>)
    } else {
    }
    %dma_wait3A_978 = arith.constant 0 : i32
    %dma_wait3A_979 = arith.constant 0 : i32
    %dma_wait3A_980 = arith.constant 0 : i32
    %dma_wait3A_981 = tpu.memref_slice %arg4[%dma_wait3A_978, %dma_wait3A_979, %dma_wait3A_980] : memref<1024x48x1024xf32, #tpu.memory_space<hbm>> -> memref<1x48x1024xf32, #tpu.memory_space<hbm>>
    %dma_wait3A_982 = arith.constant 0 : i32
    %dma_wait3A_983 = arith.constant 0 : i32
    %dma_wait3A_984 = arith.constant 0 : i32
    %dma_wait3A_985 = tpu.memref_slice %arg4[%dma_wait3A_982, %dma_wait3A_983, %dma_wait3A_984] : memref<1024x48x1024xf32, #tpu.memory_space<hbm>> -> memref<1x48x1024xf32, #tpu.memory_space<hbm>>
    tpu.wait_dma2 semaphore(%arg10 : memref<!tpu.dma_semaphore, #tpu.memory_space<semaphore_mem>>) src(%arg6 : memref<1x48x1024xf32, #tpu.memory_space<vmem>>) dst(%dma_wait3A_985 : memref<1x48x1024xf32, #tpu.memory_space<hbm>>)
    %slice3A_986 = vector.extract_strided_slice %get3A_7 {offsets = [2], sizes = [1], strides = [1]} : vector<16xi32> to vector<1xi32>
    %squeeze3A_987 = vector.extract %slice3A_986[0] : i32 from vector<1xi32>
    %shift_right_logical3A_988 = arith.constant 10 : i32
    %shift_right_logical3A_989 = arith.shrui %squeeze3A_987, %shift_right_logical3A_988 : i32
    %and3A_990 = arith.constant 1023 : i32
    %and3A_991 = arith.andi %squeeze3A_987, %and3A_990 : i32
    %ne3A_992 = arith.cmpi ne, %shift_right_logical3A_989, %shift_right_logical3A_934 : i32
    %convert_element_type3A_993 = arith.extui %ne3A_992 : i1 to i32
    %add3A_994 = arith.addi %add3A_939, %convert_element_type3A_993 : i32
    %sub3A_995 = arith.constant 1 : i32
    %sub3A_996 = arith.subi %add3A_994, %sub3A_995 : i32
    %rem3A_997 = arith.constant 2 : i32
    %rem3A_998 = arith.remsi %sub3A_996, %rem3A_997 : i32
    %eq3A_999 = arith.constant 0 : i32
    %eq3A_1000 = arith.cmpi eq, %rem3A_998, %eq3A_999 : i32
    %and3A_1001 = arith.andi %ne3A_992, %eq3A_1000 : i1
    %convert_element_type3A_1002 = arith.extui %and3A_1001 : i1 to i32
    %cond3A_1003 = arith.constant 0 : i32
    %cond3A_1004 = arith.cmpi ne, %convert_element_type3A_1002, %cond3A_1003 : i32
    scf.if %cond3A_1004 {
      %dma_start3A = arith.constant 0 : i32
      %dma_start3A_1764 = arith.constant 0 : i32
      %dma_start3A_1765 = tpu.memref_slice %arg2[%shift_right_logical3A_989, %dma_start3A, %dma_start3A_1764] : memref<365x48x1024xf32, #tpu.memory_space<hbm>> -> memref<1x48x1024xf32, #tpu.memory_space<hbm>>
      %dma_start3A_1766 = arith.constant 0 : i32
      %dma_start3A_1767 = arith.constant 0 : i32
      %dma_start3A_1768 = tpu.memref_slice %arg2[%shift_right_logical3A_989, %dma_start3A_1766, %dma_start3A_1767] : memref<365x48x1024xf32, #tpu.memory_space<hbm>> -> memref<1x48x1024xf32, #tpu.memory_space<hbm>>
      tpu.enqueue_dma source(%dma_start3A_1768 : memref<1x48x1024xf32, #tpu.memory_space<hbm>>) target(%arg6 : memref<1x48x1024xf32, #tpu.memory_space<vmem>>) target_semaphore(%arg8 : memref<!tpu.dma_semaphore, #tpu.memory_space<semaphore_mem>>)
    } else {
    }
    %eq3A_1005 = arith.constant 0 : i32
    %eq3A_1006 = arith.cmpi eq, %rem3A_998, %eq3A_1005 : i32
    %and3A_1007 = arith.andi %ne3A_992, %eq3A_1006 : i1
    %convert_element_type3A_1008 = arith.extui %and3A_1007 : i1 to i32
    %cond3A_1009 = arith.constant 0 : i32
    %cond3A_1010 = arith.cmpi ne, %convert_element_type3A_1008, %cond3A_1009 : i32
    scf.if %cond3A_1010 {
      %dma_wait3A_1764 = arith.constant 0 : i32
      %dma_wait3A_1765 = arith.constant 0 : i32
      %dma_wait3A_1766 = tpu.memref_slice %arg2[%shift_right_logical3A_989, %dma_wait3A_1764, %dma_wait3A_1765] : memref<365x48x1024xf32, #tpu.memory_space<hbm>> -> memref<1x48x1024xf32, #tpu.memory_space<hbm>>
      %dma_wait3A_1767 = arith.constant 0 : i32
      %dma_wait3A_1768 = arith.constant 0 : i32
      %dma_wait3A_1769 = tpu.memref_slice %arg2[%shift_right_logical3A_989, %dma_wait3A_1767, %dma_wait3A_1768] : memref<365x48x1024xf32, #tpu.memory_space<hbm>> -> memref<1x48x1024xf32, #tpu.memory_space<hbm>>
      tpu.wait_dma2 semaphore(%arg8 : memref<!tpu.dma_semaphore, #tpu.memory_space<semaphore_mem>>) src(%dma_wait3A_1769 : memref<1x48x1024xf32, #tpu.memory_space<hbm>>) dst(%arg6 : memref<1x48x1024xf32, #tpu.memory_space<vmem>>)
    } else {
    }
    %eq3A_1011 = arith.constant 0 : i32
    %eq3A_1012 = arith.cmpi eq, %rem3A_998, %eq3A_1011 : i32
    %convert_element_type3A_1013 = arith.extui %eq3A_1012 : i1 to i32
    %cond3A_1014 = arith.constant 0 : i32
    %cond3A_1015 = arith.cmpi ne, %convert_element_type3A_1013, %cond3A_1014 : i32
    scf.if %cond3A_1015 {
      %dma_start3A = arith.constant 0 : i32
      %dma_start3A_1764 = arith.constant 0 : i32
      %dma_start3A_1765 = tpu.memref_slice %arg4[%and3A_991, %dma_start3A, %dma_start3A_1764] : memref<1024x48x1024xf32, #tpu.memory_space<hbm>> -> memref<1x48x1024xf32, #tpu.memory_space<hbm>>
      %dma_start3A_1766 = arith.constant 0 : i32
      %dma_start3A_1767 = arith.constant 0 : i32
      %dma_start3A_1768 = tpu.memref_slice %arg4[%and3A_991, %dma_start3A_1766, %dma_start3A_1767] : memref<1024x48x1024xf32, #tpu.memory_space<hbm>> -> memref<1x48x1024xf32, #tpu.memory_space<hbm>>
      tpu.enqueue_dma source(%arg6 : memref<1x48x1024xf32, #tpu.memory_space<vmem>>) target(%dma_start3A_1768 : memref<1x48x1024xf32, #tpu.memory_space<hbm>>) target_semaphore(%arg10 : memref<!tpu.dma_semaphore, #tpu.memory_space<semaphore_mem>>)
    } else {
    }
    %eq3A_1016 = arith.constant 1 : i32
    %eq3A_1017 = arith.cmpi eq, %rem3A_998, %eq3A_1016 : i32
    %and3A_1018 = arith.andi %ne3A_992, %eq3A_1017 : i1
    %convert_element_type3A_1019 = arith.extui %and3A_1018 : i1 to i32
    %cond3A_1020 = arith.constant 0 : i32
    %cond3A_1021 = arith.cmpi ne, %convert_element_type3A_1019, %cond3A_1020 : i32
    scf.if %cond3A_1021 {
      %dma_start3A = arith.constant 0 : i32
      %dma_start3A_1764 = arith.constant 0 : i32
      %dma_start3A_1765 = tpu.memref_slice %arg2[%shift_right_logical3A_989, %dma_start3A, %dma_start3A_1764] : memref<365x48x1024xf32, #tpu.memory_space<hbm>> -> memref<1x48x1024xf32, #tpu.memory_space<hbm>>
      %dma_start3A_1766 = arith.constant 0 : i32
      %dma_start3A_1767 = arith.constant 0 : i32
      %dma_start3A_1768 = tpu.memref_slice %arg2[%shift_right_logical3A_989, %dma_start3A_1766, %dma_start3A_1767] : memref<365x48x1024xf32, #tpu.memory_space<hbm>> -> memref<1x48x1024xf32, #tpu.memory_space<hbm>>
      tpu.enqueue_dma source(%dma_start3A_1768 : memref<1x48x1024xf32, #tpu.memory_space<hbm>>) target(%arg7 : memref<1x48x1024xf32, #tpu.memory_space<vmem>>) target_semaphore(%arg9 : memref<!tpu.dma_semaphore, #tpu.memory_space<semaphore_mem>>)
    } else {
    }
    %eq3A_1022 = arith.constant 1 : i32
    %eq3A_1023 = arith.cmpi eq, %rem3A_998, %eq3A_1022 : i32
    %and3A_1024 = arith.andi %ne3A_992, %eq3A_1023 : i1
    %convert_element_type3A_1025 = arith.extui %and3A_1024 : i1 to i32
    %cond3A_1026 = arith.constant 0 : i32
    %cond3A_1027 = arith.cmpi ne, %convert_element_type3A_1025, %cond3A_1026 : i32
    scf.if %cond3A_1027 {
      %dma_wait3A_1764 = arith.constant 0 : i32
      %dma_wait3A_1765 = arith.constant 0 : i32
      %dma_wait3A_1766 = tpu.memref_slice %arg2[%shift_right_logical3A_989, %dma_wait3A_1764, %dma_wait3A_1765] : memref<365x48x1024xf32, #tpu.memory_space<hbm>> -> memref<1x48x1024xf32, #tpu.memory_space<hbm>>
      %dma_wait3A_1767 = arith.constant 0 : i32
      %dma_wait3A_1768 = arith.constant 0 : i32
      %dma_wait3A_1769 = tpu.memref_slice %arg2[%shift_right_logical3A_989, %dma_wait3A_1767, %dma_wait3A_1768] : memref<365x48x1024xf32, #tpu.memory_space<hbm>> -> memref<1x48x1024xf32, #tpu.memory_space<hbm>>
      tpu.wait_dma2 semaphore(%arg9 : memref<!tpu.dma_semaphore, #tpu.memory_space<semaphore_mem>>) src(%dma_wait3A_1769 : memref<1x48x1024xf32, #tpu.memory_space<hbm>>) dst(%arg7 : memref<1x48x1024xf32, #tpu.memory_space<vmem>>)
    } else {
    }
    %eq3A_1028 = arith.constant 1 : i32
    %eq3A_1029 = arith.cmpi eq, %rem3A_998, %eq3A_1028 : i32
    %convert_element_type3A_1030 = arith.extui %eq3A_1029 : i1 to i32
    %cond3A_1031 = arith.constant 0 : i32
    %cond3A_1032 = arith.cmpi ne, %convert_element_type3A_1030, %cond3A_1031 : i32
    scf.if %cond3A_1032 {
      %dma_start3A = arith.constant 0 : i32
      %dma_start3A_1764 = arith.constant 0 : i32
      %dma_start3A_1765 = tpu.memref_slice %arg4[%and3A_991, %dma_start3A, %dma_start3A_1764] : memref<1024x48x1024xf32, #tpu.memory_space<hbm>> -> memref<1x48x1024xf32, #tpu.memory_space<hbm>>
      %dma_start3A_1766 = arith.constant 0 : i32
      %dma_start3A_1767 = arith.constant 0 : i32
      %dma_start3A_1768 = tpu.memref_slice %arg4[%and3A_991, %dma_start3A_1766, %dma_start3A_1767] : memref<1024x48x1024xf32, #tpu.memory_space<hbm>> -> memref<1x48x1024xf32, #tpu.memory_space<hbm>>
      tpu.enqueue_dma source(%arg7 : memref<1x48x1024xf32, #tpu.memory_space<vmem>>) target(%dma_start3A_1768 : memref<1x48x1024xf32, #tpu.memory_space<hbm>>) target_semaphore(%arg10 : memref<!tpu.dma_semaphore, #tpu.memory_space<semaphore_mem>>)
    } else {
    }
    %dma_wait3A_1033 = arith.constant 0 : i32
    %dma_wait3A_1034 = arith.constant 0 : i32
    %dma_wait3A_1035 = arith.constant 0 : i32
    %dma_wait3A_1036 = tpu.memref_slice %arg4[%dma_wait3A_1033, %dma_wait3A_1034, %dma_wait3A_1035] : memref<1024x48x1024xf32, #tpu.memory_space<hbm>> -> memref<1x48x1024xf32, #tpu.memory_space<hbm>>
    %dma_wait3A_1037 = arith.constant 0 : i32
    %dma_wait3A_1038 = arith.constant 0 : i32
    %dma_wait3A_1039 = arith.constant 0 : i32
    %dma_wait3A_1040 = tpu.memref_slice %arg4[%dma_wait3A_1037, %dma_wait3A_1038, %dma_wait3A_1039] : memref<1024x48x1024xf32, #tpu.memory_space<hbm>> -> memref<1x48x1024xf32, #tpu.memory_space<hbm>>
    tpu.wait_dma2 semaphore(%arg11 : memref<!tpu.dma_semaphore, #tpu.memory_space<semaphore_mem>>) src(%arg6 : memref<1x48x1024xf32, #tpu.memory_space<vmem>>) dst(%dma_wait3A_1040 : memref<1x48x1024xf32, #tpu.memory_space<hbm>>)
    %slice3A_1041 = vector.extract_strided_slice %get3A_7 {offsets = [3], sizes = [1], strides = [1]} : vector<16xi32> to vector<1xi32>
    %squeeze3A_1042 = vector.extract %slice3A_1041[0] : i32 from vector<1xi32>
    %shift_right_logical3A_1043 = arith.constant 10 : i32
    %shift_right_logical3A_1044 = arith.shrui %squeeze3A_1042, %shift_right_logical3A_1043 : i32
    %and3A_1045 = arith.constant 1023 : i32
    %and3A_1046 = arith.andi %squeeze3A_1042, %and3A_1045 : i32
    %ne3A_1047 = arith.cmpi ne, %shift_right_logical3A_1044, %shift_right_logical3A_989 : i32
    %convert_element_type3A_1048 = arith.extui %ne3A_1047 : i1 to i32
    %add3A_1049 = arith.addi %add3A_994, %convert_element_type3A_1048 : i32
    %sub3A_1050 = arith.constant 1 : i32
    %sub3A_1051 = arith.subi %add3A_1049, %sub3A_1050 : i32
    %rem3A_1052 = arith.constant 2 : i32
    %rem3A_1053 = arith.remsi %sub3A_1051, %rem3A_1052 : i32
    %eq3A_1054 = arith.constant 0 : i32
    %eq3A_1055 = arith.cmpi eq, %rem3A_1053, %eq3A_1054 : i32
    %and3A_1056 = arith.andi %ne3A_1047, %eq3A_1055 : i1
    %convert_element_type3A_1057 = arith.extui %and3A_1056 : i1 to i32
    %cond3A_1058 = arith.constant 0 : i32
    %cond3A_1059 = arith.cmpi ne, %convert_element_type3A_1057, %cond3A_1058 : i32
    scf.if %cond3A_1059 {
      %dma_start3A = arith.constant 0 : i32
      %dma_start3A_1764 = arith.constant 0 : i32
      %dma_start3A_1765 = tpu.memref_slice %arg2[%shift_right_logical3A_1044, %dma_start3A, %dma_start3A_1764] : memref<365x48x1024xf32, #tpu.memory_space<hbm>> -> memref<1x48x1024xf32, #tpu.memory_space<hbm>>
      %dma_start3A_1766 = arith.constant 0 : i32
      %dma_start3A_1767 = arith.constant 0 : i32
      %dma_start3A_1768 = tpu.memref_slice %arg2[%shift_right_logical3A_1044, %dma_start3A_1766, %dma_start3A_1767] : memref<365x48x1024xf32, #tpu.memory_space<hbm>> -> memref<1x48x1024xf32, #tpu.memory_space<hbm>>
      tpu.enqueue_dma source(%dma_start3A_1768 : memref<1x48x1024xf32, #tpu.memory_space<hbm>>) target(%arg6 : memref<1x48x1024xf32, #tpu.memory_space<vmem>>) target_semaphore(%arg8 : memref<!tpu.dma_semaphore, #tpu.memory_space<semaphore_mem>>)
    } else {
    }
    %eq3A_1060 = arith.constant 0 : i32
    %eq3A_1061 = arith.cmpi eq, %rem3A_1053, %eq3A_1060 : i32
    %and3A_1062 = arith.andi %ne3A_1047, %eq3A_1061 : i1
    %convert_element_type3A_1063 = arith.extui %and3A_1062 : i1 to i32
    %cond3A_1064 = arith.constant 0 : i32
    %cond3A_1065 = arith.cmpi ne, %convert_element_type3A_1063, %cond3A_1064 : i32
    scf.if %cond3A_1065 {
      %dma_wait3A_1764 = arith.constant 0 : i32
      %dma_wait3A_1765 = arith.constant 0 : i32
      %dma_wait3A_1766 = tpu.memref_slice %arg2[%shift_right_logical3A_1044, %dma_wait3A_1764, %dma_wait3A_1765] : memref<365x48x1024xf32, #tpu.memory_space<hbm>> -> memref<1x48x1024xf32, #tpu.memory_space<hbm>>
      %dma_wait3A_1767 = arith.constant 0 : i32
      %dma_wait3A_1768 = arith.constant 0 : i32
      %dma_wait3A_1769 = tpu.memref_slice %arg2[%shift_right_logical3A_1044, %dma_wait3A_1767, %dma_wait3A_1768] : memref<365x48x1024xf32, #tpu.memory_space<hbm>> -> memref<1x48x1024xf32, #tpu.memory_space<hbm>>
      tpu.wait_dma2 semaphore(%arg8 : memref<!tpu.dma_semaphore, #tpu.memory_space<semaphore_mem>>) src(%dma_wait3A_1769 : memref<1x48x1024xf32, #tpu.memory_space<hbm>>) dst(%arg6 : memref<1x48x1024xf32, #tpu.memory_space<vmem>>)
    } else {
    }
    %eq3A_1066 = arith.constant 0 : i32
    %eq3A_1067 = arith.cmpi eq, %rem3A_1053, %eq3A_1066 : i32
    %convert_element_type3A_1068 = arith.extui %eq3A_1067 : i1 to i32
    %cond3A_1069 = arith.constant 0 : i32
    %cond3A_1070 = arith.cmpi ne, %convert_element_type3A_1068, %cond3A_1069 : i32
    scf.if %cond3A_1070 {
      %dma_start3A = arith.constant 0 : i32
      %dma_start3A_1764 = arith.constant 0 : i32
      %dma_start3A_1765 = tpu.memref_slice %arg4[%and3A_1046, %dma_start3A, %dma_start3A_1764] : memref<1024x48x1024xf32, #tpu.memory_space<hbm>> -> memref<1x48x1024xf32, #tpu.memory_space<hbm>>
      %dma_start3A_1766 = arith.constant 0 : i32
      %dma_start3A_1767 = arith.constant 0 : i32
      %dma_start3A_1768 = tpu.memref_slice %arg4[%and3A_1046, %dma_start3A_1766, %dma_start3A_1767] : memref<1024x48x1024xf32, #tpu.memory_space<hbm>> -> memref<1x48x1024xf32, #tpu.memory_space<hbm>>
      tpu.enqueue_dma source(%arg6 : memref<1x48x1024xf32, #tpu.memory_space<vmem>>) target(%dma_start3A_1768 : memref<1x48x1024xf32, #tpu.memory_space<hbm>>) target_semaphore(%arg11 : memref<!tpu.dma_semaphore, #tpu.memory_space<semaphore_mem>>)
    } else {
    }
    %eq3A_1071 = arith.constant 1 : i32
    %eq3A_1072 = arith.cmpi eq, %rem3A_1053, %eq3A_1071 : i32
    %and3A_1073 = arith.andi %ne3A_1047, %eq3A_1072 : i1
    %convert_element_type3A_1074 = arith.extui %and3A_1073 : i1 to i32
    %cond3A_1075 = arith.constant 0 : i32
    %cond3A_1076 = arith.cmpi ne, %convert_element_type3A_1074, %cond3A_1075 : i32
    scf.if %cond3A_1076 {
      %dma_start3A = arith.constant 0 : i32
      %dma_start3A_1764 = arith.constant 0 : i32
      %dma_start3A_1765 = tpu.memref_slice %arg2[%shift_right_logical3A_1044, %dma_start3A, %dma_start3A_1764] : memref<365x48x1024xf32, #tpu.memory_space<hbm>> -> memref<1x48x1024xf32, #tpu.memory_space<hbm>>
      %dma_start3A_1766 = arith.constant 0 : i32
      %dma_start3A_1767 = arith.constant 0 : i32
      %dma_start3A_1768 = tpu.memref_slice %arg2[%shift_right_logical3A_1044, %dma_start3A_1766, %dma_start3A_1767] : memref<365x48x1024xf32, #tpu.memory_space<hbm>> -> memref<1x48x1024xf32, #tpu.memory_space<hbm>>
      tpu.enqueue_dma source(%dma_start3A_1768 : memref<1x48x1024xf32, #tpu.memory_space<hbm>>) target(%arg7 : memref<1x48x1024xf32, #tpu.memory_space<vmem>>) target_semaphore(%arg9 : memref<!tpu.dma_semaphore, #tpu.memory_space<semaphore_mem>>)
    } else {
    }
    %eq3A_1077 = arith.constant 1 : i32
    %eq3A_1078 = arith.cmpi eq, %rem3A_1053, %eq3A_1077 : i32
    %and3A_1079 = arith.andi %ne3A_1047, %eq3A_1078 : i1
    %convert_element_type3A_1080 = arith.extui %and3A_1079 : i1 to i32
    %cond3A_1081 = arith.constant 0 : i32
    %cond3A_1082 = arith.cmpi ne, %convert_element_type3A_1080, %cond3A_1081 : i32
    scf.if %cond3A_1082 {
      %dma_wait3A_1764 = arith.constant 0 : i32
      %dma_wait3A_1765 = arith.constant 0 : i32
      %dma_wait3A_1766 = tpu.memref_slice %arg2[%shift_right_logical3A_1044, %dma_wait3A_1764, %dma_wait3A_1765] : memref<365x48x1024xf32, #tpu.memory_space<hbm>> -> memref<1x48x1024xf32, #tpu.memory_space<hbm>>
      %dma_wait3A_1767 = arith.constant 0 : i32
      %dma_wait3A_1768 = arith.constant 0 : i32
      %dma_wait3A_1769 = tpu.memref_slice %arg2[%shift_right_logical3A_1044, %dma_wait3A_1767, %dma_wait3A_1768] : memref<365x48x1024xf32, #tpu.memory_space<hbm>> -> memref<1x48x1024xf32, #tpu.memory_space<hbm>>
      tpu.wait_dma2 semaphore(%arg9 : memref<!tpu.dma_semaphore, #tpu.memory_space<semaphore_mem>>) src(%dma_wait3A_1769 : memref<1x48x1024xf32, #tpu.memory_space<hbm>>) dst(%arg7 : memref<1x48x1024xf32, #tpu.memory_space<vmem>>)
    } else {
    }
    %eq3A_1083 = arith.constant 1 : i32
    %eq3A_1084 = arith.cmpi eq, %rem3A_1053, %eq3A_1083 : i32
    %convert_element_type3A_1085 = arith.extui %eq3A_1084 : i1 to i32
    %cond3A_1086 = arith.constant 0 : i32
    %cond3A_1087 = arith.cmpi ne, %convert_element_type3A_1085, %cond3A_1086 : i32
    scf.if %cond3A_1087 {
      %dma_start3A = arith.constant 0 : i32
      %dma_start3A_1764 = arith.constant 0 : i32
      %dma_start3A_1765 = tpu.memref_slice %arg4[%and3A_1046, %dma_start3A, %dma_start3A_1764] : memref<1024x48x1024xf32, #tpu.memory_space<hbm>> -> memref<1x48x1024xf32, #tpu.memory_space<hbm>>
      %dma_start3A_1766 = arith.constant 0 : i32
      %dma_start3A_1767 = arith.constant 0 : i32
      %dma_start3A_1768 = tpu.memref_slice %arg4[%and3A_1046, %dma_start3A_1766, %dma_start3A_1767] : memref<1024x48x1024xf32, #tpu.memory_space<hbm>> -> memref<1x48x1024xf32, #tpu.memory_space<hbm>>
      tpu.enqueue_dma source(%arg7 : memref<1x48x1024xf32, #tpu.memory_space<vmem>>) target(%dma_start3A_1768 : memref<1x48x1024xf32, #tpu.memory_space<hbm>>) target_semaphore(%arg11 : memref<!tpu.dma_semaphore, #tpu.memory_space<semaphore_mem>>)
    } else {
    }
    %dma_wait3A_1088 = arith.constant 0 : i32
    %dma_wait3A_1089 = arith.constant 0 : i32
    %dma_wait3A_1090 = arith.constant 0 : i32
    %dma_wait3A_1091 = tpu.memref_slice %arg4[%dma_wait3A_1088, %dma_wait3A_1089, %dma_wait3A_1090] : memref<1024x48x1024xf32, #tpu.memory_space<hbm>> -> memref<1x48x1024xf32, #tpu.memory_space<hbm>>
    %dma_wait3A_1092 = arith.constant 0 : i32
    %dma_wait3A_1093 = arith.constant 0 : i32
    %dma_wait3A_1094 = arith.constant 0 : i32
    %dma_wait3A_1095 = tpu.memref_slice %arg4[%dma_wait3A_1092, %dma_wait3A_1093, %dma_wait3A_1094] : memref<1024x48x1024xf32, #tpu.memory_space<hbm>> -> memref<1x48x1024xf32, #tpu.memory_space<hbm>>
    tpu.wait_dma2 semaphore(%arg10 : memref<!tpu.dma_semaphore, #tpu.memory_space<semaphore_mem>>) src(%arg6 : memref<1x48x1024xf32, #tpu.memory_space<vmem>>) dst(%dma_wait3A_1095 : memref<1x48x1024xf32, #tpu.memory_space<hbm>>)
    %slice3A_1096 = vector.extract_strided_slice %get3A_7 {offsets = [4], sizes = [1], strides = [1]} : vector<16xi32> to vector<1xi32>
    %squeeze3A_1097 = vector.extract %slice3A_1096[0] : i32 from vector<1xi32>
    %shift_right_logical3A_1098 = arith.constant 10 : i32
    %shift_right_logical3A_1099 = arith.shrui %squeeze3A_1097, %shift_right_logical3A_1098 : i32
    %and3A_1100 = arith.constant 1023 : i32
    %and3A_1101 = arith.andi %squeeze3A_1097, %and3A_1100 : i32
    %ne3A_1102 = arith.cmpi ne, %shift_right_logical3A_1099, %shift_right_logical3A_1044 : i32
    %convert_element_type3A_1103 = arith.extui %ne3A_1102 : i1 to i32
    %add3A_1104 = arith.addi %add3A_1049, %convert_element_type3A_1103 : i32
    %sub3A_1105 = arith.constant 1 : i32
    %sub3A_1106 = arith.subi %add3A_1104, %sub3A_1105 : i32
    %rem3A_1107 = arith.constant 2 : i32
    %rem3A_1108 = arith.remsi %sub3A_1106, %rem3A_1107 : i32
    %eq3A_1109 = arith.constant 0 : i32
    %eq3A_1110 = arith.cmpi eq, %rem3A_1108, %eq3A_1109 : i32
    %and3A_1111 = arith.andi %ne3A_1102, %eq3A_1110 : i1
    %convert_element_type3A_1112 = arith.extui %and3A_1111 : i1 to i32
    %cond3A_1113 = arith.constant 0 : i32
    %cond3A_1114 = arith.cmpi ne, %convert_element_type3A_1112, %cond3A_1113 : i32
    scf.if %cond3A_1114 {
      %dma_start3A = arith.constant 0 : i32
      %dma_start3A_1764 = arith.constant 0 : i32
      %dma_start3A_1765 = tpu.memref_slice %arg2[%shift_right_logical3A_1099, %dma_start3A, %dma_start3A_1764] : memref<365x48x1024xf32, #tpu.memory_space<hbm>> -> memref<1x48x1024xf32, #tpu.memory_space<hbm>>
      %dma_start3A_1766 = arith.constant 0 : i32
      %dma_start3A_1767 = arith.constant 0 : i32
      %dma_start3A_1768 = tpu.memref_slice %arg2[%shift_right_logical3A_1099, %dma_start3A_1766, %dma_start3A_1767] : memref<365x48x1024xf32, #tpu.memory_space<hbm>> -> memref<1x48x1024xf32, #tpu.memory_space<hbm>>
      tpu.enqueue_dma source(%dma_start3A_1768 : memref<1x48x1024xf32, #tpu.memory_space<hbm>>) target(%arg6 : memref<1x48x1024xf32, #tpu.memory_space<vmem>>) target_semaphore(%arg8 : memref<!tpu.dma_semaphore, #tpu.memory_space<semaphore_mem>>)
    } else {
    }
    %eq3A_1115 = arith.constant 0 : i32
    %eq3A_1116 = arith.cmpi eq, %rem3A_1108, %eq3A_1115 : i32
    %and3A_1117 = arith.andi %ne3A_1102, %eq3A_1116 : i1
    %convert_element_type3A_1118 = arith.extui %and3A_1117 : i1 to i32
    %cond3A_1119 = arith.constant 0 : i32
    %cond3A_1120 = arith.cmpi ne, %convert_element_type3A_1118, %cond3A_1119 : i32
    scf.if %cond3A_1120 {
      %dma_wait3A_1764 = arith.constant 0 : i32
      %dma_wait3A_1765 = arith.constant 0 : i32
      %dma_wait3A_1766 = tpu.memref_slice %arg2[%shift_right_logical3A_1099, %dma_wait3A_1764, %dma_wait3A_1765] : memref<365x48x1024xf32, #tpu.memory_space<hbm>> -> memref<1x48x1024xf32, #tpu.memory_space<hbm>>
      %dma_wait3A_1767 = arith.constant 0 : i32
      %dma_wait3A_1768 = arith.constant 0 : i32
      %dma_wait3A_1769 = tpu.memref_slice %arg2[%shift_right_logical3A_1099, %dma_wait3A_1767, %dma_wait3A_1768] : memref<365x48x1024xf32, #tpu.memory_space<hbm>> -> memref<1x48x1024xf32, #tpu.memory_space<hbm>>
      tpu.wait_dma2 semaphore(%arg8 : memref<!tpu.dma_semaphore, #tpu.memory_space<semaphore_mem>>) src(%dma_wait3A_1769 : memref<1x48x1024xf32, #tpu.memory_space<hbm>>) dst(%arg6 : memref<1x48x1024xf32, #tpu.memory_space<vmem>>)
    } else {
    }
    %eq3A_1121 = arith.constant 0 : i32
    %eq3A_1122 = arith.cmpi eq, %rem3A_1108, %eq3A_1121 : i32
    %convert_element_type3A_1123 = arith.extui %eq3A_1122 : i1 to i32
    %cond3A_1124 = arith.constant 0 : i32
    %cond3A_1125 = arith.cmpi ne, %convert_element_type3A_1123, %cond3A_1124 : i32
    scf.if %cond3A_1125 {
      %dma_start3A = arith.constant 0 : i32
      %dma_start3A_1764 = arith.constant 0 : i32
      %dma_start3A_1765 = tpu.memref_slice %arg4[%and3A_1101, %dma_start3A, %dma_start3A_1764] : memref<1024x48x1024xf32, #tpu.memory_space<hbm>> -> memref<1x48x1024xf32, #tpu.memory_space<hbm>>
      %dma_start3A_1766 = arith.constant 0 : i32
      %dma_start3A_1767 = arith.constant 0 : i32
      %dma_start3A_1768 = tpu.memref_slice %arg4[%and3A_1101, %dma_start3A_1766, %dma_start3A_1767] : memref<1024x48x1024xf32, #tpu.memory_space<hbm>> -> memref<1x48x1024xf32, #tpu.memory_space<hbm>>
      tpu.enqueue_dma source(%arg6 : memref<1x48x1024xf32, #tpu.memory_space<vmem>>) target(%dma_start3A_1768 : memref<1x48x1024xf32, #tpu.memory_space<hbm>>) target_semaphore(%arg10 : memref<!tpu.dma_semaphore, #tpu.memory_space<semaphore_mem>>)
    } else {
    }
    %eq3A_1126 = arith.constant 1 : i32
    %eq3A_1127 = arith.cmpi eq, %rem3A_1108, %eq3A_1126 : i32
    %and3A_1128 = arith.andi %ne3A_1102, %eq3A_1127 : i1
    %convert_element_type3A_1129 = arith.extui %and3A_1128 : i1 to i32
    %cond3A_1130 = arith.constant 0 : i32
    %cond3A_1131 = arith.cmpi ne, %convert_element_type3A_1129, %cond3A_1130 : i32
    scf.if %cond3A_1131 {
      %dma_start3A = arith.constant 0 : i32
      %dma_start3A_1764 = arith.constant 0 : i32
      %dma_start3A_1765 = tpu.memref_slice %arg2[%shift_right_logical3A_1099, %dma_start3A, %dma_start3A_1764] : memref<365x48x1024xf32, #tpu.memory_space<hbm>> -> memref<1x48x1024xf32, #tpu.memory_space<hbm>>
      %dma_start3A_1766 = arith.constant 0 : i32
      %dma_start3A_1767 = arith.constant 0 : i32
      %dma_start3A_1768 = tpu.memref_slice %arg2[%shift_right_logical3A_1099, %dma_start3A_1766, %dma_start3A_1767] : memref<365x48x1024xf32, #tpu.memory_space<hbm>> -> memref<1x48x1024xf32, #tpu.memory_space<hbm>>
      tpu.enqueue_dma source(%dma_start3A_1768 : memref<1x48x1024xf32, #tpu.memory_space<hbm>>) target(%arg7 : memref<1x48x1024xf32, #tpu.memory_space<vmem>>) target_semaphore(%arg9 : memref<!tpu.dma_semaphore, #tpu.memory_space<semaphore_mem>>)
    } else {
    }
    %eq3A_1132 = arith.constant 1 : i32
    %eq3A_1133 = arith.cmpi eq, %rem3A_1108, %eq3A_1132 : i32
    %and3A_1134 = arith.andi %ne3A_1102, %eq3A_1133 : i1
    %convert_element_type3A_1135 = arith.extui %and3A_1134 : i1 to i32
    %cond3A_1136 = arith.constant 0 : i32
    %cond3A_1137 = arith.cmpi ne, %convert_element_type3A_1135, %cond3A_1136 : i32
    scf.if %cond3A_1137 {
      %dma_wait3A_1764 = arith.constant 0 : i32
      %dma_wait3A_1765 = arith.constant 0 : i32
      %dma_wait3A_1766 = tpu.memref_slice %arg2[%shift_right_logical3A_1099, %dma_wait3A_1764, %dma_wait3A_1765] : memref<365x48x1024xf32, #tpu.memory_space<hbm>> -> memref<1x48x1024xf32, #tpu.memory_space<hbm>>
      %dma_wait3A_1767 = arith.constant 0 : i32
      %dma_wait3A_1768 = arith.constant 0 : i32
      %dma_wait3A_1769 = tpu.memref_slice %arg2[%shift_right_logical3A_1099, %dma_wait3A_1767, %dma_wait3A_1768] : memref<365x48x1024xf32, #tpu.memory_space<hbm>> -> memref<1x48x1024xf32, #tpu.memory_space<hbm>>
      tpu.wait_dma2 semaphore(%arg9 : memref<!tpu.dma_semaphore, #tpu.memory_space<semaphore_mem>>) src(%dma_wait3A_1769 : memref<1x48x1024xf32, #tpu.memory_space<hbm>>) dst(%arg7 : memref<1x48x1024xf32, #tpu.memory_space<vmem>>)
    } else {
    }
    %eq3A_1138 = arith.constant 1 : i32
    %eq3A_1139 = arith.cmpi eq, %rem3A_1108, %eq3A_1138 : i32
    %convert_element_type3A_1140 = arith.extui %eq3A_1139 : i1 to i32
    %cond3A_1141 = arith.constant 0 : i32
    %cond3A_1142 = arith.cmpi ne, %convert_element_type3A_1140, %cond3A_1141 : i32
    scf.if %cond3A_1142 {
      %dma_start3A = arith.constant 0 : i32
      %dma_start3A_1764 = arith.constant 0 : i32
      %dma_start3A_1765 = tpu.memref_slice %arg4[%and3A_1101, %dma_start3A, %dma_start3A_1764] : memref<1024x48x1024xf32, #tpu.memory_space<hbm>> -> memref<1x48x1024xf32, #tpu.memory_space<hbm>>
      %dma_start3A_1766 = arith.constant 0 : i32
      %dma_start3A_1767 = arith.constant 0 : i32
      %dma_start3A_1768 = tpu.memref_slice %arg4[%and3A_1101, %dma_start3A_1766, %dma_start3A_1767] : memref<1024x48x1024xf32, #tpu.memory_space<hbm>> -> memref<1x48x1024xf32, #tpu.memory_space<hbm>>
      tpu.enqueue_dma source(%arg7 : memref<1x48x1024xf32, #tpu.memory_space<vmem>>) target(%dma_start3A_1768 : memref<1x48x1024xf32, #tpu.memory_space<hbm>>) target_semaphore(%arg10 : memref<!tpu.dma_semaphore, #tpu.memory_space<semaphore_mem>>)
    } else {
    }
    %dma_wait3A_1143 = arith.constant 0 : i32
    %dma_wait3A_1144 = arith.constant 0 : i32
    %dma_wait3A_1145 = arith.constant 0 : i32
    %dma_wait3A_1146 = tpu.memref_slice %arg4[%dma_wait3A_1143, %dma_wait3A_1144, %dma_wait3A_1145] : memref<1024x48x1024xf32, #tpu.memory_space<hbm>> -> memref<1x48x1024xf32, #tpu.memory_space<hbm>>
    %dma_wait3A_1147 = arith.constant 0 : i32
    %dma_wait3A_1148 = arith.constant 0 : i32
    %dma_wait3A_1149 = arith.constant 0 : i32
    %dma_wait3A_1150 = tpu.memref_slice %arg4[%dma_wait3A_1147, %dma_wait3A_1148, %dma_wait3A_1149] : memref<1024x48x1024xf32, #tpu.memory_space<hbm>> -> memref<1x48x1024xf32, #tpu.memory_space<hbm>>
    tpu.wait_dma2 semaphore(%arg11 : memref<!tpu.dma_semaphore, #tpu.memory_space<semaphore_mem>>) src(%arg6 : memref<1x48x1024xf32, #tpu.memory_space<vmem>>) dst(%dma_wait3A_1150 : memref<1x48x1024xf32, #tpu.memory_space<hbm>>)
    %slice3A_1151 = vector.extract_strided_slice %get3A_7 {offsets = [5], sizes = [1], strides = [1]} : vector<16xi32> to vector<1xi32>
    %squeeze3A_1152 = vector.extract %slice3A_1151[0] : i32 from vector<1xi32>
    %shift_right_logical3A_1153 = arith.constant 10 : i32
    %shift_right_logical3A_1154 = arith.shrui %squeeze3A_1152, %shift_right_logical3A_1153 : i32
    %and3A_1155 = arith.constant 1023 : i32
    %and3A_1156 = arith.andi %squeeze3A_1152, %and3A_1155 : i32
    %ne3A_1157 = arith.cmpi ne, %shift_right_logical3A_1154, %shift_right_logical3A_1099 : i32
    %convert_element_type3A_1158 = arith.extui %ne3A_1157 : i1 to i32
    %add3A_1159 = arith.addi %add3A_1104, %convert_element_type3A_1158 : i32
    %sub3A_1160 = arith.constant 1 : i32
    %sub3A_1161 = arith.subi %add3A_1159, %sub3A_1160 : i32
    %rem3A_1162 = arith.constant 2 : i32
    %rem3A_1163 = arith.remsi %sub3A_1161, %rem3A_1162 : i32
    %eq3A_1164 = arith.constant 0 : i32
    %eq3A_1165 = arith.cmpi eq, %rem3A_1163, %eq3A_1164 : i32
    %and3A_1166 = arith.andi %ne3A_1157, %eq3A_1165 : i1
    %convert_element_type3A_1167 = arith.extui %and3A_1166 : i1 to i32
    %cond3A_1168 = arith.constant 0 : i32
    %cond3A_1169 = arith.cmpi ne, %convert_element_type3A_1167, %cond3A_1168 : i32
    scf.if %cond3A_1169 {
      %dma_start3A = arith.constant 0 : i32
      %dma_start3A_1764 = arith.constant 0 : i32
      %dma_start3A_1765 = tpu.memref_slice %arg2[%shift_right_logical3A_1154, %dma_start3A, %dma_start3A_1764] : memref<365x48x1024xf32, #tpu.memory_space<hbm>> -> memref<1x48x1024xf32, #tpu.memory_space<hbm>>
      %dma_start3A_1766 = arith.constant 0 : i32
      %dma_start3A_1767 = arith.constant 0 : i32
      %dma_start3A_1768 = tpu.memref_slice %arg2[%shift_right_logical3A_1154, %dma_start3A_1766, %dma_start3A_1767] : memref<365x48x1024xf32, #tpu.memory_space<hbm>> -> memref<1x48x1024xf32, #tpu.memory_space<hbm>>
      tpu.enqueue_dma source(%dma_start3A_1768 : memref<1x48x1024xf32, #tpu.memory_space<hbm>>) target(%arg6 : memref<1x48x1024xf32, #tpu.memory_space<vmem>>) target_semaphore(%arg8 : memref<!tpu.dma_semaphore, #tpu.memory_space<semaphore_mem>>)
    } else {
    }
    %eq3A_1170 = arith.constant 0 : i32
    %eq3A_1171 = arith.cmpi eq, %rem3A_1163, %eq3A_1170 : i32
    %and3A_1172 = arith.andi %ne3A_1157, %eq3A_1171 : i1
    %convert_element_type3A_1173 = arith.extui %and3A_1172 : i1 to i32
    %cond3A_1174 = arith.constant 0 : i32
    %cond3A_1175 = arith.cmpi ne, %convert_element_type3A_1173, %cond3A_1174 : i32
    scf.if %cond3A_1175 {
      %dma_wait3A_1764 = arith.constant 0 : i32
      %dma_wait3A_1765 = arith.constant 0 : i32
      %dma_wait3A_1766 = tpu.memref_slice %arg2[%shift_right_logical3A_1154, %dma_wait3A_1764, %dma_wait3A_1765] : memref<365x48x1024xf32, #tpu.memory_space<hbm>> -> memref<1x48x1024xf32, #tpu.memory_space<hbm>>
      %dma_wait3A_1767 = arith.constant 0 : i32
      %dma_wait3A_1768 = arith.constant 0 : i32
      %dma_wait3A_1769 = tpu.memref_slice %arg2[%shift_right_logical3A_1154, %dma_wait3A_1767, %dma_wait3A_1768] : memref<365x48x1024xf32, #tpu.memory_space<hbm>> -> memref<1x48x1024xf32, #tpu.memory_space<hbm>>
      tpu.wait_dma2 semaphore(%arg8 : memref<!tpu.dma_semaphore, #tpu.memory_space<semaphore_mem>>) src(%dma_wait3A_1769 : memref<1x48x1024xf32, #tpu.memory_space<hbm>>) dst(%arg6 : memref<1x48x1024xf32, #tpu.memory_space<vmem>>)
    } else {
    }
    %eq3A_1176 = arith.constant 0 : i32
    %eq3A_1177 = arith.cmpi eq, %rem3A_1163, %eq3A_1176 : i32
    %convert_element_type3A_1178 = arith.extui %eq3A_1177 : i1 to i32
    %cond3A_1179 = arith.constant 0 : i32
    %cond3A_1180 = arith.cmpi ne, %convert_element_type3A_1178, %cond3A_1179 : i32
    scf.if %cond3A_1180 {
      %dma_start3A = arith.constant 0 : i32
      %dma_start3A_1764 = arith.constant 0 : i32
      %dma_start3A_1765 = tpu.memref_slice %arg4[%and3A_1156, %dma_start3A, %dma_start3A_1764] : memref<1024x48x1024xf32, #tpu.memory_space<hbm>> -> memref<1x48x1024xf32, #tpu.memory_space<hbm>>
      %dma_start3A_1766 = arith.constant 0 : i32
      %dma_start3A_1767 = arith.constant 0 : i32
      %dma_start3A_1768 = tpu.memref_slice %arg4[%and3A_1156, %dma_start3A_1766, %dma_start3A_1767] : memref<1024x48x1024xf32, #tpu.memory_space<hbm>> -> memref<1x48x1024xf32, #tpu.memory_space<hbm>>
      tpu.enqueue_dma source(%arg6 : memref<1x48x1024xf32, #tpu.memory_space<vmem>>) target(%dma_start3A_1768 : memref<1x48x1024xf32, #tpu.memory_space<hbm>>) target_semaphore(%arg11 : memref<!tpu.dma_semaphore, #tpu.memory_space<semaphore_mem>>)
    } else {
    }
    %eq3A_1181 = arith.constant 1 : i32
    %eq3A_1182 = arith.cmpi eq, %rem3A_1163, %eq3A_1181 : i32
    %and3A_1183 = arith.andi %ne3A_1157, %eq3A_1182 : i1
    %convert_element_type3A_1184 = arith.extui %and3A_1183 : i1 to i32
    %cond3A_1185 = arith.constant 0 : i32
    %cond3A_1186 = arith.cmpi ne, %convert_element_type3A_1184, %cond3A_1185 : i32
    scf.if %cond3A_1186 {
      %dma_start3A = arith.constant 0 : i32
      %dma_start3A_1764 = arith.constant 0 : i32
      %dma_start3A_1765 = tpu.memref_slice %arg2[%shift_right_logical3A_1154, %dma_start3A, %dma_start3A_1764] : memref<365x48x1024xf32, #tpu.memory_space<hbm>> -> memref<1x48x1024xf32, #tpu.memory_space<hbm>>
      %dma_start3A_1766 = arith.constant 0 : i32
      %dma_start3A_1767 = arith.constant 0 : i32
      %dma_start3A_1768 = tpu.memref_slice %arg2[%shift_right_logical3A_1154, %dma_start3A_1766, %dma_start3A_1767] : memref<365x48x1024xf32, #tpu.memory_space<hbm>> -> memref<1x48x1024xf32, #tpu.memory_space<hbm>>
      tpu.enqueue_dma source(%dma_start3A_1768 : memref<1x48x1024xf32, #tpu.memory_space<hbm>>) target(%arg7 : memref<1x48x1024xf32, #tpu.memory_space<vmem>>) target_semaphore(%arg9 : memref<!tpu.dma_semaphore, #tpu.memory_space<semaphore_mem>>)
    } else {
    }
    %eq3A_1187 = arith.constant 1 : i32
    %eq3A_1188 = arith.cmpi eq, %rem3A_1163, %eq3A_1187 : i32
    %and3A_1189 = arith.andi %ne3A_1157, %eq3A_1188 : i1
    %convert_element_type3A_1190 = arith.extui %and3A_1189 : i1 to i32
    %cond3A_1191 = arith.constant 0 : i32
    %cond3A_1192 = arith.cmpi ne, %convert_element_type3A_1190, %cond3A_1191 : i32
    scf.if %cond3A_1192 {
      %dma_wait3A_1764 = arith.constant 0 : i32
      %dma_wait3A_1765 = arith.constant 0 : i32
      %dma_wait3A_1766 = tpu.memref_slice %arg2[%shift_right_logical3A_1154, %dma_wait3A_1764, %dma_wait3A_1765] : memref<365x48x1024xf32, #tpu.memory_space<hbm>> -> memref<1x48x1024xf32, #tpu.memory_space<hbm>>
      %dma_wait3A_1767 = arith.constant 0 : i32
      %dma_wait3A_1768 = arith.constant 0 : i32
      %dma_wait3A_1769 = tpu.memref_slice %arg2[%shift_right_logical3A_1154, %dma_wait3A_1767, %dma_wait3A_1768] : memref<365x48x1024xf32, #tpu.memory_space<hbm>> -> memref<1x48x1024xf32, #tpu.memory_space<hbm>>
      tpu.wait_dma2 semaphore(%arg9 : memref<!tpu.dma_semaphore, #tpu.memory_space<semaphore_mem>>) src(%dma_wait3A_1769 : memref<1x48x1024xf32, #tpu.memory_space<hbm>>) dst(%arg7 : memref<1x48x1024xf32, #tpu.memory_space<vmem>>)
    } else {
    }
    %eq3A_1193 = arith.constant 1 : i32
    %eq3A_1194 = arith.cmpi eq, %rem3A_1163, %eq3A_1193 : i32
    %convert_element_type3A_1195 = arith.extui %eq3A_1194 : i1 to i32
    %cond3A_1196 = arith.constant 0 : i32
    %cond3A_1197 = arith.cmpi ne, %convert_element_type3A_1195, %cond3A_1196 : i32
    scf.if %cond3A_1197 {
      %dma_start3A = arith.constant 0 : i32
      %dma_start3A_1764 = arith.constant 0 : i32
      %dma_start3A_1765 = tpu.memref_slice %arg4[%and3A_1156, %dma_start3A, %dma_start3A_1764] : memref<1024x48x1024xf32, #tpu.memory_space<hbm>> -> memref<1x48x1024xf32, #tpu.memory_space<hbm>>
      %dma_start3A_1766 = arith.constant 0 : i32
      %dma_start3A_1767 = arith.constant 0 : i32
      %dma_start3A_1768 = tpu.memref_slice %arg4[%and3A_1156, %dma_start3A_1766, %dma_start3A_1767] : memref<1024x48x1024xf32, #tpu.memory_space<hbm>> -> memref<1x48x1024xf32, #tpu.memory_space<hbm>>
      tpu.enqueue_dma source(%arg7 : memref<1x48x1024xf32, #tpu.memory_space<vmem>>) target(%dma_start3A_1768 : memref<1x48x1024xf32, #tpu.memory_space<hbm>>) target_semaphore(%arg11 : memref<!tpu.dma_semaphore, #tpu.memory_space<semaphore_mem>>)
    } else {
    }
    %dma_wait3A_1198 = arith.constant 0 : i32
    %dma_wait3A_1199 = arith.constant 0 : i32
    %dma_wait3A_1200 = arith.constant 0 : i32
    %dma_wait3A_1201 = tpu.memref_slice %arg4[%dma_wait3A_1198, %dma_wait3A_1199, %dma_wait3A_1200] : memref<1024x48x1024xf32, #tpu.memory_space<hbm>> -> memref<1x48x1024xf32, #tpu.memory_space<hbm>>
    %dma_wait3A_1202 = arith.constant 0 : i32
    %dma_wait3A_1203 = arith.constant 0 : i32
    %dma_wait3A_1204 = arith.constant 0 : i32
    %dma_wait3A_1205 = tpu.memref_slice %arg4[%dma_wait3A_1202, %dma_wait3A_1203, %dma_wait3A_1204] : memref<1024x48x1024xf32, #tpu.memory_space<hbm>> -> memref<1x48x1024xf32, #tpu.memory_space<hbm>>
    tpu.wait_dma2 semaphore(%arg10 : memref<!tpu.dma_semaphore, #tpu.memory_space<semaphore_mem>>) src(%arg6 : memref<1x48x1024xf32, #tpu.memory_space<vmem>>) dst(%dma_wait3A_1205 : memref<1x48x1024xf32, #tpu.memory_space<hbm>>)
    %slice3A_1206 = vector.extract_strided_slice %get3A_7 {offsets = [6], sizes = [1], strides = [1]} : vector<16xi32> to vector<1xi32>
    %squeeze3A_1207 = vector.extract %slice3A_1206[0] : i32 from vector<1xi32>
    %shift_right_logical3A_1208 = arith.constant 10 : i32
    %shift_right_logical3A_1209 = arith.shrui %squeeze3A_1207, %shift_right_logical3A_1208 : i32
    %and3A_1210 = arith.constant 1023 : i32
    %and3A_1211 = arith.andi %squeeze3A_1207, %and3A_1210 : i32
    %ne3A_1212 = arith.cmpi ne, %shift_right_logical3A_1209, %shift_right_logical3A_1154 : i32
    %convert_element_type3A_1213 = arith.extui %ne3A_1212 : i1 to i32
    %add3A_1214 = arith.addi %add3A_1159, %convert_element_type3A_1213 : i32
    %sub3A_1215 = arith.constant 1 : i32
    %sub3A_1216 = arith.subi %add3A_1214, %sub3A_1215 : i32
    %rem3A_1217 = arith.constant 2 : i32
    %rem3A_1218 = arith.remsi %sub3A_1216, %rem3A_1217 : i32
    %eq3A_1219 = arith.constant 0 : i32
    %eq3A_1220 = arith.cmpi eq, %rem3A_1218, %eq3A_1219 : i32
    %and3A_1221 = arith.andi %ne3A_1212, %eq3A_1220 : i1
    %convert_element_type3A_1222 = arith.extui %and3A_1221 : i1 to i32
    %cond3A_1223 = arith.constant 0 : i32
    %cond3A_1224 = arith.cmpi ne, %convert_element_type3A_1222, %cond3A_1223 : i32
    scf.if %cond3A_1224 {
      %dma_start3A = arith.constant 0 : i32
      %dma_start3A_1764 = arith.constant 0 : i32
      %dma_start3A_1765 = tpu.memref_slice %arg2[%shift_right_logical3A_1209, %dma_start3A, %dma_start3A_1764] : memref<365x48x1024xf32, #tpu.memory_space<hbm>> -> memref<1x48x1024xf32, #tpu.memory_space<hbm>>
      %dma_start3A_1766 = arith.constant 0 : i32
      %dma_start3A_1767 = arith.constant 0 : i32
      %dma_start3A_1768 = tpu.memref_slice %arg2[%shift_right_logical3A_1209, %dma_start3A_1766, %dma_start3A_1767] : memref<365x48x1024xf32, #tpu.memory_space<hbm>> -> memref<1x48x1024xf32, #tpu.memory_space<hbm>>
      tpu.enqueue_dma source(%dma_start3A_1768 : memref<1x48x1024xf32, #tpu.memory_space<hbm>>) target(%arg6 : memref<1x48x1024xf32, #tpu.memory_space<vmem>>) target_semaphore(%arg8 : memref<!tpu.dma_semaphore, #tpu.memory_space<semaphore_mem>>)
    } else {
    }
    %eq3A_1225 = arith.constant 0 : i32
    %eq3A_1226 = arith.cmpi eq, %rem3A_1218, %eq3A_1225 : i32
    %and3A_1227 = arith.andi %ne3A_1212, %eq3A_1226 : i1
    %convert_element_type3A_1228 = arith.extui %and3A_1227 : i1 to i32
    %cond3A_1229 = arith.constant 0 : i32
    %cond3A_1230 = arith.cmpi ne, %convert_element_type3A_1228, %cond3A_1229 : i32
    scf.if %cond3A_1230 {
      %dma_wait3A_1764 = arith.constant 0 : i32
      %dma_wait3A_1765 = arith.constant 0 : i32
      %dma_wait3A_1766 = tpu.memref_slice %arg2[%shift_right_logical3A_1209, %dma_wait3A_1764, %dma_wait3A_1765] : memref<365x48x1024xf32, #tpu.memory_space<hbm>> -> memref<1x48x1024xf32, #tpu.memory_space<hbm>>
      %dma_wait3A_1767 = arith.constant 0 : i32
      %dma_wait3A_1768 = arith.constant 0 : i32
      %dma_wait3A_1769 = tpu.memref_slice %arg2[%shift_right_logical3A_1209, %dma_wait3A_1767, %dma_wait3A_1768] : memref<365x48x1024xf32, #tpu.memory_space<hbm>> -> memref<1x48x1024xf32, #tpu.memory_space<hbm>>
      tpu.wait_dma2 semaphore(%arg8 : memref<!tpu.dma_semaphore, #tpu.memory_space<semaphore_mem>>) src(%dma_wait3A_1769 : memref<1x48x1024xf32, #tpu.memory_space<hbm>>) dst(%arg6 : memref<1x48x1024xf32, #tpu.memory_space<vmem>>)
    } else {
    }
    %eq3A_1231 = arith.constant 0 : i32
    %eq3A_1232 = arith.cmpi eq, %rem3A_1218, %eq3A_1231 : i32
    %convert_element_type3A_1233 = arith.extui %eq3A_1232 : i1 to i32
    %cond3A_1234 = arith.constant 0 : i32
    %cond3A_1235 = arith.cmpi ne, %convert_element_type3A_1233, %cond3A_1234 : i32
    scf.if %cond3A_1235 {
      %dma_start3A = arith.constant 0 : i32
      %dma_start3A_1764 = arith.constant 0 : i32
      %dma_start3A_1765 = tpu.memref_slice %arg4[%and3A_1211, %dma_start3A, %dma_start3A_1764] : memref<1024x48x1024xf32, #tpu.memory_space<hbm>> -> memref<1x48x1024xf32, #tpu.memory_space<hbm>>
      %dma_start3A_1766 = arith.constant 0 : i32
      %dma_start3A_1767 = arith.constant 0 : i32
      %dma_start3A_1768 = tpu.memref_slice %arg4[%and3A_1211, %dma_start3A_1766, %dma_start3A_1767] : memref<1024x48x1024xf32, #tpu.memory_space<hbm>> -> memref<1x48x1024xf32, #tpu.memory_space<hbm>>
      tpu.enqueue_dma source(%arg6 : memref<1x48x1024xf32, #tpu.memory_space<vmem>>) target(%dma_start3A_1768 : memref<1x48x1024xf32, #tpu.memory_space<hbm>>) target_semaphore(%arg10 : memref<!tpu.dma_semaphore, #tpu.memory_space<semaphore_mem>>)
    } else {
    }
    %eq3A_1236 = arith.constant 1 : i32
    %eq3A_1237 = arith.cmpi eq, %rem3A_1218, %eq3A_1236 : i32
    %and3A_1238 = arith.andi %ne3A_1212, %eq3A_1237 : i1
    %convert_element_type3A_1239 = arith.extui %and3A_1238 : i1 to i32
    %cond3A_1240 = arith.constant 0 : i32
    %cond3A_1241 = arith.cmpi ne, %convert_element_type3A_1239, %cond3A_1240 : i32
    scf.if %cond3A_1241 {
      %dma_start3A = arith.constant 0 : i32
      %dma_start3A_1764 = arith.constant 0 : i32
      %dma_start3A_1765 = tpu.memref_slice %arg2[%shift_right_logical3A_1209, %dma_start3A, %dma_start3A_1764] : memref<365x48x1024xf32, #tpu.memory_space<hbm>> -> memref<1x48x1024xf32, #tpu.memory_space<hbm>>
      %dma_start3A_1766 = arith.constant 0 : i32
      %dma_start3A_1767 = arith.constant 0 : i32
      %dma_start3A_1768 = tpu.memref_slice %arg2[%shift_right_logical3A_1209, %dma_start3A_1766, %dma_start3A_1767] : memref<365x48x1024xf32, #tpu.memory_space<hbm>> -> memref<1x48x1024xf32, #tpu.memory_space<hbm>>
      tpu.enqueue_dma source(%dma_start3A_1768 : memref<1x48x1024xf32, #tpu.memory_space<hbm>>) target(%arg7 : memref<1x48x1024xf32, #tpu.memory_space<vmem>>) target_semaphore(%arg9 : memref<!tpu.dma_semaphore, #tpu.memory_space<semaphore_mem>>)
    } else {
    }
    %eq3A_1242 = arith.constant 1 : i32
    %eq3A_1243 = arith.cmpi eq, %rem3A_1218, %eq3A_1242 : i32
    %and3A_1244 = arith.andi %ne3A_1212, %eq3A_1243 : i1
    %convert_element_type3A_1245 = arith.extui %and3A_1244 : i1 to i32
    %cond3A_1246 = arith.constant 0 : i32
    %cond3A_1247 = arith.cmpi ne, %convert_element_type3A_1245, %cond3A_1246 : i32
    scf.if %cond3A_1247 {
      %dma_wait3A_1764 = arith.constant 0 : i32
      %dma_wait3A_1765 = arith.constant 0 : i32
      %dma_wait3A_1766 = tpu.memref_slice %arg2[%shift_right_logical3A_1209, %dma_wait3A_1764, %dma_wait3A_1765] : memref<365x48x1024xf32, #tpu.memory_space<hbm>> -> memref<1x48x1024xf32, #tpu.memory_space<hbm>>
      %dma_wait3A_1767 = arith.constant 0 : i32
      %dma_wait3A_1768 = arith.constant 0 : i32
      %dma_wait3A_1769 = tpu.memref_slice %arg2[%shift_right_logical3A_1209, %dma_wait3A_1767, %dma_wait3A_1768] : memref<365x48x1024xf32, #tpu.memory_space<hbm>> -> memref<1x48x1024xf32, #tpu.memory_space<hbm>>
      tpu.wait_dma2 semaphore(%arg9 : memref<!tpu.dma_semaphore, #tpu.memory_space<semaphore_mem>>) src(%dma_wait3A_1769 : memref<1x48x1024xf32, #tpu.memory_space<hbm>>) dst(%arg7 : memref<1x48x1024xf32, #tpu.memory_space<vmem>>)
    } else {
    }
    %eq3A_1248 = arith.constant 1 : i32
    %eq3A_1249 = arith.cmpi eq, %rem3A_1218, %eq3A_1248 : i32
    %convert_element_type3A_1250 = arith.extui %eq3A_1249 : i1 to i32
    %cond3A_1251 = arith.constant 0 : i32
    %cond3A_1252 = arith.cmpi ne, %convert_element_type3A_1250, %cond3A_1251 : i32
    scf.if %cond3A_1252 {
      %dma_start3A = arith.constant 0 : i32
      %dma_start3A_1764 = arith.constant 0 : i32
      %dma_start3A_1765 = tpu.memref_slice %arg4[%and3A_1211, %dma_start3A, %dma_start3A_1764] : memref<1024x48x1024xf32, #tpu.memory_space<hbm>> -> memref<1x48x1024xf32, #tpu.memory_space<hbm>>
      %dma_start3A_1766 = arith.constant 0 : i32
      %dma_start3A_1767 = arith.constant 0 : i32
      %dma_start3A_1768 = tpu.memref_slice %arg4[%and3A_1211, %dma_start3A_1766, %dma_start3A_1767] : memref<1024x48x1024xf32, #tpu.memory_space<hbm>> -> memref<1x48x1024xf32, #tpu.memory_space<hbm>>
      tpu.enqueue_dma source(%arg7 : memref<1x48x1024xf32, #tpu.memory_space<vmem>>) target(%dma_start3A_1768 : memref<1x48x1024xf32, #tpu.memory_space<hbm>>) target_semaphore(%arg10 : memref<!tpu.dma_semaphore, #tpu.memory_space<semaphore_mem>>)
    } else {
    }
    %dma_wait3A_1253 = arith.constant 0 : i32
    %dma_wait3A_1254 = arith.constant 0 : i32
    %dma_wait3A_1255 = arith.constant 0 : i32
    %dma_wait3A_1256 = tpu.memref_slice %arg4[%dma_wait3A_1253, %dma_wait3A_1254, %dma_wait3A_1255] : memref<1024x48x1024xf32, #tpu.memory_space<hbm>> -> memref<1x48x1024xf32, #tpu.memory_space<hbm>>
    %dma_wait3A_1257 = arith.constant 0 : i32
    %dma_wait3A_1258 = arith.constant 0 : i32
    %dma_wait3A_1259 = arith.constant 0 : i32
    %dma_wait3A_1260 = tpu.memref_slice %arg4[%dma_wait3A_1257, %dma_wait3A_1258, %dma_wait3A_1259] : memref<1024x48x1024xf32, #tpu.memory_space<hbm>> -> memref<1x48x1024xf32, #tpu.memory_space<hbm>>
    tpu.wait_dma2 semaphore(%arg11 : memref<!tpu.dma_semaphore, #tpu.memory_space<semaphore_mem>>) src(%arg6 : memref<1x48x1024xf32, #tpu.memory_space<vmem>>) dst(%dma_wait3A_1260 : memref<1x48x1024xf32, #tpu.memory_space<hbm>>)
    %slice3A_1261 = vector.extract_strided_slice %get3A_7 {offsets = [7], sizes = [1], strides = [1]} : vector<16xi32> to vector<1xi32>
    %squeeze3A_1262 = vector.extract %slice3A_1261[0] : i32 from vector<1xi32>
    %shift_right_logical3A_1263 = arith.constant 10 : i32
    %shift_right_logical3A_1264 = arith.shrui %squeeze3A_1262, %shift_right_logical3A_1263 : i32
    %and3A_1265 = arith.constant 1023 : i32
    %and3A_1266 = arith.andi %squeeze3A_1262, %and3A_1265 : i32
    %ne3A_1267 = arith.cmpi ne, %shift_right_logical3A_1264, %shift_right_logical3A_1209 : i32
    %convert_element_type3A_1268 = arith.extui %ne3A_1267 : i1 to i32
    %add3A_1269 = arith.addi %add3A_1214, %convert_element_type3A_1268 : i32
    %sub3A_1270 = arith.constant 1 : i32
    %sub3A_1271 = arith.subi %add3A_1269, %sub3A_1270 : i32
    %rem3A_1272 = arith.constant 2 : i32
    %rem3A_1273 = arith.remsi %sub3A_1271, %rem3A_1272 : i32
    %eq3A_1274 = arith.constant 0 : i32
    %eq3A_1275 = arith.cmpi eq, %rem3A_1273, %eq3A_1274 : i32
    %and3A_1276 = arith.andi %ne3A_1267, %eq3A_1275 : i1
    %convert_element_type3A_1277 = arith.extui %and3A_1276 : i1 to i32
    %cond3A_1278 = arith.constant 0 : i32
    %cond3A_1279 = arith.cmpi ne, %convert_element_type3A_1277, %cond3A_1278 : i32
    scf.if %cond3A_1279 {
      %dma_start3A = arith.constant 0 : i32
      %dma_start3A_1764 = arith.constant 0 : i32
      %dma_start3A_1765 = tpu.memref_slice %arg2[%shift_right_logical3A_1264, %dma_start3A, %dma_start3A_1764] : memref<365x48x1024xf32, #tpu.memory_space<hbm>> -> memref<1x48x1024xf32, #tpu.memory_space<hbm>>
      %dma_start3A_1766 = arith.constant 0 : i32
      %dma_start3A_1767 = arith.constant 0 : i32
      %dma_start3A_1768 = tpu.memref_slice %arg2[%shift_right_logical3A_1264, %dma_start3A_1766, %dma_start3A_1767] : memref<365x48x1024xf32, #tpu.memory_space<hbm>> -> memref<1x48x1024xf32, #tpu.memory_space<hbm>>
      tpu.enqueue_dma source(%dma_start3A_1768 : memref<1x48x1024xf32, #tpu.memory_space<hbm>>) target(%arg6 : memref<1x48x1024xf32, #tpu.memory_space<vmem>>) target_semaphore(%arg8 : memref<!tpu.dma_semaphore, #tpu.memory_space<semaphore_mem>>)
    } else {
    }
    %eq3A_1280 = arith.constant 0 : i32
    %eq3A_1281 = arith.cmpi eq, %rem3A_1273, %eq3A_1280 : i32
    %and3A_1282 = arith.andi %ne3A_1267, %eq3A_1281 : i1
    %convert_element_type3A_1283 = arith.extui %and3A_1282 : i1 to i32
    %cond3A_1284 = arith.constant 0 : i32
    %cond3A_1285 = arith.cmpi ne, %convert_element_type3A_1283, %cond3A_1284 : i32
    scf.if %cond3A_1285 {
      %dma_wait3A_1764 = arith.constant 0 : i32
      %dma_wait3A_1765 = arith.constant 0 : i32
      %dma_wait3A_1766 = tpu.memref_slice %arg2[%shift_right_logical3A_1264, %dma_wait3A_1764, %dma_wait3A_1765] : memref<365x48x1024xf32, #tpu.memory_space<hbm>> -> memref<1x48x1024xf32, #tpu.memory_space<hbm>>
      %dma_wait3A_1767 = arith.constant 0 : i32
      %dma_wait3A_1768 = arith.constant 0 : i32
      %dma_wait3A_1769 = tpu.memref_slice %arg2[%shift_right_logical3A_1264, %dma_wait3A_1767, %dma_wait3A_1768] : memref<365x48x1024xf32, #tpu.memory_space<hbm>> -> memref<1x48x1024xf32, #tpu.memory_space<hbm>>
      tpu.wait_dma2 semaphore(%arg8 : memref<!tpu.dma_semaphore, #tpu.memory_space<semaphore_mem>>) src(%dma_wait3A_1769 : memref<1x48x1024xf32, #tpu.memory_space<hbm>>) dst(%arg6 : memref<1x48x1024xf32, #tpu.memory_space<vmem>>)
    } else {
    }
    %eq3A_1286 = arith.constant 0 : i32
    %eq3A_1287 = arith.cmpi eq, %rem3A_1273, %eq3A_1286 : i32
    %convert_element_type3A_1288 = arith.extui %eq3A_1287 : i1 to i32
    %cond3A_1289 = arith.constant 0 : i32
    %cond3A_1290 = arith.cmpi ne, %convert_element_type3A_1288, %cond3A_1289 : i32
    scf.if %cond3A_1290 {
      %dma_start3A = arith.constant 0 : i32
      %dma_start3A_1764 = arith.constant 0 : i32
      %dma_start3A_1765 = tpu.memref_slice %arg4[%and3A_1266, %dma_start3A, %dma_start3A_1764] : memref<1024x48x1024xf32, #tpu.memory_space<hbm>> -> memref<1x48x1024xf32, #tpu.memory_space<hbm>>
      %dma_start3A_1766 = arith.constant 0 : i32
      %dma_start3A_1767 = arith.constant 0 : i32
      %dma_start3A_1768 = tpu.memref_slice %arg4[%and3A_1266, %dma_start3A_1766, %dma_start3A_1767] : memref<1024x48x1024xf32, #tpu.memory_space<hbm>> -> memref<1x48x1024xf32, #tpu.memory_space<hbm>>
      tpu.enqueue_dma source(%arg6 : memref<1x48x1024xf32, #tpu.memory_space<vmem>>) target(%dma_start3A_1768 : memref<1x48x1024xf32, #tpu.memory_space<hbm>>) target_semaphore(%arg11 : memref<!tpu.dma_semaphore, #tpu.memory_space<semaphore_mem>>)
    } else {
    }
    %eq3A_1291 = arith.constant 1 : i32
    %eq3A_1292 = arith.cmpi eq, %rem3A_1273, %eq3A_1291 : i32
    %and3A_1293 = arith.andi %ne3A_1267, %eq3A_1292 : i1
    %convert_element_type3A_1294 = arith.extui %and3A_1293 : i1 to i32
    %cond3A_1295 = arith.constant 0 : i32
    %cond3A_1296 = arith.cmpi ne, %convert_element_type3A_1294, %cond3A_1295 : i32
    scf.if %cond3A_1296 {
      %dma_start3A = arith.constant 0 : i32
      %dma_start3A_1764 = arith.constant 0 : i32
      %dma_start3A_1765 = tpu.memref_slice %arg2[%shift_right_logical3A_1264, %dma_start3A, %dma_start3A_1764] : memref<365x48x1024xf32, #tpu.memory_space<hbm>> -> memref<1x48x1024xf32, #tpu.memory_space<hbm>>
      %dma_start3A_1766 = arith.constant 0 : i32
      %dma_start3A_1767 = arith.constant 0 : i32
      %dma_start3A_1768 = tpu.memref_slice %arg2[%shift_right_logical3A_1264, %dma_start3A_1766, %dma_start3A_1767] : memref<365x48x1024xf32, #tpu.memory_space<hbm>> -> memref<1x48x1024xf32, #tpu.memory_space<hbm>>
      tpu.enqueue_dma source(%dma_start3A_1768 : memref<1x48x1024xf32, #tpu.memory_space<hbm>>) target(%arg7 : memref<1x48x1024xf32, #tpu.memory_space<vmem>>) target_semaphore(%arg9 : memref<!tpu.dma_semaphore, #tpu.memory_space<semaphore_mem>>)
    } else {
    }
    %eq3A_1297 = arith.constant 1 : i32
    %eq3A_1298 = arith.cmpi eq, %rem3A_1273, %eq3A_1297 : i32
    %and3A_1299 = arith.andi %ne3A_1267, %eq3A_1298 : i1
    %convert_element_type3A_1300 = arith.extui %and3A_1299 : i1 to i32
    %cond3A_1301 = arith.constant 0 : i32
    %cond3A_1302 = arith.cmpi ne, %convert_element_type3A_1300, %cond3A_1301 : i32
    scf.if %cond3A_1302 {
      %dma_wait3A_1764 = arith.constant 0 : i32
      %dma_wait3A_1765 = arith.constant 0 : i32
      %dma_wait3A_1766 = tpu.memref_slice %arg2[%shift_right_logical3A_1264, %dma_wait3A_1764, %dma_wait3A_1765] : memref<365x48x1024xf32, #tpu.memory_space<hbm>> -> memref<1x48x1024xf32, #tpu.memory_space<hbm>>
      %dma_wait3A_1767 = arith.constant 0 : i32
      %dma_wait3A_1768 = arith.constant 0 : i32
      %dma_wait3A_1769 = tpu.memref_slice %arg2[%shift_right_logical3A_1264, %dma_wait3A_1767, %dma_wait3A_1768] : memref<365x48x1024xf32, #tpu.memory_space<hbm>> -> memref<1x48x1024xf32, #tpu.memory_space<hbm>>
      tpu.wait_dma2 semaphore(%arg9 : memref<!tpu.dma_semaphore, #tpu.memory_space<semaphore_mem>>) src(%dma_wait3A_1769 : memref<1x48x1024xf32, #tpu.memory_space<hbm>>) dst(%arg7 : memref<1x48x1024xf32, #tpu.memory_space<vmem>>)
    } else {
    }
    %eq3A_1303 = arith.constant 1 : i32
    %eq3A_1304 = arith.cmpi eq, %rem3A_1273, %eq3A_1303 : i32
    %convert_element_type3A_1305 = arith.extui %eq3A_1304 : i1 to i32
    %cond3A_1306 = arith.constant 0 : i32
    %cond3A_1307 = arith.cmpi ne, %convert_element_type3A_1305, %cond3A_1306 : i32
    scf.if %cond3A_1307 {
      %dma_start3A = arith.constant 0 : i32
      %dma_start3A_1764 = arith.constant 0 : i32
      %dma_start3A_1765 = tpu.memref_slice %arg4[%and3A_1266, %dma_start3A, %dma_start3A_1764] : memref<1024x48x1024xf32, #tpu.memory_space<hbm>> -> memref<1x48x1024xf32, #tpu.memory_space<hbm>>
      %dma_start3A_1766 = arith.constant 0 : i32
      %dma_start3A_1767 = arith.constant 0 : i32
      %dma_start3A_1768 = tpu.memref_slice %arg4[%and3A_1266, %dma_start3A_1766, %dma_start3A_1767] : memref<1024x48x1024xf32, #tpu.memory_space<hbm>> -> memref<1x48x1024xf32, #tpu.memory_space<hbm>>
      tpu.enqueue_dma source(%arg7 : memref<1x48x1024xf32, #tpu.memory_space<vmem>>) target(%dma_start3A_1768 : memref<1x48x1024xf32, #tpu.memory_space<hbm>>) target_semaphore(%arg11 : memref<!tpu.dma_semaphore, #tpu.memory_space<semaphore_mem>>)
    } else {
    }
    %dma_wait3A_1308 = arith.constant 0 : i32
    %dma_wait3A_1309 = arith.constant 0 : i32
    %dma_wait3A_1310 = arith.constant 0 : i32
    %dma_wait3A_1311 = tpu.memref_slice %arg4[%dma_wait3A_1308, %dma_wait3A_1309, %dma_wait3A_1310] : memref<1024x48x1024xf32, #tpu.memory_space<hbm>> -> memref<1x48x1024xf32, #tpu.memory_space<hbm>>
    %dma_wait3A_1312 = arith.constant 0 : i32
    %dma_wait3A_1313 = arith.constant 0 : i32
    %dma_wait3A_1314 = arith.constant 0 : i32
    %dma_wait3A_1315 = tpu.memref_slice %arg4[%dma_wait3A_1312, %dma_wait3A_1313, %dma_wait3A_1314] : memref<1024x48x1024xf32, #tpu.memory_space<hbm>> -> memref<1x48x1024xf32, #tpu.memory_space<hbm>>
    tpu.wait_dma2 semaphore(%arg10 : memref<!tpu.dma_semaphore, #tpu.memory_space<semaphore_mem>>) src(%arg6 : memref<1x48x1024xf32, #tpu.memory_space<vmem>>) dst(%dma_wait3A_1315 : memref<1x48x1024xf32, #tpu.memory_space<hbm>>)
    %slice3A_1316 = vector.extract_strided_slice %get3A_7 {offsets = [8], sizes = [1], strides = [1]} : vector<16xi32> to vector<1xi32>
    %squeeze3A_1317 = vector.extract %slice3A_1316[0] : i32 from vector<1xi32>
    %shift_right_logical3A_1318 = arith.constant 10 : i32
    %shift_right_logical3A_1319 = arith.shrui %squeeze3A_1317, %shift_right_logical3A_1318 : i32
    %and3A_1320 = arith.constant 1023 : i32
    %and3A_1321 = arith.andi %squeeze3A_1317, %and3A_1320 : i32
    %ne3A_1322 = arith.cmpi ne, %shift_right_logical3A_1319, %shift_right_logical3A_1264 : i32
    %convert_element_type3A_1323 = arith.extui %ne3A_1322 : i1 to i32
    %add3A_1324 = arith.addi %add3A_1269, %convert_element_type3A_1323 : i32
    %sub3A_1325 = arith.constant 1 : i32
    %sub3A_1326 = arith.subi %add3A_1324, %sub3A_1325 : i32
    %rem3A_1327 = arith.constant 2 : i32
    %rem3A_1328 = arith.remsi %sub3A_1326, %rem3A_1327 : i32
    %eq3A_1329 = arith.constant 0 : i32
    %eq3A_1330 = arith.cmpi eq, %rem3A_1328, %eq3A_1329 : i32
    %and3A_1331 = arith.andi %ne3A_1322, %eq3A_1330 : i1
    %convert_element_type3A_1332 = arith.extui %and3A_1331 : i1 to i32
    %cond3A_1333 = arith.constant 0 : i32
    %cond3A_1334 = arith.cmpi ne, %convert_element_type3A_1332, %cond3A_1333 : i32
    scf.if %cond3A_1334 {
      %dma_start3A = arith.constant 0 : i32
      %dma_start3A_1764 = arith.constant 0 : i32
      %dma_start3A_1765 = tpu.memref_slice %arg2[%shift_right_logical3A_1319, %dma_start3A, %dma_start3A_1764] : memref<365x48x1024xf32, #tpu.memory_space<hbm>> -> memref<1x48x1024xf32, #tpu.memory_space<hbm>>
      %dma_start3A_1766 = arith.constant 0 : i32
      %dma_start3A_1767 = arith.constant 0 : i32
      %dma_start3A_1768 = tpu.memref_slice %arg2[%shift_right_logical3A_1319, %dma_start3A_1766, %dma_start3A_1767] : memref<365x48x1024xf32, #tpu.memory_space<hbm>> -> memref<1x48x1024xf32, #tpu.memory_space<hbm>>
      tpu.enqueue_dma source(%dma_start3A_1768 : memref<1x48x1024xf32, #tpu.memory_space<hbm>>) target(%arg6 : memref<1x48x1024xf32, #tpu.memory_space<vmem>>) target_semaphore(%arg8 : memref<!tpu.dma_semaphore, #tpu.memory_space<semaphore_mem>>)
    } else {
    }
    %eq3A_1335 = arith.constant 0 : i32
    %eq3A_1336 = arith.cmpi eq, %rem3A_1328, %eq3A_1335 : i32
    %and3A_1337 = arith.andi %ne3A_1322, %eq3A_1336 : i1
    %convert_element_type3A_1338 = arith.extui %and3A_1337 : i1 to i32
    %cond3A_1339 = arith.constant 0 : i32
    %cond3A_1340 = arith.cmpi ne, %convert_element_type3A_1338, %cond3A_1339 : i32
    scf.if %cond3A_1340 {
      %dma_wait3A_1764 = arith.constant 0 : i32
      %dma_wait3A_1765 = arith.constant 0 : i32
      %dma_wait3A_1766 = tpu.memref_slice %arg2[%shift_right_logical3A_1319, %dma_wait3A_1764, %dma_wait3A_1765] : memref<365x48x1024xf32, #tpu.memory_space<hbm>> -> memref<1x48x1024xf32, #tpu.memory_space<hbm>>
      %dma_wait3A_1767 = arith.constant 0 : i32
      %dma_wait3A_1768 = arith.constant 0 : i32
      %dma_wait3A_1769 = tpu.memref_slice %arg2[%shift_right_logical3A_1319, %dma_wait3A_1767, %dma_wait3A_1768] : memref<365x48x1024xf32, #tpu.memory_space<hbm>> -> memref<1x48x1024xf32, #tpu.memory_space<hbm>>
      tpu.wait_dma2 semaphore(%arg8 : memref<!tpu.dma_semaphore, #tpu.memory_space<semaphore_mem>>) src(%dma_wait3A_1769 : memref<1x48x1024xf32, #tpu.memory_space<hbm>>) dst(%arg6 : memref<1x48x1024xf32, #tpu.memory_space<vmem>>)
    } else {
    }
    %eq3A_1341 = arith.constant 0 : i32
    %eq3A_1342 = arith.cmpi eq, %rem3A_1328, %eq3A_1341 : i32
    %convert_element_type3A_1343 = arith.extui %eq3A_1342 : i1 to i32
    %cond3A_1344 = arith.constant 0 : i32
    %cond3A_1345 = arith.cmpi ne, %convert_element_type3A_1343, %cond3A_1344 : i32
    scf.if %cond3A_1345 {
      %dma_start3A = arith.constant 0 : i32
      %dma_start3A_1764 = arith.constant 0 : i32
      %dma_start3A_1765 = tpu.memref_slice %arg4[%and3A_1321, %dma_start3A, %dma_start3A_1764] : memref<1024x48x1024xf32, #tpu.memory_space<hbm>> -> memref<1x48x1024xf32, #tpu.memory_space<hbm>>
      %dma_start3A_1766 = arith.constant 0 : i32
      %dma_start3A_1767 = arith.constant 0 : i32
      %dma_start3A_1768 = tpu.memref_slice %arg4[%and3A_1321, %dma_start3A_1766, %dma_start3A_1767] : memref<1024x48x1024xf32, #tpu.memory_space<hbm>> -> memref<1x48x1024xf32, #tpu.memory_space<hbm>>
      tpu.enqueue_dma source(%arg6 : memref<1x48x1024xf32, #tpu.memory_space<vmem>>) target(%dma_start3A_1768 : memref<1x48x1024xf32, #tpu.memory_space<hbm>>) target_semaphore(%arg10 : memref<!tpu.dma_semaphore, #tpu.memory_space<semaphore_mem>>)
    } else {
    }
    %eq3A_1346 = arith.constant 1 : i32
    %eq3A_1347 = arith.cmpi eq, %rem3A_1328, %eq3A_1346 : i32
    %and3A_1348 = arith.andi %ne3A_1322, %eq3A_1347 : i1
    %convert_element_type3A_1349 = arith.extui %and3A_1348 : i1 to i32
    %cond3A_1350 = arith.constant 0 : i32
    %cond3A_1351 = arith.cmpi ne, %convert_element_type3A_1349, %cond3A_1350 : i32
    scf.if %cond3A_1351 {
      %dma_start3A = arith.constant 0 : i32
      %dma_start3A_1764 = arith.constant 0 : i32
      %dma_start3A_1765 = tpu.memref_slice %arg2[%shift_right_logical3A_1319, %dma_start3A, %dma_start3A_1764] : memref<365x48x1024xf32, #tpu.memory_space<hbm>> -> memref<1x48x1024xf32, #tpu.memory_space<hbm>>
      %dma_start3A_1766 = arith.constant 0 : i32
      %dma_start3A_1767 = arith.constant 0 : i32
      %dma_start3A_1768 = tpu.memref_slice %arg2[%shift_right_logical3A_1319, %dma_start3A_1766, %dma_start3A_1767] : memref<365x48x1024xf32, #tpu.memory_space<hbm>> -> memref<1x48x1024xf32, #tpu.memory_space<hbm>>
      tpu.enqueue_dma source(%dma_start3A_1768 : memref<1x48x1024xf32, #tpu.memory_space<hbm>>) target(%arg7 : memref<1x48x1024xf32, #tpu.memory_space<vmem>>) target_semaphore(%arg9 : memref<!tpu.dma_semaphore, #tpu.memory_space<semaphore_mem>>)
    } else {
    }
    %eq3A_1352 = arith.constant 1 : i32
    %eq3A_1353 = arith.cmpi eq, %rem3A_1328, %eq3A_1352 : i32
    %and3A_1354 = arith.andi %ne3A_1322, %eq3A_1353 : i1
    %convert_element_type3A_1355 = arith.extui %and3A_1354 : i1 to i32
    %cond3A_1356 = arith.constant 0 : i32
    %cond3A_1357 = arith.cmpi ne, %convert_element_type3A_1355, %cond3A_1356 : i32
    scf.if %cond3A_1357 {
      %dma_wait3A_1764 = arith.constant 0 : i32
      %dma_wait3A_1765 = arith.constant 0 : i32
      %dma_wait3A_1766 = tpu.memref_slice %arg2[%shift_right_logical3A_1319, %dma_wait3A_1764, %dma_wait3A_1765] : memref<365x48x1024xf32, #tpu.memory_space<hbm>> -> memref<1x48x1024xf32, #tpu.memory_space<hbm>>
      %dma_wait3A_1767 = arith.constant 0 : i32
      %dma_wait3A_1768 = arith.constant 0 : i32
      %dma_wait3A_1769 = tpu.memref_slice %arg2[%shift_right_logical3A_1319, %dma_wait3A_1767, %dma_wait3A_1768] : memref<365x48x1024xf32, #tpu.memory_space<hbm>> -> memref<1x48x1024xf32, #tpu.memory_space<hbm>>
      tpu.wait_dma2 semaphore(%arg9 : memref<!tpu.dma_semaphore, #tpu.memory_space<semaphore_mem>>) src(%dma_wait3A_1769 : memref<1x48x1024xf32, #tpu.memory_space<hbm>>) dst(%arg7 : memref<1x48x1024xf32, #tpu.memory_space<vmem>>)
    } else {
    }
    %eq3A_1358 = arith.constant 1 : i32
    %eq3A_1359 = arith.cmpi eq, %rem3A_1328, %eq3A_1358 : i32
    %convert_element_type3A_1360 = arith.extui %eq3A_1359 : i1 to i32
    %cond3A_1361 = arith.constant 0 : i32
    %cond3A_1362 = arith.cmpi ne, %convert_element_type3A_1360, %cond3A_1361 : i32
    scf.if %cond3A_1362 {
      %dma_start3A = arith.constant 0 : i32
      %dma_start3A_1764 = arith.constant 0 : i32
      %dma_start3A_1765 = tpu.memref_slice %arg4[%and3A_1321, %dma_start3A, %dma_start3A_1764] : memref<1024x48x1024xf32, #tpu.memory_space<hbm>> -> memref<1x48x1024xf32, #tpu.memory_space<hbm>>
      %dma_start3A_1766 = arith.constant 0 : i32
      %dma_start3A_1767 = arith.constant 0 : i32
      %dma_start3A_1768 = tpu.memref_slice %arg4[%and3A_1321, %dma_start3A_1766, %dma_start3A_1767] : memref<1024x48x1024xf32, #tpu.memory_space<hbm>> -> memref<1x48x1024xf32, #tpu.memory_space<hbm>>
      tpu.enqueue_dma source(%arg7 : memref<1x48x1024xf32, #tpu.memory_space<vmem>>) target(%dma_start3A_1768 : memref<1x48x1024xf32, #tpu.memory_space<hbm>>) target_semaphore(%arg10 : memref<!tpu.dma_semaphore, #tpu.memory_space<semaphore_mem>>)
    } else {
    }
    %dma_wait3A_1363 = arith.constant 0 : i32
    %dma_wait3A_1364 = arith.constant 0 : i32
    %dma_wait3A_1365 = arith.constant 0 : i32
    %dma_wait3A_1366 = tpu.memref_slice %arg4[%dma_wait3A_1363, %dma_wait3A_1364, %dma_wait3A_1365] : memref<1024x48x1024xf32, #tpu.memory_space<hbm>> -> memref<1x48x1024xf32, #tpu.memory_space<hbm>>
    %dma_wait3A_1367 = arith.constant 0 : i32
    %dma_wait3A_1368 = arith.constant 0 : i32
    %dma_wait3A_1369 = arith.constant 0 : i32
    %dma_wait3A_1370 = tpu.memref_slice %arg4[%dma_wait3A_1367, %dma_wait3A_1368, %dma_wait3A_1369] : memref<1024x48x1024xf32, #tpu.memory_space<hbm>> -> memref<1x48x1024xf32, #tpu.memory_space<hbm>>
    tpu.wait_dma2 semaphore(%arg11 : memref<!tpu.dma_semaphore, #tpu.memory_space<semaphore_mem>>) src(%arg6 : memref<1x48x1024xf32, #tpu.memory_space<vmem>>) dst(%dma_wait3A_1370 : memref<1x48x1024xf32, #tpu.memory_space<hbm>>)
    %slice3A_1371 = vector.extract_strided_slice %get3A_7 {offsets = [9], sizes = [1], strides = [1]} : vector<16xi32> to vector<1xi32>
    %squeeze3A_1372 = vector.extract %slice3A_1371[0] : i32 from vector<1xi32>
    %shift_right_logical3A_1373 = arith.constant 10 : i32
    %shift_right_logical3A_1374 = arith.shrui %squeeze3A_1372, %shift_right_logical3A_1373 : i32
    %and3A_1375 = arith.constant 1023 : i32
    %and3A_1376 = arith.andi %squeeze3A_1372, %and3A_1375 : i32
    %ne3A_1377 = arith.cmpi ne, %shift_right_logical3A_1374, %shift_right_logical3A_1319 : i32
    %convert_element_type3A_1378 = arith.extui %ne3A_1377 : i1 to i32
    %add3A_1379 = arith.addi %add3A_1324, %convert_element_type3A_1378 : i32
    %sub3A_1380 = arith.constant 1 : i32
    %sub3A_1381 = arith.subi %add3A_1379, %sub3A_1380 : i32
    %rem3A_1382 = arith.constant 2 : i32
    %rem3A_1383 = arith.remsi %sub3A_1381, %rem3A_1382 : i32
    %eq3A_1384 = arith.constant 0 : i32
    %eq3A_1385 = arith.cmpi eq, %rem3A_1383, %eq3A_1384 : i32
    %and3A_1386 = arith.andi %ne3A_1377, %eq3A_1385 : i1
    %convert_element_type3A_1387 = arith.extui %and3A_1386 : i1 to i32
    %cond3A_1388 = arith.constant 0 : i32
    %cond3A_1389 = arith.cmpi ne, %convert_element_type3A_1387, %cond3A_1388 : i32
    scf.if %cond3A_1389 {
      %dma_start3A = arith.constant 0 : i32
      %dma_start3A_1764 = arith.constant 0 : i32
      %dma_start3A_1765 = tpu.memref_slice %arg2[%shift_right_logical3A_1374, %dma_start3A, %dma_start3A_1764] : memref<365x48x1024xf32, #tpu.memory_space<hbm>> -> memref<1x48x1024xf32, #tpu.memory_space<hbm>>
      %dma_start3A_1766 = arith.constant 0 : i32
      %dma_start3A_1767 = arith.constant 0 : i32
      %dma_start3A_1768 = tpu.memref_slice %arg2[%shift_right_logical3A_1374, %dma_start3A_1766, %dma_start3A_1767] : memref<365x48x1024xf32, #tpu.memory_space<hbm>> -> memref<1x48x1024xf32, #tpu.memory_space<hbm>>
      tpu.enqueue_dma source(%dma_start3A_1768 : memref<1x48x1024xf32, #tpu.memory_space<hbm>>) target(%arg6 : memref<1x48x1024xf32, #tpu.memory_space<vmem>>) target_semaphore(%arg8 : memref<!tpu.dma_semaphore, #tpu.memory_space<semaphore_mem>>)
    } else {
    }
    %eq3A_1390 = arith.constant 0 : i32
    %eq3A_1391 = arith.cmpi eq, %rem3A_1383, %eq3A_1390 : i32
    %and3A_1392 = arith.andi %ne3A_1377, %eq3A_1391 : i1
    %convert_element_type3A_1393 = arith.extui %and3A_1392 : i1 to i32
    %cond3A_1394 = arith.constant 0 : i32
    %cond3A_1395 = arith.cmpi ne, %convert_element_type3A_1393, %cond3A_1394 : i32
    scf.if %cond3A_1395 {
      %dma_wait3A_1764 = arith.constant 0 : i32
      %dma_wait3A_1765 = arith.constant 0 : i32
      %dma_wait3A_1766 = tpu.memref_slice %arg2[%shift_right_logical3A_1374, %dma_wait3A_1764, %dma_wait3A_1765] : memref<365x48x1024xf32, #tpu.memory_space<hbm>> -> memref<1x48x1024xf32, #tpu.memory_space<hbm>>
      %dma_wait3A_1767 = arith.constant 0 : i32
      %dma_wait3A_1768 = arith.constant 0 : i32
      %dma_wait3A_1769 = tpu.memref_slice %arg2[%shift_right_logical3A_1374, %dma_wait3A_1767, %dma_wait3A_1768] : memref<365x48x1024xf32, #tpu.memory_space<hbm>> -> memref<1x48x1024xf32, #tpu.memory_space<hbm>>
      tpu.wait_dma2 semaphore(%arg8 : memref<!tpu.dma_semaphore, #tpu.memory_space<semaphore_mem>>) src(%dma_wait3A_1769 : memref<1x48x1024xf32, #tpu.memory_space<hbm>>) dst(%arg6 : memref<1x48x1024xf32, #tpu.memory_space<vmem>>)
    } else {
    }
    %eq3A_1396 = arith.constant 0 : i32
    %eq3A_1397 = arith.cmpi eq, %rem3A_1383, %eq3A_1396 : i32
    %convert_element_type3A_1398 = arith.extui %eq3A_1397 : i1 to i32
    %cond3A_1399 = arith.constant 0 : i32
    %cond3A_1400 = arith.cmpi ne, %convert_element_type3A_1398, %cond3A_1399 : i32
    scf.if %cond3A_1400 {
      %dma_start3A = arith.constant 0 : i32
      %dma_start3A_1764 = arith.constant 0 : i32
      %dma_start3A_1765 = tpu.memref_slice %arg4[%and3A_1376, %dma_start3A, %dma_start3A_1764] : memref<1024x48x1024xf32, #tpu.memory_space<hbm>> -> memref<1x48x1024xf32, #tpu.memory_space<hbm>>
      %dma_start3A_1766 = arith.constant 0 : i32
      %dma_start3A_1767 = arith.constant 0 : i32
      %dma_start3A_1768 = tpu.memref_slice %arg4[%and3A_1376, %dma_start3A_1766, %dma_start3A_1767] : memref<1024x48x1024xf32, #tpu.memory_space<hbm>> -> memref<1x48x1024xf32, #tpu.memory_space<hbm>>
      tpu.enqueue_dma source(%arg6 : memref<1x48x1024xf32, #tpu.memory_space<vmem>>) target(%dma_start3A_1768 : memref<1x48x1024xf32, #tpu.memory_space<hbm>>) target_semaphore(%arg11 : memref<!tpu.dma_semaphore, #tpu.memory_space<semaphore_mem>>)
    } else {
    }
    %eq3A_1401 = arith.constant 1 : i32
    %eq3A_1402 = arith.cmpi eq, %rem3A_1383, %eq3A_1401 : i32
    %and3A_1403 = arith.andi %ne3A_1377, %eq3A_1402 : i1
    %convert_element_type3A_1404 = arith.extui %and3A_1403 : i1 to i32
    %cond3A_1405 = arith.constant 0 : i32
    %cond3A_1406 = arith.cmpi ne, %convert_element_type3A_1404, %cond3A_1405 : i32
    scf.if %cond3A_1406 {
      %dma_start3A = arith.constant 0 : i32
      %dma_start3A_1764 = arith.constant 0 : i32
      %dma_start3A_1765 = tpu.memref_slice %arg2[%shift_right_logical3A_1374, %dma_start3A, %dma_start3A_1764] : memref<365x48x1024xf32, #tpu.memory_space<hbm>> -> memref<1x48x1024xf32, #tpu.memory_space<hbm>>
      %dma_start3A_1766 = arith.constant 0 : i32
      %dma_start3A_1767 = arith.constant 0 : i32
      %dma_start3A_1768 = tpu.memref_slice %arg2[%shift_right_logical3A_1374, %dma_start3A_1766, %dma_start3A_1767] : memref<365x48x1024xf32, #tpu.memory_space<hbm>> -> memref<1x48x1024xf32, #tpu.memory_space<hbm>>
      tpu.enqueue_dma source(%dma_start3A_1768 : memref<1x48x1024xf32, #tpu.memory_space<hbm>>) target(%arg7 : memref<1x48x1024xf32, #tpu.memory_space<vmem>>) target_semaphore(%arg9 : memref<!tpu.dma_semaphore, #tpu.memory_space<semaphore_mem>>)
    } else {
    }
    %eq3A_1407 = arith.constant 1 : i32
    %eq3A_1408 = arith.cmpi eq, %rem3A_1383, %eq3A_1407 : i32
    %and3A_1409 = arith.andi %ne3A_1377, %eq3A_1408 : i1
    %convert_element_type3A_1410 = arith.extui %and3A_1409 : i1 to i32
    %cond3A_1411 = arith.constant 0 : i32
    %cond3A_1412 = arith.cmpi ne, %convert_element_type3A_1410, %cond3A_1411 : i32
    scf.if %cond3A_1412 {
      %dma_wait3A_1764 = arith.constant 0 : i32
      %dma_wait3A_1765 = arith.constant 0 : i32
      %dma_wait3A_1766 = tpu.memref_slice %arg2[%shift_right_logical3A_1374, %dma_wait3A_1764, %dma_wait3A_1765] : memref<365x48x1024xf32, #tpu.memory_space<hbm>> -> memref<1x48x1024xf32, #tpu.memory_space<hbm>>
      %dma_wait3A_1767 = arith.constant 0 : i32
      %dma_wait3A_1768 = arith.constant 0 : i32
      %dma_wait3A_1769 = tpu.memref_slice %arg2[%shift_right_logical3A_1374, %dma_wait3A_1767, %dma_wait3A_1768] : memref<365x48x1024xf32, #tpu.memory_space<hbm>> -> memref<1x48x1024xf32, #tpu.memory_space<hbm>>
      tpu.wait_dma2 semaphore(%arg9 : memref<!tpu.dma_semaphore, #tpu.memory_space<semaphore_mem>>) src(%dma_wait3A_1769 : memref<1x48x1024xf32, #tpu.memory_space<hbm>>) dst(%arg7 : memref<1x48x1024xf32, #tpu.memory_space<vmem>>)
    } else {
    }
    %eq3A_1413 = arith.constant 1 : i32
    %eq3A_1414 = arith.cmpi eq, %rem3A_1383, %eq3A_1413 : i32
    %convert_element_type3A_1415 = arith.extui %eq3A_1414 : i1 to i32
    %cond3A_1416 = arith.constant 0 : i32
    %cond3A_1417 = arith.cmpi ne, %convert_element_type3A_1415, %cond3A_1416 : i32
    scf.if %cond3A_1417 {
      %dma_start3A = arith.constant 0 : i32
      %dma_start3A_1764 = arith.constant 0 : i32
      %dma_start3A_1765 = tpu.memref_slice %arg4[%and3A_1376, %dma_start3A, %dma_start3A_1764] : memref<1024x48x1024xf32, #tpu.memory_space<hbm>> -> memref<1x48x1024xf32, #tpu.memory_space<hbm>>
      %dma_start3A_1766 = arith.constant 0 : i32
      %dma_start3A_1767 = arith.constant 0 : i32
      %dma_start3A_1768 = tpu.memref_slice %arg4[%and3A_1376, %dma_start3A_1766, %dma_start3A_1767] : memref<1024x48x1024xf32, #tpu.memory_space<hbm>> -> memref<1x48x1024xf32, #tpu.memory_space<hbm>>
      tpu.enqueue_dma source(%arg7 : memref<1x48x1024xf32, #tpu.memory_space<vmem>>) target(%dma_start3A_1768 : memref<1x48x1024xf32, #tpu.memory_space<hbm>>) target_semaphore(%arg11 : memref<!tpu.dma_semaphore, #tpu.memory_space<semaphore_mem>>)
    } else {
    }
    %dma_wait3A_1418 = arith.constant 0 : i32
    %dma_wait3A_1419 = arith.constant 0 : i32
    %dma_wait3A_1420 = arith.constant 0 : i32
    %dma_wait3A_1421 = tpu.memref_slice %arg4[%dma_wait3A_1418, %dma_wait3A_1419, %dma_wait3A_1420] : memref<1024x48x1024xf32, #tpu.memory_space<hbm>> -> memref<1x48x1024xf32, #tpu.memory_space<hbm>>
    %dma_wait3A_1422 = arith.constant 0 : i32
    %dma_wait3A_1423 = arith.constant 0 : i32
    %dma_wait3A_1424 = arith.constant 0 : i32
    %dma_wait3A_1425 = tpu.memref_slice %arg4[%dma_wait3A_1422, %dma_wait3A_1423, %dma_wait3A_1424] : memref<1024x48x1024xf32, #tpu.memory_space<hbm>> -> memref<1x48x1024xf32, #tpu.memory_space<hbm>>
    tpu.wait_dma2 semaphore(%arg10 : memref<!tpu.dma_semaphore, #tpu.memory_space<semaphore_mem>>) src(%arg6 : memref<1x48x1024xf32, #tpu.memory_space<vmem>>) dst(%dma_wait3A_1425 : memref<1x48x1024xf32, #tpu.memory_space<hbm>>)
    %slice3A_1426 = vector.extract_strided_slice %get3A_7 {offsets = [10], sizes = [1], strides = [1]} : vector<16xi32> to vector<1xi32>
    %squeeze3A_1427 = vector.extract %slice3A_1426[0] : i32 from vector<1xi32>
    %shift_right_logical3A_1428 = arith.constant 10 : i32
    %shift_right_logical3A_1429 = arith.shrui %squeeze3A_1427, %shift_right_logical3A_1428 : i32
    %and3A_1430 = arith.constant 1023 : i32
    %and3A_1431 = arith.andi %squeeze3A_1427, %and3A_1430 : i32
    %ne3A_1432 = arith.cmpi ne, %shift_right_logical3A_1429, %shift_right_logical3A_1374 : i32
    %convert_element_type3A_1433 = arith.extui %ne3A_1432 : i1 to i32
    %add3A_1434 = arith.addi %add3A_1379, %convert_element_type3A_1433 : i32
    %sub3A_1435 = arith.constant 1 : i32
    %sub3A_1436 = arith.subi %add3A_1434, %sub3A_1435 : i32
    %rem3A_1437 = arith.constant 2 : i32
    %rem3A_1438 = arith.remsi %sub3A_1436, %rem3A_1437 : i32
    %eq3A_1439 = arith.constant 0 : i32
    %eq3A_1440 = arith.cmpi eq, %rem3A_1438, %eq3A_1439 : i32
    %and3A_1441 = arith.andi %ne3A_1432, %eq3A_1440 : i1
    %convert_element_type3A_1442 = arith.extui %and3A_1441 : i1 to i32
    %cond3A_1443 = arith.constant 0 : i32
    %cond3A_1444 = arith.cmpi ne, %convert_element_type3A_1442, %cond3A_1443 : i32
    scf.if %cond3A_1444 {
      %dma_start3A = arith.constant 0 : i32
      %dma_start3A_1764 = arith.constant 0 : i32
      %dma_start3A_1765 = tpu.memref_slice %arg2[%shift_right_logical3A_1429, %dma_start3A, %dma_start3A_1764] : memref<365x48x1024xf32, #tpu.memory_space<hbm>> -> memref<1x48x1024xf32, #tpu.memory_space<hbm>>
      %dma_start3A_1766 = arith.constant 0 : i32
      %dma_start3A_1767 = arith.constant 0 : i32
      %dma_start3A_1768 = tpu.memref_slice %arg2[%shift_right_logical3A_1429, %dma_start3A_1766, %dma_start3A_1767] : memref<365x48x1024xf32, #tpu.memory_space<hbm>> -> memref<1x48x1024xf32, #tpu.memory_space<hbm>>
      tpu.enqueue_dma source(%dma_start3A_1768 : memref<1x48x1024xf32, #tpu.memory_space<hbm>>) target(%arg6 : memref<1x48x1024xf32, #tpu.memory_space<vmem>>) target_semaphore(%arg8 : memref<!tpu.dma_semaphore, #tpu.memory_space<semaphore_mem>>)
    } else {
    }
    %eq3A_1445 = arith.constant 0 : i32
    %eq3A_1446 = arith.cmpi eq, %rem3A_1438, %eq3A_1445 : i32
    %and3A_1447 = arith.andi %ne3A_1432, %eq3A_1446 : i1
    %convert_element_type3A_1448 = arith.extui %and3A_1447 : i1 to i32
    %cond3A_1449 = arith.constant 0 : i32
    %cond3A_1450 = arith.cmpi ne, %convert_element_type3A_1448, %cond3A_1449 : i32
    scf.if %cond3A_1450 {
      %dma_wait3A_1764 = arith.constant 0 : i32
      %dma_wait3A_1765 = arith.constant 0 : i32
      %dma_wait3A_1766 = tpu.memref_slice %arg2[%shift_right_logical3A_1429, %dma_wait3A_1764, %dma_wait3A_1765] : memref<365x48x1024xf32, #tpu.memory_space<hbm>> -> memref<1x48x1024xf32, #tpu.memory_space<hbm>>
      %dma_wait3A_1767 = arith.constant 0 : i32
      %dma_wait3A_1768 = arith.constant 0 : i32
      %dma_wait3A_1769 = tpu.memref_slice %arg2[%shift_right_logical3A_1429, %dma_wait3A_1767, %dma_wait3A_1768] : memref<365x48x1024xf32, #tpu.memory_space<hbm>> -> memref<1x48x1024xf32, #tpu.memory_space<hbm>>
      tpu.wait_dma2 semaphore(%arg8 : memref<!tpu.dma_semaphore, #tpu.memory_space<semaphore_mem>>) src(%dma_wait3A_1769 : memref<1x48x1024xf32, #tpu.memory_space<hbm>>) dst(%arg6 : memref<1x48x1024xf32, #tpu.memory_space<vmem>>)
    } else {
    }
    %eq3A_1451 = arith.constant 0 : i32
    %eq3A_1452 = arith.cmpi eq, %rem3A_1438, %eq3A_1451 : i32
    %convert_element_type3A_1453 = arith.extui %eq3A_1452 : i1 to i32
    %cond3A_1454 = arith.constant 0 : i32
    %cond3A_1455 = arith.cmpi ne, %convert_element_type3A_1453, %cond3A_1454 : i32
    scf.if %cond3A_1455 {
      %dma_start3A = arith.constant 0 : i32
      %dma_start3A_1764 = arith.constant 0 : i32
      %dma_start3A_1765 = tpu.memref_slice %arg4[%and3A_1431, %dma_start3A, %dma_start3A_1764] : memref<1024x48x1024xf32, #tpu.memory_space<hbm>> -> memref<1x48x1024xf32, #tpu.memory_space<hbm>>
      %dma_start3A_1766 = arith.constant 0 : i32
      %dma_start3A_1767 = arith.constant 0 : i32
      %dma_start3A_1768 = tpu.memref_slice %arg4[%and3A_1431, %dma_start3A_1766, %dma_start3A_1767] : memref<1024x48x1024xf32, #tpu.memory_space<hbm>> -> memref<1x48x1024xf32, #tpu.memory_space<hbm>>
      tpu.enqueue_dma source(%arg6 : memref<1x48x1024xf32, #tpu.memory_space<vmem>>) target(%dma_start3A_1768 : memref<1x48x1024xf32, #tpu.memory_space<hbm>>) target_semaphore(%arg10 : memref<!tpu.dma_semaphore, #tpu.memory_space<semaphore_mem>>)
    } else {
    }
    %eq3A_1456 = arith.constant 1 : i32
    %eq3A_1457 = arith.cmpi eq, %rem3A_1438, %eq3A_1456 : i32
    %and3A_1458 = arith.andi %ne3A_1432, %eq3A_1457 : i1
    %convert_element_type3A_1459 = arith.extui %and3A_1458 : i1 to i32
    %cond3A_1460 = arith.constant 0 : i32
    %cond3A_1461 = arith.cmpi ne, %convert_element_type3A_1459, %cond3A_1460 : i32
    scf.if %cond3A_1461 {
      %dma_start3A = arith.constant 0 : i32
      %dma_start3A_1764 = arith.constant 0 : i32
      %dma_start3A_1765 = tpu.memref_slice %arg2[%shift_right_logical3A_1429, %dma_start3A, %dma_start3A_1764] : memref<365x48x1024xf32, #tpu.memory_space<hbm>> -> memref<1x48x1024xf32, #tpu.memory_space<hbm>>
      %dma_start3A_1766 = arith.constant 0 : i32
      %dma_start3A_1767 = arith.constant 0 : i32
      %dma_start3A_1768 = tpu.memref_slice %arg2[%shift_right_logical3A_1429, %dma_start3A_1766, %dma_start3A_1767] : memref<365x48x1024xf32, #tpu.memory_space<hbm>> -> memref<1x48x1024xf32, #tpu.memory_space<hbm>>
      tpu.enqueue_dma source(%dma_start3A_1768 : memref<1x48x1024xf32, #tpu.memory_space<hbm>>) target(%arg7 : memref<1x48x1024xf32, #tpu.memory_space<vmem>>) target_semaphore(%arg9 : memref<!tpu.dma_semaphore, #tpu.memory_space<semaphore_mem>>)
    } else {
    }
    %eq3A_1462 = arith.constant 1 : i32
    %eq3A_1463 = arith.cmpi eq, %rem3A_1438, %eq3A_1462 : i32
    %and3A_1464 = arith.andi %ne3A_1432, %eq3A_1463 : i1
    %convert_element_type3A_1465 = arith.extui %and3A_1464 : i1 to i32
    %cond3A_1466 = arith.constant 0 : i32
    %cond3A_1467 = arith.cmpi ne, %convert_element_type3A_1465, %cond3A_1466 : i32
    scf.if %cond3A_1467 {
      %dma_wait3A_1764 = arith.constant 0 : i32
      %dma_wait3A_1765 = arith.constant 0 : i32
      %dma_wait3A_1766 = tpu.memref_slice %arg2[%shift_right_logical3A_1429, %dma_wait3A_1764, %dma_wait3A_1765] : memref<365x48x1024xf32, #tpu.memory_space<hbm>> -> memref<1x48x1024xf32, #tpu.memory_space<hbm>>
      %dma_wait3A_1767 = arith.constant 0 : i32
      %dma_wait3A_1768 = arith.constant 0 : i32
      %dma_wait3A_1769 = tpu.memref_slice %arg2[%shift_right_logical3A_1429, %dma_wait3A_1767, %dma_wait3A_1768] : memref<365x48x1024xf32, #tpu.memory_space<hbm>> -> memref<1x48x1024xf32, #tpu.memory_space<hbm>>
      tpu.wait_dma2 semaphore(%arg9 : memref<!tpu.dma_semaphore, #tpu.memory_space<semaphore_mem>>) src(%dma_wait3A_1769 : memref<1x48x1024xf32, #tpu.memory_space<hbm>>) dst(%arg7 : memref<1x48x1024xf32, #tpu.memory_space<vmem>>)
    } else {
    }
    %eq3A_1468 = arith.constant 1 : i32
    %eq3A_1469 = arith.cmpi eq, %rem3A_1438, %eq3A_1468 : i32
    %convert_element_type3A_1470 = arith.extui %eq3A_1469 : i1 to i32
    %cond3A_1471 = arith.constant 0 : i32
    %cond3A_1472 = arith.cmpi ne, %convert_element_type3A_1470, %cond3A_1471 : i32
    scf.if %cond3A_1472 {
      %dma_start3A = arith.constant 0 : i32
      %dma_start3A_1764 = arith.constant 0 : i32
      %dma_start3A_1765 = tpu.memref_slice %arg4[%and3A_1431, %dma_start3A, %dma_start3A_1764] : memref<1024x48x1024xf32, #tpu.memory_space<hbm>> -> memref<1x48x1024xf32, #tpu.memory_space<hbm>>
      %dma_start3A_1766 = arith.constant 0 : i32
      %dma_start3A_1767 = arith.constant 0 : i32
      %dma_start3A_1768 = tpu.memref_slice %arg4[%and3A_1431, %dma_start3A_1766, %dma_start3A_1767] : memref<1024x48x1024xf32, #tpu.memory_space<hbm>> -> memref<1x48x1024xf32, #tpu.memory_space<hbm>>
      tpu.enqueue_dma source(%arg7 : memref<1x48x1024xf32, #tpu.memory_space<vmem>>) target(%dma_start3A_1768 : memref<1x48x1024xf32, #tpu.memory_space<hbm>>) target_semaphore(%arg10 : memref<!tpu.dma_semaphore, #tpu.memory_space<semaphore_mem>>)
    } else {
    }
    %dma_wait3A_1473 = arith.constant 0 : i32
    %dma_wait3A_1474 = arith.constant 0 : i32
    %dma_wait3A_1475 = arith.constant 0 : i32
    %dma_wait3A_1476 = tpu.memref_slice %arg4[%dma_wait3A_1473, %dma_wait3A_1474, %dma_wait3A_1475] : memref<1024x48x1024xf32, #tpu.memory_space<hbm>> -> memref<1x48x1024xf32, #tpu.memory_space<hbm>>
    %dma_wait3A_1477 = arith.constant 0 : i32
    %dma_wait3A_1478 = arith.constant 0 : i32
    %dma_wait3A_1479 = arith.constant 0 : i32
    %dma_wait3A_1480 = tpu.memref_slice %arg4[%dma_wait3A_1477, %dma_wait3A_1478, %dma_wait3A_1479] : memref<1024x48x1024xf32, #tpu.memory_space<hbm>> -> memref<1x48x1024xf32, #tpu.memory_space<hbm>>
    tpu.wait_dma2 semaphore(%arg11 : memref<!tpu.dma_semaphore, #tpu.memory_space<semaphore_mem>>) src(%arg6 : memref<1x48x1024xf32, #tpu.memory_space<vmem>>) dst(%dma_wait3A_1480 : memref<1x48x1024xf32, #tpu.memory_space<hbm>>)
    %slice3A_1481 = vector.extract_strided_slice %get3A_7 {offsets = [11], sizes = [1], strides = [1]} : vector<16xi32> to vector<1xi32>
    %squeeze3A_1482 = vector.extract %slice3A_1481[0] : i32 from vector<1xi32>
    %shift_right_logical3A_1483 = arith.constant 10 : i32
    %shift_right_logical3A_1484 = arith.shrui %squeeze3A_1482, %shift_right_logical3A_1483 : i32
    %and3A_1485 = arith.constant 1023 : i32
    %and3A_1486 = arith.andi %squeeze3A_1482, %and3A_1485 : i32
    %ne3A_1487 = arith.cmpi ne, %shift_right_logical3A_1484, %shift_right_logical3A_1429 : i32
    %convert_element_type3A_1488 = arith.extui %ne3A_1487 : i1 to i32
    %add3A_1489 = arith.addi %add3A_1434, %convert_element_type3A_1488 : i32
    %sub3A_1490 = arith.constant 1 : i32
    %sub3A_1491 = arith.subi %add3A_1489, %sub3A_1490 : i32
    %rem3A_1492 = arith.constant 2 : i32
    %rem3A_1493 = arith.remsi %sub3A_1491, %rem3A_1492 : i32
    %eq3A_1494 = arith.constant 0 : i32
    %eq3A_1495 = arith.cmpi eq, %rem3A_1493, %eq3A_1494 : i32
    %and3A_1496 = arith.andi %ne3A_1487, %eq3A_1495 : i1
    %convert_element_type3A_1497 = arith.extui %and3A_1496 : i1 to i32
    %cond3A_1498 = arith.constant 0 : i32
    %cond3A_1499 = arith.cmpi ne, %convert_element_type3A_1497, %cond3A_1498 : i32
    scf.if %cond3A_1499 {
      %dma_start3A = arith.constant 0 : i32
      %dma_start3A_1764 = arith.constant 0 : i32
      %dma_start3A_1765 = tpu.memref_slice %arg2[%shift_right_logical3A_1484, %dma_start3A, %dma_start3A_1764] : memref<365x48x1024xf32, #tpu.memory_space<hbm>> -> memref<1x48x1024xf32, #tpu.memory_space<hbm>>
      %dma_start3A_1766 = arith.constant 0 : i32
      %dma_start3A_1767 = arith.constant 0 : i32
      %dma_start3A_1768 = tpu.memref_slice %arg2[%shift_right_logical3A_1484, %dma_start3A_1766, %dma_start3A_1767] : memref<365x48x1024xf32, #tpu.memory_space<hbm>> -> memref<1x48x1024xf32, #tpu.memory_space<hbm>>
      tpu.enqueue_dma source(%dma_start3A_1768 : memref<1x48x1024xf32, #tpu.memory_space<hbm>>) target(%arg6 : memref<1x48x1024xf32, #tpu.memory_space<vmem>>) target_semaphore(%arg8 : memref<!tpu.dma_semaphore, #tpu.memory_space<semaphore_mem>>)
    } else {
    }
    %eq3A_1500 = arith.constant 0 : i32
    %eq3A_1501 = arith.cmpi eq, %rem3A_1493, %eq3A_1500 : i32
    %and3A_1502 = arith.andi %ne3A_1487, %eq3A_1501 : i1
    %convert_element_type3A_1503 = arith.extui %and3A_1502 : i1 to i32
    %cond3A_1504 = arith.constant 0 : i32
    %cond3A_1505 = arith.cmpi ne, %convert_element_type3A_1503, %cond3A_1504 : i32
    scf.if %cond3A_1505 {
      %dma_wait3A_1764 = arith.constant 0 : i32
      %dma_wait3A_1765 = arith.constant 0 : i32
      %dma_wait3A_1766 = tpu.memref_slice %arg2[%shift_right_logical3A_1484, %dma_wait3A_1764, %dma_wait3A_1765] : memref<365x48x1024xf32, #tpu.memory_space<hbm>> -> memref<1x48x1024xf32, #tpu.memory_space<hbm>>
      %dma_wait3A_1767 = arith.constant 0 : i32
      %dma_wait3A_1768 = arith.constant 0 : i32
      %dma_wait3A_1769 = tpu.memref_slice %arg2[%shift_right_logical3A_1484, %dma_wait3A_1767, %dma_wait3A_1768] : memref<365x48x1024xf32, #tpu.memory_space<hbm>> -> memref<1x48x1024xf32, #tpu.memory_space<hbm>>
      tpu.wait_dma2 semaphore(%arg8 : memref<!tpu.dma_semaphore, #tpu.memory_space<semaphore_mem>>) src(%dma_wait3A_1769 : memref<1x48x1024xf32, #tpu.memory_space<hbm>>) dst(%arg6 : memref<1x48x1024xf32, #tpu.memory_space<vmem>>)
    } else {
    }
    %eq3A_1506 = arith.constant 0 : i32
    %eq3A_1507 = arith.cmpi eq, %rem3A_1493, %eq3A_1506 : i32
    %convert_element_type3A_1508 = arith.extui %eq3A_1507 : i1 to i32
    %cond3A_1509 = arith.constant 0 : i32
    %cond3A_1510 = arith.cmpi ne, %convert_element_type3A_1508, %cond3A_1509 : i32
    scf.if %cond3A_1510 {
      %dma_start3A = arith.constant 0 : i32
      %dma_start3A_1764 = arith.constant 0 : i32
      %dma_start3A_1765 = tpu.memref_slice %arg4[%and3A_1486, %dma_start3A, %dma_start3A_1764] : memref<1024x48x1024xf32, #tpu.memory_space<hbm>> -> memref<1x48x1024xf32, #tpu.memory_space<hbm>>
      %dma_start3A_1766 = arith.constant 0 : i32
      %dma_start3A_1767 = arith.constant 0 : i32
      %dma_start3A_1768 = tpu.memref_slice %arg4[%and3A_1486, %dma_start3A_1766, %dma_start3A_1767] : memref<1024x48x1024xf32, #tpu.memory_space<hbm>> -> memref<1x48x1024xf32, #tpu.memory_space<hbm>>
      tpu.enqueue_dma source(%arg6 : memref<1x48x1024xf32, #tpu.memory_space<vmem>>) target(%dma_start3A_1768 : memref<1x48x1024xf32, #tpu.memory_space<hbm>>) target_semaphore(%arg11 : memref<!tpu.dma_semaphore, #tpu.memory_space<semaphore_mem>>)
    } else {
    }
    %eq3A_1511 = arith.constant 1 : i32
    %eq3A_1512 = arith.cmpi eq, %rem3A_1493, %eq3A_1511 : i32
    %and3A_1513 = arith.andi %ne3A_1487, %eq3A_1512 : i1
    %convert_element_type3A_1514 = arith.extui %and3A_1513 : i1 to i32
    %cond3A_1515 = arith.constant 0 : i32
    %cond3A_1516 = arith.cmpi ne, %convert_element_type3A_1514, %cond3A_1515 : i32
    scf.if %cond3A_1516 {
      %dma_start3A = arith.constant 0 : i32
      %dma_start3A_1764 = arith.constant 0 : i32
      %dma_start3A_1765 = tpu.memref_slice %arg2[%shift_right_logical3A_1484, %dma_start3A, %dma_start3A_1764] : memref<365x48x1024xf32, #tpu.memory_space<hbm>> -> memref<1x48x1024xf32, #tpu.memory_space<hbm>>
      %dma_start3A_1766 = arith.constant 0 : i32
      %dma_start3A_1767 = arith.constant 0 : i32
      %dma_start3A_1768 = tpu.memref_slice %arg2[%shift_right_logical3A_1484, %dma_start3A_1766, %dma_start3A_1767] : memref<365x48x1024xf32, #tpu.memory_space<hbm>> -> memref<1x48x1024xf32, #tpu.memory_space<hbm>>
      tpu.enqueue_dma source(%dma_start3A_1768 : memref<1x48x1024xf32, #tpu.memory_space<hbm>>) target(%arg7 : memref<1x48x1024xf32, #tpu.memory_space<vmem>>) target_semaphore(%arg9 : memref<!tpu.dma_semaphore, #tpu.memory_space<semaphore_mem>>)
    } else {
    }
    %eq3A_1517 = arith.constant 1 : i32
    %eq3A_1518 = arith.cmpi eq, %rem3A_1493, %eq3A_1517 : i32
    %and3A_1519 = arith.andi %ne3A_1487, %eq3A_1518 : i1
    %convert_element_type3A_1520 = arith.extui %and3A_1519 : i1 to i32
    %cond3A_1521 = arith.constant 0 : i32
    %cond3A_1522 = arith.cmpi ne, %convert_element_type3A_1520, %cond3A_1521 : i32
    scf.if %cond3A_1522 {
      %dma_wait3A_1764 = arith.constant 0 : i32
      %dma_wait3A_1765 = arith.constant 0 : i32
      %dma_wait3A_1766 = tpu.memref_slice %arg2[%shift_right_logical3A_1484, %dma_wait3A_1764, %dma_wait3A_1765] : memref<365x48x1024xf32, #tpu.memory_space<hbm>> -> memref<1x48x1024xf32, #tpu.memory_space<hbm>>
      %dma_wait3A_1767 = arith.constant 0 : i32
      %dma_wait3A_1768 = arith.constant 0 : i32
      %dma_wait3A_1769 = tpu.memref_slice %arg2[%shift_right_logical3A_1484, %dma_wait3A_1767, %dma_wait3A_1768] : memref<365x48x1024xf32, #tpu.memory_space<hbm>> -> memref<1x48x1024xf32, #tpu.memory_space<hbm>>
      tpu.wait_dma2 semaphore(%arg9 : memref<!tpu.dma_semaphore, #tpu.memory_space<semaphore_mem>>) src(%dma_wait3A_1769 : memref<1x48x1024xf32, #tpu.memory_space<hbm>>) dst(%arg7 : memref<1x48x1024xf32, #tpu.memory_space<vmem>>)
    } else {
    }
    %eq3A_1523 = arith.constant 1 : i32
    %eq3A_1524 = arith.cmpi eq, %rem3A_1493, %eq3A_1523 : i32
    %convert_element_type3A_1525 = arith.extui %eq3A_1524 : i1 to i32
    %cond3A_1526 = arith.constant 0 : i32
    %cond3A_1527 = arith.cmpi ne, %convert_element_type3A_1525, %cond3A_1526 : i32
    scf.if %cond3A_1527 {
      %dma_start3A = arith.constant 0 : i32
      %dma_start3A_1764 = arith.constant 0 : i32
      %dma_start3A_1765 = tpu.memref_slice %arg4[%and3A_1486, %dma_start3A, %dma_start3A_1764] : memref<1024x48x1024xf32, #tpu.memory_space<hbm>> -> memref<1x48x1024xf32, #tpu.memory_space<hbm>>
      %dma_start3A_1766 = arith.constant 0 : i32
      %dma_start3A_1767 = arith.constant 0 : i32
      %dma_start3A_1768 = tpu.memref_slice %arg4[%and3A_1486, %dma_start3A_1766, %dma_start3A_1767] : memref<1024x48x1024xf32, #tpu.memory_space<hbm>> -> memref<1x48x1024xf32, #tpu.memory_space<hbm>>
      tpu.enqueue_dma source(%arg7 : memref<1x48x1024xf32, #tpu.memory_space<vmem>>) target(%dma_start3A_1768 : memref<1x48x1024xf32, #tpu.memory_space<hbm>>) target_semaphore(%arg11 : memref<!tpu.dma_semaphore, #tpu.memory_space<semaphore_mem>>)
    } else {
    }
    %dma_wait3A_1528 = arith.constant 0 : i32
    %dma_wait3A_1529 = arith.constant 0 : i32
    %dma_wait3A_1530 = arith.constant 0 : i32
    %dma_wait3A_1531 = tpu.memref_slice %arg4[%dma_wait3A_1528, %dma_wait3A_1529, %dma_wait3A_1530] : memref<1024x48x1024xf32, #tpu.memory_space<hbm>> -> memref<1x48x1024xf32, #tpu.memory_space<hbm>>
    %dma_wait3A_1532 = arith.constant 0 : i32
    %dma_wait3A_1533 = arith.constant 0 : i32
    %dma_wait3A_1534 = arith.constant 0 : i32
    %dma_wait3A_1535 = tpu.memref_slice %arg4[%dma_wait3A_1532, %dma_wait3A_1533, %dma_wait3A_1534] : memref<1024x48x1024xf32, #tpu.memory_space<hbm>> -> memref<1x48x1024xf32, #tpu.memory_space<hbm>>
    tpu.wait_dma2 semaphore(%arg10 : memref<!tpu.dma_semaphore, #tpu.memory_space<semaphore_mem>>) src(%arg6 : memref<1x48x1024xf32, #tpu.memory_space<vmem>>) dst(%dma_wait3A_1535 : memref<1x48x1024xf32, #tpu.memory_space<hbm>>)
    %slice3A_1536 = vector.extract_strided_slice %get3A_7 {offsets = [12], sizes = [1], strides = [1]} : vector<16xi32> to vector<1xi32>
    %squeeze3A_1537 = vector.extract %slice3A_1536[0] : i32 from vector<1xi32>
    %shift_right_logical3A_1538 = arith.constant 10 : i32
    %shift_right_logical3A_1539 = arith.shrui %squeeze3A_1537, %shift_right_logical3A_1538 : i32
    %and3A_1540 = arith.constant 1023 : i32
    %and3A_1541 = arith.andi %squeeze3A_1537, %and3A_1540 : i32
    %ne3A_1542 = arith.cmpi ne, %shift_right_logical3A_1539, %shift_right_logical3A_1484 : i32
    %convert_element_type3A_1543 = arith.extui %ne3A_1542 : i1 to i32
    %add3A_1544 = arith.addi %add3A_1489, %convert_element_type3A_1543 : i32
    %sub3A_1545 = arith.constant 1 : i32
    %sub3A_1546 = arith.subi %add3A_1544, %sub3A_1545 : i32
    %rem3A_1547 = arith.constant 2 : i32
    %rem3A_1548 = arith.remsi %sub3A_1546, %rem3A_1547 : i32
    %eq3A_1549 = arith.constant 0 : i32
    %eq3A_1550 = arith.cmpi eq, %rem3A_1548, %eq3A_1549 : i32
    %and3A_1551 = arith.andi %ne3A_1542, %eq3A_1550 : i1
    %convert_element_type3A_1552 = arith.extui %and3A_1551 : i1 to i32
    %cond3A_1553 = arith.constant 0 : i32
    %cond3A_1554 = arith.cmpi ne, %convert_element_type3A_1552, %cond3A_1553 : i32
    scf.if %cond3A_1554 {
      %dma_start3A = arith.constant 0 : i32
      %dma_start3A_1764 = arith.constant 0 : i32
      %dma_start3A_1765 = tpu.memref_slice %arg2[%shift_right_logical3A_1539, %dma_start3A, %dma_start3A_1764] : memref<365x48x1024xf32, #tpu.memory_space<hbm>> -> memref<1x48x1024xf32, #tpu.memory_space<hbm>>
      %dma_start3A_1766 = arith.constant 0 : i32
      %dma_start3A_1767 = arith.constant 0 : i32
      %dma_start3A_1768 = tpu.memref_slice %arg2[%shift_right_logical3A_1539, %dma_start3A_1766, %dma_start3A_1767] : memref<365x48x1024xf32, #tpu.memory_space<hbm>> -> memref<1x48x1024xf32, #tpu.memory_space<hbm>>
      tpu.enqueue_dma source(%dma_start3A_1768 : memref<1x48x1024xf32, #tpu.memory_space<hbm>>) target(%arg6 : memref<1x48x1024xf32, #tpu.memory_space<vmem>>) target_semaphore(%arg8 : memref<!tpu.dma_semaphore, #tpu.memory_space<semaphore_mem>>)
    } else {
    }
    %eq3A_1555 = arith.constant 0 : i32
    %eq3A_1556 = arith.cmpi eq, %rem3A_1548, %eq3A_1555 : i32
    %and3A_1557 = arith.andi %ne3A_1542, %eq3A_1556 : i1
    %convert_element_type3A_1558 = arith.extui %and3A_1557 : i1 to i32
    %cond3A_1559 = arith.constant 0 : i32
    %cond3A_1560 = arith.cmpi ne, %convert_element_type3A_1558, %cond3A_1559 : i32
    scf.if %cond3A_1560 {
      %dma_wait3A_1764 = arith.constant 0 : i32
      %dma_wait3A_1765 = arith.constant 0 : i32
      %dma_wait3A_1766 = tpu.memref_slice %arg2[%shift_right_logical3A_1539, %dma_wait3A_1764, %dma_wait3A_1765] : memref<365x48x1024xf32, #tpu.memory_space<hbm>> -> memref<1x48x1024xf32, #tpu.memory_space<hbm>>
      %dma_wait3A_1767 = arith.constant 0 : i32
      %dma_wait3A_1768 = arith.constant 0 : i32
      %dma_wait3A_1769 = tpu.memref_slice %arg2[%shift_right_logical3A_1539, %dma_wait3A_1767, %dma_wait3A_1768] : memref<365x48x1024xf32, #tpu.memory_space<hbm>> -> memref<1x48x1024xf32, #tpu.memory_space<hbm>>
      tpu.wait_dma2 semaphore(%arg8 : memref<!tpu.dma_semaphore, #tpu.memory_space<semaphore_mem>>) src(%dma_wait3A_1769 : memref<1x48x1024xf32, #tpu.memory_space<hbm>>) dst(%arg6 : memref<1x48x1024xf32, #tpu.memory_space<vmem>>)
    } else {
    }
    %eq3A_1561 = arith.constant 0 : i32
    %eq3A_1562 = arith.cmpi eq, %rem3A_1548, %eq3A_1561 : i32
    %convert_element_type3A_1563 = arith.extui %eq3A_1562 : i1 to i32
    %cond3A_1564 = arith.constant 0 : i32
    %cond3A_1565 = arith.cmpi ne, %convert_element_type3A_1563, %cond3A_1564 : i32
    scf.if %cond3A_1565 {
      %dma_start3A = arith.constant 0 : i32
      %dma_start3A_1764 = arith.constant 0 : i32
      %dma_start3A_1765 = tpu.memref_slice %arg4[%and3A_1541, %dma_start3A, %dma_start3A_1764] : memref<1024x48x1024xf32, #tpu.memory_space<hbm>> -> memref<1x48x1024xf32, #tpu.memory_space<hbm>>
      %dma_start3A_1766 = arith.constant 0 : i32
      %dma_start3A_1767 = arith.constant 0 : i32
      %dma_start3A_1768 = tpu.memref_slice %arg4[%and3A_1541, %dma_start3A_1766, %dma_start3A_1767] : memref<1024x48x1024xf32, #tpu.memory_space<hbm>> -> memref<1x48x1024xf32, #tpu.memory_space<hbm>>
      tpu.enqueue_dma source(%arg6 : memref<1x48x1024xf32, #tpu.memory_space<vmem>>) target(%dma_start3A_1768 : memref<1x48x1024xf32, #tpu.memory_space<hbm>>) target_semaphore(%arg10 : memref<!tpu.dma_semaphore, #tpu.memory_space<semaphore_mem>>)
    } else {
    }
    %eq3A_1566 = arith.constant 1 : i32
    %eq3A_1567 = arith.cmpi eq, %rem3A_1548, %eq3A_1566 : i32
    %and3A_1568 = arith.andi %ne3A_1542, %eq3A_1567 : i1
    %convert_element_type3A_1569 = arith.extui %and3A_1568 : i1 to i32
    %cond3A_1570 = arith.constant 0 : i32
    %cond3A_1571 = arith.cmpi ne, %convert_element_type3A_1569, %cond3A_1570 : i32
    scf.if %cond3A_1571 {
      %dma_start3A = arith.constant 0 : i32
      %dma_start3A_1764 = arith.constant 0 : i32
      %dma_start3A_1765 = tpu.memref_slice %arg2[%shift_right_logical3A_1539, %dma_start3A, %dma_start3A_1764] : memref<365x48x1024xf32, #tpu.memory_space<hbm>> -> memref<1x48x1024xf32, #tpu.memory_space<hbm>>
      %dma_start3A_1766 = arith.constant 0 : i32
      %dma_start3A_1767 = arith.constant 0 : i32
      %dma_start3A_1768 = tpu.memref_slice %arg2[%shift_right_logical3A_1539, %dma_start3A_1766, %dma_start3A_1767] : memref<365x48x1024xf32, #tpu.memory_space<hbm>> -> memref<1x48x1024xf32, #tpu.memory_space<hbm>>
      tpu.enqueue_dma source(%dma_start3A_1768 : memref<1x48x1024xf32, #tpu.memory_space<hbm>>) target(%arg7 : memref<1x48x1024xf32, #tpu.memory_space<vmem>>) target_semaphore(%arg9 : memref<!tpu.dma_semaphore, #tpu.memory_space<semaphore_mem>>)
    } else {
    }
    %eq3A_1572 = arith.constant 1 : i32
    %eq3A_1573 = arith.cmpi eq, %rem3A_1548, %eq3A_1572 : i32
    %and3A_1574 = arith.andi %ne3A_1542, %eq3A_1573 : i1
    %convert_element_type3A_1575 = arith.extui %and3A_1574 : i1 to i32
    %cond3A_1576 = arith.constant 0 : i32
    %cond3A_1577 = arith.cmpi ne, %convert_element_type3A_1575, %cond3A_1576 : i32
    scf.if %cond3A_1577 {
      %dma_wait3A_1764 = arith.constant 0 : i32
      %dma_wait3A_1765 = arith.constant 0 : i32
      %dma_wait3A_1766 = tpu.memref_slice %arg2[%shift_right_logical3A_1539, %dma_wait3A_1764, %dma_wait3A_1765] : memref<365x48x1024xf32, #tpu.memory_space<hbm>> -> memref<1x48x1024xf32, #tpu.memory_space<hbm>>
      %dma_wait3A_1767 = arith.constant 0 : i32
      %dma_wait3A_1768 = arith.constant 0 : i32
      %dma_wait3A_1769 = tpu.memref_slice %arg2[%shift_right_logical3A_1539, %dma_wait3A_1767, %dma_wait3A_1768] : memref<365x48x1024xf32, #tpu.memory_space<hbm>> -> memref<1x48x1024xf32, #tpu.memory_space<hbm>>
      tpu.wait_dma2 semaphore(%arg9 : memref<!tpu.dma_semaphore, #tpu.memory_space<semaphore_mem>>) src(%dma_wait3A_1769 : memref<1x48x1024xf32, #tpu.memory_space<hbm>>) dst(%arg7 : memref<1x48x1024xf32, #tpu.memory_space<vmem>>)
    } else {
    }
    %eq3A_1578 = arith.constant 1 : i32
    %eq3A_1579 = arith.cmpi eq, %rem3A_1548, %eq3A_1578 : i32
    %convert_element_type3A_1580 = arith.extui %eq3A_1579 : i1 to i32
    %cond3A_1581 = arith.constant 0 : i32
    %cond3A_1582 = arith.cmpi ne, %convert_element_type3A_1580, %cond3A_1581 : i32
    scf.if %cond3A_1582 {
      %dma_start3A = arith.constant 0 : i32
      %dma_start3A_1764 = arith.constant 0 : i32
      %dma_start3A_1765 = tpu.memref_slice %arg4[%and3A_1541, %dma_start3A, %dma_start3A_1764] : memref<1024x48x1024xf32, #tpu.memory_space<hbm>> -> memref<1x48x1024xf32, #tpu.memory_space<hbm>>
      %dma_start3A_1766 = arith.constant 0 : i32
      %dma_start3A_1767 = arith.constant 0 : i32
      %dma_start3A_1768 = tpu.memref_slice %arg4[%and3A_1541, %dma_start3A_1766, %dma_start3A_1767] : memref<1024x48x1024xf32, #tpu.memory_space<hbm>> -> memref<1x48x1024xf32, #tpu.memory_space<hbm>>
      tpu.enqueue_dma source(%arg7 : memref<1x48x1024xf32, #tpu.memory_space<vmem>>) target(%dma_start3A_1768 : memref<1x48x1024xf32, #tpu.memory_space<hbm>>) target_semaphore(%arg10 : memref<!tpu.dma_semaphore, #tpu.memory_space<semaphore_mem>>)
    } else {
    }
    %dma_wait3A_1583 = arith.constant 0 : i32
    %dma_wait3A_1584 = arith.constant 0 : i32
    %dma_wait3A_1585 = arith.constant 0 : i32
    %dma_wait3A_1586 = tpu.memref_slice %arg4[%dma_wait3A_1583, %dma_wait3A_1584, %dma_wait3A_1585] : memref<1024x48x1024xf32, #tpu.memory_space<hbm>> -> memref<1x48x1024xf32, #tpu.memory_space<hbm>>
    %dma_wait3A_1587 = arith.constant 0 : i32
    %dma_wait3A_1588 = arith.constant 0 : i32
    %dma_wait3A_1589 = arith.constant 0 : i32
    %dma_wait3A_1590 = tpu.memref_slice %arg4[%dma_wait3A_1587, %dma_wait3A_1588, %dma_wait3A_1589] : memref<1024x48x1024xf32, #tpu.memory_space<hbm>> -> memref<1x48x1024xf32, #tpu.memory_space<hbm>>
    tpu.wait_dma2 semaphore(%arg11 : memref<!tpu.dma_semaphore, #tpu.memory_space<semaphore_mem>>) src(%arg6 : memref<1x48x1024xf32, #tpu.memory_space<vmem>>) dst(%dma_wait3A_1590 : memref<1x48x1024xf32, #tpu.memory_space<hbm>>)
    %slice3A_1591 = vector.extract_strided_slice %get3A_7 {offsets = [13], sizes = [1], strides = [1]} : vector<16xi32> to vector<1xi32>
    %squeeze3A_1592 = vector.extract %slice3A_1591[0] : i32 from vector<1xi32>
    %shift_right_logical3A_1593 = arith.constant 10 : i32
    %shift_right_logical3A_1594 = arith.shrui %squeeze3A_1592, %shift_right_logical3A_1593 : i32
    %and3A_1595 = arith.constant 1023 : i32
    %and3A_1596 = arith.andi %squeeze3A_1592, %and3A_1595 : i32
    %ne3A_1597 = arith.cmpi ne, %shift_right_logical3A_1594, %shift_right_logical3A_1539 : i32
    %convert_element_type3A_1598 = arith.extui %ne3A_1597 : i1 to i32
    %add3A_1599 = arith.addi %add3A_1544, %convert_element_type3A_1598 : i32
    %sub3A_1600 = arith.constant 1 : i32
    %sub3A_1601 = arith.subi %add3A_1599, %sub3A_1600 : i32
    %rem3A_1602 = arith.constant 2 : i32
    %rem3A_1603 = arith.remsi %sub3A_1601, %rem3A_1602 : i32
    %eq3A_1604 = arith.constant 0 : i32
    %eq3A_1605 = arith.cmpi eq, %rem3A_1603, %eq3A_1604 : i32
    %and3A_1606 = arith.andi %ne3A_1597, %eq3A_1605 : i1
    %convert_element_type3A_1607 = arith.extui %and3A_1606 : i1 to i32
    %cond3A_1608 = arith.constant 0 : i32
    %cond3A_1609 = arith.cmpi ne, %convert_element_type3A_1607, %cond3A_1608 : i32
    scf.if %cond3A_1609 {
      %dma_start3A = arith.constant 0 : i32
      %dma_start3A_1764 = arith.constant 0 : i32
      %dma_start3A_1765 = tpu.memref_slice %arg2[%shift_right_logical3A_1594, %dma_start3A, %dma_start3A_1764] : memref<365x48x1024xf32, #tpu.memory_space<hbm>> -> memref<1x48x1024xf32, #tpu.memory_space<hbm>>
      %dma_start3A_1766 = arith.constant 0 : i32
      %dma_start3A_1767 = arith.constant 0 : i32
      %dma_start3A_1768 = tpu.memref_slice %arg2[%shift_right_logical3A_1594, %dma_start3A_1766, %dma_start3A_1767] : memref<365x48x1024xf32, #tpu.memory_space<hbm>> -> memref<1x48x1024xf32, #tpu.memory_space<hbm>>
      tpu.enqueue_dma source(%dma_start3A_1768 : memref<1x48x1024xf32, #tpu.memory_space<hbm>>) target(%arg6 : memref<1x48x1024xf32, #tpu.memory_space<vmem>>) target_semaphore(%arg8 : memref<!tpu.dma_semaphore, #tpu.memory_space<semaphore_mem>>)
    } else {
    }
    %eq3A_1610 = arith.constant 0 : i32
    %eq3A_1611 = arith.cmpi eq, %rem3A_1603, %eq3A_1610 : i32
    %and3A_1612 = arith.andi %ne3A_1597, %eq3A_1611 : i1
    %convert_element_type3A_1613 = arith.extui %and3A_1612 : i1 to i32
    %cond3A_1614 = arith.constant 0 : i32
    %cond3A_1615 = arith.cmpi ne, %convert_element_type3A_1613, %cond3A_1614 : i32
    scf.if %cond3A_1615 {
      %dma_wait3A_1764 = arith.constant 0 : i32
      %dma_wait3A_1765 = arith.constant 0 : i32
      %dma_wait3A_1766 = tpu.memref_slice %arg2[%shift_right_logical3A_1594, %dma_wait3A_1764, %dma_wait3A_1765] : memref<365x48x1024xf32, #tpu.memory_space<hbm>> -> memref<1x48x1024xf32, #tpu.memory_space<hbm>>
      %dma_wait3A_1767 = arith.constant 0 : i32
      %dma_wait3A_1768 = arith.constant 0 : i32
      %dma_wait3A_1769 = tpu.memref_slice %arg2[%shift_right_logical3A_1594, %dma_wait3A_1767, %dma_wait3A_1768] : memref<365x48x1024xf32, #tpu.memory_space<hbm>> -> memref<1x48x1024xf32, #tpu.memory_space<hbm>>
      tpu.wait_dma2 semaphore(%arg8 : memref<!tpu.dma_semaphore, #tpu.memory_space<semaphore_mem>>) src(%dma_wait3A_1769 : memref<1x48x1024xf32, #tpu.memory_space<hbm>>) dst(%arg6 : memref<1x48x1024xf32, #tpu.memory_space<vmem>>)
    } else {
    }
    %eq3A_1616 = arith.constant 0 : i32
    %eq3A_1617 = arith.cmpi eq, %rem3A_1603, %eq3A_1616 : i32
    %convert_element_type3A_1618 = arith.extui %eq3A_1617 : i1 to i32
    %cond3A_1619 = arith.constant 0 : i32
    %cond3A_1620 = arith.cmpi ne, %convert_element_type3A_1618, %cond3A_1619 : i32
    scf.if %cond3A_1620 {
      %dma_start3A = arith.constant 0 : i32
      %dma_start3A_1764 = arith.constant 0 : i32
      %dma_start3A_1765 = tpu.memref_slice %arg4[%and3A_1596, %dma_start3A, %dma_start3A_1764] : memref<1024x48x1024xf32, #tpu.memory_space<hbm>> -> memref<1x48x1024xf32, #tpu.memory_space<hbm>>
      %dma_start3A_1766 = arith.constant 0 : i32
      %dma_start3A_1767 = arith.constant 0 : i32
      %dma_start3A_1768 = tpu.memref_slice %arg4[%and3A_1596, %dma_start3A_1766, %dma_start3A_1767] : memref<1024x48x1024xf32, #tpu.memory_space<hbm>> -> memref<1x48x1024xf32, #tpu.memory_space<hbm>>
      tpu.enqueue_dma source(%arg6 : memref<1x48x1024xf32, #tpu.memory_space<vmem>>) target(%dma_start3A_1768 : memref<1x48x1024xf32, #tpu.memory_space<hbm>>) target_semaphore(%arg11 : memref<!tpu.dma_semaphore, #tpu.memory_space<semaphore_mem>>)
    } else {
    }
    %eq3A_1621 = arith.constant 1 : i32
    %eq3A_1622 = arith.cmpi eq, %rem3A_1603, %eq3A_1621 : i32
    %and3A_1623 = arith.andi %ne3A_1597, %eq3A_1622 : i1
    %convert_element_type3A_1624 = arith.extui %and3A_1623 : i1 to i32
    %cond3A_1625 = arith.constant 0 : i32
    %cond3A_1626 = arith.cmpi ne, %convert_element_type3A_1624, %cond3A_1625 : i32
    scf.if %cond3A_1626 {
      %dma_start3A = arith.constant 0 : i32
      %dma_start3A_1764 = arith.constant 0 : i32
      %dma_start3A_1765 = tpu.memref_slice %arg2[%shift_right_logical3A_1594, %dma_start3A, %dma_start3A_1764] : memref<365x48x1024xf32, #tpu.memory_space<hbm>> -> memref<1x48x1024xf32, #tpu.memory_space<hbm>>
      %dma_start3A_1766 = arith.constant 0 : i32
      %dma_start3A_1767 = arith.constant 0 : i32
      %dma_start3A_1768 = tpu.memref_slice %arg2[%shift_right_logical3A_1594, %dma_start3A_1766, %dma_start3A_1767] : memref<365x48x1024xf32, #tpu.memory_space<hbm>> -> memref<1x48x1024xf32, #tpu.memory_space<hbm>>
      tpu.enqueue_dma source(%dma_start3A_1768 : memref<1x48x1024xf32, #tpu.memory_space<hbm>>) target(%arg7 : memref<1x48x1024xf32, #tpu.memory_space<vmem>>) target_semaphore(%arg9 : memref<!tpu.dma_semaphore, #tpu.memory_space<semaphore_mem>>)
    } else {
    }
    %eq3A_1627 = arith.constant 1 : i32
    %eq3A_1628 = arith.cmpi eq, %rem3A_1603, %eq3A_1627 : i32
    %and3A_1629 = arith.andi %ne3A_1597, %eq3A_1628 : i1
    %convert_element_type3A_1630 = arith.extui %and3A_1629 : i1 to i32
    %cond3A_1631 = arith.constant 0 : i32
    %cond3A_1632 = arith.cmpi ne, %convert_element_type3A_1630, %cond3A_1631 : i32
    scf.if %cond3A_1632 {
      %dma_wait3A_1764 = arith.constant 0 : i32
      %dma_wait3A_1765 = arith.constant 0 : i32
      %dma_wait3A_1766 = tpu.memref_slice %arg2[%shift_right_logical3A_1594, %dma_wait3A_1764, %dma_wait3A_1765] : memref<365x48x1024xf32, #tpu.memory_space<hbm>> -> memref<1x48x1024xf32, #tpu.memory_space<hbm>>
      %dma_wait3A_1767 = arith.constant 0 : i32
      %dma_wait3A_1768 = arith.constant 0 : i32
      %dma_wait3A_1769 = tpu.memref_slice %arg2[%shift_right_logical3A_1594, %dma_wait3A_1767, %dma_wait3A_1768] : memref<365x48x1024xf32, #tpu.memory_space<hbm>> -> memref<1x48x1024xf32, #tpu.memory_space<hbm>>
      tpu.wait_dma2 semaphore(%arg9 : memref<!tpu.dma_semaphore, #tpu.memory_space<semaphore_mem>>) src(%dma_wait3A_1769 : memref<1x48x1024xf32, #tpu.memory_space<hbm>>) dst(%arg7 : memref<1x48x1024xf32, #tpu.memory_space<vmem>>)
    } else {
    }
    %eq3A_1633 = arith.constant 1 : i32
    %eq3A_1634 = arith.cmpi eq, %rem3A_1603, %eq3A_1633 : i32
    %convert_element_type3A_1635 = arith.extui %eq3A_1634 : i1 to i32
    %cond3A_1636 = arith.constant 0 : i32
    %cond3A_1637 = arith.cmpi ne, %convert_element_type3A_1635, %cond3A_1636 : i32
    scf.if %cond3A_1637 {
      %dma_start3A = arith.constant 0 : i32
      %dma_start3A_1764 = arith.constant 0 : i32
      %dma_start3A_1765 = tpu.memref_slice %arg4[%and3A_1596, %dma_start3A, %dma_start3A_1764] : memref<1024x48x1024xf32, #tpu.memory_space<hbm>> -> memref<1x48x1024xf32, #tpu.memory_space<hbm>>
      %dma_start3A_1766 = arith.constant 0 : i32
      %dma_start3A_1767 = arith.constant 0 : i32
      %dma_start3A_1768 = tpu.memref_slice %arg4[%and3A_1596, %dma_start3A_1766, %dma_start3A_1767] : memref<1024x48x1024xf32, #tpu.memory_space<hbm>> -> memref<1x48x1024xf32, #tpu.memory_space<hbm>>
      tpu.enqueue_dma source(%arg7 : memref<1x48x1024xf32, #tpu.memory_space<vmem>>) target(%dma_start3A_1768 : memref<1x48x1024xf32, #tpu.memory_space<hbm>>) target_semaphore(%arg11 : memref<!tpu.dma_semaphore, #tpu.memory_space<semaphore_mem>>)
    } else {
    }
    %dma_wait3A_1638 = arith.constant 0 : i32
    %dma_wait3A_1639 = arith.constant 0 : i32
    %dma_wait3A_1640 = arith.constant 0 : i32
    %dma_wait3A_1641 = tpu.memref_slice %arg4[%dma_wait3A_1638, %dma_wait3A_1639, %dma_wait3A_1640] : memref<1024x48x1024xf32, #tpu.memory_space<hbm>> -> memref<1x48x1024xf32, #tpu.memory_space<hbm>>
    %dma_wait3A_1642 = arith.constant 0 : i32
    %dma_wait3A_1643 = arith.constant 0 : i32
    %dma_wait3A_1644 = arith.constant 0 : i32
    %dma_wait3A_1645 = tpu.memref_slice %arg4[%dma_wait3A_1642, %dma_wait3A_1643, %dma_wait3A_1644] : memref<1024x48x1024xf32, #tpu.memory_space<hbm>> -> memref<1x48x1024xf32, #tpu.memory_space<hbm>>
    tpu.wait_dma2 semaphore(%arg10 : memref<!tpu.dma_semaphore, #tpu.memory_space<semaphore_mem>>) src(%arg6 : memref<1x48x1024xf32, #tpu.memory_space<vmem>>) dst(%dma_wait3A_1645 : memref<1x48x1024xf32, #tpu.memory_space<hbm>>)
    %slice3A_1646 = vector.extract_strided_slice %get3A_7 {offsets = [14], sizes = [1], strides = [1]} : vector<16xi32> to vector<1xi32>
    %squeeze3A_1647 = vector.extract %slice3A_1646[0] : i32 from vector<1xi32>
    %shift_right_logical3A_1648 = arith.constant 10 : i32
    %shift_right_logical3A_1649 = arith.shrui %squeeze3A_1647, %shift_right_logical3A_1648 : i32
    %and3A_1650 = arith.constant 1023 : i32
    %and3A_1651 = arith.andi %squeeze3A_1647, %and3A_1650 : i32
    %ne3A_1652 = arith.cmpi ne, %shift_right_logical3A_1649, %shift_right_logical3A_1594 : i32
    %convert_element_type3A_1653 = arith.extui %ne3A_1652 : i1 to i32
    %add3A_1654 = arith.addi %add3A_1599, %convert_element_type3A_1653 : i32
    %sub3A_1655 = arith.constant 1 : i32
    %sub3A_1656 = arith.subi %add3A_1654, %sub3A_1655 : i32
    %rem3A_1657 = arith.constant 2 : i32
    %rem3A_1658 = arith.remsi %sub3A_1656, %rem3A_1657 : i32
    %eq3A_1659 = arith.constant 0 : i32
    %eq3A_1660 = arith.cmpi eq, %rem3A_1658, %eq3A_1659 : i32
    %and3A_1661 = arith.andi %ne3A_1652, %eq3A_1660 : i1
    %convert_element_type3A_1662 = arith.extui %and3A_1661 : i1 to i32
    %cond3A_1663 = arith.constant 0 : i32
    %cond3A_1664 = arith.cmpi ne, %convert_element_type3A_1662, %cond3A_1663 : i32
    scf.if %cond3A_1664 {
      %dma_start3A = arith.constant 0 : i32
      %dma_start3A_1764 = arith.constant 0 : i32
      %dma_start3A_1765 = tpu.memref_slice %arg2[%shift_right_logical3A_1649, %dma_start3A, %dma_start3A_1764] : memref<365x48x1024xf32, #tpu.memory_space<hbm>> -> memref<1x48x1024xf32, #tpu.memory_space<hbm>>
      %dma_start3A_1766 = arith.constant 0 : i32
      %dma_start3A_1767 = arith.constant 0 : i32
      %dma_start3A_1768 = tpu.memref_slice %arg2[%shift_right_logical3A_1649, %dma_start3A_1766, %dma_start3A_1767] : memref<365x48x1024xf32, #tpu.memory_space<hbm>> -> memref<1x48x1024xf32, #tpu.memory_space<hbm>>
      tpu.enqueue_dma source(%dma_start3A_1768 : memref<1x48x1024xf32, #tpu.memory_space<hbm>>) target(%arg6 : memref<1x48x1024xf32, #tpu.memory_space<vmem>>) target_semaphore(%arg8 : memref<!tpu.dma_semaphore, #tpu.memory_space<semaphore_mem>>)
    } else {
    }
    %eq3A_1665 = arith.constant 0 : i32
    %eq3A_1666 = arith.cmpi eq, %rem3A_1658, %eq3A_1665 : i32
    %and3A_1667 = arith.andi %ne3A_1652, %eq3A_1666 : i1
    %convert_element_type3A_1668 = arith.extui %and3A_1667 : i1 to i32
    %cond3A_1669 = arith.constant 0 : i32
    %cond3A_1670 = arith.cmpi ne, %convert_element_type3A_1668, %cond3A_1669 : i32
    scf.if %cond3A_1670 {
      %dma_wait3A_1764 = arith.constant 0 : i32
      %dma_wait3A_1765 = arith.constant 0 : i32
      %dma_wait3A_1766 = tpu.memref_slice %arg2[%shift_right_logical3A_1649, %dma_wait3A_1764, %dma_wait3A_1765] : memref<365x48x1024xf32, #tpu.memory_space<hbm>> -> memref<1x48x1024xf32, #tpu.memory_space<hbm>>
      %dma_wait3A_1767 = arith.constant 0 : i32
      %dma_wait3A_1768 = arith.constant 0 : i32
      %dma_wait3A_1769 = tpu.memref_slice %arg2[%shift_right_logical3A_1649, %dma_wait3A_1767, %dma_wait3A_1768] : memref<365x48x1024xf32, #tpu.memory_space<hbm>> -> memref<1x48x1024xf32, #tpu.memory_space<hbm>>
      tpu.wait_dma2 semaphore(%arg8 : memref<!tpu.dma_semaphore, #tpu.memory_space<semaphore_mem>>) src(%dma_wait3A_1769 : memref<1x48x1024xf32, #tpu.memory_space<hbm>>) dst(%arg6 : memref<1x48x1024xf32, #tpu.memory_space<vmem>>)
    } else {
    }
    %eq3A_1671 = arith.constant 0 : i32
    %eq3A_1672 = arith.cmpi eq, %rem3A_1658, %eq3A_1671 : i32
    %convert_element_type3A_1673 = arith.extui %eq3A_1672 : i1 to i32
    %cond3A_1674 = arith.constant 0 : i32
    %cond3A_1675 = arith.cmpi ne, %convert_element_type3A_1673, %cond3A_1674 : i32
    scf.if %cond3A_1675 {
      %dma_start3A = arith.constant 0 : i32
      %dma_start3A_1764 = arith.constant 0 : i32
      %dma_start3A_1765 = tpu.memref_slice %arg4[%and3A_1651, %dma_start3A, %dma_start3A_1764] : memref<1024x48x1024xf32, #tpu.memory_space<hbm>> -> memref<1x48x1024xf32, #tpu.memory_space<hbm>>
      %dma_start3A_1766 = arith.constant 0 : i32
      %dma_start3A_1767 = arith.constant 0 : i32
      %dma_start3A_1768 = tpu.memref_slice %arg4[%and3A_1651, %dma_start3A_1766, %dma_start3A_1767] : memref<1024x48x1024xf32, #tpu.memory_space<hbm>> -> memref<1x48x1024xf32, #tpu.memory_space<hbm>>
      tpu.enqueue_dma source(%arg6 : memref<1x48x1024xf32, #tpu.memory_space<vmem>>) target(%dma_start3A_1768 : memref<1x48x1024xf32, #tpu.memory_space<hbm>>) target_semaphore(%arg10 : memref<!tpu.dma_semaphore, #tpu.memory_space<semaphore_mem>>)
    } else {
    }
    %eq3A_1676 = arith.constant 1 : i32
    %eq3A_1677 = arith.cmpi eq, %rem3A_1658, %eq3A_1676 : i32
    %and3A_1678 = arith.andi %ne3A_1652, %eq3A_1677 : i1
    %convert_element_type3A_1679 = arith.extui %and3A_1678 : i1 to i32
    %cond3A_1680 = arith.constant 0 : i32
    %cond3A_1681 = arith.cmpi ne, %convert_element_type3A_1679, %cond3A_1680 : i32
    scf.if %cond3A_1681 {
      %dma_start3A = arith.constant 0 : i32
      %dma_start3A_1764 = arith.constant 0 : i32
      %dma_start3A_1765 = tpu.memref_slice %arg2[%shift_right_logical3A_1649, %dma_start3A, %dma_start3A_1764] : memref<365x48x1024xf32, #tpu.memory_space<hbm>> -> memref<1x48x1024xf32, #tpu.memory_space<hbm>>
      %dma_start3A_1766 = arith.constant 0 : i32
      %dma_start3A_1767 = arith.constant 0 : i32
      %dma_start3A_1768 = tpu.memref_slice %arg2[%shift_right_logical3A_1649, %dma_start3A_1766, %dma_start3A_1767] : memref<365x48x1024xf32, #tpu.memory_space<hbm>> -> memref<1x48x1024xf32, #tpu.memory_space<hbm>>
      tpu.enqueue_dma source(%dma_start3A_1768 : memref<1x48x1024xf32, #tpu.memory_space<hbm>>) target(%arg7 : memref<1x48x1024xf32, #tpu.memory_space<vmem>>) target_semaphore(%arg9 : memref<!tpu.dma_semaphore, #tpu.memory_space<semaphore_mem>>)
    } else {
    }
    %eq3A_1682 = arith.constant 1 : i32
    %eq3A_1683 = arith.cmpi eq, %rem3A_1658, %eq3A_1682 : i32
    %and3A_1684 = arith.andi %ne3A_1652, %eq3A_1683 : i1
    %convert_element_type3A_1685 = arith.extui %and3A_1684 : i1 to i32
    %cond3A_1686 = arith.constant 0 : i32
    %cond3A_1687 = arith.cmpi ne, %convert_element_type3A_1685, %cond3A_1686 : i32
    scf.if %cond3A_1687 {
      %dma_wait3A_1764 = arith.constant 0 : i32
      %dma_wait3A_1765 = arith.constant 0 : i32
      %dma_wait3A_1766 = tpu.memref_slice %arg2[%shift_right_logical3A_1649, %dma_wait3A_1764, %dma_wait3A_1765] : memref<365x48x1024xf32, #tpu.memory_space<hbm>> -> memref<1x48x1024xf32, #tpu.memory_space<hbm>>
      %dma_wait3A_1767 = arith.constant 0 : i32
      %dma_wait3A_1768 = arith.constant 0 : i32
      %dma_wait3A_1769 = tpu.memref_slice %arg2[%shift_right_logical3A_1649, %dma_wait3A_1767, %dma_wait3A_1768] : memref<365x48x1024xf32, #tpu.memory_space<hbm>> -> memref<1x48x1024xf32, #tpu.memory_space<hbm>>
      tpu.wait_dma2 semaphore(%arg9 : memref<!tpu.dma_semaphore, #tpu.memory_space<semaphore_mem>>) src(%dma_wait3A_1769 : memref<1x48x1024xf32, #tpu.memory_space<hbm>>) dst(%arg7 : memref<1x48x1024xf32, #tpu.memory_space<vmem>>)
    } else {
    }
    %eq3A_1688 = arith.constant 1 : i32
    %eq3A_1689 = arith.cmpi eq, %rem3A_1658, %eq3A_1688 : i32
    %convert_element_type3A_1690 = arith.extui %eq3A_1689 : i1 to i32
    %cond3A_1691 = arith.constant 0 : i32
    %cond3A_1692 = arith.cmpi ne, %convert_element_type3A_1690, %cond3A_1691 : i32
    scf.if %cond3A_1692 {
      %dma_start3A = arith.constant 0 : i32
      %dma_start3A_1764 = arith.constant 0 : i32
      %dma_start3A_1765 = tpu.memref_slice %arg4[%and3A_1651, %dma_start3A, %dma_start3A_1764] : memref<1024x48x1024xf32, #tpu.memory_space<hbm>> -> memref<1x48x1024xf32, #tpu.memory_space<hbm>>
      %dma_start3A_1766 = arith.constant 0 : i32
      %dma_start3A_1767 = arith.constant 0 : i32
      %dma_start3A_1768 = tpu.memref_slice %arg4[%and3A_1651, %dma_start3A_1766, %dma_start3A_1767] : memref<1024x48x1024xf32, #tpu.memory_space<hbm>> -> memref<1x48x1024xf32, #tpu.memory_space<hbm>>
      tpu.enqueue_dma source(%arg7 : memref<1x48x1024xf32, #tpu.memory_space<vmem>>) target(%dma_start3A_1768 : memref<1x48x1024xf32, #tpu.memory_space<hbm>>) target_semaphore(%arg10 : memref<!tpu.dma_semaphore, #tpu.memory_space<semaphore_mem>>)
    } else {
    }
    %dma_wait3A_1693 = arith.constant 0 : i32
    %dma_wait3A_1694 = arith.constant 0 : i32
    %dma_wait3A_1695 = arith.constant 0 : i32
    %dma_wait3A_1696 = tpu.memref_slice %arg4[%dma_wait3A_1693, %dma_wait3A_1694, %dma_wait3A_1695] : memref<1024x48x1024xf32, #tpu.memory_space<hbm>> -> memref<1x48x1024xf32, #tpu.memory_space<hbm>>
    %dma_wait3A_1697 = arith.constant 0 : i32
    %dma_wait3A_1698 = arith.constant 0 : i32
    %dma_wait3A_1699 = arith.constant 0 : i32
    %dma_wait3A_1700 = tpu.memref_slice %arg4[%dma_wait3A_1697, %dma_wait3A_1698, %dma_wait3A_1699] : memref<1024x48x1024xf32, #tpu.memory_space<hbm>> -> memref<1x48x1024xf32, #tpu.memory_space<hbm>>
    tpu.wait_dma2 semaphore(%arg11 : memref<!tpu.dma_semaphore, #tpu.memory_space<semaphore_mem>>) src(%arg6 : memref<1x48x1024xf32, #tpu.memory_space<vmem>>) dst(%dma_wait3A_1700 : memref<1x48x1024xf32, #tpu.memory_space<hbm>>)
    %slice3A_1701 = vector.extract_strided_slice %get3A_7 {offsets = [15], sizes = [1], strides = [1]} : vector<16xi32> to vector<1xi32>
    %squeeze3A_1702 = vector.extract %slice3A_1701[0] : i32 from vector<1xi32>
    %shift_right_logical3A_1703 = arith.constant 10 : i32
    %shift_right_logical3A_1704 = arith.shrui %squeeze3A_1702, %shift_right_logical3A_1703 : i32
    %and3A_1705 = arith.constant 1023 : i32
    %and3A_1706 = arith.andi %squeeze3A_1702, %and3A_1705 : i32
    %ne3A_1707 = arith.cmpi ne, %shift_right_logical3A_1704, %shift_right_logical3A_1649 : i32
    %convert_element_type3A_1708 = arith.extui %ne3A_1707 : i1 to i32
    %add3A_1709 = arith.addi %add3A_1654, %convert_element_type3A_1708 : i32
    %sub3A_1710 = arith.constant 1 : i32
    %sub3A_1711 = arith.subi %add3A_1709, %sub3A_1710 : i32
    %rem3A_1712 = arith.constant 2 : i32
    %rem3A_1713 = arith.remsi %sub3A_1711, %rem3A_1712 : i32
    %eq3A_1714 = arith.constant 0 : i32
    %eq3A_1715 = arith.cmpi eq, %rem3A_1713, %eq3A_1714 : i32
    %and3A_1716 = arith.andi %ne3A_1707, %eq3A_1715 : i1
    %convert_element_type3A_1717 = arith.extui %and3A_1716 : i1 to i32
    %cond3A_1718 = arith.constant 0 : i32
    %cond3A_1719 = arith.cmpi ne, %convert_element_type3A_1717, %cond3A_1718 : i32
    scf.if %cond3A_1719 {
      %dma_start3A = arith.constant 0 : i32
      %dma_start3A_1764 = arith.constant 0 : i32
      %dma_start3A_1765 = tpu.memref_slice %arg2[%shift_right_logical3A_1704, %dma_start3A, %dma_start3A_1764] : memref<365x48x1024xf32, #tpu.memory_space<hbm>> -> memref<1x48x1024xf32, #tpu.memory_space<hbm>>
      %dma_start3A_1766 = arith.constant 0 : i32
      %dma_start3A_1767 = arith.constant 0 : i32
      %dma_start3A_1768 = tpu.memref_slice %arg2[%shift_right_logical3A_1704, %dma_start3A_1766, %dma_start3A_1767] : memref<365x48x1024xf32, #tpu.memory_space<hbm>> -> memref<1x48x1024xf32, #tpu.memory_space<hbm>>
      tpu.enqueue_dma source(%dma_start3A_1768 : memref<1x48x1024xf32, #tpu.memory_space<hbm>>) target(%arg6 : memref<1x48x1024xf32, #tpu.memory_space<vmem>>) target_semaphore(%arg8 : memref<!tpu.dma_semaphore, #tpu.memory_space<semaphore_mem>>)
    } else {
    }
    %eq3A_1720 = arith.constant 0 : i32
    %eq3A_1721 = arith.cmpi eq, %rem3A_1713, %eq3A_1720 : i32
    %and3A_1722 = arith.andi %ne3A_1707, %eq3A_1721 : i1
    %convert_element_type3A_1723 = arith.extui %and3A_1722 : i1 to i32
    %cond3A_1724 = arith.constant 0 : i32
    %cond3A_1725 = arith.cmpi ne, %convert_element_type3A_1723, %cond3A_1724 : i32
    scf.if %cond3A_1725 {
      %dma_wait3A_1764 = arith.constant 0 : i32
      %dma_wait3A_1765 = arith.constant 0 : i32
      %dma_wait3A_1766 = tpu.memref_slice %arg2[%shift_right_logical3A_1704, %dma_wait3A_1764, %dma_wait3A_1765] : memref<365x48x1024xf32, #tpu.memory_space<hbm>> -> memref<1x48x1024xf32, #tpu.memory_space<hbm>>
      %dma_wait3A_1767 = arith.constant 0 : i32
      %dma_wait3A_1768 = arith.constant 0 : i32
      %dma_wait3A_1769 = tpu.memref_slice %arg2[%shift_right_logical3A_1704, %dma_wait3A_1767, %dma_wait3A_1768] : memref<365x48x1024xf32, #tpu.memory_space<hbm>> -> memref<1x48x1024xf32, #tpu.memory_space<hbm>>
      tpu.wait_dma2 semaphore(%arg8 : memref<!tpu.dma_semaphore, #tpu.memory_space<semaphore_mem>>) src(%dma_wait3A_1769 : memref<1x48x1024xf32, #tpu.memory_space<hbm>>) dst(%arg6 : memref<1x48x1024xf32, #tpu.memory_space<vmem>>)
    } else {
    }
    %eq3A_1726 = arith.constant 0 : i32
    %eq3A_1727 = arith.cmpi eq, %rem3A_1713, %eq3A_1726 : i32
    %convert_element_type3A_1728 = arith.extui %eq3A_1727 : i1 to i32
    %cond3A_1729 = arith.constant 0 : i32
    %cond3A_1730 = arith.cmpi ne, %convert_element_type3A_1728, %cond3A_1729 : i32
    scf.if %cond3A_1730 {
      %dma_start3A = arith.constant 0 : i32
      %dma_start3A_1764 = arith.constant 0 : i32
      %dma_start3A_1765 = tpu.memref_slice %arg4[%and3A_1706, %dma_start3A, %dma_start3A_1764] : memref<1024x48x1024xf32, #tpu.memory_space<hbm>> -> memref<1x48x1024xf32, #tpu.memory_space<hbm>>
      %dma_start3A_1766 = arith.constant 0 : i32
      %dma_start3A_1767 = arith.constant 0 : i32
      %dma_start3A_1768 = tpu.memref_slice %arg4[%and3A_1706, %dma_start3A_1766, %dma_start3A_1767] : memref<1024x48x1024xf32, #tpu.memory_space<hbm>> -> memref<1x48x1024xf32, #tpu.memory_space<hbm>>
      tpu.enqueue_dma source(%arg6 : memref<1x48x1024xf32, #tpu.memory_space<vmem>>) target(%dma_start3A_1768 : memref<1x48x1024xf32, #tpu.memory_space<hbm>>) target_semaphore(%arg11 : memref<!tpu.dma_semaphore, #tpu.memory_space<semaphore_mem>>)
    } else {
    }
    %eq3A_1731 = arith.constant 1 : i32
    %eq3A_1732 = arith.cmpi eq, %rem3A_1713, %eq3A_1731 : i32
    %and3A_1733 = arith.andi %ne3A_1707, %eq3A_1732 : i1
    %convert_element_type3A_1734 = arith.extui %and3A_1733 : i1 to i32
    %cond3A_1735 = arith.constant 0 : i32
    %cond3A_1736 = arith.cmpi ne, %convert_element_type3A_1734, %cond3A_1735 : i32
    scf.if %cond3A_1736 {
      %dma_start3A = arith.constant 0 : i32
      %dma_start3A_1764 = arith.constant 0 : i32
      %dma_start3A_1765 = tpu.memref_slice %arg2[%shift_right_logical3A_1704, %dma_start3A, %dma_start3A_1764] : memref<365x48x1024xf32, #tpu.memory_space<hbm>> -> memref<1x48x1024xf32, #tpu.memory_space<hbm>>
      %dma_start3A_1766 = arith.constant 0 : i32
      %dma_start3A_1767 = arith.constant 0 : i32
      %dma_start3A_1768 = tpu.memref_slice %arg2[%shift_right_logical3A_1704, %dma_start3A_1766, %dma_start3A_1767] : memref<365x48x1024xf32, #tpu.memory_space<hbm>> -> memref<1x48x1024xf32, #tpu.memory_space<hbm>>
      tpu.enqueue_dma source(%dma_start3A_1768 : memref<1x48x1024xf32, #tpu.memory_space<hbm>>) target(%arg7 : memref<1x48x1024xf32, #tpu.memory_space<vmem>>) target_semaphore(%arg9 : memref<!tpu.dma_semaphore, #tpu.memory_space<semaphore_mem>>)
    } else {
    }
    %eq3A_1737 = arith.constant 1 : i32
    %eq3A_1738 = arith.cmpi eq, %rem3A_1713, %eq3A_1737 : i32
    %and3A_1739 = arith.andi %ne3A_1707, %eq3A_1738 : i1
    %convert_element_type3A_1740 = arith.extui %and3A_1739 : i1 to i32
    %cond3A_1741 = arith.constant 0 : i32
    %cond3A_1742 = arith.cmpi ne, %convert_element_type3A_1740, %cond3A_1741 : i32
    scf.if %cond3A_1742 {
      %dma_wait3A_1764 = arith.constant 0 : i32
      %dma_wait3A_1765 = arith.constant 0 : i32
      %dma_wait3A_1766 = tpu.memref_slice %arg2[%shift_right_logical3A_1704, %dma_wait3A_1764, %dma_wait3A_1765] : memref<365x48x1024xf32, #tpu.memory_space<hbm>> -> memref<1x48x1024xf32, #tpu.memory_space<hbm>>
      %dma_wait3A_1767 = arith.constant 0 : i32
      %dma_wait3A_1768 = arith.constant 0 : i32
      %dma_wait3A_1769 = tpu.memref_slice %arg2[%shift_right_logical3A_1704, %dma_wait3A_1767, %dma_wait3A_1768] : memref<365x48x1024xf32, #tpu.memory_space<hbm>> -> memref<1x48x1024xf32, #tpu.memory_space<hbm>>
      tpu.wait_dma2 semaphore(%arg9 : memref<!tpu.dma_semaphore, #tpu.memory_space<semaphore_mem>>) src(%dma_wait3A_1769 : memref<1x48x1024xf32, #tpu.memory_space<hbm>>) dst(%arg7 : memref<1x48x1024xf32, #tpu.memory_space<vmem>>)
    } else {
    }
    %eq3A_1743 = arith.constant 1 : i32
    %eq3A_1744 = arith.cmpi eq, %rem3A_1713, %eq3A_1743 : i32
    %convert_element_type3A_1745 = arith.extui %eq3A_1744 : i1 to i32
    %cond3A_1746 = arith.constant 0 : i32
    %cond3A_1747 = arith.cmpi ne, %convert_element_type3A_1745, %cond3A_1746 : i32
    scf.if %cond3A_1747 {
      %dma_start3A = arith.constant 0 : i32
      %dma_start3A_1764 = arith.constant 0 : i32
      %dma_start3A_1765 = tpu.memref_slice %arg4[%and3A_1706, %dma_start3A, %dma_start3A_1764] : memref<1024x48x1024xf32, #tpu.memory_space<hbm>> -> memref<1x48x1024xf32, #tpu.memory_space<hbm>>
      %dma_start3A_1766 = arith.constant 0 : i32
      %dma_start3A_1767 = arith.constant 0 : i32
      %dma_start3A_1768 = tpu.memref_slice %arg4[%and3A_1706, %dma_start3A_1766, %dma_start3A_1767] : memref<1024x48x1024xf32, #tpu.memory_space<hbm>> -> memref<1x48x1024xf32, #tpu.memory_space<hbm>>
      tpu.enqueue_dma source(%arg7 : memref<1x48x1024xf32, #tpu.memory_space<vmem>>) target(%dma_start3A_1768 : memref<1x48x1024xf32, #tpu.memory_space<hbm>>) target_semaphore(%arg11 : memref<!tpu.dma_semaphore, #tpu.memory_space<semaphore_mem>>)
    } else {
    }
    %dma_wait3A_1748 = arith.constant 0 : i32
    %dma_wait3A_1749 = arith.constant 0 : i32
    %dma_wait3A_1750 = arith.constant 0 : i32
    %dma_wait3A_1751 = tpu.memref_slice %arg4[%dma_wait3A_1748, %dma_wait3A_1749, %dma_wait3A_1750] : memref<1024x48x1024xf32, #tpu.memory_space<hbm>> -> memref<1x48x1024xf32, #tpu.memory_space<hbm>>
    %dma_wait3A_1752 = arith.constant 0 : i32
    %dma_wait3A_1753 = arith.constant 0 : i32
    %dma_wait3A_1754 = arith.constant 0 : i32
    %dma_wait3A_1755 = tpu.memref_slice %arg4[%dma_wait3A_1752, %dma_wait3A_1753, %dma_wait3A_1754] : memref<1024x48x1024xf32, #tpu.memory_space<hbm>> -> memref<1x48x1024xf32, #tpu.memory_space<hbm>>
    tpu.wait_dma2 semaphore(%arg10 : memref<!tpu.dma_semaphore, #tpu.memory_space<semaphore_mem>>) src(%arg6 : memref<1x48x1024xf32, #tpu.memory_space<vmem>>) dst(%dma_wait3A_1755 : memref<1x48x1024xf32, #tpu.memory_space<hbm>>)
    %dma_wait3A_1756 = arith.constant 0 : i32
    %dma_wait3A_1757 = arith.constant 0 : i32
    %dma_wait3A_1758 = arith.constant 0 : i32
    %dma_wait3A_1759 = tpu.memref_slice %arg4[%dma_wait3A_1756, %dma_wait3A_1757, %dma_wait3A_1758] : memref<1024x48x1024xf32, #tpu.memory_space<hbm>> -> memref<1x48x1024xf32, #tpu.memory_space<hbm>>
    %dma_wait3A_1760 = arith.constant 0 : i32
    %dma_wait3A_1761 = arith.constant 0 : i32
    %dma_wait3A_1762 = arith.constant 0 : i32
    %dma_wait3A_1763 = tpu.memref_slice %arg4[%dma_wait3A_1760, %dma_wait3A_1761, %dma_wait3A_1762] : memref<1024x48x1024xf32, #tpu.memory_space<hbm>> -> memref<1x48x1024xf32, #tpu.memory_space<hbm>>
    tpu.wait_dma2 semaphore(%arg11 : memref<!tpu.dma_semaphore, #tpu.memory_space<semaphore_mem>>) src(%arg6 : memref<1x48x1024xf32, #tpu.memory_space<vmem>>) dst(%dma_wait3A_1763 : memref<1x48x1024xf32, #tpu.memory_space<hbm>>)
    return
  }
}

module attributes {stable_mosaic.version = 14 : i64} {
  func.func @_decode_body(%arg0: memref<8x128xf32, #tpu.memory_space<vmem>>, %arg1: memref<8x128xf32, #tpu.memory_space<vmem>>, %arg2: memref<8x128xi32, #tpu.memory_space<vmem>>) attributes {dimension_semantics = [], scalar_prefetch = 0 : i64, scratch_operands = 0 : i64, tpu.core_type = #tpu.core_type<tc>} {
    %get3A = arith.constant 0 : index
    %get3A_0 = arith.constant 0 : index
    %get3A_1 = vector.load %arg1[%get3A, %get3A_0] : memref<8x128xf32, #tpu.memory_space<vmem>>, vector<8x128xf32>
    %get3A_2 = arith.constant 0 : index
    %get3A_3 = arith.constant 0 : index
    %get3A_4 = vector.load %arg0[%get3A_2, %get3A_3] : memref<8x128xf32, #tpu.memory_space<vmem>>, vector<8x128xf32>
    %atan23A = math.atan2 %get3A_1, %get3A_4 : vector<8x128xf32>
    %jit3A = arith.constant 6.28318548 : f32
    %rem3A = vector.broadcast %jit3A : f32 to vector<8x128xf32>
    %rem3A_5 = arith.remf %atan23A, %rem3A : vector<8x128xf32>
    %ne3A = arith.constant 0.000000e+00 : f32
    %ne3A_6 = vector.broadcast %ne3A : f32 to vector<8x128xf32>
    %ne3A_7 = arith.cmpf one, %rem3A_5, %ne3A_6 : vector<8x128xf32>
    %lt3A = arith.constant 0.000000e+00 : f32
    %lt3A_8 = vector.broadcast %lt3A : f32 to vector<8x128xf32>
    %lt3A_9 = arith.cmpf olt, %rem3A_5, %lt3A_8 : vector<8x128xf32>
    %lt3A_10 = arith.constant 0.000000e+00 : f32
    %lt3A_11 = arith.cmpf olt, %jit3A, %lt3A_10 : f32
    %ne3A_12 = vector.broadcast %lt3A_11 : i1 to vector<8x128xi1>
    %ne3A_13 = vector.broadcast %ne3A_12 : vector<8x128xi1> to vector<8x128xi1>
    %ne3A_14 = arith.xori %lt3A_9, %ne3A_13 : vector<8x128xi1>
    %and3A = arith.andi %ne3A_14, %ne3A_7 : vector<8x128xi1>
    %add3A = vector.broadcast %jit3A : f32 to vector<8x128xf32>
    %add3A_15 = arith.addf %rem3A_5, %add3A : vector<8x128xf32>
    %select_n3A = arith.select %and3A, %add3A_15, %rem3A_5 : vector<8x128xi1>, vector<8x128xf32>
    %div3A = arith.constant 6.28318548 : f32
    %div3A_16 = vector.broadcast %div3A : f32 to vector<8x128xf32>
    %div3A_17 = arith.divf %select_n3A, %div3A_16 : vector<8x128xf32>
    %mul3A = arith.constant 3.650000e+02 : f32
    %mul3A_18 = vector.broadcast %mul3A : f32 to vector<8x128xf32>
    %mul3A_19 = arith.mulf %div3A_17, %mul3A_18 : vector<8x128xf32>
    %round3A = math.roundeven %mul3A_19 : vector<8x128xf32>
    %iota3A = tpu.iota {dimensions = array<i32: 0>} : vector<8x128xi32>
    %mul3A_20 = arith.constant 128 : i32
    %mul3A_21 = vector.broadcast %mul3A_20 : i32 to vector<8x128xi32>
    %mul3A_22 = arith.muli %iota3A, %mul3A_21 : vector<8x128xi32>
    %iota3A_23 = tpu.iota {dimensions = array<i32: 1>} : vector<8x128xi32>
    %add3A_24 = arith.addi %mul3A_22, %iota3A_23 : vector<8x128xi32>
    %convert_element_type3A = arith.fptosi %round3A : vector<8x128xf32> to vector<8x128xi32>
    %sub3A = arith.constant 1 : i32
    %sub3A_25 = vector.broadcast %sub3A : i32 to vector<8x128xi32>
    %sub3A_26 = arith.subi %convert_element_type3A, %sub3A_25 : vector<8x128xi32>
    %mul3A_27 = arith.constant 1024 : i32
    %mul3A_28 = vector.broadcast %mul3A_27 : i32 to vector<8x128xi32>
    %mul3A_29 = arith.muli %sub3A_26, %mul3A_28 : vector<8x128xi32>
    %add3A_30 = arith.addi %mul3A_29, %add3A_24 : vector<8x128xi32>
    %swap3A = arith.constant 0 : index
    %swap3A_31 = arith.constant 0 : index
    %swap3A_32 = vector.load %arg2[%swap3A, %swap3A_31] : memref<8x128xi32, #tpu.memory_space<vmem>>, vector<8x128xi32>
    tpu.vector_store %arg2[%swap3A, %swap3A_31], %add3A_30 {strides = array<i32>} : memref<8x128xi32, #tpu.memory_space<vmem>>, vector<8x128xi32>,
    return
  }
}

</mosaic_0001>

<sc_bundles>
// kernel: kernel.4.cloned.1.call-start
scs
__scs_entry_jumppad:
0x0: {  	(pc) =	sbr.rel $0x88, $3  }
0x1: {  	(tag) =	ssettag $0x0;
	lr =	simm.s32 $0x1  }
0x2: {  	[smem:$0x3F9F] =	sst lr;
	_ =	strace $0xD0000000  }
0x3: {  	_ = 	snop  }
0x4: {  	_ = 	snop  }
0x5: {  	_ = 	snop  }
0x6: {  	_ = 	snop  }
0x7: {  	_ = 	snop  }
__scs_overlays_trampoline_lowered:
0x8: {  	[smem:$0x3FAE] =	sst s0  }
0x9: {  	[smem:$0x3FAF] =	sst s1  }
0xa: {  	[smem:$0x3FB0] =	sst s2  }
0xb: {  	[smem:$0x3FB1] =	sst s3  }
0xc: {  	[smem:$0x3FB2] =	sst s4  }
0xd: {  	[smem:$0x3FB3] =	sst s5  }
0xe: {  	[smem:$0x3FB4] =	sst s6  }
0xf: {  	[smem:$0x3FB5] =	sst s7  }
0x10: {  	[smem:$0x3FB6] =	sst s8  }
0x11: {  	[smem:$0x3FB7] =	sst s9;
	s0 =	simm.s32 @!p0 $0x0  }
0x12: {  	s1 =	sld [smem:$0x3F9D];
	s0 =	simm.s32 @p0 $0x1  }
0x13: {  	[smem:$0x3FB8] =	sst s0;
	s0 =	simm.s32 @!p1 $0x0  }
0x14: {  	s2 =	sld [smem:$0x3F9C];
	s0 =	simm.s32 @p1 $0x1  }
0x15: {  	[smem:$0x3FB9] =	sst s0;
	s0 =	simm.s32 @!p2 $0x0  }
0x16: {  	s3 =	sld [smem:$0x3FDB];
	s0 =	simm.s32 @p2 $0x1  }
0x17: {  	s4 =	simm.s32 $0x1BF5;
	[smem:$0x3FBB] =	sst s0  }
0x18: {  	s0 =	sld [smem:$0x3F9E];
	_ =	swait.ge [sflag:s4], $0x0  }
0x19: {  	s7 =	sld [smem:$0x3F9F]  }
0x1a: {  	s8 =	sadd.s32 $0xFFFFE003, lr  }
0x1b: {  	s9 =	sadd.s32 $0xFFFFFEF7, lr;
	s5 =	simm.s32 $0xFFFFFFFF;
	p2 =	slt.u32 s8, $0xFFFFF086  }
0x1c: {  	p1 =	slt.u32 s9, $0xF7A;
	s5 =	simm.s32 @!p2 $0x0  }
0x1d: {  	s5 =	simm.s32 @p1 $0x1;
	p0 =	seq.s32 s7, s2  }
0x1e: {  	s7 =	smul.u32 @!p0 $0xF7A, s2;
	p2 =	seq.s32 @!p0 s5, $0x0  }
0x1f: {  	s9 =	smul.u32 $0xF7A, s1;
	s8 =	simm.s32 @!p0 $0x1BF5;
	p2 =	por !p2, p0  }
0x20: {  	[sflag:s8] =	ssyncset.s32 @!p0 $0xFFFFF086;
	s6 =	sadd.s32 @!p0 s3, s7;
	s7 =	simm.s32 @!p0 $0x108  }
0x21: {  	s3 =	sadd.s32 s3, s9;
	s6 =	sadd.s32 @!p0 $0x88, s6;
	s7 =	simm.s32 @p2 $0x1082  }
0x22: {  	[simem:s7], [sflag:s8] =	dma.local @!p0 [hbm:s6], $0xF7A  }
0x23: {  	s9 =	sor.u32 $0xD0000000, s2;
	s6 =	simm.s32 $0x108;
	_ =	swait.ge @!p0 [sflag:s8], $0x0  }
0x24: {  	s3 =	sadd.s32 $0x88, s3;
	s6 =	simm.s32 @!p1 $0x1082;
	[sflag:s4] =	ssyncset.s32 $0xFFFFF086  }
0x25: {  	[simem:s6], [sflag:s4] =	dma.local [hbm:s3], $0xF7A  }
0x26: {  	[smem:$0x3F9F] =	sst s1;
	(tag) =	ssettag s2;
	_ =	strace s9  }
0x27: {  	s1 =	sld [smem:$0x3FAF]  }
0x28: {  	s2 =	sld [smem:$0x3FB0]  }
0x29: {  	s4 =	sld [smem:$0x3FB2]  }
0x2a: {  	p0 =	seq.s32 s5, $0x0;
	s5 =	sld [smem:$0x3FB3]  }
0x2b: {  	s6 =	sld [smem:$0x3FB4]  }
0x2c: {  	s7 =	sld [smem:$0x3FB5]  }
0x2d: {  	s3 =	simm.s32 $0x108;
	s8 =	sld [smem:$0x3FB6]  }
0x2e: {  	s3 =	simm.s32 @!p0 $0x1082;
	s9 =	sld [smem:$0x3FB7]  }
0x2f: {  	lr =	sadd.s32 s0, s3;
	s0 =	sld [smem:$0x3FAE]  }
0x30: {  	s3 =	sld [smem:$0x3FB1]  }
0x31: {  	[smem:$0x3FBA] =	sst s10  }
0x32: {  	s10 =	sld [smem:$0x3FB8];
	_ =	sdelay $0x3  }
0x33: {  	p0 =	seq.s32 s10, $0x1;
	s10 =	sld [smem:$0x3FBA];
	_ =	sdelay $0x3  }
0x34: {  	[smem:$0x3FBA] =	sst s10  }
0x35: {  	s10 =	sld [smem:$0x3FB9];
	_ =	sdelay $0x3  }
0x36: {  	p1 =	seq.s32 s10, $0x1;
	s10 =	sld [smem:$0x3FBA];
	_ =	sdelay $0x3  }
0x37: {  	[smem:$0x3FBA] =	sst s10  }
0x38: {  	s10 =	sld [smem:$0x3FBB]  }
0x39: {  	_ = 	snop;
	(pc) =	sbr.ind lr, $3  }
0x3a: {  	_ = 	snop  }
0x3b: {  	_ = 	snop  }
0x3c: {  	p2 =	seq.s32 s10, $0x1;
	s10 =	sld [smem:$0x3FBA]  }
0x3d: {  	_ =	shalt  }
0x3e: {  	_ =	shalt  }
0x3f: {  	_ =	shalt  }
0x40: {  	_ =	shalt  }
0x41: {  	_ =	shalt  }
0x42: {  	_ =	shalt  }
0x43: {  	_ =	shalt  }
0x44: {  	_ =	shalt  }
0x45: {  	_ =	shalt  }
0x46: {  	_ =	shalt  }
0x47: {  	_ =	shalt  }
0x48: {  	_ =	shalt  }
0x49: {  	_ =	shalt  }
0x4a: {  	_ =	shalt  }
0x4b: {  	_ =	shalt  }
0x4c: {  	_ =	shalt  }
0x4d: {  	_ =	shalt  }
0x4e: {  	_ =	shalt  }
0x4f: {  	_ =	shalt  }
0x50: {  	_ =	shalt  }
0x51: {  	_ =	shalt  }
0x52: {  	_ =	shalt  }
0x53: {  	_ =	shalt  }
0x54: {  	_ =	shalt  }
0x55: {  	_ =	shalt  }
0x56: {  	_ =	shalt  }
0x57: {  	_ =	shalt  }
0x58: {  	_ =	shalt  }
0x59: {  	_ =	shalt  }
0x5a: {  	_ =	shalt  }
0x5b: {  	_ =	shalt  }
0x5c: {  	_ =	shalt  }
0x5d: {  	_ =	shalt  }
0x5e: {  	_ =	shalt  }
0x5f: {  	_ =	shalt  }
0x60: {  	_ =	shalt  }
0x61: {  	_ =	shalt  }
0x62: {  	_ =	shalt  }
0x63: {  	_ =	shalt  }
0x64: {  	_ =	shalt  }
0x65: {  	_ =	shalt  }
0x66: {  	_ =	shalt  }
0x67: {  	_ =	shalt  }
0x68: {  	_ =	shalt  }
0x69: {  	_ =	shalt  }
0x6a: {  	_ =	shalt  }
0x6b: {  	_ =	shalt  }
0x6c: {  	_ =	shalt  }
0x6d: {  	_ =	shalt  }
0x6e: {  	_ =	shalt  }
0x6f: {  	_ =	shalt  }
0x70: {  	_ =	shalt  }
0x71: {  	_ =	shalt  }
0x72: {  	_ =	shalt  }
0x73: {  	_ =	shalt  }
0x74: {  	_ =	shalt  }
0x75: {  	_ =	shalt  }
0x76: {  	_ =	shalt  }
0x77: {  	_ =	shalt  }
0x78: {  	_ =	shalt  }
0x79: {  	_ =	shalt  }
0x7a: {  	_ =	shalt  }
0x7b: {  	_ =	shalt  }
0x7c: {  	_ =	shalt  }
0x7d: {  	_ =	shalt  }
0x7e: {  	_ =	shalt  }
0x7f: {  	_ =	shalt  }
0x80: {  	_ =	shalt  }
0x81: {  	_ =	shalt  }
0x82: {  	_ =	shalt  }
0x83: {  	_ =	shalt  }
0x84: {  	_ =	shalt  }
0x85: {  	_ =	shalt  }
0x86: {  	_ =	shalt  }
0x87: {  	_ =	shalt  }
.Lfunc_end0:
.L_simem_size_0:
called_computation_lowered:
.L_overlay_start_0:
0x88: {  	s2 =	sld [smem:$0x3FD9]  }
0x89: {  	s3 =	sld [smem:$0x3FFE];
	_ =	sdelay $0x1  }
0x8a: {  	s1 =	srdreg.scid  }
0x8b: {  	s0 =	sand.u32 $0x1, s1  }
0x8c: {  	s17 =	sshll.u32 s0, $0xA;
	s2 =	sadd.s32 s3, s2  }
0x8d: {  	s2 =	sadd.s32 s2, s17  }
0x8e: {  	[smem:$0x3FC6] =	sst s2  }
0x8f: {  	_ = 	snop  }
0x90: {  	s2 =	sld [smem:$0x3FC8]  }
0x91: {  	s18 =	sld [smem:$0x3FD0];
	(tm) =	ssettm $0x1  }
0x92: {  	s4 =	sld [smem:$0x3FFB];
	_ =	sdelay $0x3  }
0x93: {  	_ =	strace s4  }
0x94: {  	s4 =	sld [smem:$0x3FFC];
	_ =	sdelay $0x3  }
0x95: {  	_ =	strace s4  }
0x96: {  	s4 =	sld [smem:$0x3FFD];
	_ =	sdelay $0x3  }
0x97: {  	_ =	strace s4  }
0x98: {  	_ =	strace $0x8FFFFFFF  }
0x99: {  	s19 =	sld [smem:$0x3FDB];
	_ =	sdelay $0x1  }
0x9a: {  	s5 =	simm.s32 $_scs_section_size  }
0x9b: {  	s6 =	simm.s32 $_size__tile_overlayer_lowered;
	s7 =	simm.s32 $_tile_overlayer_lowered  }
0x9c: {  	s22 =	simm.s32 $0x1BFF;
	s21 =	sshll.u32 s7, $0x1;
	s4 =	sadd.s32 s5, s19  }
0x9d: {  	s8 =	simm.s32 $0x0;
	s20 =	sshll.u32 s6, $0x1;
	s6 =	sadd.s32 s21, s4  }
0x9e: {  	[timem:s8], [sflag:s22] =	dma.local [hbm:s6], s20  }
0x9f: {  	_ =	swait.ge [sflag:s22], s20  }
0xa0: {  	s5 =	ssub.s32 $0x0, s20;
	[sflag:s22] =	ssyncset.done $0x0  }
0xa1: {  	[sflag:s22] =	ssyncadd.s32 s5;
	_ =	sdelay $0x1  }
0xa2: {  	s23 =	simm.s32 $0x1B8B  }
0xa3: {  	_ =	swait.ge [sflag:s23], $0x1  }
0xa4: {  	[sflag:s23] =	ssyncset.done $0x0  }
0xa5: {  	s25 =	simm.s32 $0x1B8E;
	s24 =	sld [smem:$0x3FFE];
	[sflag:s23] =	ssyncadd.s32 $0xFFFFFFFF  }
0xa6: {  	s26 =	simm.s32 $execute0_lowered;
	[smem:$0x3FD2] =	sst s25  }
0xa7: {  	s6 =	sshll.u32 s26, $0x1;
	_ =	strace $0x80000046;
	[dreg:$0x1] =	wrdreg $0xFFFFFFFF  }
0xa8: {  	s28 =	simm.s32 $_size_execute0_lowered;
	s4 =	sadd.s32 s4, s6;
	[dreg:$0x0] =	wrdreg $0x0  }
0xa9: {  	s6 =	sshll.u32 s28, $0x1;
	[dreg:$0x2] =	wrdreg s4  }
0xaa: {  	[dreg:$0x3] =	wrdreg s6  }
0xab: {  	[dreg:$0x4] =	wrdreg $0xC0  }
0xac: {  	_ =	task [dreg:s8], $0x5FFFF  }
0xad: {  	[dreg:$0x1] =	wrdreg $0xFFFFFFFF  }
0xae: {  	[dreg:$0x0] =	wrdreg $0x60  }
0xaf: {  	[dreg:$0x2] =	wrdreg s2  }
0xb0: {  	[dreg:$0x3] =	wrdreg s24  }
0xb1: {  	[dreg:$0x4] =	wrdreg s18  }
0xb2: {  	[dreg:$0x5] =	wrdreg $0x9  }
0xb3: {  	_ =	task.clear_ibuf [dreg:s8], $0x6FFFF;
	_ =	strace $0x90000046  }
0xb4: {  	s29 =	simm.s32 $0x9;
	_ =	strace $0x80000048  }
0xb5: {  	_ =	swait.ge [sflag:s29], $0x1  }
0xb6: {  	[sflag:s29] =	ssyncadd.s32 $0xFFFFFFFF  }
0xb7: {  	_ =	strace $0x90000048  }
0xb8: {  	_ =	sfence  }
0xb9: {  	s30 =	sld [smem:$0x0];
	_ =	sdelay $0x2  }
0xba: {  	s31 =	sshll.u32 s1, $0xD;
	s1 =	sshrl.u32 s1, $0x2  }
0xbb: {  	s3 =	sand.u32 $0x4000, s31;
	s1 =	sadd.s32 s1, s30  }
0xbc: {  	s0 =	sor.u32 s3, s0;
	s1 =	sshll.u32 s1, $0x11  }
0xbd: {  	s0 =	sor.u32 s1, s0  }
0xbe: {  	s0 =	sadd.s32 $0x8F2B, s0  }
0xbf: {  	[sflag:s0] =	ssyncadd.remote.s32 $0x1  }
0xc0: {  	_ =	sfence.sel $0xFFFF  }
0xc1: {  	[dreg:$0x0] =	wrdreg $0xFFFFFFFF;
	(pc) =	sbr.abs _section_cstart, $3  }
0xc2: {  	[dreg:$0x1] =	wrdreg $0xFFFFFFFF  }
0xc3: {  	_ =	task.clear_ibuf [dreg:s8], $0x2FFFF;
	_ =	strace $0x9FFFFFFF  }
0xc4: {  	(tm) =	ssettm $0x7FFFFFFF  }
0xc5: {  	_ =	shalt  }
tec
execute0_lowered:
.L_overlay_start_1:
0x0: {  	(tag) =	ssettag $0x1  }
0x1: {  	s1 =	rddreg [dreg:$0x0]  }
0x2: {  	s5 =	rddreg [dreg:$0x1]  }
0x3: {  	s2 =	rddreg [dreg:$0x2]  }
0x4: {  	s0 =	rddreg [dreg:$0x3];
	s3 =	simm.s32 $0x0  }
0x5: {  	s4 =	srdreg.scid;
	s9 =	simm.s32 $0x1;
	s10 =	simm.s32 $0x2  }
0x6: {  	s11 =	simm.s32 $0xC080;
	s12 =	simm.s32 $0x3;
	s13 =	simm.s32 $0x4  }
.Ltmp0:
0x7: {  	[smem:$0x7FF] =	sst s3;
	s6 =	sand.u32 $0x1, s4;
	(pc) =	sbr.rel .LBB2_1-.Ltmp0, $4  }
0x8: {  	s4 =	stileid.u32;
	s7 =	ssub.s32 $0x2, s6;
	s6 =	sshll.u32 s6, $0x2  }
0x9: {  	s31 =	sshll.u32 s4, $0x3;
	s8 =	sshrl.u32 s7, $0x1;
	s5 =	sadd.s32 s5, s6  }
0xa: {  	_ =	strace $0x80000047;
	s7 =	ssub.s32 s7, s8;
	s5 =	sadd.s32 s31, s5  }
0xb: {  	s8 =	simm.s32 $0x80;
	s6 =	smax.u32 s7, $0x1;
	s7 =	simm.s32 $0x5  }
.LBB2_118:
0xc: {  	s16 =	smul.u32 $0x1800, s15;
	_ =	sdelay $0x1  }
0xd: {  	s16 =	sadd.s32 s1, s16  }
0xe: {  	[tilespmem:s11], [sflag:$0x2] =	stream.linear.gather [hbm4b:s16+s3], $0xC000, $0x38;
	[tilespmem:$0x18080] =	vst v63  }
0xf: {  	_ =	swait.ge [sflag:s10], $0xC000  }
0x10: {  	[sflag:s10] =	ssyncset.done $0x0  }
0x11: {  	[sflag:s10] =	ssyncadd.s32 $0xFFFF4000  }
.LBB2_120:
0x12: {  	s14 =	smul.u32 $0x1800, s14;
	_ =	sdelay $0x1  }
0x13: {  	s14 =	sadd.s32 s2, s14  }
0x14: {  	[hbm4b:s14+s3] =	stream.linear.scatter [tilespmem:s11], [sflag:$0x3], $0xC000, $0x38;
	[tilespmem:$0x18080] =	vst v63  }
.LBB2_121:
0x15: {  	_ =	swait.ge [sflag:s13], $0xC000  }
0x16: {  	(v2sf) =	vpush v0, $0xF;
	_ =	sdelay $0xe  }
0x17: {  	s14 =	spop (v2sf)  }
0x18: {  	p2 =	por !p0, !p0;
	s16 =	sshrl.u32 s14, $0xA  }
0x19: {  	p1 =	por p2, p2;
	p4 =	sne.s32 s16, s15  }
0x1a: {  	p3 =	seq.s32 s16, s15;
	p1 =	por @!p4 p0, p0  }
0x1b: {  	p0 =	por !p1, p3  }
0x1c: {  	[sflag:s13] =	ssyncset.done $0x0;
	s15 =	smul.u32 @!p0 $0x1800, s16  }
0x1d: {  	[sflag:s13] =	ssyncadd.s32 $0xFFFF4000  }
0x1e: {  	s17 =	simm.s32 @!p0 $0x0;
	s18 =	simm.s32 @!p0 $0x80;
	s15 =	sadd.s32 @!p0 s1, s15  }
0x1f: {  	[tilespmem:s18], [sflag:$0x1] =	stream.linear.gather @!p0 [hbm4b:s15+s17], $0xC000, $0x38;
	[tilespmem:$0x18080] =	vst v63  }
0x20: {  	s15 =	simm.s32 @!p0 $0x1  }
0x21: {  	s14 =	sand.u32 $0x3FF, s14;
	_ =	swait.ge @!p0 [sflag:s15], $0xC000  }
0x22: {  	s17 =	smul.u32 @p1 $0x1800, s14;
	[sflag:s15] =	ssyncset.done @!p0 $0x0  }
0x23: {  	s18 =	simm.s32 @p1 $0x80;
	[sflag:s15] =	ssyncadd.s32 @!p0 $0xFFFF4000;
	p0 =	por p3, p2  }
0x24: {  	s15 =	sadd.s32 @p1 s2, s17;
	s17 =	simm.s32 @p1 $0x0;
	s16 =	smul.u32 @!p0 $0x1800, s16  }
0x25: {  	[hbm4b:s15+s17] =	stream.linear.scatter @p1 [tilespmem:s18], [sflag:$0x4], $0xC000, $0x38;
	[tilespmem:$0x18080] =	vst v63  }
0x26: {  	s17 =	simm.s32 @!p0 $0xC080;
	s15 =	sadd.s32 @!p0 s1, s16;
	s16 =	simm.s32 @!p0 $0x0  }
0x27: {  	[tilespmem:s17], [sflag:$0x2] =	stream.linear.gather @!p0 [hbm4b:s15+s16], $0xC000, $0x38;
	[tilespmem:$0x18080] =	vst v63  }
0x28: {  	s14 =	smul.u32 @!p1 $0x1800, s14;
	s15 =	simm.s32 @!p0 $0x2  }
0x29: {  	_ =	swait.ge @!p0 [sflag:s15], $0xC000  }
0x2a: {  	s6 =	sadd.s32 $0xFFFFFFFF, s6;
	s14 =	sadd.s32 @!p1 s2, s14;
	[sflag:s15] =	ssyncset.done @!p0 $0x0  }
0x2b: {  	s16 =	simm.s32 @!p1 $0xC080;
	[sflag:s15] =	ssyncadd.s32 @!p0 $0xFFFF4000;
	s15 =	simm.s32 @!p1 $0x0  }
0x2c: {  	[hbm4b:s14+s15] =	stream.linear.scatter @!p1 [tilespmem:s16], [sflag:$0x4], $0xC000, $0x38;
	[tilespmem:$0x18080] =	vst v63  }
0x2d: {  	p0 =	sne.s32 s6, $0x0;
	_ =	swait.ge [sflag:s12], $0xC000  }
.Ltmp1:
0x2e: {  	[sflag:s12] =	ssyncset.done $0x0;
	(pc) =	sbr.rel @!p0 .LBB2_122-.Ltmp1, $4  }
0x2f: {  	[sflag:s12] =	ssyncadd.s32 $0xFFFF4000  }
0x30: {  	_ =	swait.ge [sflag:s13], $0xC000  }
0x31: {  	[sflag:s13] =	ssyncset.done $0x0  }
0x32: {  	[sflag:s13] =	ssyncadd.s32 $0xFFFF4000  }
.LBB2_1:
0x33: {  	[tilespmem:s3], [sflag:$0x5] =	stream.linear.gather [hbm4b:s5+s3], $0x20, $0x38;
	[tilespmem:$0x18080] =	vst v63  }
0x34: {  	_ =	swait.ge [sflag:s7], $0x20  }
0x35: {  	[sflag:s7] =	ssyncset.done $0x0  }
0x36: {  	[sflag:s7] =	ssyncadd.s32 $0xFFFFFFE0  }
0x37: {  	v1 =	vld [tilespmem:$0x0];
	_ =	sdelay $0x4  }
0x38: {  	(v2sf) =	vpush v1, $0x0;
	_ =	sdelay $0xe  }
0x39: {  	s15 =	spop (v2sf)  }
0x3a: {  	s17 =	sshrl.u32 s15, $0xA  }
0x3b: {  	s14 =	smul.u32 $0x1800, s17;
	_ =	sdelay $0x1  }
0x3c: {  	s14 =	sadd.s32 s1, s14  }
0x3d: {  	v0 =	vld [tilespmem:$0x10];
	[tilespmem:s8], [sflag:$0x1] =	stream.linear.gather [hbm4b:s14+s3], $0xC000, $0x38  }
0x3e: {  	_ =	swait.ge [sflag:s9], $0xC000  }
0x3f: {  	(v2sf) =	vpush v1, $0x1;
	_ =	sdelay $0xe  }
0x40: {  	s18 =	spop (v2sf)  }
0x41: {  	s14 =	sshrl.u32 s18, $0xA  }
0x42: {  	s16 =	simm.s32 $0x2;
	p0 =	sne.s32 s14, s17  }
0x43: {  	s16 =	simm.s32 @!p0 $0x1  }
0x44: {  	s19 =	sand.u32 $0x3FF, s15;
	s15 =	sand.u32 $0x1, s16  }
0x45: {  	s19 =	smul.u32 $0x1800, s19;
	p0 =	seq.s32 s14, s17;
	p1 =	seq.s32 s15, $0x1  }
0x46: {  	[sflag:s9] =	ssyncset.done $0x0;
	p2 =	por !p1, p0  }
0x47: {  	s31 =	sadd.s32 s2, s19;
	[sflag:s9] =	ssyncadd.s32 $0xFFFF4000;
	s19 =	smul.u32 @!p2 $0x1800, s14  }
0x48: {  	[hbm4b:s31+s3] =	stream.linear.scatter [tilespmem:s8], [sflag:$0x3], $0xC000, $0x38;
	[tilespmem:$0x18080] =	vst v63  }
0x49: {  	s20 =	simm.s32 @!p2 $0x80;
	s17 =	sadd.s32 @!p2 s1, s19;
	s19 =	simm.s32 @!p2 $0x0  }
0x4a: {  	[tilespmem:s20], [sflag:$0x1] =	stream.linear.gather @!p2 [hbm4b:s17+s19], $0xC000, $0x38;
	[tilespmem:$0x18080] =	vst v63  }
0x4b: {  	s19 =	simm.s32 @!p2 $0x1;
	s17 =	sand.u32 $0x3FF, s18  }
0x4c: {  	_ =	swait.ge @!p2 [sflag:s19], $0xC000;
	s18 =	smul.u32 @p1 $0x1800, s17  }
0x4d: {  	s20 =	simm.s32 @p1 $0x80;
	[sflag:s19] =	ssyncset.done @!p2 $0x0  }
0x4e: {  	[sflag:s19] =	ssyncadd.s32 @!p2 $0xFFFF4000;
	s18 =	sadd.s32 @p1 s2, s18;
	s19 =	simm.s32 @p1 $0x0  }
0x4f: {  	[hbm4b:s18+s19] =	stream.linear.scatter @p1 [tilespmem:s20], [sflag:$0x4], $0xC000, $0x38;
	[tilespmem:$0x18080] =	vst v63  }
0x50: {  	p1 =	sne.s32 @!p0 s15, $0x0  }
0x51: {  	p0 =	por p0, p1  }
.Ltmp2:
0x52: {  	_ = 	snop;
	(pc) =	sbr.rel @p0 .LBB2_3-.Ltmp2, $1  }
0x53: {  	_ =	sdelay $0x3  }
0x54: {  	s15 =	smul.u32 $0x1800, s14;
	_ =	sdelay $0x1  }
0x55: {  	s15 =	sadd.s32 s1, s15  }
0x56: {  	[tilespmem:s11], [sflag:$0x2] =	stream.linear.gather [hbm4b:s15+s3], $0xC000, $0x38;
	[tilespmem:$0x18080] =	vst v63  }
0x57: {  	_ =	swait.ge [sflag:s10], $0xC000  }
0x58: {  	[sflag:s10] =	ssyncset.done $0x0  }
0x59: {  	[sflag:s10] =	ssyncadd.s32 $0xFFFF4000  }
.LBB2_4:
0x5a: {  	s15 =	smul.u32 $0x1800, s17;
	_ =	sdelay $0x1  }
0x5b: {  	s15 =	sadd.s32 s2, s15  }
0x5c: {  	[hbm4b:s15+s3] =	stream.linear.scatter [tilespmem:s11], [sflag:$0x4], $0xC000, $0x38;
	[tilespmem:$0x18080] =	vst v63  }
.LBB2_5:
0x5d: {  	_ =	swait.ge [sflag:s12], $0xC000  }
0x5e: {  	(v2sf) =	vpush v1, $0x2;
	_ =	sdelay $0xe  }
0x5f: {  	s18 =	spop (v2sf)  }
0x60: {  	s15 =	sshrl.u32 s18, $0xA  }
0x61: {  	s17 =	simm.s32 $0x1;
	p0 =	sne.s32 s15, s14  }
0x62: {  	s17 =	simm.s32 @!p0 $0x0  }
0x63: {  	s16 =	sadd.s32 s17, s16  }
0x64: {  	s17 =	sand.u32 $0x1, s16  }
0x65: {  	p0 =	seq.s32 s15, s14;
	p1 =	seq.s32 s17, $0x1  }
0x66: {  	p2 =	por !p1, p0  }
0x67: {  	[sflag:s12] =	ssyncset.done $0x0;
	s14 =	smul.u32 @!p2 $0x1800, s15  }
0x68: {  	[sflag:s12] =	ssyncadd.s32 $0xFFFF4000  }
0x69: {  	s19 =	simm.s32 @!p2 $0x0;
	s20 =	simm.s32 @!p2 $0x80;
	s14 =	sadd.s32 @!p2 s1, s14  }
0x6a: {  	[tilespmem:s20], [sflag:$0x1] =	stream.linear.gather @!p2 [hbm4b:s14+s19], $0xC000, $0x38;
	[tilespmem:$0x18080] =	vst v63  }
0x6b: {  	s19 =	simm.s32 @!p2 $0x1;
	s14 =	sand.u32 $0x3FF, s18  }
0x6c: {  	_ =	swait.ge @!p2 [sflag:s19], $0xC000;
	s18 =	smul.u32 @p1 $0x1800, s14  }
0x6d: {  	s20 =	simm.s32 @p1 $0x80;
	[sflag:s19] =	ssyncset.done @!p2 $0x0  }
0x6e: {  	[sflag:s19] =	ssyncadd.s32 @!p2 $0xFFFF4000;
	s18 =	sadd.s32 @p1 s2, s18;
	s19 =	simm.s32 @p1 $0x0  }
0x6f: {  	[hbm4b:s18+s19] =	stream.linear.scatter @p1 [tilespmem:s20], [sflag:$0x3], $0xC000, $0x38;
	[tilespmem:$0x18080] =	vst v63  }
0x70: {  	p1 =	sne.s32 @!p0 s17, $0x0  }
0x71: {  	p0 =	por p0, p1  }
.Ltmp3:
0x72: {  	_ = 	snop;
	(pc) =	sbr.rel @p0 .LBB2_7-.Ltmp3, $1  }
0x73: {  	_ =	sdelay $0x3  }
0x74: {  	s17 =	smul.u32 $0x1800, s15;
	_ =	sdelay $0x1  }
0x75: {  	s17 =	sadd.s32 s1, s17  }
0x76: {  	[tilespmem:s11], [sflag:$0x2] =	stream.linear.gather [hbm4b:s17+s3], $0xC000, $0x38;
	[tilespmem:$0x18080] =	vst v63  }
0x77: {  	_ =	swait.ge [sflag:s10], $0xC000  }
0x78: {  	[sflag:s10] =	ssyncset.done $0x0  }
0x79: {  	[sflag:s10] =	ssyncadd.s32 $0xFFFF4000  }
.LBB2_8:
0x7a: {  	s14 =	smul.u32 $0x1800, s14;
	_ =	sdelay $0x1  }
0x7b: {  	s14 =	sadd.s32 s2, s14  }
0x7c: {  	[hbm4b:s14+s3] =	stream.linear.scatter [tilespmem:s11], [sflag:$0x3], $0xC000, $0x38;
	[tilespmem:$0x18080] =	vst v63  }
.LBB2_9:
0x7d: {  	_ =	swait.ge [sflag:s13], $0xC000  }
0x7e: {  	(v2sf) =	vpush v1, $0x3;
	_ =	sdelay $0xe  }
0x7f: {  	s18 =	spop (v2sf)  }
0x80: {  	s14 =	sshrl.u32 s18, $0xA  }
0x81: {  	s17 =	simm.s32 $0x1;
	p0 =	sne.s32 s14, s15  }
0x82: {  	s17 =	simm.s32 @!p0 $0x0  }
0x83: {  	s16 =	sadd.s32 s17, s16  }
0x84: {  	s17 =	sand.u32 $0x1, s16  }
0x85: {  	p0 =	seq.s32 s14, s15;
	p1 =	seq.s32 s17, $0x1  }
0x86: {  	p2 =	por !p1, p0  }
0x87: {  	[sflag:s13] =	ssyncset.done $0x0;
	s15 =	smul.u32 @!p2 $0x1800, s14  }
0x88: {  	[sflag:s13] =	ssyncadd.s32 $0xFFFF4000  }
0x89: {  	s19 =	simm.s32 @!p2 $0x0;
	s20 =	simm.s32 @!p2 $0x80;
	s15 =	sadd.s32 @!p2 s1, s15  }
0x8a: {  	[tilespmem:s20], [sflag:$0x1] =	stream.linear.gather @!p2 [hbm4b:s15+s19], $0xC000, $0x38;
	[tilespmem:$0x18080] =	vst v63  }
0x8b: {  	s19 =	simm.s32 @!p2 $0x1;
	s15 =	sand.u32 $0x3FF, s18  }
0x8c: {  	_ =	swait.ge @!p2 [sflag:s19], $0xC000;
	s18 =	smul.u32 @p1 $0x1800, s15  }
0x8d: {  	s20 =	simm.s32 @p1 $0x80;
	[sflag:s19] =	ssyncset.done @!p2 $0x0  }
0x8e: {  	[sflag:s19] =	ssyncadd.s32 @!p2 $0xFFFF4000;
	s18 =	sadd.s32 @p1 s2, s18;
	s19 =	simm.s32 @p1 $0x0  }
0x8f: {  	[hbm4b:s18+s19] =	stream.linear.scatter @p1 [tilespmem:s20], [sflag:$0x4], $0xC000, $0x38;
	[tilespmem:$0x18080] =	vst v63  }
0x90: {  	p1 =	sne.s32 @!p0 s17, $0x0  }
0x91: {  	p0 =	por p0, p1  }
.Ltmp4:
0x92: {  	_ = 	snop;
	(pc) =	sbr.rel @p0 .LBB2_11-.Ltmp4, $1  }
0x93: {  	_ =	sdelay $0x3  }
0x94: {  	s17 =	smul.u32 $0x1800, s14;
	_ =	sdelay $0x1  }
0x95: {  	s17 =	sadd.s32 s1, s17  }
0x96: {  	[tilespmem:s11], [sflag:$0x2] =	stream.linear.gather [hbm4b:s17+s3], $0xC000, $0x38;
	[tilespmem:$0x18080] =	vst v63  }
0x97: {  	_ =	swait.ge [sflag:s10], $0xC000  }
0x98: {  	[sflag:s10] =	ssyncset.done $0x0  }
0x99: {  	[sflag:s10] =	ssyncadd.s32 $0xFFFF4000  }
.LBB2_12:
0x9a: {  	s15 =	smul.u32 $0x1800, s15;
	_ =	sdelay $0x1  }
0x9b: {  	s15 =	sadd.s32 s2, s15  }
0x9c: {  	[hbm4b:s15+s3] =	stream.linear.scatter [tilespmem:s11], [sflag:$0x4], $0xC000, $0x38;
	[tilespmem:$0x18080] =	vst v63  }
.LBB2_13:
0x9d: {  	_ =	swait.ge [sflag:s12], $0xC000  }
0x9e: {  	(v2sf) =	vpush v1, $0x4;
	_ =	sdelay $0xe  }
0x9f: {  	s18 =	spop (v2sf)  }
0xa0: {  	s15 =	sshrl.u32 s18, $0xA  }
0xa1: {  	s17 =	simm.s32 $0x1;
	p0 =	sne.s32 s15, s14  }
0xa2: {  	s17 =	simm.s32 @!p0 $0x0  }
0xa3: {  	s16 =	sadd.s32 s17, s16  }
0xa4: {  	s17 =	sand.u32 $0x1, s16  }
0xa5: {  	p0 =	seq.s32 s15, s14;
	p1 =	seq.s32 s17, $0x1  }
0xa6: {  	p2 =	por !p1, p0  }
0xa7: {  	[sflag:s12] =	ssyncset.done $0x0;
	s14 =	smul.u32 @!p2 $0x1800, s15  }
0xa8: {  	[sflag:s12] =	ssyncadd.s32 $0xFFFF4000  }
0xa9: {  	s19 =	simm.s32 @!p2 $0x0;
	s20 =	simm.s32 @!p2 $0x80;
	s14 =	sadd.s32 @!p2 s1, s14  }
0xaa: {  	[tilespmem:s20], [sflag:$0x1] =	stream.linear.gather @!p2 [hbm4b:s14+s19], $0xC000, $0x38;
	[tilespmem:$0x18080] =	vst v63  }
0xab: {  	s19 =	simm.s32 @!p2 $0x1;
	s14 =	sand.u32 $0x3FF, s18  }
0xac: {  	_ =	swait.ge @!p2 [sflag:s19], $0xC000;
	s18 =	smul.u32 @p1 $0x1800, s14  }
0xad: {  	s20 =	simm.s32 @p1 $0x80;
	[sflag:s19] =	ssyncset.done @!p2 $0x0  }
0xae: {  	[sflag:s19] =	ssyncadd.s32 @!p2 $0xFFFF4000;
	s18 =	sadd.s32 @p1 s2, s18;
	s19 =	simm.s32 @p1 $0x0  }
0xaf: {  	[hbm4b:s18+s19] =	stream.linear.scatter @p1 [tilespmem:s20], [sflag:$0x3], $0xC000, $0x38;
	[tilespmem:$0x18080] =	vst v63  }
0xb0: {  	p1 =	sne.s32 @!p0 s17, $0x0  }
0xb1: {  	p0 =	por p0, p1  }
.Ltmp5:
0xb2: {  	_ = 	snop;
	(pc) =	sbr.rel @p0 .LBB2_15-.Ltmp5, $1  }
0xb3: {  	_ =	sdelay $0x3  }
0xb4: {  	s17 =	smul.u32 $0x1800, s15;
	_ =	sdelay $0x1  }
0xb5: {  	s17 =	sadd.s32 s1, s17  }
0xb6: {  	[tilespmem:s11], [sflag:$0x2] =	stream.linear.gather [hbm4b:s17+s3], $0xC000, $0x38;
	[tilespmem:$0x18080] =	vst v63  }
0xb7: {  	_ =	swait.ge [sflag:s10], $0xC000  }
0xb8: {  	[sflag:s10] =	ssyncset.done $0x0  }
0xb9: {  	[sflag:s10] =	ssyncadd.s32 $0xFFFF4000  }
.LBB2_16:
0xba: {  	s14 =	smul.u32 $0x1800, s14;
	_ =	sdelay $0x1  }
0xbb: {  	s14 =	sadd.s32 s2, s14  }
0xbc: {  	[hbm4b:s14+s3] =	stream.linear.scatter [tilespmem:s11], [sflag:$0x3], $0xC000, $0x38;
	[tilespmem:$0x18080] =	vst v63  }
.LBB2_17:
0xbd: {  	_ =	swait.ge [sflag:s13], $0xC000  }
0xbe: {  	(v2sf) =	vpush v1, $0x5;
	_ =	sdelay $0xe  }
0xbf: {  	s18 =	spop (v2sf)  }
0xc0: {  	s14 =	sshrl.u32 s18, $0xA  }
0xc1: {  	s17 =	simm.s32 $0x1;
	p0 =	sne.s32 s14, s15  }
0xc2: {  	s17 =	simm.s32 @!p0 $0x0  }
0xc3: {  	s16 =	sadd.s32 s17, s16  }
0xc4: {  	s17 =	sand.u32 $0x1, s16  }
0xc5: {  	p0 =	seq.s32 s14, s15;
	p1 =	seq.s32 s17, $0x1  }
0xc6: {  	p2 =	por !p1, p0  }
0xc7: {  	[sflag:s13] =	ssyncset.done $0x0;
	s15 =	smul.u32 @!p2 $0x1800, s14  }
0xc8: {  	[sflag:s13] =	ssyncadd.s32 $0xFFFF4000  }
0xc9: {  	s19 =	simm.s32 @!p2 $0x0;
	s20 =	simm.s32 @!p2 $0x80;
	s15 =	sadd.s32 @!p2 s1, s15  }
0xca: {  	[tilespmem:s20], [sflag:$0x1] =	stream.linear.gather @!p2 [hbm4b:s15+s19], $0xC000, $0x38;
	[tilespmem:$0x18080] =	vst v63  }
0xcb: {  	s19 =	simm.s32 @!p2 $0x1;
	s15 =	sand.u32 $0x3FF, s18  }
0xcc: {  	_ =	swait.ge @!p2 [sflag:s19], $0xC000;
	s18 =	smul.u32 @p1 $0x1800, s15  }
0xcd: {  	s20 =	simm.s32 @p1 $0x80;
	[sflag:s19] =	ssyncset.done @!p2 $0x0  }
0xce: {  	[sflag:s19] =	ssyncadd.s32 @!p2 $0xFFFF4000;
	s18 =	sadd.s32 @p1 s2, s18;
	s19 =	simm.s32 @p1 $0x0  }
0xcf: {  	[hbm4b:s18+s19] =	stream.linear.scatter @p1 [tilespmem:s20], [sflag:$0x4], $0xC000, $0x38;
	[tilespmem:$0x18080] =	vst v63  }
0xd0: {  	p1 =	sne.s32 @!p0 s17, $0x0  }
0xd1: {  	p0 =	por p0, p1  }
.Ltmp6:
0xd2: {  	_ = 	snop;
	(pc) =	sbr.rel @p0 .LBB2_19-.Ltmp6, $1  }
0xd3: {  	_ =	sdelay $0x3  }
0xd4: {  	s17 =	smul.u32 $0x1800, s14;
	_ =	sdelay $0x1  }
0xd5: {  	s17 =	sadd.s32 s1, s17  }
0xd6: {  	[tilespmem:s11], [sflag:$0x2] =	stream.linear.gather [hbm4b:s17+s3], $0xC000, $0x38;
	[tilespmem:$0x18080] =	vst v63  }
0xd7: {  	_ =	swait.ge [sflag:s10], $0xC000  }
0xd8: {  	[sflag:s10] =	ssyncset.done $0x0  }
0xd9: {  	[sflag:s10] =	ssyncadd.s32 $0xFFFF4000  }
.LBB2_20:
0xda: {  	s15 =	smul.u32 $0x1800, s15;
	_ =	sdelay $0x1  }
0xdb: {  	s15 =	sadd.s32 s2, s15  }
0xdc: {  	[hbm4b:s15+s3] =	stream.linear.scatter [tilespmem:s11], [sflag:$0x4], $0xC000, $0x38;
	[tilespmem:$0x18080] =	vst v63  }
.LBB2_21:
0xdd: {  	_ =	swait.ge [sflag:s12], $0xC000  }
0xde: {  	(v2sf) =	vpush v1, $0x6;
	_ =	sdelay $0xe  }
0xdf: {  	s18 =	spop (v2sf)  }
0xe0: {  	s15 =	sshrl.u32 s18, $0xA  }
0xe1: {  	s17 =	simm.s32 $0x1;
	p0 =	sne.s32 s15, s14  }
0xe2: {  	s17 =	simm.s32 @!p0 $0x0  }
0xe3: {  	s16 =	sadd.s32 s17, s16  }
0xe4: {  	s17 =	sand.u32 $0x1, s16  }
0xe5: {  	p0 =	seq.s32 s15, s14;
	p1 =	seq.s32 s17, $0x1  }
0xe6: {  	p2 =	por !p1, p0  }
0xe7: {  	[sflag:s12] =	ssyncset.done $0x0;
	s14 =	smul.u32 @!p2 $0x1800, s15  }
0xe8: {  	[sflag:s12] =	ssyncadd.s32 $0xFFFF4000  }
0xe9: {  	s19 =	simm.s32 @!p2 $0x0;
	s20 =	simm.s32 @!p2 $0x80;
	s14 =	sadd.s32 @!p2 s1, s14  }
0xea: {  	[tilespmem:s20], [sflag:$0x1] =	stream.linear.gather @!p2 [hbm4b:s14+s19], $0xC000, $0x38;
	[tilespmem:$0x18080] =	vst v63  }
0xeb: {  	s19 =	simm.s32 @!p2 $0x1;
	s14 =	sand.u32 $0x3FF, s18  }
0xec: {  	_ =	swait.ge @!p2 [sflag:s19], $0xC000;
	s18 =	smul.u32 @p1 $0x1800, s14  }
0xed: {  	s20 =	simm.s32 @p1 $0x80;
	[sflag:s19] =	ssyncset.done @!p2 $0x0  }
0xee: {  	[sflag:s19] =	ssyncadd.s32 @!p2 $0xFFFF4000;
	s18 =	sadd.s32 @p1 s2, s18;
	s19 =	simm.s32 @p1 $0x0  }
0xef: {  	[hbm4b:s18+s19] =	stream.linear.scatter @p1 [tilespmem:s20], [sflag:$0x3], $0xC000, $0x38;
	[tilespmem:$0x18080] =	vst v63  }
0xf0: {  	p1 =	sne.s32 @!p0 s17, $0x0  }
0xf1: {  	p0 =	por p0, p1  }
.Ltmp7:
0xf2: {  	_ = 	snop;
	(pc) =	sbr.rel @p0 .LBB2_23-.Ltmp7, $1  }
0xf3: {  	_ =	sdelay $0x3  }
0xf4: {  	s17 =	smul.u32 $0x1800, s15;
	_ =	sdelay $0x1  }
0xf5: {  	s17 =	sadd.s32 s1, s17  }
0xf6: {  	[tilespmem:s11], [sflag:$0x2] =	stream.linear.gather [hbm4b:s17+s3], $0xC000, $0x38;
	[tilespmem:$0x18080] =	vst v63  }
0xf7: {  	_ =	swait.ge [sflag:s10], $0xC000  }
0xf8: {  	[sflag:s10] =	ssyncset.done $0x0  }
0xf9: {  	[sflag:s10] =	ssyncadd.s32 $0xFFFF4000  }
.LBB2_24:
0xfa: {  	s14 =	smul.u32 $0x1800, s14;
	_ =	sdelay $0x1  }
0xfb: {  	s14 =	sadd.s32 s2, s14  }
0xfc: {  	[hbm4b:s14+s3] =	stream.linear.scatter [tilespmem:s11], [sflag:$0x3], $0xC000, $0x38;
	[tilespmem:$0x18080] =	vst v63  }
.LBB2_25:
0xfd: {  	_ =	swait.ge [sflag:s13], $0xC000  }
0xfe: {  	(v2sf) =	vpush v1, $0x7;
	_ =	sdelay $0xe  }
0xff: {  	s18 =	spop (v2sf)  }
0x100: {  	s14 =	sshrl.u32 s18, $0xA  }
0x101: {  	s17 =	simm.s32 $0x1;
	p0 =	sne.s32 s14, s15  }
0x102: {  	s17 =	simm.s32 @!p0 $0x0  }
0x103: {  	s16 =	sadd.s32 s17, s16  }
0x104: {  	s17 =	sand.u32 $0x1, s16  }
0x105: {  	p0 =	seq.s32 s14, s15;
	p1 =	seq.s32 s17, $0x1  }
0x106: {  	p2 =	por !p1, p0  }
0x107: {  	[sflag:s13] =	ssyncset.done $0x0;
	s15 =	smul.u32 @!p2 $0x1800, s14  }
0x108: {  	[sflag:s13] =	ssyncadd.s32 $0xFFFF4000  }
0x109: {  	s19 =	simm.s32 @!p2 $0x0;
	s20 =	simm.s32 @!p2 $0x80;
	s15 =	sadd.s32 @!p2 s1, s15  }
0x10a: {  	[tilespmem:s20], [sflag:$0x1] =	stream.linear.gather @!p2 [hbm4b:s15+s19], $0xC000, $0x38;
	[tilespmem:$0x18080] =	vst v63  }
0x10b: {  	s19 =	simm.s32 @!p2 $0x1;
	s15 =	sand.u32 $0x3FF, s18  }
0x10c: {  	_ =	swait.ge @!p2 [sflag:s19], $0xC000;
	s18 =	smul.u32 @p1 $0x1800, s15  }
0x10d: {  	s20 =	simm.s32 @p1 $0x80;
	[sflag:s19] =	ssyncset.done @!p2 $0x0  }
0x10e: {  	[sflag:s19] =	ssyncadd.s32 @!p2 $0xFFFF4000;
	s18 =	sadd.s32 @p1 s2, s18;
	s19 =	simm.s32 @p1 $0x0  }
0x10f: {  	[hbm4b:s18+s19] =	stream.linear.scatter @p1 [tilespmem:s20], [sflag:$0x4], $0xC000, $0x38;
	[tilespmem:$0x18080] =	vst v63  }
0x110: {  	p1 =	sne.s32 @!p0 s17, $0x0  }
0x111: {  	p0 =	por p0, p1  }
.Ltmp8:
0x112: {  	_ = 	snop;
	(pc) =	sbr.rel @p0 .LBB2_27-.Ltmp8, $1  }
0x113: {  	_ =	sdelay $0x3  }
0x114: {  	s17 =	smul.u32 $0x1800, s14;
	_ =	sdelay $0x1  }
0x115: {  	s17 =	sadd.s32 s1, s17  }
0x116: {  	[tilespmem:s11], [sflag:$0x2] =	stream.linear.gather [hbm4b:s17+s3], $0xC000, $0x38;
	[tilespmem:$0x18080] =	vst v63  }
0x117: {  	_ =	swait.ge [sflag:s10], $0xC000  }
0x118: {  	[sflag:s10] =	ssyncset.done $0x0  }
0x119: {  	[sflag:s10] =	ssyncadd.s32 $0xFFFF4000  }
.LBB2_28:
0x11a: {  	s15 =	smul.u32 $0x1800, s15;
	_ =	sdelay $0x1  }
0x11b: {  	s15 =	sadd.s32 s2, s15  }
0x11c: {  	[hbm4b:s15+s3] =	stream.linear.scatter [tilespmem:s11], [sflag:$0x4], $0xC000, $0x38;
	[tilespmem:$0x18080] =	vst v63  }
.LBB2_29:
0x11d: {  	_ =	swait.ge [sflag:s12], $0xC000  }
0x11e: {  	(v2sf) =	vpush v1, $0x8;
	_ =	sdelay $0xe  }
0x11f: {  	s18 =	spop (v2sf)  }
0x120: {  	s15 =	sshrl.u32 s18, $0xA  }
0x121: {  	s17 =	simm.s32 $0x1;
	p0 =	sne.s32 s15, s14  }
0x122: {  	s17 =	simm.s32 @!p0 $0x0  }
0x123: {  	s16 =	sadd.s32 s17, s16  }
0x124: {  	s17 =	sand.u32 $0x1, s16  }
0x125: {  	p0 =	seq.s32 s15, s14;
	p1 =	seq.s32 s17, $0x1  }
0x126: {  	p2 =	por !p1, p0  }
0x127: {  	[sflag:s12] =	ssyncset.done $0x0;
	s14 =	smul.u32 @!p2 $0x1800, s15  }
0x128: {  	[sflag:s12] =	ssyncadd.s32 $0xFFFF4000  }
0x129: {  	s19 =	simm.s32 @!p2 $0x0;
	s20 =	simm.s32 @!p2 $0x80;
	s14 =	sadd.s32 @!p2 s1, s14  }
0x12a: {  	[tilespmem:s20], [sflag:$0x1] =	stream.linear.gather @!p2 [hbm4b:s14+s19], $0xC000, $0x38;
	[tilespmem:$0x18080] =	vst v63  }
0x12b: {  	s19 =	simm.s32 @!p2 $0x1;
	s14 =	sand.u32 $0x3FF, s18  }
0x12c: {  	_ =	swait.ge @!p2 [sflag:s19], $0xC000;
	s18 =	smul.u32 @p1 $0x1800, s14  }
0x12d: {  	s20 =	simm.s32 @p1 $0x80;
	[sflag:s19] =	ssyncset.done @!p2 $0x0  }
0x12e: {  	[sflag:s19] =	ssyncadd.s32 @!p2 $0xFFFF4000;
	s18 =	sadd.s32 @p1 s2, s18;
	s19 =	simm.s32 @p1 $0x0  }
0x12f: {  	[hbm4b:s18+s19] =	stream.linear.scatter @p1 [tilespmem:s20], [sflag:$0x3], $0xC000, $0x38;
	[tilespmem:$0x18080] =	vst v63  }
0x130: {  	p1 =	sne.s32 @!p0 s17, $0x0  }
0x131: {  	p0 =	por p0, p1  }
.Ltmp9:
0x132: {  	_ = 	snop;
	(pc) =	sbr.rel @p0 .LBB2_31-.Ltmp9, $1  }
0x133: {  	_ =	sdelay $0x3  }
0x134: {  	s17 =	smul.u32 $0x1800, s15;
	_ =	sdelay $0x1  }
0x135: {  	s17 =	sadd.s32 s1, s17  }
0x136: {  	[tilespmem:s11], [sflag:$0x2] =	stream.linear.gather [hbm4b:s17+s3], $0xC000, $0x38;
	[tilespmem:$0x18080] =	vst v63  }
0x137: {  	_ =	swait.ge [sflag:s10], $0xC000  }
0x138: {  	[sflag:s10] =	ssyncset.done $0x0  }
0x139: {  	[sflag:s10] =	ssyncadd.s32 $0xFFFF4000  }
.LBB2_32:
0x13a: {  	s14 =	smul.u32 $0x1800, s14;
	_ =	sdelay $0x1  }
0x13b: {  	s14 =	sadd.s32 s2, s14  }
0x13c: {  	[hbm4b:s14+s3] =	stream.linear.scatter [tilespmem:s11], [sflag:$0x3], $0xC000, $0x38;
	[tilespmem:$0x18080] =	vst v63  }
.LBB2_33:
0x13d: {  	_ =	swait.ge [sflag:s13], $0xC000  }
0x13e: {  	(v2sf) =	vpush v1, $0x9;
	_ =	sdelay $0xe  }
0x13f: {  	s18 =	spop (v2sf)  }
0x140: {  	s14 =	sshrl.u32 s18, $0xA  }
0x141: {  	s17 =	simm.s32 $0x1;
	p0 =	sne.s32 s14, s15  }
0x142: {  	s17 =	simm.s32 @!p0 $0x0  }
0x143: {  	s16 =	sadd.s32 s17, s16  }
0x144: {  	s17 =	sand.u32 $0x1, s16  }
0x145: {  	p0 =	seq.s32 s14, s15;
	p1 =	seq.s32 s17, $0x1  }
0x146: {  	p2 =	por !p1, p0  }
0x147: {  	[sflag:s13] =	ssyncset.done $0x0;
	s15 =	smul.u32 @!p2 $0x1800, s14  }
0x148: {  	[sflag:s13] =	ssyncadd.s32 $0xFFFF4000  }
0x149: {  	s19 =	simm.s32 @!p2 $0x0;
	s20 =	simm.s32 @!p2 $0x80;
	s15 =	sadd.s32 @!p2 s1, s15  }
0x14a: {  	[tilespmem:s20], [sflag:$0x1] =	stream.linear.gather @!p2 [hbm4b:s15+s19], $0xC000, $0x38;
	[tilespmem:$0x18080] =	vst v63  }
0x14b: {  	s19 =	simm.s32 @!p2 $0x1;
	s15 =	sand.u32 $0x3FF, s18  }
0x14c: {  	_ =	swait.ge @!p2 [sflag:s19], $0xC000;
	s18 =	smul.u32 @p1 $0x1800, s15  }
0x14d: {  	s20 =	simm.s32 @p1 $0x80;
	[sflag:s19] =	ssyncset.done @!p2 $0x0  }
0x14e: {  	[sflag:s19] =	ssyncadd.s32 @!p2 $0xFFFF4000;
	s18 =	sadd.s32 @p1 s2, s18;
	s19 =	simm.s32 @p1 $0x0  }
0x14f: {  	[hbm4b:s18+s19] =	stream.linear.scatter @p1 [tilespmem:s20], [sflag:$0x4], $0xC000, $0x38;
	[tilespmem:$0x18080] =	vst v63  }
0x150: {  	p1 =	sne.s32 @!p0 s17, $0x0  }
0x151: {  	p0 =	por p0, p1  }
.Ltmp10:
0x152: {  	_ = 	snop;
	(pc) =	sbr.rel @p0 .LBB2_35-.Ltmp10, $1  }
0x153: {  	_ =	sdelay $0x3  }
0x154: {  	s17 =	smul.u32 $0x1800, s14;
	_ =	sdelay $0x1  }
0x155: {  	s17 =	sadd.s32 s1, s17  }
0x156: {  	[tilespmem:s11], [sflag:$0x2] =	stream.linear.gather [hbm4b:s17+s3], $0xC000, $0x38;
	[tilespmem:$0x18080] =	vst v63  }
0x157: {  	_ =	swait.ge [sflag:s10], $0xC000  }
0x158: {  	[sflag:s10] =	ssyncset.done $0x0  }
0x159: {  	[sflag:s10] =	ssyncadd.s32 $0xFFFF4000  }
.LBB2_36:
0x15a: {  	s15 =	smul.u32 $0x1800, s15;
	_ =	sdelay $0x1  }
0x15b: {  	s15 =	sadd.s32 s2, s15  }
0x15c: {  	[hbm4b:s15+s3] =	stream.linear.scatter [tilespmem:s11], [sflag:$0x4], $0xC000, $0x38;
	[tilespmem:$0x18080] =	vst v63  }
.LBB2_37:
0x15d: {  	_ =	swait.ge [sflag:s12], $0xC000  }
0x15e: {  	(v2sf) =	vpush v1, $0xA;
	_ =	sdelay $0xe  }
0x15f: {  	s18 =	spop (v2sf)  }
0x160: {  	s15 =	sshrl.u32 s18, $0xA  }
0x161: {  	s17 =	simm.s32 $0x1;
	p0 =	sne.s32 s15, s14  }
0x162: {  	s17 =	simm.s32 @!p0 $0x0  }
0x163: {  	s16 =	sadd.s32 s17, s16  }
0x164: {  	s17 =	sand.u32 $0x1, s16  }
0x165: {  	p0 =	seq.s32 s15, s14;
	p1 =	seq.s32 s17, $0x1  }
0x166: {  	p2 =	por !p1, p0  }
0x167: {  	[sflag:s12] =	ssyncset.done $0x0;
	s14 =	smul.u32 @!p2 $0x1800, s15  }
0x168: {  	[sflag:s12] =	ssyncadd.s32 $0xFFFF4000  }
0x169: {  	s19 =	simm.s32 @!p2 $0x0;
	s20 =	simm.s32 @!p2 $0x80;
	s14 =	sadd.s32 @!p2 s1, s14  }
0x16a: {  	[tilespmem:s20], [sflag:$0x1] =	stream.linear.gather @!p2 [hbm4b:s14+s19], $0xC000, $0x38;
	[tilespmem:$0x18080] =	vst v63  }
0x16b: {  	s19 =	simm.s32 @!p2 $0x1;
	s14 =	sand.u32 $0x3FF, s18  }
0x16c: {  	_ =	swait.ge @!p2 [sflag:s19], $0xC000;
	s18 =	smul.u32 @p1 $0x1800, s14  }
0x16d: {  	s20 =	simm.s32 @p1 $0x80;
	[sflag:s19] =	ssyncset.done @!p2 $0x0  }
0x16e: {  	[sflag:s19] =	ssyncadd.s32 @!p2 $0xFFFF4000;
	s18 =	sadd.s32 @p1 s2, s18;
	s19 =	simm.s32 @p1 $0x0  }
0x16f: {  	[hbm4b:s18+s19] =	stream.linear.scatter @p1 [tilespmem:s20], [sflag:$0x3], $0xC000, $0x38;
	[tilespmem:$0x18080] =	vst v63  }
0x170: {  	p1 =	sne.s32 @!p0 s17, $0x0  }
0x171: {  	p0 =	por p0, p1  }
.Ltmp11:
0x172: {  	_ = 	snop;
	(pc) =	sbr.rel @p0 .LBB2_39-.Ltmp11, $1  }
0x173: {  	_ =	sdelay $0x3  }
0x174: {  	s17 =	smul.u32 $0x1800, s15;
	_ =	sdelay $0x1  }
0x175: {  	s17 =	sadd.s32 s1, s17  }
0x176: {  	[tilespmem:s11], [sflag:$0x2] =	stream.linear.gather [hbm4b:s17+s3], $0xC000, $0x38;
	[tilespmem:$0x18080] =	vst v63  }
0x177: {  	_ =	swait.ge [sflag:s10], $0xC000  }
0x178: {  	[sflag:s10] =	ssyncset.done $0x0  }
0x179: {  	[sflag:s10] =	ssyncadd.s32 $0xFFFF4000  }
.LBB2_40:
0x17a: {  	s14 =	smul.u32 $0x1800, s14;
	_ =	sdelay $0x1  }
0x17b: {  	s14 =	sadd.s32 s2, s14  }
0x17c: {  	[hbm4b:s14+s3] =	stream.linear.scatter [tilespmem:s11], [sflag:$0x3], $0xC000, $0x38;
	[tilespmem:$0x18080] =	vst v63  }
.LBB2_41:
0x17d: {  	_ =	swait.ge [sflag:s13], $0xC000  }
0x17e: {  	(v2sf) =	vpush v1, $0xB;
	_ =	sdelay $0xe  }
0x17f: {  	s18 =	spop (v2sf)  }
0x180: {  	s14 =	sshrl.u32 s18, $0xA  }
0x181: {  	s17 =	simm.s32 $0x1;
	p0 =	sne.s32 s14, s15  }
0x182: {  	s17 =	simm.s32 @!p0 $0x0  }
0x183: {  	s16 =	sadd.s32 s17, s16  }
0x184: {  	s17 =	sand.u32 $0x1, s16  }
0x185: {  	p0 =	seq.s32 s14, s15;
	p1 =	seq.s32 s17, $0x1  }
0x186: {  	p2 =	por !p1, p0  }
0x187: {  	[sflag:s13] =	ssyncset.done $0x0;
	s15 =	smul.u32 @!p2 $0x1800, s14  }
0x188: {  	[sflag:s13] =	ssyncadd.s32 $0xFFFF4000  }
0x189: {  	s19 =	simm.s32 @!p2 $0x0;
	s20 =	simm.s32 @!p2 $0x80;
	s15 =	sadd.s32 @!p2 s1, s15  }
0x18a: {  	[tilespmem:s20], [sflag:$0x1] =	stream.linear.gather @!p2 [hbm4b:s15+s19], $0xC000, $0x38;
	[tilespmem:$0x18080] =	vst v63  }
0x18b: {  	s19 =	simm.s32 @!p2 $0x1;
	s15 =	sand.u32 $0x3FF, s18  }
0x18c: {  	_ =	swait.ge @!p2 [sflag:s19], $0xC000;
	s18 =	smul.u32 @p1 $0x1800, s15  }
0x18d: {  	s20 =	simm.s32 @p1 $0x80;
	[sflag:s19] =	ssyncset.done @!p2 $0x0  }
0x18e: {  	[sflag:s19] =	ssyncadd.s32 @!p2 $0xFFFF4000;
	s18 =	sadd.s32 @p1 s2, s18;
	s19 =	simm.s32 @p1 $0x0  }
0x18f: {  	[hbm4b:s18+s19] =	stream.linear.scatter @p1 [tilespmem:s20], [sflag:$0x4], $0xC000, $0x38;
	[tilespmem:$0x18080] =	vst v63  }
0x190: {  	p1 =	sne.s32 @!p0 s17, $0x0  }
0x191: {  	p0 =	por p0, p1  }
.Ltmp12:
0x192: {  	_ = 	snop;
	(pc) =	sbr.rel @p0 .LBB2_43-.Ltmp12, $1  }
0x193: {  	_ =	sdelay $0x3  }
0x194: {  	s17 =	smul.u32 $0x1800, s14;
	_ =	sdelay $0x1  }
0x195: {  	s17 =	sadd.s32 s1, s17  }
0x196: {  	[tilespmem:s11], [sflag:$0x2] =	stream.linear.gather [hbm4b:s17+s3], $0xC000, $0x38;
	[tilespmem:$0x18080] =	vst v63  }
0x197: {  	_ =	swait.ge [sflag:s10], $0xC000  }
0x198: {  	[sflag:s10] =	ssyncset.done $0x0  }
0x199: {  	[sflag:s10] =	ssyncadd.s32 $0xFFFF4000  }
.LBB2_44:
0x19a: {  	s15 =	smul.u32 $0x1800, s15;
	_ =	sdelay $0x1  }
0x19b: {  	s15 =	sadd.s32 s2, s15  }
0x19c: {  	[hbm4b:s15+s3] =	stream.linear.scatter [tilespmem:s11], [sflag:$0x4], $0xC000, $0x38;
	[tilespmem:$0x18080] =	vst v63  }
.LBB2_45:
0x19d: {  	_ =	swait.ge [sflag:s12], $0xC000  }
0x19e: {  	(v2sf) =	vpush v1, $0xC;
	_ =	sdelay $0xe  }
0x19f: {  	s18 =	spop (v2sf)  }
0x1a0: {  	s15 =	sshrl.u32 s18, $0xA  }
0x1a1: {  	s17 =	simm.s32 $0x1;
	p0 =	sne.s32 s15, s14  }
0x1a2: {  	s17 =	simm.s32 @!p0 $0x0  }
0x1a3: {  	s16 =	sadd.s32 s17, s16  }
0x1a4: {  	s17 =	sand.u32 $0x1, s16  }
0x1a5: {  	p0 =	seq.s32 s15, s14;
	p1 =	seq.s32 s17, $0x1  }
0x1a6: {  	p2 =	por !p1, p0  }
0x1a7: {  	[sflag:s12] =	ssyncset.done $0x0;
	s14 =	smul.u32 @!p2 $0x1800, s15  }
0x1a8: {  	[sflag:s12] =	ssyncadd.s32 $0xFFFF4000  }
0x1a9: {  	s19 =	simm.s32 @!p2 $0x0;
	s20 =	simm.s32 @!p2 $0x80;
	s14 =	sadd.s32 @!p2 s1, s14  }
0x1aa: {  	[tilespmem:s20], [sflag:$0x1] =	stream.linear.gather @!p2 [hbm4b:s14+s19], $0xC000, $0x38;
	[tilespmem:$0x18080] =	vst v63  }
0x1ab: {  	s19 =	simm.s32 @!p2 $0x1;
	s14 =	sand.u32 $0x3FF, s18  }
0x1ac: {  	_ =	swait.ge @!p2 [sflag:s19], $0xC000;
	s18 =	smul.u32 @p1 $0x1800, s14  }
0x1ad: {  	s20 =	simm.s32 @p1 $0x80;
	[sflag:s19] =	ssyncset.done @!p2 $0x0  }
0x1ae: {  	[sflag:s19] =	ssyncadd.s32 @!p2 $0xFFFF4000;
	s18 =	sadd.s32 @p1 s2, s18;
	s19 =	simm.s32 @p1 $0x0  }
0x1af: {  	[hbm4b:s18+s19] =	stream.linear.scatter @p1 [tilespmem:s20], [sflag:$0x3], $0xC000, $0x38;
	[tilespmem:$0x18080] =	vst v63  }
0x1b0: {  	p1 =	sne.s32 @!p0 s17, $0x0  }
0x1b1: {  	p0 =	por p0, p1  }
.Ltmp13:
0x1b2: {  	_ = 	snop;
	(pc) =	sbr.rel @p0 .LBB2_47-.Ltmp13, $1  }
0x1b3: {  	_ =	sdelay $0x3  }
0x1b4: {  	s17 =	smul.u32 $0x1800, s15;
	_ =	sdelay $0x1  }
0x1b5: {  	s17 =	sadd.s32 s1, s17  }
0x1b6: {  	[tilespmem:s11], [sflag:$0x2] =	stream.linear.gather [hbm4b:s17+s3], $0xC000, $0x38;
	[tilespmem:$0x18080] =	vst v63  }
0x1b7: {  	_ =	swait.ge [sflag:s10], $0xC000  }
0x1b8: {  	[sflag:s10] =	ssyncset.done $0x0  }
0x1b9: {  	[sflag:s10] =	ssyncadd.s32 $0xFFFF4000  }
.LBB2_48:
0x1ba: {  	s14 =	smul.u32 $0x1800, s14;
	_ =	sdelay $0x1  }
0x1bb: {  	s14 =	sadd.s32 s2, s14  }
0x1bc: {  	[hbm4b:s14+s3] =	stream.linear.scatter [tilespmem:s11], [sflag:$0x3], $0xC000, $0x38;
	[tilespmem:$0x18080] =	vst v63  }
.LBB2_49:
0x1bd: {  	_ =	swait.ge [sflag:s13], $0xC000  }
0x1be: {  	(v2sf) =	vpush v1, $0xD;
	_ =	sdelay $0xe  }
0x1bf: {  	s18 =	spop (v2sf)  }
0x1c0: {  	s14 =	sshrl.u32 s18, $0xA  }
0x1c1: {  	s17 =	simm.s32 $0x1;
	p0 =	sne.s32 s14, s15  }
0x1c2: {  	s17 =	simm.s32 @!p0 $0x0  }
0x1c3: {  	s16 =	sadd.s32 s17, s16  }
0x1c4: {  	s17 =	sand.u32 $0x1, s16  }
0x1c5: {  	p0 =	seq.s32 s14, s15;
	p1 =	seq.s32 s17, $0x1  }
0x1c6: {  	p2 =	por !p1, p0  }
0x1c7: {  	[sflag:s13] =	ssyncset.done $0x0;
	s15 =	smul.u32 @!p2 $0x1800, s14  }
0x1c8: {  	[sflag:s13] =	ssyncadd.s32 $0xFFFF4000  }
0x1c9: {  	s19 =	simm.s32 @!p2 $0x0;
	s20 =	simm.s32 @!p2 $0x80;
	s15 =	sadd.s32 @!p2 s1, s15  }
0x1ca: {  	[tilespmem:s20], [sflag:$0x1] =	stream.linear.gather @!p2 [hbm4b:s15+s19], $0xC000, $0x38;
	[tilespmem:$0x18080] =	vst v63  }
0x1cb: {  	s19 =	simm.s32 @!p2 $0x1;
	s15 =	sand.u32 $0x3FF, s18  }
0x1cc: {  	_ =	swait.ge @!p2 [sflag:s19], $0xC000;
	s18 =	smul.u32 @p1 $0x1800, s15  }
0x1cd: {  	s20 =	simm.s32 @p1 $0x80;
	[sflag:s19] =	ssyncset.done @!p2 $0x0  }
0x1ce: {  	[sflag:s19] =	ssyncadd.s32 @!p2 $0xFFFF4000;
	s18 =	sadd.s32 @p1 s2, s18;
	s19 =	simm.s32 @p1 $0x0  }
0x1cf: {  	[hbm4b:s18+s19] =	stream.linear.scatter @p1 [tilespmem:s20], [sflag:$0x4], $0xC000, $0x38;
	[tilespmem:$0x18080] =	vst v63  }
0x1d0: {  	p1 =	sne.s32 @!p0 s17, $0x0  }
0x1d1: {  	p0 =	por p0, p1  }
.Ltmp14:
0x1d2: {  	_ = 	snop;
	(pc) =	sbr.rel @p0 .LBB2_51-.Ltmp14, $1  }
0x1d3: {  	_ =	sdelay $0x3  }
0x1d4: {  	s17 =	smul.u32 $0x1800, s14;
	_ =	sdelay $0x1  }
0x1d5: {  	s17 =	sadd.s32 s1, s17  }
0x1d6: {  	[tilespmem:s11], [sflag:$0x2] =	stream.linear.gather [hbm4b:s17+s3], $0xC000, $0x38;
	[tilespmem:$0x18080] =	vst v63  }
0x1d7: {  	_ =	swait.ge [sflag:s10], $0xC000  }
0x1d8: {  	[sflag:s10] =	ssyncset.done $0x0  }
0x1d9: {  	[sflag:s10] =	ssyncadd.s32 $0xFFFF4000  }
.LBB2_52:
0x1da: {  	s15 =	smul.u32 $0x1800, s15;
	_ =	sdelay $0x1  }
0x1db: {  	s15 =	sadd.s32 s2, s15  }
0x1dc: {  	[hbm4b:s15+s3] =	stream.linear.scatter [tilespmem:s11], [sflag:$0x4], $0xC000, $0x38;
	[tilespmem:$0x18080] =	vst v63  }
.LBB2_53:
0x1dd: {  	_ =	swait.ge [sflag:s12], $0xC000  }
0x1de: {  	(v2sf) =	vpush v1, $0xE;
	_ =	sdelay $0xe  }
0x1df: {  	s18 =	spop (v2sf)  }
0x1e0: {  	s15 =	sshrl.u32 s18, $0xA  }
0x1e1: {  	s17 =	simm.s32 $0x1;
	p0 =	sne.s32 s15, s14  }
0x1e2: {  	s17 =	simm.s32 @!p0 $0x0  }
0x1e3: {  	s16 =	sadd.s32 s17, s16  }
0x1e4: {  	s17 =	sand.u32 $0x1, s16  }
0x1e5: {  	p0 =	seq.s32 s15, s14;
	p1 =	seq.s32 s17, $0x1  }
0x1e6: {  	p2 =	por !p1, p0  }
0x1e7: {  	[sflag:s12] =	ssyncset.done $0x0;
	s14 =	smul.u32 @!p2 $0x1800, s15  }
0x1e8: {  	[sflag:s12] =	ssyncadd.s32 $0xFFFF4000  }
0x1e9: {  	s19 =	simm.s32 @!p2 $0x0;
	s20 =	simm.s32 @!p2 $0x80;
	s14 =	sadd.s32 @!p2 s1, s14  }
0x1ea: {  	[tilespmem:s20], [sflag:$0x1] =	stream.linear.gather @!p2 [hbm4b:s14+s19], $0xC000, $0x38;
	[tilespmem:$0x18080] =	vst v63  }
0x1eb: {  	s19 =	simm.s32 @!p2 $0x1;
	s14 =	sand.u32 $0x3FF, s18  }
0x1ec: {  	_ =	swait.ge @!p2 [sflag:s19], $0xC000;
	s18 =	smul.u32 @p1 $0x1800, s14  }
0x1ed: {  	s20 =	simm.s32 @p1 $0x80;
	[sflag:s19] =	ssyncset.done @!p2 $0x0  }
0x1ee: {  	[sflag:s19] =	ssyncadd.s32 @!p2 $0xFFFF4000;
	s18 =	sadd.s32 @p1 s2, s18;
	s19 =	simm.s32 @p1 $0x0  }
0x1ef: {  	[hbm4b:s18+s19] =	stream.linear.scatter @p1 [tilespmem:s20], [sflag:$0x3], $0xC000, $0x38;
	[tilespmem:$0x18080] =	vst v63  }
0x1f0: {  	p1 =	sne.s32 @!p0 s17, $0x0  }
0x1f1: {  	p0 =	por p0, p1  }
.Ltmp15:
0x1f2: {  	_ = 	snop;
	(pc) =	sbr.rel @p0 .LBB2_55-.Ltmp15, $1  }
0x1f3: {  	_ =	sdelay $0x3  }
0x1f4: {  	s17 =	smul.u32 $0x1800, s15;
	_ =	sdelay $0x1  }
0x1f5: {  	s17 =	sadd.s32 s1, s17  }
0x1f6: {  	[tilespmem:s11], [sflag:$0x2] =	stream.linear.gather [hbm4b:s17+s3], $0xC000, $0x38;
	[tilespmem:$0x18080] =	vst v63  }
0x1f7: {  	_ =	swait.ge [sflag:s10], $0xC000  }
0x1f8: {  	[sflag:s10] =	ssyncset.done $0x0  }
0x1f9: {  	[sflag:s10] =	ssyncadd.s32 $0xFFFF4000  }
.LBB2_56:
0x1fa: {  	s14 =	smul.u32 $0x1800, s14;
	_ =	sdelay $0x1  }
0x1fb: {  	s14 =	sadd.s32 s2, s14  }
0x1fc: {  	[hbm4b:s14+s3] =	stream.linear.scatter [tilespmem:s11], [sflag:$0x3], $0xC000, $0x38;
	[tilespmem:$0x18080] =	vst v63  }
.LBB2_57:
0x1fd: {  	_ =	swait.ge [sflag:s13], $0xC000  }
0x1fe: {  	(v2sf) =	vpush v1, $0xF;
	_ =	sdelay $0xe  }
0x1ff: {  	s18 =	spop (v2sf)  }
0x200: {  	s14 =	sshrl.u32 s18, $0xA  }
0x201: {  	s17 =	simm.s32 $0x1;
	p0 =	sne.s32 s14, s15  }
0x202: {  	s17 =	simm.s32 @!p0 $0x0  }
0x203: {  	s16 =	sadd.s32 s17, s16  }
0x204: {  	s17 =	sand.u32 $0x1, s16  }
0x205: {  	p0 =	seq.s32 s14, s15;
	p1 =	seq.s32 s17, $0x1  }
0x206: {  	p2 =	por !p1, p0  }
0x207: {  	[sflag:s13] =	ssyncset.done $0x0;
	s15 =	smul.u32 @!p2 $0x1800, s14  }
0x208: {  	[sflag:s13] =	ssyncadd.s32 $0xFFFF4000  }
0x209: {  	s19 =	simm.s32 @!p2 $0x0;
	s20 =	simm.s32 @!p2 $0x80;
	s15 =	sadd.s32 @!p2 s1, s15  }
0x20a: {  	[tilespmem:s20], [sflag:$0x1] =	stream.linear.gather @!p2 [hbm4b:s15+s19], $0xC000, $0x38;
	[tilespmem:$0x18080] =	vst v63  }
0x20b: {  	s19 =	simm.s32 @!p2 $0x1;
	s15 =	sand.u32 $0x3FF, s18  }
0x20c: {  	_ =	swait.ge @!p2 [sflag:s19], $0xC000;
	s18 =	smul.u32 @p1 $0x1800, s15  }
0x20d: {  	s20 =	simm.s32 @p1 $0x80;
	[sflag:s19] =	ssyncset.done @!p2 $0x0  }
0x20e: {  	[sflag:s19] =	ssyncadd.s32 @!p2 $0xFFFF4000;
	s18 =	sadd.s32 @p1 s2, s18;
	s19 =	simm.s32 @p1 $0x0  }
0x20f: {  	[hbm4b:s18+s19] =	stream.linear.scatter @p1 [tilespmem:s20], [sflag:$0x4], $0xC000, $0x38;
	[tilespmem:$0x18080] =	vst v63  }
0x210: {  	p1 =	sne.s32 @!p0 s17, $0x0  }
0x211: {  	p0 =	por p0, p1  }
.Ltmp16:
0x212: {  	_ = 	snop;
	(pc) =	sbr.rel @p0 .LBB2_59-.Ltmp16, $1  }
0x213: {  	_ =	sdelay $0x3  }
0x214: {  	s17 =	smul.u32 $0x1800, s14;
	_ =	sdelay $0x1  }
0x215: {  	s17 =	sadd.s32 s1, s17  }
0x216: {  	[tilespmem:s11], [sflag:$0x2] =	stream.linear.gather [hbm4b:s17+s3], $0xC000, $0x38;
	[tilespmem:$0x18080] =	vst v63  }
0x217: {  	_ =	swait.ge [sflag:s10], $0xC000  }
0x218: {  	[sflag:s10] =	ssyncset.done $0x0  }
0x219: {  	[sflag:s10] =	ssyncadd.s32 $0xFFFF4000  }
.LBB2_60:
0x21a: {  	s15 =	smul.u32 $0x1800, s15;
	_ =	sdelay $0x1  }
0x21b: {  	s15 =	sadd.s32 s2, s15  }
0x21c: {  	[hbm4b:s15+s3] =	stream.linear.scatter [tilespmem:s11], [sflag:$0x4], $0xC000, $0x38;
	[tilespmem:$0x18080] =	vst v63  }
.LBB2_61:
0x21d: {  	_ =	swait.ge [sflag:s12], $0xC000  }
0x21e: {  	(v2sf) =	vpush v0, $0x0;
	_ =	sdelay $0xe  }
0x21f: {  	s18 =	spop (v2sf)  }
0x220: {  	s15 =	sshrl.u32 s18, $0xA  }
0x221: {  	s17 =	simm.s32 $0x1;
	p0 =	sne.s32 s15, s14  }
0x222: {  	s17 =	simm.s32 @!p0 $0x0  }
0x223: {  	s16 =	sadd.s32 s17, s16  }
0x224: {  	s17 =	sand.u32 $0x1, s16  }
0x225: {  	p0 =	seq.s32 s15, s14;
	p1 =	seq.s32 s17, $0x1  }
0x226: {  	p2 =	por !p1, p0  }
0x227: {  	[sflag:s12] =	ssyncset.done $0x0;
	s14 =	smul.u32 @!p2 $0x1800, s15  }
0x228: {  	[sflag:s12] =	ssyncadd.s32 $0xFFFF4000  }
0x229: {  	s19 =	simm.s32 @!p2 $0x0;
	s20 =	simm.s32 @!p2 $0x80;
	s14 =	sadd.s32 @!p2 s1, s14  }
0x22a: {  	[tilespmem:s20], [sflag:$0x1] =	stream.linear.gather @!p2 [hbm4b:s14+s19], $0xC000, $0x38;
	[tilespmem:$0x18080] =	vst v63  }
0x22b: {  	s19 =	simm.s32 @!p2 $0x1;
	s14 =	sand.u32 $0x3FF, s18  }
0x22c: {  	_ =	swait.ge @!p2 [sflag:s19], $0xC000;
	s18 =	smul.u32 @p1 $0x1800, s14  }
0x22d: {  	s20 =	simm.s32 @p1 $0x80;
	[sflag:s19] =	ssyncset.done @!p2 $0x0  }
0x22e: {  	[sflag:s19] =	ssyncadd.s32 @!p2 $0xFFFF4000;
	s18 =	sadd.s32 @p1 s2, s18;
	s19 =	simm.s32 @p1 $0x0  }
0x22f: {  	[hbm4b:s18+s19] =	stream.linear.scatter @p1 [tilespmem:s20], [sflag:$0x3], $0xC000, $0x38;
	[tilespmem:$0x18080] =	vst v63  }
0x230: {  	p1 =	sne.s32 @!p0 s17, $0x0  }
0x231: {  	p0 =	por p0, p1  }
.Ltmp17:
0x232: {  	_ = 	snop;
	(pc) =	sbr.rel @p0 .LBB2_63-.Ltmp17, $1  }
0x233: {  	_ =	sdelay $0x3  }
0x234: {  	s17 =	smul.u32 $0x1800, s15;
	_ =	sdelay $0x1  }
0x235: {  	s17 =	sadd.s32 s1, s17  }
0x236: {  	[tilespmem:s11], [sflag:$0x2] =	stream.linear.gather [hbm4b:s17+s3], $0xC000, $0x38;
	[tilespmem:$0x18080] =	vst v63  }
0x237: {  	_ =	swait.ge [sflag:s10], $0xC000  }
0x238: {  	[sflag:s10] =	ssyncset.done $0x0  }
0x239: {  	[sflag:s10] =	ssyncadd.s32 $0xFFFF4000  }
.LBB2_64:
0x23a: {  	s14 =	smul.u32 $0x1800, s14;
	_ =	sdelay $0x1  }
0x23b: {  	s14 =	sadd.s32 s2, s14  }
0x23c: {  	[hbm4b:s14+s3] =	stream.linear.scatter [tilespmem:s11], [sflag:$0x3], $0xC000, $0x38;
	[tilespmem:$0x18080] =	vst v63  }
.LBB2_65:
0x23d: {  	_ =	swait.ge [sflag:s13], $0xC000  }
0x23e: {  	(v2sf) =	vpush v0, $0x1;
	_ =	sdelay $0xe  }
0x23f: {  	s18 =	spop (v2sf)  }
0x240: {  	s14 =	sshrl.u32 s18, $0xA  }
0x241: {  	s17 =	simm.s32 $0x1;
	p0 =	sne.s32 s14, s15  }
0x242: {  	s17 =	simm.s32 @!p0 $0x0  }
0x243: {  	s16 =	sadd.s32 s17, s16  }
0x244: {  	s17 =	sand.u32 $0x1, s16  }
0x245: {  	p0 =	seq.s32 s14, s15;
	p1 =	seq.s32 s17, $0x1  }
0x246: {  	p2 =	por !p1, p0  }
0x247: {  	[sflag:s13] =	ssyncset.done $0x0;
	s15 =	smul.u32 @!p2 $0x1800, s14  }
0x248: {  	[sflag:s13] =	ssyncadd.s32 $0xFFFF4000  }
0x249: {  	s19 =	simm.s32 @!p2 $0x0;
	s20 =	simm.s32 @!p2 $0x80;
	s15 =	sadd.s32 @!p2 s1, s15  }
0x24a: {  	[tilespmem:s20], [sflag:$0x1] =	stream.linear.gather @!p2 [hbm4b:s15+s19], $0xC000, $0x38;
	[tilespmem:$0x18080] =	vst v63  }
0x24b: {  	s19 =	simm.s32 @!p2 $0x1;
	s15 =	sand.u32 $0x3FF, s18  }
0x24c: {  	_ =	swait.ge @!p2 [sflag:s19], $0xC000;
	s18 =	smul.u32 @p1 $0x1800, s15  }
0x24d: {  	s20 =	simm.s32 @p1 $0x80;
	[sflag:s19] =	ssyncset.done @!p2 $0x0  }
0x24e: {  	[sflag:s19] =	ssyncadd.s32 @!p2 $0xFFFF4000;
	s18 =	sadd.s32 @p1 s2, s18;
	s19 =	simm.s32 @p1 $0x0  }
0x24f: {  	[hbm4b:s18+s19] =	stream.linear.scatter @p1 [tilespmem:s20], [sflag:$0x4], $0xC000, $0x38;
	[tilespmem:$0x18080] =	vst v63  }
0x250: {  	p1 =	sne.s32 @!p0 s17, $0x0  }
0x251: {  	p0 =	por p0, p1  }
.Ltmp18:
0x252: {  	_ = 	snop;
	(pc) =	sbr.rel @p0 .LBB2_67-.Ltmp18, $1  }
0x253: {  	_ =	sdelay $0x3  }
0x254: {  	s17 =	smul.u32 $0x1800, s14;
	_ =	sdelay $0x1  }
0x255: {  	s17 =	sadd.s32 s1, s17  }
0x256: {  	[tilespmem:s11], [sflag:$0x2] =	stream.linear.gather [hbm4b:s17+s3], $0xC000, $0x38;
	[tilespmem:$0x18080] =	vst v63  }
0x257: {  	_ =	swait.ge [sflag:s10], $0xC000  }
0x258: {  	[sflag:s10] =	ssyncset.done $0x0  }
0x259: {  	[sflag:s10] =	ssyncadd.s32 $0xFFFF4000  }
.LBB2_68:
0x25a: {  	s15 =	smul.u32 $0x1800, s15;
	_ =	sdelay $0x1  }
0x25b: {  	s15 =	sadd.s32 s2, s15  }
0x25c: {  	[hbm4b:s15+s3] =	stream.linear.scatter [tilespmem:s11], [sflag:$0x4], $0xC000, $0x38;
	[tilespmem:$0x18080] =	vst v63  }
.LBB2_69:
0x25d: {  	_ =	swait.ge [sflag:s12], $0xC000  }
0x25e: {  	(v2sf) =	vpush v0, $0x2;
	_ =	sdelay $0xe  }
0x25f: {  	s18 =	spop (v2sf)  }
0x260: {  	s15 =	sshrl.u32 s18, $0xA  }
0x261: {  	s17 =	simm.s32 $0x1;
	p0 =	sne.s32 s15, s14  }
0x262: {  	s17 =	simm.s32 @!p0 $0x0  }
0x263: {  	s16 =	sadd.s32 s17, s16  }
0x264: {  	s17 =	sand.u32 $0x1, s16  }
0x265: {  	p0 =	seq.s32 s15, s14;
	p1 =	seq.s32 s17, $0x1  }
0x266: {  	p2 =	por !p1, p0  }
0x267: {  	[sflag:s12] =	ssyncset.done $0x0;
	s14 =	smul.u32 @!p2 $0x1800, s15  }
0x268: {  	[sflag:s12] =	ssyncadd.s32 $0xFFFF4000  }
0x269: {  	s19 =	simm.s32 @!p2 $0x0;
	s20 =	simm.s32 @!p2 $0x80;
	s14 =	sadd.s32 @!p2 s1, s14  }
0x26a: {  	[tilespmem:s20], [sflag:$0x1] =	stream.linear.gather @!p2 [hbm4b:s14+s19], $0xC000, $0x38;
	[tilespmem:$0x18080] =	vst v63  }
0x26b: {  	s19 =	simm.s32 @!p2 $0x1;
	s14 =	sand.u32 $0x3FF, s18  }
0x26c: {  	_ =	swait.ge @!p2 [sflag:s19], $0xC000;
	s18 =	smul.u32 @p1 $0x1800, s14  }
0x26d: {  	s20 =	simm.s32 @p1 $0x80;
	[sflag:s19] =	ssyncset.done @!p2 $0x0  }
0x26e: {  	[sflag:s19] =	ssyncadd.s32 @!p2 $0xFFFF4000;
	s18 =	sadd.s32 @p1 s2, s18;
	s19 =	simm.s32 @p1 $0x0  }
0x26f: {  	[hbm4b:s18+s19] =	stream.linear.scatter @p1 [tilespmem:s20], [sflag:$0x3], $0xC000, $0x38;
	[tilespmem:$0x18080] =	vst v63  }
0x270: {  	p1 =	sne.s32 @!p0 s17, $0x0  }
0x271: {  	p0 =	por p0, p1  }
.Ltmp19:
0x272: {  	_ = 	snop;
	(pc) =	sbr.rel @p0 .LBB2_71-.Ltmp19, $1  }
0x273: {  	_ =	sdelay $0x3  }
0x274: {  	s17 =	smul.u32 $0x1800, s15;
	_ =	sdelay $0x1  }
0x275: {  	s17 =	sadd.s32 s1, s17  }
0x276: {  	[tilespmem:s11], [sflag:$0x2] =	stream.linear.gather [hbm4b:s17+s3], $0xC000, $0x38;
	[tilespmem:$0x18080] =	vst v63  }
0x277: {  	_ =	swait.ge [sflag:s10], $0xC000  }
0x278: {  	[sflag:s10] =	ssyncset.done $0x0  }
0x279: {  	[sflag:s10] =	ssyncadd.s32 $0xFFFF4000  }
.LBB2_72:
0x27a: {  	s14 =	smul.u32 $0x1800, s14;
	_ =	sdelay $0x1  }
0x27b: {  	s14 =	sadd.s32 s2, s14  }
0x27c: {  	[hbm4b:s14+s3] =	stream.linear.scatter [tilespmem:s11], [sflag:$0x3], $0xC000, $0x38;
	[tilespmem:$0x18080] =	vst v63  }
.LBB2_73:
0x27d: {  	_ =	swait.ge [sflag:s13], $0xC000  }
0x27e: {  	(v2sf) =	vpush v0, $0x3;
	_ =	sdelay $0xe  }
0x27f: {  	s18 =	spop (v2sf)  }
0x280: {  	s14 =	sshrl.u32 s18, $0xA  }
0x281: {  	s17 =	simm.s32 $0x1;
	p0 =	sne.s32 s14, s15  }
0x282: {  	s17 =	simm.s32 @!p0 $0x0  }
0x283: {  	s16 =	sadd.s32 s17, s16  }
0x284: {  	s17 =	sand.u32 $0x1, s16  }
0x285: {  	p0 =	seq.s32 s14, s15;
	p1 =	seq.s32 s17, $0x1  }
0x286: {  	p2 =	por !p1, p0  }
0x287: {  	[sflag:s13] =	ssyncset.done $0x0;
	s15 =	smul.u32 @!p2 $0x1800, s14  }
0x288: {  	[sflag:s13] =	ssyncadd.s32 $0xFFFF4000  }
0x289: {  	s19 =	simm.s32 @!p2 $0x0;
	s20 =	simm.s32 @!p2 $0x80;
	s15 =	sadd.s32 @!p2 s1, s15  }
0x28a: {  	[tilespmem:s20], [sflag:$0x1] =	stream.linear.gather @!p2 [hbm4b:s15+s19], $0xC000, $0x38;
	[tilespmem:$0x18080] =	vst v63  }
0x28b: {  	s19 =	simm.s32 @!p2 $0x1;
	s15 =	sand.u32 $0x3FF, s18  }
0x28c: {  	_ =	swait.ge @!p2 [sflag:s19], $0xC000;
	s18 =	smul.u32 @p1 $0x1800, s15  }
0x28d: {  	s20 =	simm.s32 @p1 $0x80;
	[sflag:s19] =	ssyncset.done @!p2 $0x0  }
0x28e: {  	[sflag:s19] =	ssyncadd.s32 @!p2 $0xFFFF4000;
	s18 =	sadd.s32 @p1 s2, s18;
	s19 =	simm.s32 @p1 $0x0  }
0x28f: {  	[hbm4b:s18+s19] =	stream.linear.scatter @p1 [tilespmem:s20], [sflag:$0x4], $0xC000, $0x38;
	[tilespmem:$0x18080] =	vst v63  }
0x290: {  	p1 =	sne.s32 @!p0 s17, $0x0  }
0x291: {  	p0 =	por p0, p1  }
.Ltmp20:
0x292: {  	_ = 	snop;
	(pc) =	sbr.rel @p0 .LBB2_75-.Ltmp20, $1  }
0x293: {  	_ =	sdelay $0x3  }
0x294: {  	s17 =	smul.u32 $0x1800, s14;
	_ =	sdelay $0x1  }
0x295: {  	s17 =	sadd.s32 s1, s17  }
0x296: {  	[tilespmem:s11], [sflag:$0x2] =	stream.linear.gather [hbm4b:s17+s3], $0xC000, $0x38;
	[tilespmem:$0x18080] =	vst v63  }
0x297: {  	_ =	swait.ge [sflag:s10], $0xC000  }
0x298: {  	[sflag:s10] =	ssyncset.done $0x0  }
0x299: {  	[sflag:s10] =	ssyncadd.s32 $0xFFFF4000  }
.LBB2_76:
0x29a: {  	s15 =	smul.u32 $0x1800, s15;
	_ =	sdelay $0x1  }
0x29b: {  	s15 =	sadd.s32 s2, s15  }
0x29c: {  	[hbm4b:s15+s3] =	stream.linear.scatter [tilespmem:s11], [sflag:$0x4], $0xC000, $0x38;
	[tilespmem:$0x18080] =	vst v63  }
.LBB2_77:
0x29d: {  	_ =	swait.ge [sflag:s12], $0xC000  }
0x29e: {  	(v2sf) =	vpush v0, $0x4;
	_ =	sdelay $0xe  }
0x29f: {  	s18 =	spop (v2sf)  }
0x2a0: {  	s15 =	sshrl.u32 s18, $0xA  }
0x2a1: {  	s17 =	simm.s32 $0x1;
	p0 =	sne.s32 s15, s14  }
0x2a2: {  	s17 =	simm.s32 @!p0 $0x0  }
0x2a3: {  	s16 =	sadd.s32 s17, s16  }
0x2a4: {  	s17 =	sand.u32 $0x1, s16  }
0x2a5: {  	p0 =	seq.s32 s15, s14;
	p1 =	seq.s32 s17, $0x1  }
0x2a6: {  	p2 =	por !p1, p0  }
0x2a7: {  	[sflag:s12] =	ssyncset.done $0x0;
	s14 =	smul.u32 @!p2 $0x1800, s15  }
0x2a8: {  	[sflag:s12] =	ssyncadd.s32 $0xFFFF4000  }
0x2a9: {  	s19 =	simm.s32 @!p2 $0x0;
	s20 =	simm.s32 @!p2 $0x80;
	s14 =	sadd.s32 @!p2 s1, s14  }
0x2aa: {  	[tilespmem:s20], [sflag:$0x1] =	stream.linear.gather @!p2 [hbm4b:s14+s19], $0xC000, $0x38;
	[tilespmem:$0x18080] =	vst v63  }
0x2ab: {  	s19 =	simm.s32 @!p2 $0x1;
	s14 =	sand.u32 $0x3FF, s18  }
0x2ac: {  	_ =	swait.ge @!p2 [sflag:s19], $0xC000;
	s18 =	smul.u32 @p1 $0x1800, s14  }
0x2ad: {  	s20 =	simm.s32 @p1 $0x80;
	[sflag:s19] =	ssyncset.done @!p2 $0x0  }
0x2ae: {  	[sflag:s19] =	ssyncadd.s32 @!p2 $0xFFFF4000;
	s18 =	sadd.s32 @p1 s2, s18;
	s19 =	simm.s32 @p1 $0x0  }
0x2af: {  	[hbm4b:s18+s19] =	stream.linear.scatter @p1 [tilespmem:s20], [sflag:$0x3], $0xC000, $0x38;
	[tilespmem:$0x18080] =	vst v63  }
0x2b0: {  	p1 =	sne.s32 @!p0 s17, $0x0  }
0x2b1: {  	p0 =	por p0, p1  }
.Ltmp21:
0x2b2: {  	_ = 	snop;
	(pc) =	sbr.rel @p0 .LBB2_79-.Ltmp21, $1  }
0x2b3: {  	_ =	sdelay $0x3  }
0x2b4: {  	s17 =	smul.u32 $0x1800, s15;
	_ =	sdelay $0x1  }
0x2b5: {  	s17 =	sadd.s32 s1, s17  }
0x2b6: {  	[tilespmem:s11], [sflag:$0x2] =	stream.linear.gather [hbm4b:s17+s3], $0xC000, $0x38;
	[tilespmem:$0x18080] =	vst v63  }
0x2b7: {  	_ =	swait.ge [sflag:s10], $0xC000  }
0x2b8: {  	[sflag:s10] =	ssyncset.done $0x0  }
0x2b9: {  	[sflag:s10] =	ssyncadd.s32 $0xFFFF4000  }
.LBB2_80:
0x2ba: {  	s14 =	smul.u32 $0x1800, s14;
	_ =	sdelay $0x1  }
0x2bb: {  	s14 =	sadd.s32 s2, s14  }
0x2bc: {  	[hbm4b:s14+s3] =	stream.linear.scatter [tilespmem:s11], [sflag:$0x3], $0xC000, $0x38;
	[tilespmem:$0x18080] =	vst v63  }
.LBB2_81:
0x2bd: {  	_ =	swait.ge [sflag:s13], $0xC000  }
0x2be: {  	(v2sf) =	vpush v0, $0x5;
	_ =	sdelay $0xe  }
0x2bf: {  	s18 =	spop (v2sf)  }
0x2c0: {  	s14 =	sshrl.u32 s18, $0xA  }
0x2c1: {  	s17 =	simm.s32 $0x1;
	p0 =	sne.s32 s14, s15  }
0x2c2: {  	s17 =	simm.s32 @!p0 $0x0  }
0x2c3: {  	s16 =	sadd.s32 s17, s16  }
0x2c4: {  	s17 =	sand.u32 $0x1, s16  }
0x2c5: {  	p0 =	seq.s32 s14, s15;
	p1 =	seq.s32 s17, $0x1  }
0x2c6: {  	p2 =	por !p1, p0  }
0x2c7: {  	[sflag:s13] =	ssyncset.done $0x0;
	s15 =	smul.u32 @!p2 $0x1800, s14  }
0x2c8: {  	[sflag:s13] =	ssyncadd.s32 $0xFFFF4000  }
0x2c9: {  	s19 =	simm.s32 @!p2 $0x0;
	s20 =	simm.s32 @!p2 $0x80;
	s15 =	sadd.s32 @!p2 s1, s15  }
0x2ca: {  	[tilespmem:s20], [sflag:$0x1] =	stream.linear.gather @!p2 [hbm4b:s15+s19], $0xC000, $0x38;
	[tilespmem:$0x18080] =	vst v63  }
0x2cb: {  	s19 =	simm.s32 @!p2 $0x1;
	s15 =	sand.u32 $0x3FF, s18  }
0x2cc: {  	_ =	swait.ge @!p2 [sflag:s19], $0xC000;
	s18 =	smul.u32 @p1 $0x1800, s15  }
0x2cd: {  	s20 =	simm.s32 @p1 $0x80;
	[sflag:s19] =	ssyncset.done @!p2 $0x0  }
0x2ce: {  	[sflag:s19] =	ssyncadd.s32 @!p2 $0xFFFF4000;
	s18 =	sadd.s32 @p1 s2, s18;
	s19 =	simm.s32 @p1 $0x0  }
0x2cf: {  	[hbm4b:s18+s19] =	stream.linear.scatter @p1 [tilespmem:s20], [sflag:$0x4], $0xC000, $0x38;
	[tilespmem:$0x18080] =	vst v63  }
0x2d0: {  	p1 =	sne.s32 @!p0 s17, $0x0  }
0x2d1: {  	p0 =	por p0, p1  }
.Ltmp22:
0x2d2: {  	_ = 	snop;
	(pc) =	sbr.rel @p0 .LBB2_83-.Ltmp22, $1  }
0x2d3: {  	_ =	sdelay $0x3  }
0x2d4: {  	s17 =	smul.u32 $0x1800, s14;
	_ =	sdelay $0x1  }
0x2d5: {  	s17 =	sadd.s32 s1, s17  }
0x2d6: {  	[tilespmem:s11], [sflag:$0x2] =	stream.linear.gather [hbm4b:s17+s3], $0xC000, $0x38;
	[tilespmem:$0x18080] =	vst v63  }
0x2d7: {  	_ =	swait.ge [sflag:s10], $0xC000  }
0x2d8: {  	[sflag:s10] =	ssyncset.done $0x0  }
0x2d9: {  	[sflag:s10] =	ssyncadd.s32 $0xFFFF4000  }
.LBB2_84:
0x2da: {  	s15 =	smul.u32 $0x1800, s15;
	_ =	sdelay $0x1  }
0x2db: {  	s15 =	sadd.s32 s2, s15  }
0x2dc: {  	[hbm4b:s15+s3] =	stream.linear.scatter [tilespmem:s11], [sflag:$0x4], $0xC000, $0x38;
	[tilespmem:$0x18080] =	vst v63  }
.LBB2_85:
0x2dd: {  	_ =	swait.ge [sflag:s12], $0xC000  }
0x2de: {  	(v2sf) =	vpush v0, $0x6;
	_ =	sdelay $0xe  }
0x2df: {  	s18 =	spop (v2sf)  }
0x2e0: {  	s15 =	sshrl.u32 s18, $0xA  }
0x2e1: {  	s17 =	simm.s32 $0x1;
	p0 =	sne.s32 s15, s14  }
0x2e2: {  	s17 =	simm.s32 @!p0 $0x0  }
0x2e3: {  	s16 =	sadd.s32 s17, s16  }
0x2e4: {  	s17 =	sand.u32 $0x1, s16  }
0x2e5: {  	p0 =	seq.s32 s15, s14;
	p1 =	seq.s32 s17, $0x1  }
0x2e6: {  	p2 =	por !p1, p0  }
0x2e7: {  	[sflag:s12] =	ssyncset.done $0x0;
	s14 =	smul.u32 @!p2 $0x1800, s15  }
0x2e8: {  	[sflag:s12] =	ssyncadd.s32 $0xFFFF4000  }
0x2e9: {  	s19 =	simm.s32 @!p2 $0x0;
	s20 =	simm.s32 @!p2 $0x80;
	s14 =	sadd.s32 @!p2 s1, s14  }
0x2ea: {  	[tilespmem:s20], [sflag:$0x1] =	stream.linear.gather @!p2 [hbm4b:s14+s19], $0xC000, $0x38;
	[tilespmem:$0x18080] =	vst v63  }
0x2eb: {  	s19 =	simm.s32 @!p2 $0x1;
	s14 =	sand.u32 $0x3FF, s18  }
0x2ec: {  	_ =	swait.ge @!p2 [sflag:s19], $0xC000;
	s18 =	smul.u32 @p1 $0x1800, s14  }
0x2ed: {  	s20 =	simm.s32 @p1 $0x80;
	[sflag:s19] =	ssyncset.done @!p2 $0x0  }
0x2ee: {  	[sflag:s19] =	ssyncadd.s32 @!p2 $0xFFFF4000;
	s18 =	sadd.s32 @p1 s2, s18;
	s19 =	simm.s32 @p1 $0x0  }
0x2ef: {  	[hbm4b:s18+s19] =	stream.linear.scatter @p1 [tilespmem:s20], [sflag:$0x3], $0xC000, $0x38;
	[tilespmem:$0x18080] =	vst v63  }
0x2f0: {  	p1 =	sne.s32 @!p0 s17, $0x0  }
0x2f1: {  	p0 =	por p0, p1  }
.Ltmp23:
0x2f2: {  	_ = 	snop;
	(pc) =	sbr.rel @p0 .LBB2_87-.Ltmp23, $1  }
0x2f3: {  	_ =	sdelay $0x3  }
0x2f4: {  	s17 =	smul.u32 $0x1800, s15;
	_ =	sdelay $0x1  }
0x2f5: {  	s17 =	sadd.s32 s1, s17  }
0x2f6: {  	[tilespmem:s11], [sflag:$0x2] =	stream.linear.gather [hbm4b:s17+s3], $0xC000, $0x38;
	[tilespmem:$0x18080] =	vst v63  }
0x2f7: {  	_ =	swait.ge [sflag:s10], $0xC000  }
0x2f8: {  	[sflag:s10] =	ssyncset.done $0x0  }
0x2f9: {  	[sflag:s10] =	ssyncadd.s32 $0xFFFF4000  }
.LBB2_88:
0x2fa: {  	s14 =	smul.u32 $0x1800, s14;
	_ =	sdelay $0x1  }
0x2fb: {  	s14 =	sadd.s32 s2, s14  }
0x2fc: {  	[hbm4b:s14+s3] =	stream.linear.scatter [tilespmem:s11], [sflag:$0x3], $0xC000, $0x38;
	[tilespmem:$0x18080] =	vst v63  }
.LBB2_89:
0x2fd: {  	_ =	swait.ge [sflag:s13], $0xC000  }
0x2fe: {  	(v2sf) =	vpush v0, $0x7;
	_ =	sdelay $0xe  }
0x2ff: {  	s18 =	spop (v2sf)  }
0x300: {  	s14 =	sshrl.u32 s18, $0xA  }
0x301: {  	s17 =	simm.s32 $0x1;
	p0 =	sne.s32 s14, s15  }
0x302: {  	s17 =	simm.s32 @!p0 $0x0  }
0x303: {  	s16 =	sadd.s32 s17, s16  }
0x304: {  	s17 =	sand.u32 $0x1, s16  }
0x305: {  	p0 =	seq.s32 s14, s15;
	p1 =	seq.s32 s17, $0x1  }
0x306: {  	p2 =	por !p1, p0  }
0x307: {  	[sflag:s13] =	ssyncset.done $0x0;
	s15 =	smul.u32 @!p2 $0x1800, s14  }
0x308: {  	[sflag:s13] =	ssyncadd.s32 $0xFFFF4000  }
0x309: {  	s19 =	simm.s32 @!p2 $0x0;
	s20 =	simm.s32 @!p2 $0x80;
	s15 =	sadd.s32 @!p2 s1, s15  }
0x30a: {  	[tilespmem:s20], [sflag:$0x1] =	stream.linear.gather @!p2 [hbm4b:s15+s19], $0xC000, $0x38;
	[tilespmem:$0x18080] =	vst v63  }
0x30b: {  	s19 =	simm.s32 @!p2 $0x1;
	s15 =	sand.u32 $0x3FF, s18  }
0x30c: {  	_ =	swait.ge @!p2 [sflag:s19], $0xC000;
	s18 =	smul.u32 @p1 $0x1800, s15  }
0x30d: {  	s20 =	simm.s32 @p1 $0x80;
	[sflag:s19] =	ssyncset.done @!p2 $0x0  }
0x30e: {  	[sflag:s19] =	ssyncadd.s32 @!p2 $0xFFFF4000;
	s18 =	sadd.s32 @p1 s2, s18;
	s19 =	simm.s32 @p1 $0x0  }
0x30f: {  	[hbm4b:s18+s19] =	stream.linear.scatter @p1 [tilespmem:s20], [sflag:$0x4], $0xC000, $0x38;
	[tilespmem:$0x18080] =	vst v63  }
0x310: {  	p1 =	sne.s32 @!p0 s17, $0x0  }
0x311: {  	p0 =	por p0, p1  }
.Ltmp24:
0x312: {  	_ = 	snop;
	(pc) =	sbr.rel @p0 .LBB2_91-.Ltmp24, $1  }
0x313: {  	_ =	sdelay $0x3  }
0x314: {  	s17 =	smul.u32 $0x1800, s14;
	_ =	sdelay $0x1  }
0x315: {  	s17 =	sadd.s32 s1, s17  }
0x316: {  	[tilespmem:s11], [sflag:$0x2] =	stream.linear.gather [hbm4b:s17+s3], $0xC000, $0x38;
	[tilespmem:$0x18080] =	vst v63  }
0x317: {  	_ =	swait.ge [sflag:s10], $0xC000  }
0x318: {  	[sflag:s10] =	ssyncset.done $0x0  }
0x319: {  	[sflag:s10] =	ssyncadd.s32 $0xFFFF4000  }
.LBB2_92:
0x31a: {  	s15 =	smul.u32 $0x1800, s15;
	_ =	sdelay $0x1  }
0x31b: {  	s15 =	sadd.s32 s2, s15  }
0x31c: {  	[hbm4b:s15+s3] =	stream.linear.scatter [tilespmem:s11], [sflag:$0x4], $0xC000, $0x38;
	[tilespmem:$0x18080] =	vst v63  }
.LBB2_93:
0x31d: {  	_ =	swait.ge [sflag:s12], $0xC000  }
0x31e: {  	(v2sf) =	vpush v0, $0x8;
	_ =	sdelay $0xe  }
0x31f: {  	s18 =	spop (v2sf)  }
0x320: {  	s15 =	sshrl.u32 s18, $0xA  }
0x321: {  	s17 =	simm.s32 $0x1;
	p0 =	sne.s32 s15, s14  }
0x322: {  	s17 =	simm.s32 @!p0 $0x0  }
0x323: {  	s16 =	sadd.s32 s17, s16  }
0x324: {  	s17 =	sand.u32 $0x1, s16  }
0x325: {  	p0 =	seq.s32 s15, s14;
	p1 =	seq.s32 s17, $0x1  }
0x326: {  	p2 =	por !p1, p0  }
0x327: {  	[sflag:s12] =	ssyncset.done $0x0;
	s14 =	smul.u32 @!p2 $0x1800, s15  }
0x328: {  	[sflag:s12] =	ssyncadd.s32 $0xFFFF4000  }
0x329: {  	s19 =	simm.s32 @!p2 $0x0;
	s20 =	simm.s32 @!p2 $0x80;
	s14 =	sadd.s32 @!p2 s1, s14  }
0x32a: {  	[tilespmem:s20], [sflag:$0x1] =	stream.linear.gather @!p2 [hbm4b:s14+s19], $0xC000, $0x38;
	[tilespmem:$0x18080] =	vst v63  }
0x32b: {  	s19 =	simm.s32 @!p2 $0x1;
	s14 =	sand.u32 $0x3FF, s18  }
0x32c: {  	_ =	swait.ge @!p2 [sflag:s19], $0xC000;
	s18 =	smul.u32 @p1 $0x1800, s14  }
0x32d: {  	s20 =	simm.s32 @p1 $0x80;
	[sflag:s19] =	ssyncset.done @!p2 $0x0  }
0x32e: {  	[sflag:s19] =	ssyncadd.s32 @!p2 $0xFFFF4000;
	s18 =	sadd.s32 @p1 s2, s18;
	s19 =	simm.s32 @p1 $0x0  }
0x32f: {  	[hbm4b:s18+s19] =	stream.linear.scatter @p1 [tilespmem:s20], [sflag:$0x3], $0xC000, $0x38;
	[tilespmem:$0x18080] =	vst v63  }
0x330: {  	p1 =	sne.s32 @!p0 s17, $0x0  }
0x331: {  	p0 =	por p0, p1  }
.Ltmp25:
0x332: {  	_ = 	snop;
	(pc) =	sbr.rel @p0 .LBB2_95-.Ltmp25, $1  }
0x333: {  	_ =	sdelay $0x3  }
0x334: {  	s17 =	smul.u32 $0x1800, s15;
	_ =	sdelay $0x1  }
0x335: {  	s17 =	sadd.s32 s1, s17  }
0x336: {  	[tilespmem:s11], [sflag:$0x2] =	stream.linear.gather [hbm4b:s17+s3], $0xC000, $0x38;
	[tilespmem:$0x18080] =	vst v63  }
0x337: {  	_ =	swait.ge [sflag:s10], $0xC000  }
0x338: {  	[sflag:s10] =	ssyncset.done $0x0  }
0x339: {  	[sflag:s10] =	ssyncadd.s32 $0xFFFF4000  }
.LBB2_96:
0x33a: {  	s14 =	smul.u32 $0x1800, s14;
	_ =	sdelay $0x1  }
0x33b: {  	s14 =	sadd.s32 s2, s14  }
0x33c: {  	[hbm4b:s14+s3] =	stream.linear.scatter [tilespmem:s11], [sflag:$0x3], $0xC000, $0x38;
	[tilespmem:$0x18080] =	vst v63  }
.LBB2_97:
0x33d: {  	_ =	swait.ge [sflag:s13], $0xC000  }
0x33e: {  	(v2sf) =	vpush v0, $0x9;
	_ =	sdelay $0xe  }
0x33f: {  	s18 =	spop (v2sf)  }
0x340: {  	s14 =	sshrl.u32 s18, $0xA  }
0x341: {  	s17 =	simm.s32 $0x1;
	p0 =	sne.s32 s14, s15  }
0x342: {  	s17 =	simm.s32 @!p0 $0x0  }
0x343: {  	s16 =	sadd.s32 s17, s16  }
0x344: {  	s17 =	sand.u32 $0x1, s16  }
0x345: {  	p0 =	seq.s32 s14, s15;
	p1 =	seq.s32 s17, $0x1  }
0x346: {  	p2 =	por !p1, p0  }
0x347: {  	[sflag:s13] =	ssyncset.done $0x0;
	s15 =	smul.u32 @!p2 $0x1800, s14  }
0x348: {  	[sflag:s13] =	ssyncadd.s32 $0xFFFF4000  }
0x349: {  	s19 =	simm.s32 @!p2 $0x0;
	s20 =	simm.s32 @!p2 $0x80;
	s15 =	sadd.s32 @!p2 s1, s15  }
0x34a: {  	[tilespmem:s20], [sflag:$0x1] =	stream.linear.gather @!p2 [hbm4b:s15+s19], $0xC000, $0x38;
	[tilespmem:$0x18080] =	vst v63  }
0x34b: {  	s19 =	simm.s32 @!p2 $0x1;
	s15 =	sand.u32 $0x3FF, s18  }
0x34c: {  	_ =	swait.ge @!p2 [sflag:s19], $0xC000;
	s18 =	smul.u32 @p1 $0x1800, s15  }
0x34d: {  	s20 =	simm.s32 @p1 $0x80;
	[sflag:s19] =	ssyncset.done @!p2 $0x0  }
0x34e: {  	[sflag:s19] =	ssyncadd.s32 @!p2 $0xFFFF4000;
	s18 =	sadd.s32 @p1 s2, s18;
	s19 =	simm.s32 @p1 $0x0  }
0x34f: {  	[hbm4b:s18+s19] =	stream.linear.scatter @p1 [tilespmem:s20], [sflag:$0x4], $0xC000, $0x38;
	[tilespmem:$0x18080] =	vst v63  }
0x350: {  	p1 =	sne.s32 @!p0 s17, $0x0  }
0x351: {  	p0 =	por p0, p1  }
.Ltmp26:
0x352: {  	_ = 	snop;
	(pc) =	sbr.rel @p0 .LBB2_99-.Ltmp26, $1  }
0x353: {  	_ =	sdelay $0x3  }
0x354: {  	s17 =	smul.u32 $0x1800, s14;
	_ =	sdelay $0x1  }
0x355: {  	s17 =	sadd.s32 s1, s17  }
0x356: {  	[tilespmem:s11], [sflag:$0x2] =	stream.linear.gather [hbm4b:s17+s3], $0xC000, $0x38;
	[tilespmem:$0x18080] =	vst v63  }
0x357: {  	_ =	swait.ge [sflag:s10], $0xC000  }
0x358: {  	[sflag:s10] =	ssyncset.done $0x0  }
0x359: {  	[sflag:s10] =	ssyncadd.s32 $0xFFFF4000  }
.LBB2_100:
0x35a: {  	s15 =	smul.u32 $0x1800, s15;
	_ =	sdelay $0x1  }
0x35b: {  	s15 =	sadd.s32 s2, s15  }
0x35c: {  	[hbm4b:s15+s3] =	stream.linear.scatter [tilespmem:s11], [sflag:$0x4], $0xC000, $0x38;
	[tilespmem:$0x18080] =	vst v63  }
.LBB2_101:
0x35d: {  	_ =	swait.ge [sflag:s12], $0xC000  }
0x35e: {  	(v2sf) =	vpush v0, $0xA;
	_ =	sdelay $0xe  }
0x35f: {  	s18 =	spop (v2sf)  }
0x360: {  	s15 =	sshrl.u32 s18, $0xA  }
0x361: {  	s17 =	simm.s32 $0x1;
	p0 =	sne.s32 s15, s14  }
0x362: {  	s17 =	simm.s32 @!p0 $0x0  }
0x363: {  	s16 =	sadd.s32 s17, s16  }
0x364: {  	s17 =	sand.u32 $0x1, s16  }
0x365: {  	p0 =	seq.s32 s15, s14;
	p1 =	seq.s32 s17, $0x1  }
0x366: {  	p2 =	por !p1, p0  }
0x367: {  	[sflag:s12] =	ssyncset.done $0x0;
	s14 =	smul.u32 @!p2 $0x1800, s15  }
0x368: {  	[sflag:s12] =	ssyncadd.s32 $0xFFFF4000  }
0x369: {  	s19 =	simm.s32 @!p2 $0x0;
	s20 =	simm.s32 @!p2 $0x80;
	s14 =	sadd.s32 @!p2 s1, s14  }
0x36a: {  	[tilespmem:s20], [sflag:$0x1] =	stream.linear.gather @!p2 [hbm4b:s14+s19], $0xC000, $0x38;
	[tilespmem:$0x18080] =	vst v63  }
0x36b: {  	s19 =	simm.s32 @!p2 $0x1;
	s14 =	sand.u32 $0x3FF, s18  }
0x36c: {  	_ =	swait.ge @!p2 [sflag:s19], $0xC000;
	s18 =	smul.u32 @p1 $0x1800, s14  }
0x36d: {  	s20 =	simm.s32 @p1 $0x80;
	[sflag:s19] =	ssyncset.done @!p2 $0x0  }
0x36e: {  	[sflag:s19] =	ssyncadd.s32 @!p2 $0xFFFF4000;
	s18 =	sadd.s32 @p1 s2, s18;
	s19 =	simm.s32 @p1 $0x0  }
0x36f: {  	[hbm4b:s18+s19] =	stream.linear.scatter @p1 [tilespmem:s20], [sflag:$0x3], $0xC000, $0x38;
	[tilespmem:$0x18080] =	vst v63  }
0x370: {  	p1 =	sne.s32 @!p0 s17, $0x0  }
0x371: {  	p0 =	por p0, p1  }
.Ltmp27:
0x372: {  	_ = 	snop;
	(pc) =	sbr.rel @p0 .LBB2_103-.Ltmp27, $1  }
0x373: {  	_ =	sdelay $0x3  }
0x374: {  	s17 =	smul.u32 $0x1800, s15;
	_ =	sdelay $0x1  }
0x375: {  	s17 =	sadd.s32 s1, s17  }
0x376: {  	[tilespmem:s11], [sflag:$0x2] =	stream.linear.gather [hbm4b:s17+s3], $0xC000, $0x38;
	[tilespmem:$0x18080] =	vst v63  }
0x377: {  	_ =	swait.ge [sflag:s10], $0xC000  }
0x378: {  	[sflag:s10] =	ssyncset.done $0x0  }
0x379: {  	[sflag:s10] =	ssyncadd.s32 $0xFFFF4000  }
.LBB2_104:
0x37a: {  	s14 =	smul.u32 $0x1800, s14;
	_ =	sdelay $0x1  }
0x37b: {  	s14 =	sadd.s32 s2, s14  }
0x37c: {  	[hbm4b:s14+s3] =	stream.linear.scatter [tilespmem:s11], [sflag:$0x3], $0xC000, $0x38;
	[tilespmem:$0x18080] =	vst v63  }
.LBB2_105:
0x37d: {  	_ =	swait.ge [sflag:s13], $0xC000  }
0x37e: {  	(v2sf) =	vpush v0, $0xB;
	_ =	sdelay $0xe  }
0x37f: {  	s18 =	spop (v2sf)  }
0x380: {  	s14 =	sshrl.u32 s18, $0xA  }
0x381: {  	s17 =	simm.s32 $0x1;
	p0 =	sne.s32 s14, s15  }
0x382: {  	s17 =	simm.s32 @!p0 $0x0  }
0x383: {  	s16 =	sadd.s32 s17, s16  }
0x384: {  	s17 =	sand.u32 $0x1, s16  }
0x385: {  	p0 =	seq.s32 s14, s15;
	p1 =	seq.s32 s17, $0x1  }
0x386: {  	p2 =	por !p1, p0  }
0x387: {  	[sflag:s13] =	ssyncset.done $0x0;
	s15 =	smul.u32 @!p2 $0x1800, s14  }
0x388: {  	[sflag:s13] =	ssyncadd.s32 $0xFFFF4000  }
0x389: {  	s19 =	simm.s32 @!p2 $0x0;
	s20 =	simm.s32 @!p2 $0x80;
	s15 =	sadd.s32 @!p2 s1, s15  }
0x38a: {  	[tilespmem:s20], [sflag:$0x1] =	stream.linear.gather @!p2 [hbm4b:s15+s19], $0xC000, $0x38;
	[tilespmem:$0x18080] =	vst v63  }
0x38b: {  	s19 =	simm.s32 @!p2 $0x1;
	s15 =	sand.u32 $0x3FF, s18  }
0x38c: {  	_ =	swait.ge @!p2 [sflag:s19], $0xC000;
	s18 =	smul.u32 @p1 $0x1800, s15  }
0x38d: {  	s20 =	simm.s32 @p1 $0x80;
	[sflag:s19] =	ssyncset.done @!p2 $0x0  }
0x38e: {  	[sflag:s19] =	ssyncadd.s32 @!p2 $0xFFFF4000;
	s18 =	sadd.s32 @p1 s2, s18;
	s19 =	simm.s32 @p1 $0x0  }
0x38f: {  	[hbm4b:s18+s19] =	stream.linear.scatter @p1 [tilespmem:s20], [sflag:$0x4], $0xC000, $0x38;
	[tilespmem:$0x18080] =	vst v63  }
0x390: {  	p1 =	sne.s32 @!p0 s17, $0x0  }
0x391: {  	p0 =	por p0, p1  }
.Ltmp28:
0x392: {  	_ = 	snop;
	(pc) =	sbr.rel @p0 .LBB2_107-.Ltmp28, $1  }
0x393: {  	_ =	sdelay $0x3  }
0x394: {  	s17 =	smul.u32 $0x1800, s14;
	_ =	sdelay $0x1  }
0x395: {  	s17 =	sadd.s32 s1, s17  }
0x396: {  	[tilespmem:s11], [sflag:$0x2] =	stream.linear.gather [hbm4b:s17+s3], $0xC000, $0x38;
	[tilespmem:$0x18080] =	vst v63  }
0x397: {  	_ =	swait.ge [sflag:s10], $0xC000  }
0x398: {  	[sflag:s10] =	ssyncset.done $0x0  }
0x399: {  	[sflag:s10] =	ssyncadd.s32 $0xFFFF4000  }
.LBB2_108:
0x39a: {  	s15 =	smul.u32 $0x1800, s15;
	_ =	sdelay $0x1  }
0x39b: {  	s15 =	sadd.s32 s2, s15  }
0x39c: {  	[hbm4b:s15+s3] =	stream.linear.scatter [tilespmem:s11], [sflag:$0x4], $0xC000, $0x38;
	[tilespmem:$0x18080] =	vst v63  }
.LBB2_109:
0x39d: {  	_ =	swait.ge [sflag:s12], $0xC000  }
0x39e: {  	(v2sf) =	vpush v0, $0xC;
	_ =	sdelay $0xe  }
0x39f: {  	s18 =	spop (v2sf)  }
0x3a0: {  	s15 =	sshrl.u32 s18, $0xA  }
0x3a1: {  	s17 =	simm.s32 $0x1;
	p0 =	sne.s32 s15, s14  }
0x3a2: {  	s17 =	simm.s32 @!p0 $0x0  }
0x3a3: {  	s16 =	sadd.s32 s17, s16  }
0x3a4: {  	s17 =	sand.u32 $0x1, s16  }
0x3a5: {  	p0 =	seq.s32 s15, s14;
	p1 =	seq.s32 s17, $0x1  }
0x3a6: {  	p2 =	por !p1, p0  }
0x3a7: {  	[sflag:s12] =	ssyncset.done $0x0;
	s14 =	smul.u32 @!p2 $0x1800, s15  }
0x3a8: {  	[sflag:s12] =	ssyncadd.s32 $0xFFFF4000  }
0x3a9: {  	s19 =	simm.s32 @!p2 $0x0;
	s20 =	simm.s32 @!p2 $0x80;
	s14 =	sadd.s32 @!p2 s1, s14  }
0x3aa: {  	[tilespmem:s20], [sflag:$0x1] =	stream.linear.gather @!p2 [hbm4b:s14+s19], $0xC000, $0x38;
	[tilespmem:$0x18080] =	vst v63  }
0x3ab: {  	s19 =	simm.s32 @!p2 $0x1;
	s14 =	sand.u32 $0x3FF, s18  }
0x3ac: {  	_ =	swait.ge @!p2 [sflag:s19], $0xC000;
	s18 =	smul.u32 @p1 $0x1800, s14  }
0x3ad: {  	s20 =	simm.s32 @p1 $0x80;
	[sflag:s19] =	ssyncset.done @!p2 $0x0  }
0x3ae: {  	[sflag:s19] =	ssyncadd.s32 @!p2 $0xFFFF4000;
	s18 =	sadd.s32 @p1 s2, s18;
	s19 =	simm.s32 @p1 $0x0  }
0x3af: {  	[hbm4b:s18+s19] =	stream.linear.scatter @p1 [tilespmem:s20], [sflag:$0x3], $0xC000, $0x38;
	[tilespmem:$0x18080] =	vst v63  }
0x3b0: {  	p1 =	sne.s32 @!p0 s17, $0x0  }
0x3b1: {  	p0 =	por p0, p1  }
.Ltmp29:
0x3b2: {  	_ = 	snop;
	(pc) =	sbr.rel @p0 .LBB2_111-.Ltmp29, $1  }
0x3b3: {  	_ =	sdelay $0x3  }
0x3b4: {  	s17 =	smul.u32 $0x1800, s15;
	_ =	sdelay $0x1  }
0x3b5: {  	s17 =	sadd.s32 s1, s17  }
0x3b6: {  	[tilespmem:s11], [sflag:$0x2] =	stream.linear.gather [hbm4b:s17+s3], $0xC000, $0x38;
	[tilespmem:$0x18080] =	vst v63  }
0x3b7: {  	_ =	swait.ge [sflag:s10], $0xC000  }
0x3b8: {  	[sflag:s10] =	ssyncset.done $0x0  }
0x3b9: {  	[sflag:s10] =	ssyncadd.s32 $0xFFFF4000  }
.LBB2_112:
0x3ba: {  	s14 =	smul.u32 $0x1800, s14;
	_ =	sdelay $0x1  }
0x3bb: {  	s14 =	sadd.s32 s2, s14  }
0x3bc: {  	[hbm4b:s14+s3] =	stream.linear.scatter [tilespmem:s11], [sflag:$0x3], $0xC000, $0x38;
	[tilespmem:$0x18080] =	vst v63  }
.LBB2_113:
0x3bd: {  	_ =	swait.ge [sflag:s13], $0xC000  }
0x3be: {  	(v2sf) =	vpush v0, $0xD;
	_ =	sdelay $0xe  }
0x3bf: {  	s18 =	spop (v2sf)  }
0x3c0: {  	s14 =	sshrl.u32 s18, $0xA  }
0x3c1: {  	s17 =	simm.s32 $0x1;
	p0 =	sne.s32 s14, s15  }
0x3c2: {  	s17 =	simm.s32 @!p0 $0x0  }
0x3c3: {  	s16 =	sadd.s32 s17, s16  }
0x3c4: {  	s17 =	sand.u32 $0x1, s16  }
0x3c5: {  	p0 =	seq.s32 s14, s15;
	p1 =	seq.s32 s17, $0x1  }
0x3c6: {  	p2 =	por !p1, p0  }
0x3c7: {  	[sflag:s13] =	ssyncset.done $0x0;
	s15 =	smul.u32 @!p2 $0x1800, s14  }
0x3c8: {  	[sflag:s13] =	ssyncadd.s32 $0xFFFF4000  }
0x3c9: {  	s19 =	simm.s32 @!p2 $0x0;
	s20 =	simm.s32 @!p2 $0x80;
	s15 =	sadd.s32 @!p2 s1, s15  }
0x3ca: {  	[tilespmem:s20], [sflag:$0x1] =	stream.linear.gather @!p2 [hbm4b:s15+s19], $0xC000, $0x38;
	[tilespmem:$0x18080] =	vst v63  }
0x3cb: {  	s19 =	simm.s32 @!p2 $0x1;
	s15 =	sand.u32 $0x3FF, s18  }
0x3cc: {  	_ =	swait.ge @!p2 [sflag:s19], $0xC000;
	s18 =	smul.u32 @p1 $0x1800, s15  }
0x3cd: {  	s20 =	simm.s32 @p1 $0x80;
	[sflag:s19] =	ssyncset.done @!p2 $0x0  }
0x3ce: {  	[sflag:s19] =	ssyncadd.s32 @!p2 $0xFFFF4000;
	s18 =	sadd.s32 @p1 s2, s18;
	s19 =	simm.s32 @p1 $0x0  }
0x3cf: {  	[hbm4b:s18+s19] =	stream.linear.scatter @p1 [tilespmem:s20], [sflag:$0x4], $0xC000, $0x38;
	[tilespmem:$0x18080] =	vst v63  }
0x3d0: {  	p1 =	sne.s32 @!p0 s17, $0x0  }
0x3d1: {  	p0 =	por p0, p1  }
.Ltmp30:
0x3d2: {  	_ = 	snop;
	(pc) =	sbr.rel @p0 .LBB2_115-.Ltmp30, $1  }
0x3d3: {  	_ =	sdelay $0x3  }
0x3d4: {  	s17 =	smul.u32 $0x1800, s14;
	_ =	sdelay $0x1  }
0x3d5: {  	s17 =	sadd.s32 s1, s17  }
0x3d6: {  	[tilespmem:s11], [sflag:$0x2] =	stream.linear.gather [hbm4b:s17+s3], $0xC000, $0x38;
	[tilespmem:$0x18080] =	vst v63  }
0x3d7: {  	_ =	swait.ge [sflag:s10], $0xC000  }
0x3d8: {  	[sflag:s10] =	ssyncset.done $0x0  }
0x3d9: {  	[sflag:s10] =	ssyncadd.s32 $0xFFFF4000  }
.LBB2_116:
0x3da: {  	s15 =	smul.u32 $0x1800, s15;
	_ =	sdelay $0x1  }
0x3db: {  	s15 =	sadd.s32 s2, s15  }
0x3dc: {  	[hbm4b:s15+s3] =	stream.linear.scatter [tilespmem:s11], [sflag:$0x4], $0xC000, $0x38;
	[tilespmem:$0x18080] =	vst v63  }
.LBB2_117:
0x3dd: {  	_ =	swait.ge [sflag:s12], $0xC000  }
0x3de: {  	(v2sf) =	vpush v0, $0xE;
	_ =	sdelay $0xe  }
0x3df: {  	s17 =	spop (v2sf)  }
0x3e0: {  	s15 =	sshrl.u32 s17, $0xA  }
0x3e1: {  	s18 =	simm.s32 $0x1;
	p0 =	sne.s32 s15, s14  }
0x3e2: {  	s18 =	simm.s32 @!p0 $0x0  }
0x3e3: {  	s16 =	sadd.s32 s18, s16  }
0x3e4: {  	s16 =	sand.u32 $0x1, s16  }
0x3e5: {  	p1 =	seq.s32 s15, s14;
	p0 =	seq.s32 s16, $0x1  }
0x3e6: {  	p2 =	por !p0, p1  }
0x3e7: {  	[sflag:s12] =	ssyncset.done $0x0;
	s14 =	smul.u32 @!p2 $0x1800, s15  }
0x3e8: {  	[sflag:s12] =	ssyncadd.s32 $0xFFFF4000  }
0x3e9: {  	s18 =	simm.s32 @!p2 $0x0;
	s19 =	simm.s32 @!p2 $0x80;
	s14 =	sadd.s32 @!p2 s1, s14  }
0x3ea: {  	[tilespmem:s19], [sflag:$0x1] =	stream.linear.gather @!p2 [hbm4b:s14+s18], $0xC000, $0x38;
	[tilespmem:$0x18080] =	vst v63  }
0x3eb: {  	s18 =	simm.s32 @!p2 $0x1  }
0x3ec: {  	_ =	swait.ge @!p2 [sflag:s18], $0xC000  }
0x3ed: {  	[sflag:s18] =	ssyncset.done @!p2 $0x0  }
0x3ee: {  	[sflag:s18] =	ssyncadd.s32 @!p2 $0xFFFF4000;
	p2 =	sne.s32 @!p1 s16, $0x0  }
0x3ef: {  	p1 =	por p1, p2  }
.Ltmp31:
0x3f0: {  	s14 =	sand.u32 $0x3FF, s17;
	(pc) =	sbr.rel @!p1 .LBB2_118-.Ltmp31, $3  }
0x3f1: {  	s17 =	smul.u32 @p0 $0x1800, s14;
	_ =	sdelay $0x1  }
0x3f2: {  	s19 =	simm.s32 @p0 $0x80;
	s17 =	sadd.s32 @p0 s2, s17;
	s18 =	simm.s32 @p0 $0x0  }
0x3f3: {  	[hbm4b:s17+s18] =	stream.linear.scatter @p0 [tilespmem:s19], [sflag:$0x3], $0xC000, $0x38;
	[tilespmem:$0x18080] =	vst v63  }
0x3f4: {  	p1 =	sne.s32 s16, $0x0  }
.Ltmp32:
0x3f5: {  	_ = 	snop;
	(pc) =	sbr.rel @p1 .LBB2_121-.Ltmp32, $4  }
.Ltmp33:
0x3f6: {  	_ = 	snop;
	(pc) =	sbr.rel @!p1 .LBB2_120-.Ltmp33, $4  }
0x3f7: {  	_ = 	snop  }
0x3f8: {  	_ = 	snop  }
0x3f9: {  	_ = 	snop  }
0x3fa: {  	_ = 	snop  }
.LBB2_3:
0x3fb: {  	p0 =	sne.s32 s15, $0x0  }
.Ltmp34:
0x3fc: {  	_ = 	snop;
	(pc) =	sbr.rel @p0 .LBB2_5-.Ltmp34, $4  }
.Ltmp35:
0x3fd: {  	_ = 	snop;
	(pc) =	sbr.rel @!p0 .LBB2_4-.Ltmp35, $4  }
0x3fe: {  	_ = 	snop  }
0x3ff: {  	_ = 	snop  }
0x400: {  	_ = 	snop  }
0x401: {  	_ = 	snop  }
.LBB2_7:
0x402: {  	p0 =	sne.s32 s17, $0x0  }
.Ltmp36:
0x403: {  	_ = 	snop;
	(pc) =	sbr.rel @p0 .LBB2_9-.Ltmp36, $4  }
.Ltmp37:
0x404: {  	_ = 	snop;
	(pc) =	sbr.rel @!p0 .LBB2_8-.Ltmp37, $4  }
0x405: {  	_ = 	snop  }
0x406: {  	_ = 	snop  }
0x407: {  	_ = 	snop  }
0x408: {  	_ = 	snop  }
.LBB2_11:
0x409: {  	p0 =	sne.s32 s17, $0x0  }
.Ltmp38:
0x40a: {  	_ = 	snop;
	(pc) =	sbr.rel @p0 .LBB2_13-.Ltmp38, $4  }
.Ltmp39:
0x40b: {  	_ = 	snop;
	(pc) =	sbr.rel @!p0 .LBB2_12-.Ltmp39, $4  }
0x40c: {  	_ = 	snop  }
0x40d: {  	_ = 	snop  }
0x40e: {  	_ = 	snop  }
0x40f: {  	_ = 	snop  }
.LBB2_15:
0x410: {  	p0 =	sne.s32 s17, $0x0  }
.Ltmp40:
0x411: {  	_ = 	snop;
	(pc) =	sbr.rel @p0 .LBB2_17-.Ltmp40, $4  }
.Ltmp41:
0x412: {  	_ = 	snop;
	(pc) =	sbr.rel @!p0 .LBB2_16-.Ltmp41, $4  }
0x413: {  	_ = 	snop  }
0x414: {  	_ = 	snop  }
0x415: {  	_ = 	snop  }
0x416: {  	_ = 	snop  }
.LBB2_19:
0x417: {  	p0 =	sne.s32 s17, $0x0  }
.Ltmp42:
0x418: {  	_ = 	snop;
	(pc) =	sbr.rel @p0 .LBB2_21-.Ltmp42, $4  }
.Ltmp43:
0x419: {  	_ = 	snop;
	(pc) =	sbr.rel @!p0 .LBB2_20-.Ltmp43, $4  }
0x41a: {  	_ = 	snop  }
0x41b: {  	_ = 	snop  }
0x41c: {  	_ = 	snop  }
0x41d: {  	_ = 	snop  }
.LBB2_23:
0x41e: {  	p0 =	sne.s32 s17, $0x0  }
.Ltmp44:
0x41f: {  	_ = 	snop;
	(pc) =	sbr.rel @p0 .LBB2_25-.Ltmp44, $4  }
.Ltmp45:
0x420: {  	_ = 	snop;
	(pc) =	sbr.rel @!p0 .LBB2_24-.Ltmp45, $4  }
0x421: {  	_ = 	snop  }
0x422: {  	_ = 	snop  }
0x423: {  	_ = 	snop  }
0x424: {  	_ = 	snop  }
.LBB2_27:
0x425: {  	p0 =	sne.s32 s17, $0x0  }
.Ltmp46:
0x426: {  	_ = 	snop;
	(pc) =	sbr.rel @p0 .LBB2_29-.Ltmp46, $4  }
.Ltmp47:
0x427: {  	_ = 	snop;
	(pc) =	sbr.rel @!p0 .LBB2_28-.Ltmp47, $4  }
0x428: {  	_ = 	snop  }
0x429: {  	_ = 	snop  }
0x42a: {  	_ = 	snop  }
0x42b: {  	_ = 	snop  }
.LBB2_31:
0x42c: {  	p0 =	sne.s32 s17, $0x0  }
.Ltmp48:
0x42d: {  	_ = 	snop;
	(pc) =	sbr.rel @p0 .LBB2_33-.Ltmp48, $4  }
.Ltmp49:
0x42e: {  	_ = 	snop;
	(pc) =	sbr.rel @!p0 .LBB2_32-.Ltmp49, $4  }
0x42f: {  	_ = 	snop  }
0x430: {  	_ = 	snop  }
0x431: {  	_ = 	snop  }
0x432: {  	_ = 	snop  }
.LBB2_35:
0x433: {  	p0 =	sne.s32 s17, $0x0  }
.Ltmp50:
0x434: {  	_ = 	snop;
	(pc) =	sbr.rel @p0 .LBB2_37-.Ltmp50, $4  }
.Ltmp51:
0x435: {  	_ = 	snop;
	(pc) =	sbr.rel @!p0 .LBB2_36-.Ltmp51, $4  }
0x436: {  	_ = 	snop  }
0x437: {  	_ = 	snop  }
0x438: {  	_ = 	snop  }
0x439: {  	_ = 	snop  }
.LBB2_39:
0x43a: {  	p0 =	sne.s32 s17, $0x0  }
.Ltmp52:
0x43b: {  	_ = 	snop;
	(pc) =	sbr.rel @p0 .LBB2_41-.Ltmp52, $4  }
.Ltmp53:
0x43c: {  	_ = 	snop;
	(pc) =	sbr.rel @!p0 .LBB2_40-.Ltmp53, $4  }
0x43d: {  	_ = 	snop  }
0x43e: {  	_ = 	snop  }
0x43f: {  	_ = 	snop  }
0x440: {  	_ = 	snop  }
.LBB2_43:
0x441: {  	p0 =	sne.s32 s17, $0x0  }
.Ltmp54:
0x442: {  	_ = 	snop;
	(pc) =	sbr.rel @p0 .LBB2_45-.Ltmp54, $4  }
.Ltmp55:
0x443: {  	_ = 	snop;
	(pc) =	sbr.rel @!p0 .LBB2_44-.Ltmp55, $4  }
0x444: {  	_ = 	snop  }
0x445: {  	_ = 	snop  }
0x446: {  	_ = 	snop  }
0x447: {  	_ = 	snop  }
.LBB2_47:
0x448: {  	p0 =	sne.s32 s17, $0x0  }
.Ltmp56:
0x449: {  	_ = 	snop;
	(pc) =	sbr.rel @p0 .LBB2_49-.Ltmp56, $4  }
.Ltmp57:
0x44a: {  	_ = 	snop;
	(pc) =	sbr.rel @!p0 .LBB2_48-.Ltmp57, $4  }
0x44b: {  	_ = 	snop  }
0x44c: {  	_ = 	snop  }
0x44d: {  	_ = 	snop  }
0x44e: {  	_ = 	snop  }
.LBB2_51:
0x44f: {  	p0 =	sne.s32 s17, $0x0  }
.Ltmp58:
0x450: {  	_ = 	snop;
	(pc) =	sbr.rel @p0 .LBB2_53-.Ltmp58, $4  }
.Ltmp59:
0x451: {  	_ = 	snop;
	(pc) =	sbr.rel @!p0 .LBB2_52-.Ltmp59, $4  }
0x452: {  	_ = 	snop  }
0x453: {  	_ = 	snop  }
0x454: {  	_ = 	snop  }
0x455: {  	_ = 	snop  }
.LBB2_55:
0x456: {  	p0 =	sne.s32 s17, $0x0  }
.Ltmp60:
0x457: {  	_ = 	snop;
	(pc) =	sbr.rel @p0 .LBB2_57-.Ltmp60, $4  }
.Ltmp61:
0x458: {  	_ = 	snop;
	(pc) =	sbr.rel @!p0 .LBB2_56-.Ltmp61, $4  }
0x459: {  	_ = 	snop  }
0x45a: {  	_ = 	snop  }
0x45b: {  	_ = 	snop  }
0x45c: {  	_ = 	snop  }
.LBB2_59:
0x45d: {  	p0 =	sne.s32 s17, $0x0  }
.Ltmp62:
0x45e: {  	_ = 	snop;
	(pc) =	sbr.rel @p0 .LBB2_61-.Ltmp62, $4  }
.Ltmp63:
0x45f: {  	_ = 	snop;
	(pc) =	sbr.rel @!p0 .LBB2_60-.Ltmp63, $4  }
0x460: {  	_ = 	snop  }
0x461: {  	_ = 	snop  }
0x462: {  	_ = 	snop  }
0x463: {  	_ = 	snop  }
.LBB2_63:
0x464: {  	p0 =	sne.s32 s17, $0x0  }
.Ltmp64:
0x465: {  	_ = 	snop;
	(pc) =	sbr.rel @p0 .LBB2_65-.Ltmp64, $4  }
.Ltmp65:
0x466: {  	_ = 	snop;
	(pc) =	sbr.rel @!p0 .LBB2_64-.Ltmp65, $4  }
0x467: {  	_ = 	snop  }
0x468: {  	_ = 	snop  }
0x469: {  	_ = 	snop  }
0x46a: {  	_ = 	snop  }
.LBB2_67:
0x46b: {  	p0 =	sne.s32 s17, $0x0  }
.Ltmp66:
0x46c: {  	_ = 	snop;
	(pc) =	sbr.rel @p0 .LBB2_69-.Ltmp66, $4  }
.Ltmp67:
0x46d: {  	_ = 	snop;
	(pc) =	sbr.rel @!p0 .LBB2_68-.Ltmp67, $4  }
0x46e: {  	_ = 	snop  }
0x46f: {  	_ = 	snop  }
0x470: {  	_ = 	snop  }
0x471: {  	_ = 	snop  }
.LBB2_71:
0x472: {  	p0 =	sne.s32 s17, $0x0  }
.Ltmp68:
0x473: {  	_ = 	snop;
	(pc) =	sbr.rel @p0 .LBB2_73-.Ltmp68, $4  }
.Ltmp69:
0x474: {  	_ = 	snop;
	(pc) =	sbr.rel @!p0 .LBB2_72-.Ltmp69, $4  }
0x475: {  	_ = 	snop  }
0x476: {  	_ = 	snop  }
0x477: {  	_ = 	snop  }
0x478: {  	_ = 	snop  }
.LBB2_75:
0x479: {  	p0 =	sne.s32 s17, $0x0  }
.Ltmp70:
0x47a: {  	_ = 	snop;
	(pc) =	sbr.rel @p0 .LBB2_77-.Ltmp70, $4  }
.Ltmp71:
0x47b: {  	_ = 	snop;
	(pc) =	sbr.rel @!p0 .LBB2_76-.Ltmp71, $4  }
0x47c: {  	_ = 	snop  }
0x47d: {  	_ = 	snop  }
0x47e: {  	_ = 	snop  }
0x47f: {  	_ = 	snop  }
.LBB2_79:
0x480: {  	p0 =	sne.s32 s17, $0x0  }
.Ltmp72:
0x481: {  	_ = 	snop;
	(pc) =	sbr.rel @p0 .LBB2_81-.Ltmp72, $4  }
.Ltmp73:
0x482: {  	_ = 	snop;
	(pc) =	sbr.rel @!p0 .LBB2_80-.Ltmp73, $4  }
0x483: {  	_ = 	snop  }
0x484: {  	_ = 	snop  }
0x485: {  	_ = 	snop  }
0x486: {  	_ = 	snop  }
.LBB2_83:
0x487: {  	p0 =	sne.s32 s17, $0x0  }
.Ltmp74:
0x488: {  	_ = 	snop;
	(pc) =	sbr.rel @p0 .LBB2_85-.Ltmp74, $4  }
.Ltmp75:
0x489: {  	_ = 	snop;
	(pc) =	sbr.rel @!p0 .LBB2_84-.Ltmp75, $4  }
0x48a: {  	_ = 	snop  }
0x48b: {  	_ = 	snop  }
0x48c: {  	_ = 	snop  }
0x48d: {  	_ = 	snop  }
.LBB2_87:
0x48e: {  	p0 =	sne.s32 s17, $0x0  }
.Ltmp76:
0x48f: {  	_ = 	snop;
	(pc) =	sbr.rel @p0 .LBB2_89-.Ltmp76, $4  }
.Ltmp77:
0x490: {  	_ = 	snop;
	(pc) =	sbr.rel @!p0 .LBB2_88-.Ltmp77, $4  }
0x491: {  	_ = 	snop  }
0x492: {  	_ = 	snop  }
0x493: {  	_ = 	snop  }
0x494: {  	_ = 	snop  }
.LBB2_91:
0x495: {  	p0 =	sne.s32 s17, $0x0  }
.Ltmp78:
0x496: {  	_ = 	snop;
	(pc) =	sbr.rel @p0 .LBB2_93-.Ltmp78, $4  }
.Ltmp79:
0x497: {  	_ = 	snop;
	(pc) =	sbr.rel @!p0 .LBB2_92-.Ltmp79, $4  }
0x498: {  	_ = 	snop  }
0x499: {  	_ = 	snop  }
0x49a: {  	_ = 	snop  }
0x49b: {  	_ = 	snop  }
.LBB2_95:
0x49c: {  	p0 =	sne.s32 s17, $0x0  }
.Ltmp80:
0x49d: {  	_ = 	snop;
	(pc) =	sbr.rel @p0 .LBB2_97-.Ltmp80, $4  }
.Ltmp81:
0x49e: {  	_ = 	snop;
	(pc) =	sbr.rel @!p0 .LBB2_96-.Ltmp81, $4  }
0x49f: {  	_ = 	snop  }
0x4a0: {  	_ = 	snop  }
0x4a1: {  	_ = 	snop  }
0x4a2: {  	_ = 	snop  }
.LBB2_99:
0x4a3: {  	p0 =	sne.s32 s17, $0x0  }
.Ltmp82:
0x4a4: {  	_ = 	snop;
	(pc) =	sbr.rel @p0 .LBB2_101-.Ltmp82, $4  }
.Ltmp83:
0x4a5: {  	_ = 	snop;
	(pc) =	sbr.rel @!p0 .LBB2_100-.Ltmp83, $4  }
0x4a6: {  	_ = 	snop  }
0x4a7: {  	_ = 	snop  }
0x4a8: {  	_ = 	snop  }
0x4a9: {  	_ = 	snop  }
.LBB2_103:
0x4aa: {  	p0 =	sne.s32 s17, $0x0  }
.Ltmp84:
0x4ab: {  	_ = 	snop;
	(pc) =	sbr.rel @p0 .LBB2_105-.Ltmp84, $4  }
.Ltmp85:
0x4ac: {  	_ = 	snop;
	(pc) =	sbr.rel @!p0 .LBB2_104-.Ltmp85, $4  }
0x4ad: {  	_ = 	snop  }
0x4ae: {  	_ = 	snop  }
0x4af: {  	_ = 	snop  }
0x4b0: {  	_ = 	snop  }
.LBB2_107:
0x4b1: {  	p0 =	sne.s32 s17, $0x0  }
.Ltmp86:
0x4b2: {  	_ = 	snop;
	(pc) =	sbr.rel @p0 .LBB2_109-.Ltmp86, $4  }
.Ltmp87:
0x4b3: {  	_ = 	snop;
	(pc) =	sbr.rel @!p0 .LBB2_108-.Ltmp87, $4  }
0x4b4: {  	_ = 	snop  }
0x4b5: {  	_ = 	snop  }
0x4b6: {  	_ = 	snop  }
0x4b7: {  	_ = 	snop  }
.LBB2_111:
0x4b8: {  	p0 =	sne.s32 s17, $0x0  }
.Ltmp88:
0x4b9: {  	_ = 	snop;
	(pc) =	sbr.rel @p0 .LBB2_113-.Ltmp88, $4  }
.Ltmp89:
0x4ba: {  	_ = 	snop;
	(pc) =	sbr.rel @!p0 .LBB2_112-.Ltmp89, $4  }
0x4bb: {  	_ = 	snop  }
0x4bc: {  	_ = 	snop  }
0x4bd: {  	_ = 	snop  }
0x4be: {  	_ = 	snop  }
.LBB2_115:
0x4bf: {  	p0 =	sne.s32 s17, $0x0  }
.Ltmp90:
0x4c0: {  	_ = 	snop;
	(pc) =	sbr.rel @p0 .LBB2_117-.Ltmp90, $4  }
.Ltmp91:
0x4c1: {  	_ = 	snop;
	(pc) =	sbr.rel @!p0 .LBB2_116-.Ltmp91, $4  }
0x4c2: {  	_ = 	snop  }
0x4c3: {  	_ = 	snop  }
0x4c4: {  	_ = 	snop  }
0x4c5: {  	_ = 	snop  }
.LBB2_122:
0x4c6: {  	_ =	sfence.sel $0x180000  }
0x4c7: {  	[bflag:$0x0] =	sbarrier.arrive $0xFFFF  }
0x4c8: {  	p0 =	sne.s32 s4, $0x0;
	_ =	strace $0x90000047  }
0x4c9: {  	s0 =	sadd.s32 @!p0 $0x100000, s0;
	[bflag:$0x2] =	sbarrier.arrive $0xFFFF  }
0x4ca: {  	[sflag:s0] =	ssyncadd.tile.s32 @!p0 $0x1;
	_ =	shalt  }
.Lfunc_end2:
_tile_overlayer_lowered:
.L_overlay_start_2:
0x4cb: {  	(tag) =	ssettag $0x2  }
0x4cc: {  	s0 =	rddreg [dreg:$0x0];
	s2 =	stileid.u32  }
0x4cd: {  	s1 =	rddreg [dreg:$0x1];
	p0 =	sne.s32 s2, $0x0  }
0x4ce: {  	s3 =	rddreg [dreg:$0x2];
	[bflag:$0x3] =	sbarrier.arrive $0xFFFF;
	s2 =	simm.s32 @!p0 $0x1C05  }
0x4cf: {  	[timem:s3], [sflag:s2] =	dma.local @!p0 [hbm:s0], s1  }
0x4d0: {  	s0 =	simm.s32 @!p0 $0x5  }
0x4d1: {  	_ =	swait.ge @!p0 [sflag:s0], s1  }
0x4d2: {  	s1 =	ssub.s32 @!p0 $0x0, s1;
	[sflag:s0] =	ssyncset.done @!p0 $0x0  }
0x4d3: {  	[sflag:s0] =	ssyncadd.s32 @!p0 s1  }
0x4d4: {  	[bflag:$0x3] =	sbarrier.arrive $0xFFFF  }
0x4d5: {  	_ =	shalt  }

</sc_bundles>
